<compile_context>
chip_gen: v7x
topology: tpu7x:2x2x1
jax: 0.10.2.dev20260603
libtpu: 0.0.44.dev20260713+nightly
codegen_flags: <defaults>
</compile_context>

<pallas_src>
import functools

import numpy as np

import jax
import jax.numpy as jnp
from jax import lax
from jax.experimental import pallas as pl
from jax.experimental.pallas import tpu as pltpu
from jax.experimental.pallas import tpu_sc as plsc

BATCH = 4096
SEQ = 200
VOCAB = 100000
D_EMBED = 128
D_OUT = 64

NUM_CORES = 2
NUM_SUBCORES = 16
NUM_WORKERS = NUM_CORES * NUM_SUBCORES
ROWS_PER_W = BATCH // NUM_WORKERS
CHUNK_A = 128
CHUNK_B = SEQ - CHUNK_A
SEQ_PAD = 256
LANES = 16
PACKED_WORDS = D_OUT // 2

BV = 20000
BV4 = BV // 4

_E_COLS = np.concatenate([np.arange(0, 16), np.arange(32, 48)])
_O_COLS = np.concatenate([np.arange(16, 32), np.arange(48, 64)])


def _pack_bf16_pair(e_f32, o_f32):
    e_bits = lax.bitcast_convert_type(
        e_f32.astype(jnp.bfloat16).astype(jnp.float32), jnp.uint32)
    o_bits = lax.bitcast_convert_type(
        o_f32.astype(jnp.bfloat16).astype(jnp.float32), jnp.uint32)
    word = lax.shift_right_logical(e_bits, jnp.uint32(16)) | (
        o_bits & jnp.uint32(0xFFFF0000))
    return lax.bitcast_convert_type(word, jnp.int32)


def _proj_body(t0_ref, t1_ref, t2_ref, t3_ref, we_ref, wo_ref, out_ref):
    i = pl.program_id(0)
    parts = []
    for k, tref in enumerate((t0_ref, t1_ref, t2_ref, t3_ref)):
        xk = tref[...]
        if k == 0:
            row_ids = lax.broadcasted_iota(jnp.int32, xk.shape, 0) + i * BV4
            xk = jnp.where(row_ids == 0, jnp.float32(0.0), xk)
        e = lax.dot_general(xk, we_ref[...], (((1,), (0,)), ((), ())),
                            preferred_element_type=jnp.float32)
        o = lax.dot_general(xk, wo_ref[...], (((1,), (0,)), ((), ())),
                            preferred_element_type=jnp.float32)
        parts.append(_pack_bf16_pair(e, o))
    out_ref[...] = jnp.concatenate(parts, axis=1)


_Q = VOCAB // 4


def _make_index_map(k):
    def index_map(i):
        return (i + k * (_Q // BV4), 0)
    return index_map


def _project(table, we, wo):
    specs = [pl.BlockSpec((BV4, D_EMBED), _make_index_map(k))
             for k in range(4)]
    return pl.pallas_call(
        _proj_body,
        grid=(_Q // BV4,),
        in_specs=specs + [
            pl.BlockSpec((D_EMBED, PACKED_WORDS), lambda i: (0, 0)),
            pl.BlockSpec((D_EMBED, PACKED_WORDS), lambda i: (0, 0)),
        ],
        out_specs=pl.BlockSpec((BV4, 4 * PACKED_WORDS), lambda i: (i, 0)),
        out_shape=jax.ShapeDtypeStruct((_Q, 4 * PACKED_WORDS), jnp.int32),
    )(table, table, table, table, we, wo)


def _bag_body(p_hbm, idx_hbm, b_hbm, out_hbm,
              idx_v, rows_v, out_v, b_v, sem0, sem1, sem2, sem3):
    wid = lax.axis_index("s") * NUM_CORES + lax.axis_index("c")
    base = wid * ROWS_PER_W
    pltpu.sync_copy(idx_hbm.at[pl.ds(base, ROWS_PER_W)], idx_v)
    pltpu.sync_copy(b_hbm, b_v)
    bias = [b_v[pl.ds(LANES * k, LANES)] for k in range(4)]
    inv_seq = jnp.float32(1.0 / SEQ)
    sems = (sem0, sem1, sem2, sem3)

    def issue(r, buf):
        pltpu.async_copy(
            p_hbm.at[idx_v.at[r, pl.ds(0, CHUNK_A)]],
            rows_v.at[buf, pl.ds(0, CHUNK_A), :],
            sems[buf])
        pltpu.async_copy(
            p_hbm.at[idx_v.at[r, pl.ds(CHUNK_A, CHUNK_B)]],
            rows_v.at[buf, pl.ds(CHUNK_A, CHUNK_B), :],
            sems[buf])

    def drain(buf):
        pltpu.make_async_copy(
            p_hbm.at[pl.ds(0, SEQ)], rows_v.at[buf], sems[buf]).wait()

    def reduce_into(r_out, buf):
        def body(j, acc):
            a0, b0 = plsc.unpack(
                plsc.bitcast(rows_v[buf, j, pl.ds(0, LANES)], jnp.bfloat16),
                format=plsc.PackFormat.INTERLEAVED)
            a1, b1 = plsc.unpack(
                plsc.bitcast(rows_v[buf, j, pl.ds(LANES, LANES)],
                             jnp.bfloat16),
                format=plsc.PackFormat.INTERLEAVED)
            return (acc[0] + a0, acc[1] + b0, acc[2] + a1, acc[3] + b1)
        zero = jnp.zeros((LANES,), jnp.float32)
        acc = lax.fori_loop(0, SEQ, body, (zero,) * 4, unroll=16)
        for k in range(4):
            out_v[r_out, pl.ds(LANES * k, LANES)] = acc[k] * inv_seq + bias[k]

    issue(0, 0)
    issue(1, 1)
    issue(2, 2)

    @pl.loop(0, ROWS_PER_W, step=4)
    def _(r):
        for t in range(4):
            @pl.when(r + t + 3 < ROWS_PER_W)
            def _():
                issue(r + t + 3, (t + 3) % 4)

            drain(t)
            reduce_into(r + t, t)

    pltpu.sync_copy(out_v, out_hbm.at[pl.ds(base, ROWS_PER_W)])


@functools.partial(
    pl.kernel,
    out_type=jax.ShapeDtypeStruct((BATCH, D_OUT), jnp.float32),
    mesh=plsc.VectorSubcoreMesh(core_axis_name="c", subcore_axis_name="s"),
    compiler_params=pltpu.CompilerParams(
        use_tc_tiling_on_sc=False, needs_layout_passes=False),
    scratch_types=[
        pltpu.VMEM((ROWS_PER_W, SEQ_PAD), jnp.int32),
        pltpu.VMEM((4, SEQ, PACKED_WORDS), jnp.int32),
        pltpu.VMEM((ROWS_PER_W, D_OUT), jnp.float32),
        pltpu.VMEM((D_OUT,), jnp.float32),
        pltpu.SemaphoreType.DMA,
        pltpu.SemaphoreType.DMA,
        pltpu.SemaphoreType.DMA,
        pltpu.SemaphoreType.DMA,
    ],
)
def _bag(p_hbm, idx_hbm, b_hbm, out_hbm,
         idx_v, rows_v, out_v, b_v, sem0, sem1, sem2, sem3):
    _bag_body(p_hbm, idx_hbm, b_hbm, out_hbm,
              idx_v, rows_v, out_v, b_v, sem0, sem1, sem2, sem3)


@jax.jit
def kernel(idx_words, embed_table, W, b):
    wt = W.T
    we = wt[:, _E_COLS]
    wo = wt[:, _O_COLS]
    packed4 = _project(embed_table, we, wo)
    packed = packed4.reshape(VOCAB, PACKED_WORDS)
    idx = idx_words.astype(jnp.int32)
    quarter = idx // _Q
    idx_q = idx * 4 - quarter * (4 * _Q - 1)
    idx_p = jnp.pad(idx_q, ((0, 0), (0, SEQ_PAD - SEQ)))
    return _bag(packed, idx_p, b)

# --- scband reference (transcript-rebuilt; emitter-appended) ---
"""Pipeline reference for scband-bowclassifier-37958920962313 (READ-ONLY COPY).

The authoritative reference and input builder live on the scoring server;
editing this copy changes nothing except your own understanding.
"""

import jax, jax.numpy as jnp
import numpy as np

BATCH = 4096
SEQ = 200
VOCAB = 100000
D_EMBED = 128
D_OUT = 64

def setup_inputs(seed: int = 0) -> dict:
    key = jax.random.key(seed)
    k1, k2, k3, k4 = jax.random.split(key, 4)
    idx_words = jax.random.randint(k1, (BATCH, SEQ), 0, VOCAB, dtype=jnp.int64 if jax.config.jax_enable_x64 else jnp.int32)
    embed_table = jax.random.normal(k2, (VOCAB, D_EMBED), dtype=jnp.float32)
    W = jax.random.normal(k3, (D_OUT, D_EMBED), dtype=jnp.float32) * 0.05
    b = jax.random.normal(k4, (D_OUT,), dtype=jnp.float32) * 0.05
    return {"idx_words": idx_words, "embed_table": embed_table, "W": W, "b": b}

def reference(idx_words, embed_table, W, b):
    # padding_idx=0 in nn.Embedding: row 0 is all zeros
    table = embed_table.at[0].set(0.0)
    # embedding lookup (gather)
    embedded = jnp.take(table, idx_words, axis=0)          # [B, S, D]
    averaged = jnp.mean(embedded, axis=1)                   # [B, D]
    # dropout is identity in inference mode
    logits = averaged @ W.T + b                             # [B, d_out]
    return logits

if __name__ == "__main__":
    import jax
    _d = setup_inputs()
    print(jax.jit(kernel)(*tuple(_d.values())))

</pallas_src>

<mosaic_0001>
#map = affine_map<(d0, d1) -> (0, 0)>
#map1 = affine_map<(d0, d1) -> (0)>
module attributes {stable_mosaic.version = 14 : i64} {
  func.func @_bag(%arg0: i32, %arg1: i32, %arg2: memref<100000x32xi32, #tpu.memory_space<hbm>>, %arg3: memref<4096x256xi32, #tpu.memory_space<hbm>>, %arg4: memref<64xf32, #tpu.memory_space<hbm>>, %arg5: memref<4096x64xf32, #tpu.memory_space<hbm>>, %arg6: memref<128x256xi32, #tpu.memory_space<vmem>>, %arg7: memref<4x200x32xi32, #tpu.memory_space<vmem>>, %arg8: memref<128x64xf32, #tpu.memory_space<vmem>>, %arg9: memref<64xf32, #tpu.memory_space<vmem>>, %arg10: memref<!tpu.dma_semaphore, #tpu.memory_space<semaphore_mem>>, %arg11: memref<!tpu.dma_semaphore, #tpu.memory_space<semaphore_mem>>, %arg12: memref<!tpu.dma_semaphore, #tpu.memory_space<semaphore_mem>>, %arg13: memref<!tpu.dma_semaphore, #tpu.memory_space<semaphore_mem>>) attributes {dimension_semantics = [#tpu.dimension_semantics<core_parallel>, #tpu.dimension_semantics<subcore_parallel>], iteration_bounds = array<i64: 2, 16>, scalar_prefetch = 0 : i64, scratch_operands = 8 : i64, tpu.core_type = #tpu.core_type<sc_vector_subcore>, window_params = [{transform_indices = #map}, {transform_indices = #map}, {transform_indices = #map1}, {transform_indices = #map}]} {
    %mul3A = arith.constant 2 : i32
    %mul3A_0 = arith.muli %arg1, %mul3A : i32
    %add3A = arith.addi %mul3A_0, %arg0 : i32
    %mul3A_1 = arith.constant 128 : i32
    %mul3A_2 = arith.muli %add3A, %mul3A_1 : i32
    "tpu.region"() ({
      %run_scoped3A = tpu.sem_alloc : memref<!tpu.dma_semaphore, #tpu.memory_space<semaphore_mem>>
      %dma_start3A_86 = arith.constant 0 : i32
      %dma_start3A_87 = tpu.memref_slice %arg3[%mul3A_2, %dma_start3A_86] : memref<4096x256xi32, #tpu.memory_space<hbm>> -> memref<128x256xi32, #tpu.memory_space<hbm>>
      %dma_start3A_88 = arith.constant 0 : i32
      %dma_start3A_89 = tpu.memref_slice %arg3[%mul3A_2, %dma_start3A_88] : memref<4096x256xi32, #tpu.memory_space<hbm>> -> memref<128x256xi32, #tpu.memory_space<hbm>>
      tpu.enqueue_dma source(%dma_start3A_89 : memref<128x256xi32, #tpu.memory_space<hbm>>) target(%arg6 : memref<128x256xi32, #tpu.memory_space<vmem>>) target_semaphore(%run_scoped3A : memref<!tpu.dma_semaphore, #tpu.memory_space<semaphore_mem>>)
      %dma_wait3A = arith.constant 0 : i32
      %dma_wait3A_90 = tpu.memref_slice %arg3[%mul3A_2, %dma_wait3A] : memref<4096x256xi32, #tpu.memory_space<hbm>> -> memref<128x256xi32, #tpu.memory_space<hbm>>
      %dma_wait3A_91 = arith.constant 0 : i32
      %dma_wait3A_92 = tpu.memref_slice %arg3[%mul3A_2, %dma_wait3A_91] : memref<4096x256xi32, #tpu.memory_space<hbm>> -> memref<128x256xi32, #tpu.memory_space<hbm>>
      tpu.wait_dma2 semaphore(%run_scoped3A : memref<!tpu.dma_semaphore, #tpu.memory_space<semaphore_mem>>) src(%dma_wait3A_92 : memref<128x256xi32, #tpu.memory_space<hbm>>) dst(%arg6 : memref<128x256xi32, #tpu.memory_space<vmem>>)
      tpu.yield
    }) : () -> ()
    "tpu.region"() ({
      %run_scoped3A = tpu.sem_alloc : memref<!tpu.dma_semaphore, #tpu.memory_space<semaphore_mem>>
      tpu.enqueue_dma source(%arg4 : memref<64xf32, #tpu.memory_space<hbm>>) target(%arg9 : memref<64xf32, #tpu.memory_space<vmem>>) target_semaphore(%run_scoped3A : memref<!tpu.dma_semaphore, #tpu.memory_space<semaphore_mem>>)
      tpu.wait_dma2 semaphore(%run_scoped3A : memref<!tpu.dma_semaphore, #tpu.memory_space<semaphore_mem>>) src(%arg4 : memref<64xf32, #tpu.memory_space<hbm>>) dst(%arg9 : memref<64xf32, #tpu.memory_space<vmem>>)
      tpu.yield
    }) : () -> ()
    %get3A = arith.constant 0 : index
    %get3A_3 = tpu.vector_load %arg9[%get3A] {strides = array<i32>} : memref<64xf32, #tpu.memory_space<vmem>>, vector<16xf32>,
    %get3A_4 = arith.constant 16 : index
    %get3A_5 = tpu.vector_load %arg9[%get3A_4] {strides = array<i32>} : memref<64xf32, #tpu.memory_space<vmem>>, vector<16xf32>,
    %get3A_6 = arith.constant 32 : index
    %get3A_7 = tpu.vector_load %arg9[%get3A_6] {strides = array<i32>} : memref<64xf32, #tpu.memory_space<vmem>>, vector<16xf32>,
    %get3A_8 = arith.constant 48 : index
    %get3A_9 = tpu.vector_load %arg9[%get3A_8] {strides = array<i32>} : memref<64xf32, #tpu.memory_space<vmem>>, vector<16xf32>,
    %dma_start3A = arith.constant 0 : i32
    %dma_start3A_10 = arith.constant 0 : i32
    %dma_start3A_11 = arith.constant 0 : i32
    %dma_start3A_12 = arith.constant 0 : i32
    %dma_start3A_13 = tpu.memref_slice %arg7[%dma_start3A_10, %dma_start3A_11, %dma_start3A_12] : memref<4x200x32xi32, #tpu.memory_space<vmem>> -> memref<1x128x32xi32, #tpu.memory_space<vmem>>
    %dma_start3A_14 = tpu.memref_squeeze %dma_start3A_13 : memref<1x128x32xi32, #tpu.memory_space<vmem>> -> memref<128x32xi32, #tpu.memory_space<vmem>>
    %dma_start3A_15 = arith.constant 0 : i32
    %dma_start3A_16 = tpu.memref_slice %arg6[%dma_start3A, %dma_start3A_15] : memref<128x256xi32, #tpu.memory_space<vmem>> -> memref<1x128xi32, #tpu.memory_space<vmem>>
    %dma_start3A_17 = tpu.memref_squeeze %dma_start3A_16 : memref<1x128xi32, #tpu.memory_space<vmem>> -> memref<128xi32, #tpu.memory_space<vmem>>
    %dma_start3A_18 = arith.constant 0 : i32
    %dma_start3A_19 = arith.constant 0 : i32
    %dma_start3A_20 = tpu.memref_slice %arg2[%dma_start3A_18, %dma_start3A_19] : memref<100000x32xi32, #tpu.memory_space<hbm>> -> memref<100000x32xi32, #tpu.memory_space<hbm>>
    tpu.enqueue_indirect_dma source(%dma_start3A_20 : memref<100000x32xi32, #tpu.memory_space<hbm>>) target(%dma_start3A_14 : memref<128x32xi32, #tpu.memory_space<vmem>>) offsets(%dma_start3A_17 : memref<128xi32, #tpu.memory_space<vmem>>) semaphore(%arg10 : memref<!tpu.dma_semaphore, #tpu.memory_space<semaphore_mem>>)
    %dma_start3A_21 = arith.constant 0 : i32
    %dma_start3A_22 = arith.constant 0 : i32
    %dma_start3A_23 = arith.constant 128 : i32
    %dma_start3A_24 = arith.constant 0 : i32
    %dma_start3A_25 = tpu.memref_slice %arg7[%dma_start3A_22, %dma_start3A_23, %dma_start3A_24] : memref<4x200x32xi32, #tpu.memory_space<vmem>> -> memref<1x72x32xi32, #tpu.memory_space<vmem>>
    %dma_start3A_26 = tpu.memref_squeeze %dma_start3A_25 : memref<1x72x32xi32, #tpu.memory_space<vmem>> -> memref<72x32xi32, #tpu.memory_space<vmem>>
    %dma_start3A_27 = arith.constant 128 : i32
    %dma_start3A_28 = tpu.memref_slice %arg6[%dma_start3A_21, %dma_start3A_27] : memref<128x256xi32, #tpu.memory_space<vmem>> -> memref<1x72xi32, #tpu.memory_space<vmem>>
    %dma_start3A_29 = tpu.memref_squeeze %dma_start3A_28 : memref<1x72xi32, #tpu.memory_space<vmem>> -> memref<72xi32, #tpu.memory_space<vmem>>
    %dma_start3A_30 = arith.constant 0 : i32
    %dma_start3A_31 = arith.constant 0 : i32
    %dma_start3A_32 = tpu.memref_slice %arg2[%dma_start3A_30, %dma_start3A_31] : memref<100000x32xi32, #tpu.memory_space<hbm>> -> memref<100000x32xi32, #tpu.memory_space<hbm>>
    tpu.enqueue_indirect_dma source(%dma_start3A_32 : memref<100000x32xi32, #tpu.memory_space<hbm>>) target(%dma_start3A_26 : memref<72x32xi32, #tpu.memory_space<vmem>>) offsets(%dma_start3A_29 : memref<72xi32, #tpu.memory_space<vmem>>) semaphore(%arg10 : memref<!tpu.dma_semaphore, #tpu.memory_space<semaphore_mem>>)
    %dma_start3A_33 = arith.constant 1 : i32
    %dma_start3A_34 = arith.constant 1 : i32
    %dma_start3A_35 = arith.constant 0 : i32
    %dma_start3A_36 = arith.constant 0 : i32
    %dma_start3A_37 = tpu.memref_slice %arg7[%dma_start3A_34, %dma_start3A_35, %dma_start3A_36] : memref<4x200x32xi32, #tpu.memory_space<vmem>> -> memref<1x128x32xi32, #tpu.memory_space<vmem>>
    %dma_start3A_38 = tpu.memref_squeeze %dma_start3A_37 : memref<1x128x32xi32, #tpu.memory_space<vmem>> -> memref<128x32xi32, #tpu.memory_space<vmem>>
    %dma_start3A_39 = arith.constant 0 : i32
    %dma_start3A_40 = tpu.memref_slice %arg6[%dma_start3A_33, %dma_start3A_39] : memref<128x256xi32, #tpu.memory_space<vmem>> -> memref<1x128xi32, #tpu.memory_space<vmem>>
    %dma_start3A_41 = tpu.memref_squeeze %dma_start3A_40 : memref<1x128xi32, #tpu.memory_space<vmem>> -> memref<128xi32, #tpu.memory_space<vmem>>
    %dma_start3A_42 = arith.constant 0 : i32
    %dma_start3A_43 = arith.constant 0 : i32
    %dma_start3A_44 = tpu.memref_slice %arg2[%dma_start3A_42, %dma_start3A_43] : memref<100000x32xi32, #tpu.memory_space<hbm>> -> memref<100000x32xi32, #tpu.memory_space<hbm>>
    tpu.enqueue_indirect_dma source(%dma_start3A_44 : memref<100000x32xi32, #tpu.memory_space<hbm>>) target(%dma_start3A_38 : memref<128x32xi32, #tpu.memory_space<vmem>>) offsets(%dma_start3A_41 : memref<128xi32, #tpu.memory_space<vmem>>) semaphore(%arg11 : memref<!tpu.dma_semaphore, #tpu.memory_space<semaphore_mem>>)
    %dma_start3A_45 = arith.constant 1 : i32
    %dma_start3A_46 = arith.constant 1 : i32
    %dma_start3A_47 = arith.constant 128 : i32
    %dma_start3A_48 = arith.constant 0 : i32
    %dma_start3A_49 = tpu.memref_slice %arg7[%dma_start3A_46, %dma_start3A_47, %dma_start3A_48] : memref<4x200x32xi32, #tpu.memory_space<vmem>> -> memref<1x72x32xi32, #tpu.memory_space<vmem>>
    %dma_start3A_50 = tpu.memref_squeeze %dma_start3A_49 : memref<1x72x32xi32, #tpu.memory_space<vmem>> -> memref<72x32xi32, #tpu.memory_space<vmem>>
    %dma_start3A_51 = arith.constant 128 : i32
    %dma_start3A_52 = tpu.memref_slice %arg6[%dma_start3A_45, %dma_start3A_51] : memref<128x256xi32, #tpu.memory_space<vmem>> -> memref<1x72xi32, #tpu.memory_space<vmem>>
    %dma_start3A_53 = tpu.memref_squeeze %dma_start3A_52 : memref<1x72xi32, #tpu.memory_space<vmem>> -> memref<72xi32, #tpu.memory_space<vmem>>
    %dma_start3A_54 = arith.constant 0 : i32
    %dma_start3A_55 = arith.constant 0 : i32
    %dma_start3A_56 = tpu.memref_slice %arg2[%dma_start3A_54, %dma_start3A_55] : memref<100000x32xi32, #tpu.memory_space<hbm>> -> memref<100000x32xi32, #tpu.memory_space<hbm>>
    tpu.enqueue_indirect_dma source(%dma_start3A_56 : memref<100000x32xi32, #tpu.memory_space<hbm>>) target(%dma_start3A_50 : memref<72x32xi32, #tpu.memory_space<vmem>>) offsets(%dma_start3A_53 : memref<72xi32, #tpu.memory_space<vmem>>) semaphore(%arg11 : memref<!tpu.dma_semaphore, #tpu.memory_space<semaphore_mem>>)
    %dma_start3A_57 = arith.constant 2 : i32
    %dma_start3A_58 = arith.constant 2 : i32
    %dma_start3A_59 = arith.constant 0 : i32
    %dma_start3A_60 = arith.constant 0 : i32
    %dma_start3A_61 = tpu.memref_slice %arg7[%dma_start3A_58, %dma_start3A_59, %dma_start3A_60] : memref<4x200x32xi32, #tpu.memory_space<vmem>> -> memref<1x128x32xi32, #tpu.memory_space<vmem>>
    %dma_start3A_62 = tpu.memref_squeeze %dma_start3A_61 : memref<1x128x32xi32, #tpu.memory_space<vmem>> -> memref<128x32xi32, #tpu.memory_space<vmem>>
    %dma_start3A_63 = arith.constant 0 : i32
    %dma_start3A_64 = tpu.memref_slice %arg6[%dma_start3A_57, %dma_start3A_63] : memref<128x256xi32, #tpu.memory_space<vmem>> -> memref<1x128xi32, #tpu.memory_space<vmem>>
    %dma_start3A_65 = tpu.memref_squeeze %dma_start3A_64 : memref<1x128xi32, #tpu.memory_space<vmem>> -> memref<128xi32, #tpu.memory_space<vmem>>
    %dma_start3A_66 = arith.constant 0 : i32
    %dma_start3A_67 = arith.constant 0 : i32
    %dma_start3A_68 = tpu.memref_slice %arg2[%dma_start3A_66, %dma_start3A_67] : memref<100000x32xi32, #tpu.memory_space<hbm>> -> memref<100000x32xi32, #tpu.memory_space<hbm>>
    tpu.enqueue_indirect_dma source(%dma_start3A_68 : memref<100000x32xi32, #tpu.memory_space<hbm>>) target(%dma_start3A_62 : memref<128x32xi32, #tpu.memory_space<vmem>>) offsets(%dma_start3A_65 : memref<128xi32, #tpu.memory_space<vmem>>) semaphore(%arg12 : memref<!tpu.dma_semaphore, #tpu.memory_space<semaphore_mem>>)
    %dma_start3A_69 = arith.constant 2 : i32
    %dma_start3A_70 = arith.constant 2 : i32
    %dma_start3A_71 = arith.constant 128 : i32
    %dma_start3A_72 = arith.constant 0 : i32
    %dma_start3A_73 = tpu.memref_slice %arg7[%dma_start3A_70, %dma_start3A_71, %dma_start3A_72] : memref<4x200x32xi32, #tpu.memory_space<vmem>> -> memref<1x72x32xi32, #tpu.memory_space<vmem>>
    %dma_start3A_74 = tpu.memref_squeeze %dma_start3A_73 : memref<1x72x32xi32, #tpu.memory_space<vmem>> -> memref<72x32xi32, #tpu.memory_space<vmem>>
    %dma_start3A_75 = arith.constant 128 : i32
    %dma_start3A_76 = tpu.memref_slice %arg6[%dma_start3A_69, %dma_start3A_75] : memref<128x256xi32, #tpu.memory_space<vmem>> -> memref<1x72xi32, #tpu.memory_space<vmem>>
    %dma_start3A_77 = tpu.memref_squeeze %dma_start3A_76 : memref<1x72xi32, #tpu.memory_space<vmem>> -> memref<72xi32, #tpu.memory_space<vmem>>
    %dma_start3A_78 = arith.constant 0 : i32
    %dma_start3A_79 = arith.constant 0 : i32
    %dma_start3A_80 = tpu.memref_slice %arg2[%dma_start3A_78, %dma_start3A_79] : memref<100000x32xi32, #tpu.memory_space<hbm>> -> memref<100000x32xi32, #tpu.memory_space<hbm>>
    tpu.enqueue_indirect_dma source(%dma_start3A_80 : memref<100000x32xi32, #tpu.memory_space<hbm>>) target(%dma_start3A_74 : memref<72x32xi32, #tpu.memory_space<vmem>>) offsets(%dma_start3A_77 : memref<72xi32, #tpu.memory_space<vmem>>) semaphore(%arg12 : memref<!tpu.dma_semaphore, #tpu.memory_space<semaphore_mem>>)
    %scan3A = arith.constant 5.000000e-03 : f32
    %scan3A_81 = arith.constant 0 : i32
    %scan3A_82 = arith.constant 32 : i32
    %scan3A_83 = arith.addi %scan3A_81, %scan3A_82 : i32
    %scan3A_84 = arith.constant 1 : i32
    scf.for %scan3A_86 = %scan3A_81 to %scan3A_83 step %scan3A_84  : i32 {
      %mul3A_87 = arith.constant 4 : i32
      %mul3A_88 = arith.muli %scan3A_86, %mul3A_87 : i32
      %add3A_89 = arith.constant 0 : i32
      %add3A_90 = arith.addi %add3A_89, %mul3A_88 : i32
      %add3A_91 = arith.constant 0 : i32
      %add3A_92 = arith.addi %add3A_90, %add3A_91 : i32
      %add3A_93 = arith.constant 3 : i32
      %add3A_94 = arith.addi %add3A_92, %add3A_93 : i32
      %lt3A = arith.constant 128 : i32
      %lt3A_95 = arith.cmpi slt, %add3A_94, %lt3A : i32
      %convert_element_type3A = arith.extui %lt3A_95 : i1 to i32
      %cond3A = arith.constant 0 : i32
      %cond3A_96 = arith.cmpi ne, %convert_element_type3A, %cond3A : i32
      scf.if %cond3A_96 {
        %add3A_1019 = arith.constant 0 : i32
        %add3A_1020 = arith.addi %add3A_90, %add3A_1019 : i32
        %add3A_1021 = arith.constant 3 : i32
        %add3A_1022 = arith.addi %add3A_1020, %add3A_1021 : i32
        %dma_start3A_1023 = arith.constant 3 : i32
        %dma_start3A_1024 = arith.constant 0 : i32
        %dma_start3A_1025 = arith.constant 0 : i32
        %dma_start3A_1026 = tpu.memref_slice %arg7[%dma_start3A_1023, %dma_start3A_1024, %dma_start3A_1025] : memref<4x200x32xi32, #tpu.memory_space<vmem>> -> memref<1x128x32xi32, #tpu.memory_space<vmem>>
        %dma_start3A_1027 = tpu.memref_squeeze %dma_start3A_1026 : memref<1x128x32xi32, #tpu.memory_space<vmem>> -> memref<128x32xi32, #tpu.memory_space<vmem>>
        %dma_start3A_1028 = arith.constant 0 : i32
        %dma_start3A_1029 = tpu.memref_slice %arg6[%add3A_1022, %dma_start3A_1028] : memref<128x256xi32, #tpu.memory_space<vmem>> -> memref<1x128xi32, #tpu.memory_space<vmem>>
        %dma_start3A_1030 = tpu.memref_squeeze %dma_start3A_1029 : memref<1x128xi32, #tpu.memory_space<vmem>> -> memref<128xi32, #tpu.memory_space<vmem>>
        %dma_start3A_1031 = arith.constant 0 : i32
        %dma_start3A_1032 = arith.constant 0 : i32
        %dma_start3A_1033 = tpu.memref_slice %arg2[%dma_start3A_1031, %dma_start3A_1032] : memref<100000x32xi32, #tpu.memory_space<hbm>> -> memref<100000x32xi32, #tpu.memory_space<hbm>>
        tpu.enqueue_indirect_dma source(%dma_start3A_1033 : memref<100000x32xi32, #tpu.memory_space<hbm>>) target(%dma_start3A_1027 : memref<128x32xi32, #tpu.memory_space<vmem>>) offsets(%dma_start3A_1030 : memref<128xi32, #tpu.memory_space<vmem>>) semaphore(%arg13 : memref<!tpu.dma_semaphore, #tpu.memory_space<semaphore_mem>>)
        %dma_start3A_1034 = arith.constant 3 : i32
        %dma_start3A_1035 = arith.constant 128 : i32
        %dma_start3A_1036 = arith.constant 0 : i32
        %dma_start3A_1037 = tpu.memref_slice %arg7[%dma_start3A_1034, %dma_start3A_1035, %dma_start3A_1036] : memref<4x200x32xi32, #tpu.memory_space<vmem>> -> memref<1x72x32xi32, #tpu.memory_space<vmem>>
        %dma_start3A_1038 = tpu.memref_squeeze %dma_start3A_1037 : memref<1x72x32xi32, #tpu.memory_space<vmem>> -> memref<72x32xi32, #tpu.memory_space<vmem>>
        %dma_start3A_1039 = arith.constant 128 : i32
        %dma_start3A_1040 = tpu.memref_slice %arg6[%add3A_1022, %dma_start3A_1039] : memref<128x256xi32, #tpu.memory_space<vmem>> -> memref<1x72xi32, #tpu.memory_space<vmem>>
        %dma_start3A_1041 = tpu.memref_squeeze %dma_start3A_1040 : memref<1x72xi32, #tpu.memory_space<vmem>> -> memref<72xi32, #tpu.memory_space<vmem>>
        %dma_start3A_1042 = arith.constant 0 : i32
        %dma_start3A_1043 = arith.constant 0 : i32
        %dma_start3A_1044 = tpu.memref_slice %arg2[%dma_start3A_1042, %dma_start3A_1043] : memref<100000x32xi32, #tpu.memory_space<hbm>> -> memref<100000x32xi32, #tpu.memory_space<hbm>>
        tpu.enqueue_indirect_dma source(%dma_start3A_1044 : memref<100000x32xi32, #tpu.memory_space<hbm>>) target(%dma_start3A_1038 : memref<72x32xi32, #tpu.memory_space<vmem>>) offsets(%dma_start3A_1041 : memref<72xi32, #tpu.memory_space<vmem>>) semaphore(%arg13 : memref<!tpu.dma_semaphore, #tpu.memory_space<semaphore_mem>>)
      } else {
      }
      %dma_wait3A = arith.constant 0 : i32
      %dma_wait3A_97 = arith.constant 0 : i32
      %dma_wait3A_98 = arith.constant 0 : i32
      %dma_wait3A_99 = tpu.memref_slice %arg7[%dma_wait3A, %dma_wait3A_97, %dma_wait3A_98] : memref<4x200x32xi32, #tpu.memory_space<vmem>> -> memref<1x200x32xi32, #tpu.memory_space<vmem>>
      %dma_wait3A_100 = tpu.memref_squeeze %dma_wait3A_99 : memref<1x200x32xi32, #tpu.memory_space<vmem>> -> memref<200x32xi32, #tpu.memory_space<vmem>>
      %dma_wait3A_101 = arith.constant 0 : i32
      %dma_wait3A_102 = arith.constant 0 : i32
      %dma_wait3A_103 = tpu.memref_slice %arg2[%dma_wait3A_101, %dma_wait3A_102] : memref<100000x32xi32, #tpu.memory_space<hbm>> -> memref<200x32xi32, #tpu.memory_space<hbm>>
      %dma_wait3A_104 = arith.constant 0 : i32
      %dma_wait3A_105 = arith.constant 0 : i32
      %dma_wait3A_106 = tpu.memref_slice %arg7[%dma_wait3A, %dma_wait3A_104, %dma_wait3A_105] : memref<4x200x32xi32, #tpu.memory_space<vmem>> -> memref<1x200x32xi32, #tpu.memory_space<vmem>>
      %dma_wait3A_107 = tpu.memref_squeeze %dma_wait3A_106 : memref<1x200x32xi32, #tpu.memory_space<vmem>> -> memref<200x32xi32, #tpu.memory_space<vmem>>
      %dma_wait3A_108 = arith.constant 0 : i32
      %dma_wait3A_109 = arith.constant 0 : i32
      %dma_wait3A_110 = tpu.memref_slice %arg2[%dma_wait3A_108, %dma_wait3A_109] : memref<100000x32xi32, #tpu.memory_space<hbm>> -> memref<200x32xi32, #tpu.memory_space<hbm>>
      tpu.wait_dma2 semaphore(%arg10 : memref<!tpu.dma_semaphore, #tpu.memory_space<semaphore_mem>>) src(%dma_wait3A_110 : memref<200x32xi32, #tpu.memory_space<hbm>>) dst(%dma_wait3A_107 : memref<200x32xi32, #tpu.memory_space<vmem>>)
      %add3A_111 = arith.constant 0 : i32
      %add3A_112 = arith.addi %add3A_90, %add3A_111 : i32
      %broadcast_in_dim3A = arith.constant 0.000000e+00 : f32
      %broadcast_in_dim3A_113 = vector.broadcast %broadcast_in_dim3A : f32 to vector<16xf32>
      %scan3A_114 = arith.constant 0 : i32
      %scan3A_115 = arith.constant 192 : i32
      %scan3A_116 = arith.addi %scan3A_114, %scan3A_115 : i32
      %scan3A_117 = arith.constant 16 : i32
      %scan3A_118:4 = scf.for %scan3A_1019 = %scan3A_114 to %scan3A_116 step %scan3A_117 iter_args(%scan3A_1020 = %broadcast_in_dim3A_113, %scan3A_1021 = %broadcast_in_dim3A_113, %scan3A_1022 = %broadcast_in_dim3A_113, %scan3A_1023 = %broadcast_in_dim3A_113) -> (vector<16xf32>, vector<16xf32>, vector<16xf32>, vector<16xf32>)  : i32 {
        %get3A_1024 = arith.constant 0 : i32
        %get3A_1025 = arith.index_cast %get3A_1024 : i32 to index
        %get3A_1026 = arith.index_cast %scan3A_1019 : i32 to index
        %get3A_1027 = arith.constant 0 : index
        %get3A_1028 = tpu.vector_load %arg7[%get3A_1025, %get3A_1026, %get3A_1027] {strides = array<i32>} : memref<4x200x32xi32, #tpu.memory_space<vmem>>, vector<16xi32>,
        %bitcast3A_1029 = vector.bitcast %get3A_1028 : vector<16xi32> to vector<32xbf16>
        %unpack3A_1030 = tpu.unpack_subelements %bitcast3A_1029, 0 {pack_format = #tpu.pack_format<interleaved>} : vector<32xbf16> -> vector<16xf32>
        %unpack3A_1031 = tpu.unpack_subelements %bitcast3A_1029, 1 {pack_format = #tpu.pack_format<interleaved>} : vector<32xbf16> -> vector<16xf32>
        %get3A_1032 = arith.constant 0 : i32
        %get3A_1033 = arith.index_cast %get3A_1032 : i32 to index
        %get3A_1034 = arith.index_cast %scan3A_1019 : i32 to index
        %get3A_1035 = arith.constant 16 : index
        %get3A_1036 = tpu.vector_load %arg7[%get3A_1033, %get3A_1034, %get3A_1035] {strides = array<i32>} : memref<4x200x32xi32, #tpu.memory_space<vmem>>, vector<16xi32>,
        %bitcast3A_1037 = vector.bitcast %get3A_1036 : vector<16xi32> to vector<32xbf16>
        %unpack3A_1038 = tpu.unpack_subelements %bitcast3A_1037, 0 {pack_format = #tpu.pack_format<interleaved>} : vector<32xbf16> -> vector<16xf32>
        %unpack3A_1039 = tpu.unpack_subelements %bitcast3A_1037, 1 {pack_format = #tpu.pack_format<interleaved>} : vector<32xbf16> -> vector<16xf32>
        %add3A_1040 = arith.addf %scan3A_1020, %unpack3A_1030 : vector<16xf32>
        %add3A_1041 = arith.addf %scan3A_1021, %unpack3A_1031 : vector<16xf32>
        %add3A_1042 = arith.addf %scan3A_1022, %unpack3A_1038 : vector<16xf32>
        %add3A_1043 = arith.addf %scan3A_1023, %unpack3A_1039 : vector<16xf32>
        %scan3A_1044 = arith.constant 1 : i32
        %scan3A_1045 = arith.addi %scan3A_1019, %scan3A_1044 : i32
        %get3A_1046 = arith.constant 0 : i32
        %get3A_1047 = arith.index_cast %get3A_1046 : i32 to index
        %get3A_1048 = arith.index_cast %scan3A_1045 : i32 to index
        %get3A_1049 = arith.constant 0 : index
        %get3A_1050 = tpu.vector_load %arg7[%get3A_1047, %get3A_1048, %get3A_1049] {strides = array<i32>} : memref<4x200x32xi32, #tpu.memory_space<vmem>>, vector<16xi32>,
        %bitcast3A_1051 = vector.bitcast %get3A_1050 : vector<16xi32> to vector<32xbf16>
        %unpack3A_1052 = tpu.unpack_subelements %bitcast3A_1051, 0 {pack_format = #tpu.pack_format<interleaved>} : vector<32xbf16> -> vector<16xf32>
        %unpack3A_1053 = tpu.unpack_subelements %bitcast3A_1051, 1 {pack_format = #tpu.pack_format<interleaved>} : vector<32xbf16> -> vector<16xf32>
        %get3A_1054 = arith.constant 0 : i32
        %get3A_1055 = arith.index_cast %get3A_1054 : i32 to index
        %get3A_1056 = arith.index_cast %scan3A_1045 : i32 to index
        %get3A_1057 = arith.constant 16 : index
        %get3A_1058 = tpu.vector_load %arg7[%get3A_1055, %get3A_1056, %get3A_1057] {strides = array<i32>} : memref<4x200x32xi32, #tpu.memory_space<vmem>>, vector<16xi32>,
        %bitcast3A_1059 = vector.bitcast %get3A_1058 : vector<16xi32> to vector<32xbf16>
        %unpack3A_1060 = tpu.unpack_subelements %bitcast3A_1059, 0 {pack_format = #tpu.pack_format<interleaved>} : vector<32xbf16> -> vector<16xf32>
        %unpack3A_1061 = tpu.unpack_subelements %bitcast3A_1059, 1 {pack_format = #tpu.pack_format<interleaved>} : vector<32xbf16> -> vector<16xf32>
        %add3A_1062 = arith.addf %add3A_1040, %unpack3A_1052 : vector<16xf32>
        %add3A_1063 = arith.addf %add3A_1041, %unpack3A_1053 : vector<16xf32>
        %add3A_1064 = arith.addf %add3A_1042, %unpack3A_1060 : vector<16xf32>
        %add3A_1065 = arith.addf %add3A_1043, %unpack3A_1061 : vector<16xf32>
        %scan3A_1066 = arith.constant 2 : i32
        %scan3A_1067 = arith.addi %scan3A_1019, %scan3A_1066 : i32
        %get3A_1068 = arith.constant 0 : i32
        %get3A_1069 = arith.index_cast %get3A_1068 : i32 to index
        %get3A_1070 = arith.index_cast %scan3A_1067 : i32 to index
        %get3A_1071 = arith.constant 0 : index
        %get3A_1072 = tpu.vector_load %arg7[%get3A_1069, %get3A_1070, %get3A_1071] {strides = array<i32>} : memref<4x200x32xi32, #tpu.memory_space<vmem>>, vector<16xi32>,
        %bitcast3A_1073 = vector.bitcast %get3A_1072 : vector<16xi32> to vector<32xbf16>
        %unpack3A_1074 = tpu.unpack_subelements %bitcast3A_1073, 0 {pack_format = #tpu.pack_format<interleaved>} : vector<32xbf16> -> vector<16xf32>
        %unpack3A_1075 = tpu.unpack_subelements %bitcast3A_1073, 1 {pack_format = #tpu.pack_format<interleaved>} : vector<32xbf16> -> vector<16xf32>
        %get3A_1076 = arith.constant 0 : i32
        %get3A_1077 = arith.index_cast %get3A_1076 : i32 to index
        %get3A_1078 = arith.index_cast %scan3A_1067 : i32 to index
        %get3A_1079 = arith.constant 16 : index
        %get3A_1080 = tpu.vector_load %arg7[%get3A_1077, %get3A_1078, %get3A_1079] {strides = array<i32>} : memref<4x200x32xi32, #tpu.memory_space<vmem>>, vector<16xi32>,
        %bitcast3A_1081 = vector.bitcast %get3A_1080 : vector<16xi32> to vector<32xbf16>
        %unpack3A_1082 = tpu.unpack_subelements %bitcast3A_1081, 0 {pack_format = #tpu.pack_format<interleaved>} : vector<32xbf16> -> vector<16xf32>
        %unpack3A_1083 = tpu.unpack_subelements %bitcast3A_1081, 1 {pack_format = #tpu.pack_format<interleaved>} : vector<32xbf16> -> vector<16xf32>
        %add3A_1084 = arith.addf %add3A_1062, %unpack3A_1074 : vector<16xf32>
        %add3A_1085 = arith.addf %add3A_1063, %unpack3A_1075 : vector<16xf32>
        %add3A_1086 = arith.addf %add3A_1064, %unpack3A_1082 : vector<16xf32>
        %add3A_1087 = arith.addf %add3A_1065, %unpack3A_1083 : vector<16xf32>
        %scan3A_1088 = arith.constant 3 : i32
        %scan3A_1089 = arith.addi %scan3A_1019, %scan3A_1088 : i32
        %get3A_1090 = arith.constant 0 : i32
        %get3A_1091 = arith.index_cast %get3A_1090 : i32 to index
        %get3A_1092 = arith.index_cast %scan3A_1089 : i32 to index
        %get3A_1093 = arith.constant 0 : index
        %get3A_1094 = tpu.vector_load %arg7[%get3A_1091, %get3A_1092, %get3A_1093] {strides = array<i32>} : memref<4x200x32xi32, #tpu.memory_space<vmem>>, vector<16xi32>,
        %bitcast3A_1095 = vector.bitcast %get3A_1094 : vector<16xi32> to vector<32xbf16>
        %unpack3A_1096 = tpu.unpack_subelements %bitcast3A_1095, 0 {pack_format = #tpu.pack_format<interleaved>} : vector<32xbf16> -> vector<16xf32>
        %unpack3A_1097 = tpu.unpack_subelements %bitcast3A_1095, 1 {pack_format = #tpu.pack_format<interleaved>} : vector<32xbf16> -> vector<16xf32>
        %get3A_1098 = arith.constant 0 : i32
        %get3A_1099 = arith.index_cast %get3A_1098 : i32 to index
        %get3A_1100 = arith.index_cast %scan3A_1089 : i32 to index
        %get3A_1101 = arith.constant 16 : index
        %get3A_1102 = tpu.vector_load %arg7[%get3A_1099, %get3A_1100, %get3A_1101] {strides = array<i32>} : memref<4x200x32xi32, #tpu.memory_space<vmem>>, vector<16xi32>,
        %bitcast3A_1103 = vector.bitcast %get3A_1102 : vector<16xi32> to vector<32xbf16>
        %unpack3A_1104 = tpu.unpack_subelements %bitcast3A_1103, 0 {pack_format = #tpu.pack_format<interleaved>} : vector<32xbf16> -> vector<16xf32>
        %unpack3A_1105 = tpu.unpack_subelements %bitcast3A_1103, 1 {pack_format = #tpu.pack_format<interleaved>} : vector<32xbf16> -> vector<16xf32>
        %add3A_1106 = arith.addf %add3A_1084, %unpack3A_1096 : vector<16xf32>
        %add3A_1107 = arith.addf %add3A_1085, %unpack3A_1097 : vector<16xf32>
        %add3A_1108 = arith.addf %add3A_1086, %unpack3A_1104 : vector<16xf32>
        %add3A_1109 = arith.addf %add3A_1087, %unpack3A_1105 : vector<16xf32>
        %scan3A_1110 = arith.constant 4 : i32
        %scan3A_1111 = arith.addi %scan3A_1019, %scan3A_1110 : i32
        %get3A_1112 = arith.constant 0 : i32
        %get3A_1113 = arith.index_cast %get3A_1112 : i32 to index
        %get3A_1114 = arith.index_cast %scan3A_1111 : i32 to index
        %get3A_1115 = arith.constant 0 : index
        %get3A_1116 = tpu.vector_load %arg7[%get3A_1113, %get3A_1114, %get3A_1115] {strides = array<i32>} : memref<4x200x32xi32, #tpu.memory_space<vmem>>, vector<16xi32>,
        %bitcast3A_1117 = vector.bitcast %get3A_1116 : vector<16xi32> to vector<32xbf16>
        %unpack3A_1118 = tpu.unpack_subelements %bitcast3A_1117, 0 {pack_format = #tpu.pack_format<interleaved>} : vector<32xbf16> -> vector<16xf32>
        %unpack3A_1119 = tpu.unpack_subelements %bitcast3A_1117, 1 {pack_format = #tpu.pack_format<interleaved>} : vector<32xbf16> -> vector<16xf32>
        %get3A_1120 = arith.constant 0 : i32
        %get3A_1121 = arith.index_cast %get3A_1120 : i32 to index
        %get3A_1122 = arith.index_cast %scan3A_1111 : i32 to index
        %get3A_1123 = arith.constant 16 : index
        %get3A_1124 = tpu.vector_load %arg7[%get3A_1121, %get3A_1122, %get3A_1123] {strides = array<i32>} : memref<4x200x32xi32, #tpu.memory_space<vmem>>, vector<16xi32>,
        %bitcast3A_1125 = vector.bitcast %get3A_1124 : vector<16xi32> to vector<32xbf16>
        %unpack3A_1126 = tpu.unpack_subelements %bitcast3A_1125, 0 {pack_format = #tpu.pack_format<interleaved>} : vector<32xbf16> -> vector<16xf32>
        %unpack3A_1127 = tpu.unpack_subelements %bitcast3A_1125, 1 {pack_format = #tpu.pack_format<interleaved>} : vector<32xbf16> -> vector<16xf32>
        %add3A_1128 = arith.addf %add3A_1106, %unpack3A_1118 : vector<16xf32>
        %add3A_1129 = arith.addf %add3A_1107, %unpack3A_1119 : vector<16xf32>
        %add3A_1130 = arith.addf %add3A_1108, %unpack3A_1126 : vector<16xf32>
        %add3A_1131 = arith.addf %add3A_1109, %unpack3A_1127 : vector<16xf32>
        %scan3A_1132 = arith.constant 5 : i32
        %scan3A_1133 = arith.addi %scan3A_1019, %scan3A_1132 : i32
        %get3A_1134 = arith.constant 0 : i32
        %get3A_1135 = arith.index_cast %get3A_1134 : i32 to index
        %get3A_1136 = arith.index_cast %scan3A_1133 : i32 to index
        %get3A_1137 = arith.constant 0 : index
        %get3A_1138 = tpu.vector_load %arg7[%get3A_1135, %get3A_1136, %get3A_1137] {strides = array<i32>} : memref<4x200x32xi32, #tpu.memory_space<vmem>>, vector<16xi32>,
        %bitcast3A_1139 = vector.bitcast %get3A_1138 : vector<16xi32> to vector<32xbf16>
        %unpack3A_1140 = tpu.unpack_subelements %bitcast3A_1139, 0 {pack_format = #tpu.pack_format<interleaved>} : vector<32xbf16> -> vector<16xf32>
        %unpack3A_1141 = tpu.unpack_subelements %bitcast3A_1139, 1 {pack_format = #tpu.pack_format<interleaved>} : vector<32xbf16> -> vector<16xf32>
        %get3A_1142 = arith.constant 0 : i32
        %get3A_1143 = arith.index_cast %get3A_1142 : i32 to index
        %get3A_1144 = arith.index_cast %scan3A_1133 : i32 to index
        %get3A_1145 = arith.constant 16 : index
        %get3A_1146 = tpu.vector_load %arg7[%get3A_1143, %get3A_1144, %get3A_1145] {strides = array<i32>} : memref<4x200x32xi32, #tpu.memory_space<vmem>>, vector<16xi32>,
        %bitcast3A_1147 = vector.bitcast %get3A_1146 : vector<16xi32> to vector<32xbf16>
        %unpack3A_1148 = tpu.unpack_subelements %bitcast3A_1147, 0 {pack_format = #tpu.pack_format<interleaved>} : vector<32xbf16> -> vector<16xf32>
        %unpack3A_1149 = tpu.unpack_subelements %bitcast3A_1147, 1 {pack_format = #tpu.pack_format<interleaved>} : vector<32xbf16> -> vector<16xf32>
        %add3A_1150 = arith.addf %add3A_1128, %unpack3A_1140 : vector<16xf32>
        %add3A_1151 = arith.addf %add3A_1129, %unpack3A_1141 : vector<16xf32>
        %add3A_1152 = arith.addf %add3A_1130, %unpack3A_1148 : vector<16xf32>
        %add3A_1153 = arith.addf %add3A_1131, %unpack3A_1149 : vector<16xf32>
        %scan3A_1154 = arith.constant 6 : i32
        %scan3A_1155 = arith.addi %scan3A_1019, %scan3A_1154 : i32
        %get3A_1156 = arith.constant 0 : i32
        %get3A_1157 = arith.index_cast %get3A_1156 : i32 to index
        %get3A_1158 = arith.index_cast %scan3A_1155 : i32 to index
        %get3A_1159 = arith.constant 0 : index
        %get3A_1160 = tpu.vector_load %arg7[%get3A_1157, %get3A_1158, %get3A_1159] {strides = array<i32>} : memref<4x200x32xi32, #tpu.memory_space<vmem>>, vector<16xi32>,
        %bitcast3A_1161 = vector.bitcast %get3A_1160 : vector<16xi32> to vector<32xbf16>
        %unpack3A_1162 = tpu.unpack_subelements %bitcast3A_1161, 0 {pack_format = #tpu.pack_format<interleaved>} : vector<32xbf16> -> vector<16xf32>
        %unpack3A_1163 = tpu.unpack_subelements %bitcast3A_1161, 1 {pack_format = #tpu.pack_format<interleaved>} : vector<32xbf16> -> vector<16xf32>
        %get3A_1164 = arith.constant 0 : i32
        %get3A_1165 = arith.index_cast %get3A_1164 : i32 to index
        %get3A_1166 = arith.index_cast %scan3A_1155 : i32 to index
        %get3A_1167 = arith.constant 16 : index
        %get3A_1168 = tpu.vector_load %arg7[%get3A_1165, %get3A_1166, %get3A_1167] {strides = array<i32>} : memref<4x200x32xi32, #tpu.memory_space<vmem>>, vector<16xi32>,
        %bitcast3A_1169 = vector.bitcast %get3A_1168 : vector<16xi32> to vector<32xbf16>
        %unpack3A_1170 = tpu.unpack_subelements %bitcast3A_1169, 0 {pack_format = #tpu.pack_format<interleaved>} : vector<32xbf16> -> vector<16xf32>
        %unpack3A_1171 = tpu.unpack_subelements %bitcast3A_1169, 1 {pack_format = #tpu.pack_format<interleaved>} : vector<32xbf16> -> vector<16xf32>
        %add3A_1172 = arith.addf %add3A_1150, %unpack3A_1162 : vector<16xf32>
        %add3A_1173 = arith.addf %add3A_1151, %unpack3A_1163 : vector<16xf32>
        %add3A_1174 = arith.addf %add3A_1152, %unpack3A_1170 : vector<16xf32>
        %add3A_1175 = arith.addf %add3A_1153, %unpack3A_1171 : vector<16xf32>
        %scan3A_1176 = arith.constant 7 : i32
        %scan3A_1177 = arith.addi %scan3A_1019, %scan3A_1176 : i32
        %get3A_1178 = arith.constant 0 : i32
        %get3A_1179 = arith.index_cast %get3A_1178 : i32 to index
        %get3A_1180 = arith.index_cast %scan3A_1177 : i32 to index
        %get3A_1181 = arith.constant 0 : index
        %get3A_1182 = tpu.vector_load %arg7[%get3A_1179, %get3A_1180, %get3A_1181] {strides = array<i32>} : memref<4x200x32xi32, #tpu.memory_space<vmem>>, vector<16xi32>,
        %bitcast3A_1183 = vector.bitcast %get3A_1182 : vector<16xi32> to vector<32xbf16>
        %unpack3A_1184 = tpu.unpack_subelements %bitcast3A_1183, 0 {pack_format = #tpu.pack_format<interleaved>} : vector<32xbf16> -> vector<16xf32>
        %unpack3A_1185 = tpu.unpack_subelements %bitcast3A_1183, 1 {pack_format = #tpu.pack_format<interleaved>} : vector<32xbf16> -> vector<16xf32>
        %get3A_1186 = arith.constant 0 : i32
        %get3A_1187 = arith.index_cast %get3A_1186 : i32 to index
        %get3A_1188 = arith.index_cast %scan3A_1177 : i32 to index
        %get3A_1189 = arith.constant 16 : index
        %get3A_1190 = tpu.vector_load %arg7[%get3A_1187, %get3A_1188, %get3A_1189] {strides = array<i32>} : memref<4x200x32xi32, #tpu.memory_space<vmem>>, vector<16xi32>,
        %bitcast3A_1191 = vector.bitcast %get3A_1190 : vector<16xi32> to vector<32xbf16>
        %unpack3A_1192 = tpu.unpack_subelements %bitcast3A_1191, 0 {pack_format = #tpu.pack_format<interleaved>} : vector<32xbf16> -> vector<16xf32>
        %unpack3A_1193 = tpu.unpack_subelements %bitcast3A_1191, 1 {pack_format = #tpu.pack_format<interleaved>} : vector<32xbf16> -> vector<16xf32>
        %add3A_1194 = arith.addf %add3A_1172, %unpack3A_1184 : vector<16xf32>
        %add3A_1195 = arith.addf %add3A_1173, %unpack3A_1185 : vector<16xf32>
        %add3A_1196 = arith.addf %add3A_1174, %unpack3A_1192 : vector<16xf32>
        %add3A_1197 = arith.addf %add3A_1175, %unpack3A_1193 : vector<16xf32>
        %scan3A_1198 = arith.constant 8 : i32
        %scan3A_1199 = arith.addi %scan3A_1019, %scan3A_1198 : i32
        %get3A_1200 = arith.constant 0 : i32
        %get3A_1201 = arith.index_cast %get3A_1200 : i32 to index
        %get3A_1202 = arith.index_cast %scan3A_1199 : i32 to index
        %get3A_1203 = arith.constant 0 : index
        %get3A_1204 = tpu.vector_load %arg7[%get3A_1201, %get3A_1202, %get3A_1203] {strides = array<i32>} : memref<4x200x32xi32, #tpu.memory_space<vmem>>, vector<16xi32>,
        %bitcast3A_1205 = vector.bitcast %get3A_1204 : vector<16xi32> to vector<32xbf16>
        %unpack3A_1206 = tpu.unpack_subelements %bitcast3A_1205, 0 {pack_format = #tpu.pack_format<interleaved>} : vector<32xbf16> -> vector<16xf32>
        %unpack3A_1207 = tpu.unpack_subelements %bitcast3A_1205, 1 {pack_format = #tpu.pack_format<interleaved>} : vector<32xbf16> -> vector<16xf32>
        %get3A_1208 = arith.constant 0 : i32
        %get3A_1209 = arith.index_cast %get3A_1208 : i32 to index
        %get3A_1210 = arith.index_cast %scan3A_1199 : i32 to index
        %get3A_1211 = arith.constant 16 : index
        %get3A_1212 = tpu.vector_load %arg7[%get3A_1209, %get3A_1210, %get3A_1211] {strides = array<i32>} : memref<4x200x32xi32, #tpu.memory_space<vmem>>, vector<16xi32>,
        %bitcast3A_1213 = vector.bitcast %get3A_1212 : vector<16xi32> to vector<32xbf16>
        %unpack3A_1214 = tpu.unpack_subelements %bitcast3A_1213, 0 {pack_format = #tpu.pack_format<interleaved>} : vector<32xbf16> -> vector<16xf32>
        %unpack3A_1215 = tpu.unpack_subelements %bitcast3A_1213, 1 {pack_format = #tpu.pack_format<interleaved>} : vector<32xbf16> -> vector<16xf32>
        %add3A_1216 = arith.addf %add3A_1194, %unpack3A_1206 : vector<16xf32>
        %add3A_1217 = arith.addf %add3A_1195, %unpack3A_1207 : vector<16xf32>
        %add3A_1218 = arith.addf %add3A_1196, %unpack3A_1214 : vector<16xf32>
        %add3A_1219 = arith.addf %add3A_1197, %unpack3A_1215 : vector<16xf32>
        %scan3A_1220 = arith.constant 9 : i32
        %scan3A_1221 = arith.addi %scan3A_1019, %scan3A_1220 : i32
        %get3A_1222 = arith.constant 0 : i32
        %get3A_1223 = arith.index_cast %get3A_1222 : i32 to index
        %get3A_1224 = arith.index_cast %scan3A_1221 : i32 to index
        %get3A_1225 = arith.constant 0 : index
        %get3A_1226 = tpu.vector_load %arg7[%get3A_1223, %get3A_1224, %get3A_1225] {strides = array<i32>} : memref<4x200x32xi32, #tpu.memory_space<vmem>>, vector<16xi32>,
        %bitcast3A_1227 = vector.bitcast %get3A_1226 : vector<16xi32> to vector<32xbf16>
        %unpack3A_1228 = tpu.unpack_subelements %bitcast3A_1227, 0 {pack_format = #tpu.pack_format<interleaved>} : vector<32xbf16> -> vector<16xf32>
        %unpack3A_1229 = tpu.unpack_subelements %bitcast3A_1227, 1 {pack_format = #tpu.pack_format<interleaved>} : vector<32xbf16> -> vector<16xf32>
        %get3A_1230 = arith.constant 0 : i32
        %get3A_1231 = arith.index_cast %get3A_1230 : i32 to index
        %get3A_1232 = arith.index_cast %scan3A_1221 : i32 to index
        %get3A_1233 = arith.constant 16 : index
        %get3A_1234 = tpu.vector_load %arg7[%get3A_1231, %get3A_1232, %get3A_1233] {strides = array<i32>} : memref<4x200x32xi32, #tpu.memory_space<vmem>>, vector<16xi32>,
        %bitcast3A_1235 = vector.bitcast %get3A_1234 : vector<16xi32> to vector<32xbf16>
        %unpack3A_1236 = tpu.unpack_subelements %bitcast3A_1235, 0 {pack_format = #tpu.pack_format<interleaved>} : vector<32xbf16> -> vector<16xf32>
        %unpack3A_1237 = tpu.unpack_subelements %bitcast3A_1235, 1 {pack_format = #tpu.pack_format<interleaved>} : vector<32xbf16> -> vector<16xf32>
        %add3A_1238 = arith.addf %add3A_1216, %unpack3A_1228 : vector<16xf32>
        %add3A_1239 = arith.addf %add3A_1217, %unpack3A_1229 : vector<16xf32>
        %add3A_1240 = arith.addf %add3A_1218, %unpack3A_1236 : vector<16xf32>
        %add3A_1241 = arith.addf %add3A_1219, %unpack3A_1237 : vector<16xf32>
        %scan3A_1242 = arith.constant 10 : i32
        %scan3A_1243 = arith.addi %scan3A_1019, %scan3A_1242 : i32
        %get3A_1244 = arith.constant 0 : i32
        %get3A_1245 = arith.index_cast %get3A_1244 : i32 to index
        %get3A_1246 = arith.index_cast %scan3A_1243 : i32 to index
        %get3A_1247 = arith.constant 0 : index
        %get3A_1248 = tpu.vector_load %arg7[%get3A_1245, %get3A_1246, %get3A_1247] {strides = array<i32>} : memref<4x200x32xi32, #tpu.memory_space<vmem>>, vector<16xi32>,
        %bitcast3A_1249 = vector.bitcast %get3A_1248 : vector<16xi32> to vector<32xbf16>
        %unpack3A_1250 = tpu.unpack_subelements %bitcast3A_1249, 0 {pack_format = #tpu.pack_format<interleaved>} : vector<32xbf16> -> vector<16xf32>
        %unpack3A_1251 = tpu.unpack_subelements %bitcast3A_1249, 1 {pack_format = #tpu.pack_format<interleaved>} : vector<32xbf16> -> vector<16xf32>
        %get3A_1252 = arith.constant 0 : i32
        %get3A_1253 = arith.index_cast %get3A_1252 : i32 to index
        %get3A_1254 = arith.index_cast %scan3A_1243 : i32 to index
        %get3A_1255 = arith.constant 16 : index
        %get3A_1256 = tpu.vector_load %arg7[%get3A_1253, %get3A_1254, %get3A_1255] {strides = array<i32>} : memref<4x200x32xi32, #tpu.memory_space<vmem>>, vector<16xi32>,
        %bitcast3A_1257 = vector.bitcast %get3A_1256 : vector<16xi32> to vector<32xbf16>
        %unpack3A_1258 = tpu.unpack_subelements %bitcast3A_1257, 0 {pack_format = #tpu.pack_format<interleaved>} : vector<32xbf16> -> vector<16xf32>
        %unpack3A_1259 = tpu.unpack_subelements %bitcast3A_1257, 1 {pack_format = #tpu.pack_format<interleaved>} : vector<32xbf16> -> vector<16xf32>
        %add3A_1260 = arith.addf %add3A_1238, %unpack3A_1250 : vector<16xf32>
        %add3A_1261 = arith.addf %add3A_1239, %unpack3A_1251 : vector<16xf32>
        %add3A_1262 = arith.addf %add3A_1240, %unpack3A_1258 : vector<16xf32>
        %add3A_1263 = arith.addf %add3A_1241, %unpack3A_1259 : vector<16xf32>
        %scan3A_1264 = arith.constant 11 : i32
        %scan3A_1265 = arith.addi %scan3A_1019, %scan3A_1264 : i32
        %get3A_1266 = arith.constant 0 : i32
        %get3A_1267 = arith.index_cast %get3A_1266 : i32 to index
        %get3A_1268 = arith.index_cast %scan3A_1265 : i32 to index
        %get3A_1269 = arith.constant 0 : index
        %get3A_1270 = tpu.vector_load %arg7[%get3A_1267, %get3A_1268, %get3A_1269] {strides = array<i32>} : memref<4x200x32xi32, #tpu.memory_space<vmem>>, vector<16xi32>,
        %bitcast3A_1271 = vector.bitcast %get3A_1270 : vector<16xi32> to vector<32xbf16>
        %unpack3A_1272 = tpu.unpack_subelements %bitcast3A_1271, 0 {pack_format = #tpu.pack_format<interleaved>} : vector<32xbf16> -> vector<16xf32>
        %unpack3A_1273 = tpu.unpack_subelements %bitcast3A_1271, 1 {pack_format = #tpu.pack_format<interleaved>} : vector<32xbf16> -> vector<16xf32>
        %get3A_1274 = arith.constant 0 : i32
        %get3A_1275 = arith.index_cast %get3A_1274 : i32 to index
        %get3A_1276 = arith.index_cast %scan3A_1265 : i32 to index
        %get3A_1277 = arith.constant 16 : index
        %get3A_1278 = tpu.vector_load %arg7[%get3A_1275, %get3A_1276, %get3A_1277] {strides = array<i32>} : memref<4x200x32xi32, #tpu.memory_space<vmem>>, vector<16xi32>,
        %bitcast3A_1279 = vector.bitcast %get3A_1278 : vector<16xi32> to vector<32xbf16>
        %unpack3A_1280 = tpu.unpack_subelements %bitcast3A_1279, 0 {pack_format = #tpu.pack_format<interleaved>} : vector<32xbf16> -> vector<16xf32>
        %unpack3A_1281 = tpu.unpack_subelements %bitcast3A_1279, 1 {pack_format = #tpu.pack_format<interleaved>} : vector<32xbf16> -> vector<16xf32>
        %add3A_1282 = arith.addf %add3A_1260, %unpack3A_1272 : vector<16xf32>
        %add3A_1283 = arith.addf %add3A_1261, %unpack3A_1273 : vector<16xf32>
        %add3A_1284 = arith.addf %add3A_1262, %unpack3A_1280 : vector<16xf32>
        %add3A_1285 = arith.addf %add3A_1263, %unpack3A_1281 : vector<16xf32>
        %scan3A_1286 = arith.constant 12 : i32
        %scan3A_1287 = arith.addi %scan3A_1019, %scan3A_1286 : i32
        %get3A_1288 = arith.constant 0 : i32
        %get3A_1289 = arith.index_cast %get3A_1288 : i32 to index
        %get3A_1290 = arith.index_cast %scan3A_1287 : i32 to index
        %get3A_1291 = arith.constant 0 : index
        %get3A_1292 = tpu.vector_load %arg7[%get3A_1289, %get3A_1290, %get3A_1291] {strides = array<i32>} : memref<4x200x32xi32, #tpu.memory_space<vmem>>, vector<16xi32>,
        %bitcast3A_1293 = vector.bitcast %get3A_1292 : vector<16xi32> to vector<32xbf16>
        %unpack3A_1294 = tpu.unpack_subelements %bitcast3A_1293, 0 {pack_format = #tpu.pack_format<interleaved>} : vector<32xbf16> -> vector<16xf32>
        %unpack3A_1295 = tpu.unpack_subelements %bitcast3A_1293, 1 {pack_format = #tpu.pack_format<interleaved>} : vector<32xbf16> -> vector<16xf32>
        %get3A_1296 = arith.constant 0 : i32
        %get3A_1297 = arith.index_cast %get3A_1296 : i32 to index
        %get3A_1298 = arith.index_cast %scan3A_1287 : i32 to index
        %get3A_1299 = arith.constant 16 : index
        %get3A_1300 = tpu.vector_load %arg7[%get3A_1297, %get3A_1298, %get3A_1299] {strides = array<i32>} : memref<4x200x32xi32, #tpu.memory_space<vmem>>, vector<16xi32>,
        %bitcast3A_1301 = vector.bitcast %get3A_1300 : vector<16xi32> to vector<32xbf16>
        %unpack3A_1302 = tpu.unpack_subelements %bitcast3A_1301, 0 {pack_format = #tpu.pack_format<interleaved>} : vector<32xbf16> -> vector<16xf32>
        %unpack3A_1303 = tpu.unpack_subelements %bitcast3A_1301, 1 {pack_format = #tpu.pack_format<interleaved>} : vector<32xbf16> -> vector<16xf32>
        %add3A_1304 = arith.addf %add3A_1282, %unpack3A_1294 : vector<16xf32>
        %add3A_1305 = arith.addf %add3A_1283, %unpack3A_1295 : vector<16xf32>
        %add3A_1306 = arith.addf %add3A_1284, %unpack3A_1302 : vector<16xf32>
        %add3A_1307 = arith.addf %add3A_1285, %unpack3A_1303 : vector<16xf32>
        %scan3A_1308 = arith.constant 13 : i32
        %scan3A_1309 = arith.addi %scan3A_1019, %scan3A_1308 : i32
        %get3A_1310 = arith.constant 0 : i32
        %get3A_1311 = arith.index_cast %get3A_1310 : i32 to index
        %get3A_1312 = arith.index_cast %scan3A_1309 : i32 to index
        %get3A_1313 = arith.constant 0 : index
        %get3A_1314 = tpu.vector_load %arg7[%get3A_1311, %get3A_1312, %get3A_1313] {strides = array<i32>} : memref<4x200x32xi32, #tpu.memory_space<vmem>>, vector<16xi32>,
        %bitcast3A_1315 = vector.bitcast %get3A_1314 : vector<16xi32> to vector<32xbf16>
        %unpack3A_1316 = tpu.unpack_subelements %bitcast3A_1315, 0 {pack_format = #tpu.pack_format<interleaved>} : vector<32xbf16> -> vector<16xf32>
        %unpack3A_1317 = tpu.unpack_subelements %bitcast3A_1315, 1 {pack_format = #tpu.pack_format<interleaved>} : vector<32xbf16> -> vector<16xf32>
        %get3A_1318 = arith.constant 0 : i32
        %get3A_1319 = arith.index_cast %get3A_1318 : i32 to index
        %get3A_1320 = arith.index_cast %scan3A_1309 : i32 to index
        %get3A_1321 = arith.constant 16 : index
        %get3A_1322 = tpu.vector_load %arg7[%get3A_1319, %get3A_1320, %get3A_1321] {strides = array<i32>} : memref<4x200x32xi32, #tpu.memory_space<vmem>>, vector<16xi32>,
        %bitcast3A_1323 = vector.bitcast %get3A_1322 : vector<16xi32> to vector<32xbf16>
        %unpack3A_1324 = tpu.unpack_subelements %bitcast3A_1323, 0 {pack_format = #tpu.pack_format<interleaved>} : vector<32xbf16> -> vector<16xf32>
        %unpack3A_1325 = tpu.unpack_subelements %bitcast3A_1323, 1 {pack_format = #tpu.pack_format<interleaved>} : vector<32xbf16> -> vector<16xf32>
        %add3A_1326 = arith.addf %add3A_1304, %unpack3A_1316 : vector<16xf32>
        %add3A_1327 = arith.addf %add3A_1305, %unpack3A_1317 : vector<16xf32>
        %add3A_1328 = arith.addf %add3A_1306, %unpack3A_1324 : vector<16xf32>
        %add3A_1329 = arith.addf %add3A_1307, %unpack3A_1325 : vector<16xf32>
        %scan3A_1330 = arith.constant 14 : i32
        %scan3A_1331 = arith.addi %scan3A_1019, %scan3A_1330 : i32
        %get3A_1332 = arith.constant 0 : i32
        %get3A_1333 = arith.index_cast %get3A_1332 : i32 to index
        %get3A_1334 = arith.index_cast %scan3A_1331 : i32 to index
        %get3A_1335 = arith.constant 0 : index
        %get3A_1336 = tpu.vector_load %arg7[%get3A_1333, %get3A_1334, %get3A_1335] {strides = array<i32>} : memref<4x200x32xi32, #tpu.memory_space<vmem>>, vector<16xi32>,
        %bitcast3A_1337 = vector.bitcast %get3A_1336 : vector<16xi32> to vector<32xbf16>
        %unpack3A_1338 = tpu.unpack_subelements %bitcast3A_1337, 0 {pack_format = #tpu.pack_format<interleaved>} : vector<32xbf16> -> vector<16xf32>
        %unpack3A_1339 = tpu.unpack_subelements %bitcast3A_1337, 1 {pack_format = #tpu.pack_format<interleaved>} : vector<32xbf16> -> vector<16xf32>
        %get3A_1340 = arith.constant 0 : i32
        %get3A_1341 = arith.index_cast %get3A_1340 : i32 to index
        %get3A_1342 = arith.index_cast %scan3A_1331 : i32 to index
        %get3A_1343 = arith.constant 16 : index
        %get3A_1344 = tpu.vector_load %arg7[%get3A_1341, %get3A_1342, %get3A_1343] {strides = array<i32>} : memref<4x200x32xi32, #tpu.memory_space<vmem>>, vector<16xi32>,
        %bitcast3A_1345 = vector.bitcast %get3A_1344 : vector<16xi32> to vector<32xbf16>
        %unpack3A_1346 = tpu.unpack_subelements %bitcast3A_1345, 0 {pack_format = #tpu.pack_format<interleaved>} : vector<32xbf16> -> vector<16xf32>
        %unpack3A_1347 = tpu.unpack_subelements %bitcast3A_1345, 1 {pack_format = #tpu.pack_format<interleaved>} : vector<32xbf16> -> vector<16xf32>
        %add3A_1348 = arith.addf %add3A_1326, %unpack3A_1338 : vector<16xf32>
        %add3A_1349 = arith.addf %add3A_1327, %unpack3A_1339 : vector<16xf32>
        %add3A_1350 = arith.addf %add3A_1328, %unpack3A_1346 : vector<16xf32>
        %add3A_1351 = arith.addf %add3A_1329, %unpack3A_1347 : vector<16xf32>
        %scan3A_1352 = arith.constant 15 : i32
        %scan3A_1353 = arith.addi %scan3A_1019, %scan3A_1352 : i32
        %get3A_1354 = arith.constant 0 : i32
        %get3A_1355 = arith.index_cast %get3A_1354 : i32 to index
        %get3A_1356 = arith.index_cast %scan3A_1353 : i32 to index
        %get3A_1357 = arith.constant 0 : index
        %get3A_1358 = tpu.vector_load %arg7[%get3A_1355, %get3A_1356, %get3A_1357] {strides = array<i32>} : memref<4x200x32xi32, #tpu.memory_space<vmem>>, vector<16xi32>,
        %bitcast3A_1359 = vector.bitcast %get3A_1358 : vector<16xi32> to vector<32xbf16>
        %unpack3A_1360 = tpu.unpack_subelements %bitcast3A_1359, 0 {pack_format = #tpu.pack_format<interleaved>} : vector<32xbf16> -> vector<16xf32>
        %unpack3A_1361 = tpu.unpack_subelements %bitcast3A_1359, 1 {pack_format = #tpu.pack_format<interleaved>} : vector<32xbf16> -> vector<16xf32>
        %get3A_1362 = arith.constant 0 : i32
        %get3A_1363 = arith.index_cast %get3A_1362 : i32 to index
        %get3A_1364 = arith.index_cast %scan3A_1353 : i32 to index
        %get3A_1365 = arith.constant 16 : index
        %get3A_1366 = tpu.vector_load %arg7[%get3A_1363, %get3A_1364, %get3A_1365] {strides = array<i32>} : memref<4x200x32xi32, #tpu.memory_space<vmem>>, vector<16xi32>,
        %bitcast3A_1367 = vector.bitcast %get3A_1366 : vector<16xi32> to vector<32xbf16>
        %unpack3A_1368 = tpu.unpack_subelements %bitcast3A_1367, 0 {pack_format = #tpu.pack_format<interleaved>} : vector<32xbf16> -> vector<16xf32>
        %unpack3A_1369 = tpu.unpack_subelements %bitcast3A_1367, 1 {pack_format = #tpu.pack_format<interleaved>} : vector<32xbf16> -> vector<16xf32>
        %add3A_1370 = arith.addf %add3A_1348, %unpack3A_1360 : vector<16xf32>
        %add3A_1371 = arith.addf %add3A_1349, %unpack3A_1361 : vector<16xf32>
        %add3A_1372 = arith.addf %add3A_1350, %unpack3A_1368 : vector<16xf32>
        %add3A_1373 = arith.addf %add3A_1351, %unpack3A_1369 : vector<16xf32>
        scf.yield %add3A_1370, %add3A_1371, %add3A_1372, %add3A_1373 : vector<16xf32>, vector<16xf32>, vector<16xf32>, vector<16xf32>
      }
      %scan3A_119 = arith.constant 192 : i32
      %scan3A_120 = arith.addi %scan3A_114, %scan3A_119 : i32
      %get3A_121 = arith.constant 0 : i32
      %get3A_122 = arith.index_cast %get3A_121 : i32 to index
      %get3A_123 = arith.index_cast %scan3A_120 : i32 to index
      %get3A_124 = arith.constant 0 : index
      %get3A_125 = tpu.vector_load %arg7[%get3A_122, %get3A_123, %get3A_124] {strides = array<i32>} : memref<4x200x32xi32, #tpu.memory_space<vmem>>, vector<16xi32>,
      %bitcast3A = vector.bitcast %get3A_125 : vector<16xi32> to vector<32xbf16>
      %unpack3A = tpu.unpack_subelements %bitcast3A, 0 {pack_format = #tpu.pack_format<interleaved>} : vector<32xbf16> -> vector<16xf32>
      %unpack3A_126 = tpu.unpack_subelements %bitcast3A, 1 {pack_format = #tpu.pack_format<interleaved>} : vector<32xbf16> -> vector<16xf32>
      %get3A_127 = arith.constant 0 : i32
      %get3A_128 = arith.index_cast %get3A_127 : i32 to index
      %get3A_129 = arith.index_cast %scan3A_120 : i32 to index
      %get3A_130 = arith.constant 16 : index
      %get3A_131 = tpu.vector_load %arg7[%get3A_128, %get3A_129, %get3A_130] {strides = array<i32>} : memref<4x200x32xi32, #tpu.memory_space<vmem>>, vector<16xi32>,
      %bitcast3A_132 = vector.bitcast %get3A_131 : vector<16xi32> to vector<32xbf16>
      %unpack3A_133 = tpu.unpack_subelements %bitcast3A_132, 0 {pack_format = #tpu.pack_format<interleaved>} : vector<32xbf16> -> vector<16xf32>
      %unpack3A_134 = tpu.unpack_subelements %bitcast3A_132, 1 {pack_format = #tpu.pack_format<interleaved>} : vector<32xbf16> -> vector<16xf32>
      %add3A_135 = arith.addf %scan3A_118#0, %unpack3A : vector<16xf32>
      %add3A_136 = arith.addf %scan3A_118#1, %unpack3A_126 : vector<16xf32>
      %add3A_137 = arith.addf %scan3A_118#2, %unpack3A_133 : vector<16xf32>
      %add3A_138 = arith.addf %scan3A_118#3, %unpack3A_134 : vector<16xf32>
      %scan3A_139 = arith.constant 193 : i32
      %scan3A_140 = arith.addi %scan3A_114, %scan3A_139 : i32
      %get3A_141 = arith.constant 0 : i32
      %get3A_142 = arith.index_cast %get3A_141 : i32 to index
      %get3A_143 = arith.index_cast %scan3A_140 : i32 to index
      %get3A_144 = arith.constant 0 : index
      %get3A_145 = tpu.vector_load %arg7[%get3A_142, %get3A_143, %get3A_144] {strides = array<i32>} : memref<4x200x32xi32, #tpu.memory_space<vmem>>, vector<16xi32>,
      %bitcast3A_146 = vector.bitcast %get3A_145 : vector<16xi32> to vector<32xbf16>
      %unpack3A_147 = tpu.unpack_subelements %bitcast3A_146, 0 {pack_format = #tpu.pack_format<interleaved>} : vector<32xbf16> -> vector<16xf32>
      %unpack3A_148 = tpu.unpack_subelements %bitcast3A_146, 1 {pack_format = #tpu.pack_format<interleaved>} : vector<32xbf16> -> vector<16xf32>
      %get3A_149 = arith.constant 0 : i32
      %get3A_150 = arith.index_cast %get3A_149 : i32 to index
      %get3A_151 = arith.index_cast %scan3A_140 : i32 to index
      %get3A_152 = arith.constant 16 : index
      %get3A_153 = tpu.vector_load %arg7[%get3A_150, %get3A_151, %get3A_152] {strides = array<i32>} : memref<4x200x32xi32, #tpu.memory_space<vmem>>, vector<16xi32>,
      %bitcast3A_154 = vector.bitcast %get3A_153 : vector<16xi32> to vector<32xbf16>
      %unpack3A_155 = tpu.unpack_subelements %bitcast3A_154, 0 {pack_format = #tpu.pack_format<interleaved>} : vector<32xbf16> -> vector<16xf32>
      %unpack3A_156 = tpu.unpack_subelements %bitcast3A_154, 1 {pack_format = #tpu.pack_format<interleaved>} : vector<32xbf16> -> vector<16xf32>
      %add3A_157 = arith.addf %add3A_135, %unpack3A_147 : vector<16xf32>
      %add3A_158 = arith.addf %add3A_136, %unpack3A_148 : vector<16xf32>
      %add3A_159 = arith.addf %add3A_137, %unpack3A_155 : vector<16xf32>
      %add3A_160 = arith.addf %add3A_138, %unpack3A_156 : vector<16xf32>
      %scan3A_161 = arith.constant 194 : i32
      %scan3A_162 = arith.addi %scan3A_114, %scan3A_161 : i32
      %get3A_163 = arith.constant 0 : i32
      %get3A_164 = arith.index_cast %get3A_163 : i32 to index
      %get3A_165 = arith.index_cast %scan3A_162 : i32 to index
      %get3A_166 = arith.constant 0 : index
      %get3A_167 = tpu.vector_load %arg7[%get3A_164, %get3A_165, %get3A_166] {strides = array<i32>} : memref<4x200x32xi32, #tpu.memory_space<vmem>>, vector<16xi32>,
      %bitcast3A_168 = vector.bitcast %get3A_167 : vector<16xi32> to vector<32xbf16>
      %unpack3A_169 = tpu.unpack_subelements %bitcast3A_168, 0 {pack_format = #tpu.pack_format<interleaved>} : vector<32xbf16> -> vector<16xf32>
      %unpack3A_170 = tpu.unpack_subelements %bitcast3A_168, 1 {pack_format = #tpu.pack_format<interleaved>} : vector<32xbf16> -> vector<16xf32>
      %get3A_171 = arith.constant 0 : i32
      %get3A_172 = arith.index_cast %get3A_171 : i32 to index
      %get3A_173 = arith.index_cast %scan3A_162 : i32 to index
      %get3A_174 = arith.constant 16 : index
      %get3A_175 = tpu.vector_load %arg7[%get3A_172, %get3A_173, %get3A_174] {strides = array<i32>} : memref<4x200x32xi32, #tpu.memory_space<vmem>>, vector<16xi32>,
      %bitcast3A_176 = vector.bitcast %get3A_175 : vector<16xi32> to vector<32xbf16>
      %unpack3A_177 = tpu.unpack_subelements %bitcast3A_176, 0 {pack_format = #tpu.pack_format<interleaved>} : vector<32xbf16> -> vector<16xf32>
      %unpack3A_178 = tpu.unpack_subelements %bitcast3A_176, 1 {pack_format = #tpu.pack_format<interleaved>} : vector<32xbf16> -> vector<16xf32>
      %add3A_179 = arith.addf %add3A_157, %unpack3A_169 : vector<16xf32>
      %add3A_180 = arith.addf %add3A_158, %unpack3A_170 : vector<16xf32>
      %add3A_181 = arith.addf %add3A_159, %unpack3A_177 : vector<16xf32>
      %add3A_182 = arith.addf %add3A_160, %unpack3A_178 : vector<16xf32>
      %scan3A_183 = arith.constant 195 : i32
      %scan3A_184 = arith.addi %scan3A_114, %scan3A_183 : i32
      %get3A_185 = arith.constant 0 : i32
      %get3A_186 = arith.index_cast %get3A_185 : i32 to index
      %get3A_187 = arith.index_cast %scan3A_184 : i32 to index
      %get3A_188 = arith.constant 0 : index
      %get3A_189 = tpu.vector_load %arg7[%get3A_186, %get3A_187, %get3A_188] {strides = array<i32>} : memref<4x200x32xi32, #tpu.memory_space<vmem>>, vector<16xi32>,
      %bitcast3A_190 = vector.bitcast %get3A_189 : vector<16xi32> to vector<32xbf16>
      %unpack3A_191 = tpu.unpack_subelements %bitcast3A_190, 0 {pack_format = #tpu.pack_format<interleaved>} : vector<32xbf16> -> vector<16xf32>
      %unpack3A_192 = tpu.unpack_subelements %bitcast3A_190, 1 {pack_format = #tpu.pack_format<interleaved>} : vector<32xbf16> -> vector<16xf32>
      %get3A_193 = arith.constant 0 : i32
      %get3A_194 = arith.index_cast %get3A_193 : i32 to index
      %get3A_195 = arith.index_cast %scan3A_184 : i32 to index
      %get3A_196 = arith.constant 16 : index
      %get3A_197 = tpu.vector_load %arg7[%get3A_194, %get3A_195, %get3A_196] {strides = array<i32>} : memref<4x200x32xi32, #tpu.memory_space<vmem>>, vector<16xi32>,
      %bitcast3A_198 = vector.bitcast %get3A_197 : vector<16xi32> to vector<32xbf16>
      %unpack3A_199 = tpu.unpack_subelements %bitcast3A_198, 0 {pack_format = #tpu.pack_format<interleaved>} : vector<32xbf16> -> vector<16xf32>
      %unpack3A_200 = tpu.unpack_subelements %bitcast3A_198, 1 {pack_format = #tpu.pack_format<interleaved>} : vector<32xbf16> -> vector<16xf32>
      %add3A_201 = arith.addf %add3A_179, %unpack3A_191 : vector<16xf32>
      %add3A_202 = arith.addf %add3A_180, %unpack3A_192 : vector<16xf32>
      %add3A_203 = arith.addf %add3A_181, %unpack3A_199 : vector<16xf32>
      %add3A_204 = arith.addf %add3A_182, %unpack3A_200 : vector<16xf32>
      %scan3A_205 = arith.constant 196 : i32
      %scan3A_206 = arith.addi %scan3A_114, %scan3A_205 : i32
      %get3A_207 = arith.constant 0 : i32
      %get3A_208 = arith.index_cast %get3A_207 : i32 to index
      %get3A_209 = arith.index_cast %scan3A_206 : i32 to index
      %get3A_210 = arith.constant 0 : index
      %get3A_211 = tpu.vector_load %arg7[%get3A_208, %get3A_209, %get3A_210] {strides = array<i32>} : memref<4x200x32xi32, #tpu.memory_space<vmem>>, vector<16xi32>,
      %bitcast3A_212 = vector.bitcast %get3A_211 : vector<16xi32> to vector<32xbf16>
      %unpack3A_213 = tpu.unpack_subelements %bitcast3A_212, 0 {pack_format = #tpu.pack_format<interleaved>} : vector<32xbf16> -> vector<16xf32>
      %unpack3A_214 = tpu.unpack_subelements %bitcast3A_212, 1 {pack_format = #tpu.pack_format<interleaved>} : vector<32xbf16> -> vector<16xf32>
      %get3A_215 = arith.constant 0 : i32
      %get3A_216 = arith.index_cast %get3A_215 : i32 to index
      %get3A_217 = arith.index_cast %scan3A_206 : i32 to index
      %get3A_218 = arith.constant 16 : index
      %get3A_219 = tpu.vector_load %arg7[%get3A_216, %get3A_217, %get3A_218] {strides = array<i32>} : memref<4x200x32xi32, #tpu.memory_space<vmem>>, vector<16xi32>,
      %bitcast3A_220 = vector.bitcast %get3A_219 : vector<16xi32> to vector<32xbf16>
      %unpack3A_221 = tpu.unpack_subelements %bitcast3A_220, 0 {pack_format = #tpu.pack_format<interleaved>} : vector<32xbf16> -> vector<16xf32>
      %unpack3A_222 = tpu.unpack_subelements %bitcast3A_220, 1 {pack_format = #tpu.pack_format<interleaved>} : vector<32xbf16> -> vector<16xf32>
      %add3A_223 = arith.addf %add3A_201, %unpack3A_213 : vector<16xf32>
      %add3A_224 = arith.addf %add3A_202, %unpack3A_214 : vector<16xf32>
      %add3A_225 = arith.addf %add3A_203, %unpack3A_221 : vector<16xf32>
      %add3A_226 = arith.addf %add3A_204, %unpack3A_222 : vector<16xf32>
      %scan3A_227 = arith.constant 197 : i32
      %scan3A_228 = arith.addi %scan3A_114, %scan3A_227 : i32
      %get3A_229 = arith.constant 0 : i32
      %get3A_230 = arith.index_cast %get3A_229 : i32 to index
      %get3A_231 = arith.index_cast %scan3A_228 : i32 to index
      %get3A_232 = arith.constant 0 : index
      %get3A_233 = tpu.vector_load %arg7[%get3A_230, %get3A_231, %get3A_232] {strides = array<i32>} : memref<4x200x32xi32, #tpu.memory_space<vmem>>, vector<16xi32>,
      %bitcast3A_234 = vector.bitcast %get3A_233 : vector<16xi32> to vector<32xbf16>
      %unpack3A_235 = tpu.unpack_subelements %bitcast3A_234, 0 {pack_format = #tpu.pack_format<interleaved>} : vector<32xbf16> -> vector<16xf32>
      %unpack3A_236 = tpu.unpack_subelements %bitcast3A_234, 1 {pack_format = #tpu.pack_format<interleaved>} : vector<32xbf16> -> vector<16xf32>
      %get3A_237 = arith.constant 0 : i32
      %get3A_238 = arith.index_cast %get3A_237 : i32 to index
      %get3A_239 = arith.index_cast %scan3A_228 : i32 to index
      %get3A_240 = arith.constant 16 : index
      %get3A_241 = tpu.vector_load %arg7[%get3A_238, %get3A_239, %get3A_240] {strides = array<i32>} : memref<4x200x32xi32, #tpu.memory_space<vmem>>, vector<16xi32>,
      %bitcast3A_242 = vector.bitcast %get3A_241 : vector<16xi32> to vector<32xbf16>
      %unpack3A_243 = tpu.unpack_subelements %bitcast3A_242, 0 {pack_format = #tpu.pack_format<interleaved>} : vector<32xbf16> -> vector<16xf32>
      %unpack3A_244 = tpu.unpack_subelements %bitcast3A_242, 1 {pack_format = #tpu.pack_format<interleaved>} : vector<32xbf16> -> vector<16xf32>
      %add3A_245 = arith.addf %add3A_223, %unpack3A_235 : vector<16xf32>
      %add3A_246 = arith.addf %add3A_224, %unpack3A_236 : vector<16xf32>
      %add3A_247 = arith.addf %add3A_225, %unpack3A_243 : vector<16xf32>
      %add3A_248 = arith.addf %add3A_226, %unpack3A_244 : vector<16xf32>
      %scan3A_249 = arith.constant 198 : i32
      %scan3A_250 = arith.addi %scan3A_114, %scan3A_249 : i32
      %get3A_251 = arith.constant 0 : i32
      %get3A_252 = arith.index_cast %get3A_251 : i32 to index
      %get3A_253 = arith.index_cast %scan3A_250 : i32 to index
      %get3A_254 = arith.constant 0 : index
      %get3A_255 = tpu.vector_load %arg7[%get3A_252, %get3A_253, %get3A_254] {strides = array<i32>} : memref<4x200x32xi32, #tpu.memory_space<vmem>>, vector<16xi32>,
      %bitcast3A_256 = vector.bitcast %get3A_255 : vector<16xi32> to vector<32xbf16>
      %unpack3A_257 = tpu.unpack_subelements %bitcast3A_256, 0 {pack_format = #tpu.pack_format<interleaved>} : vector<32xbf16> -> vector<16xf32>
      %unpack3A_258 = tpu.unpack_subelements %bitcast3A_256, 1 {pack_format = #tpu.pack_format<interleaved>} : vector<32xbf16> -> vector<16xf32>
      %get3A_259 = arith.constant 0 : i32
      %get3A_260 = arith.index_cast %get3A_259 : i32 to index
      %get3A_261 = arith.index_cast %scan3A_250 : i32 to index
      %get3A_262 = arith.constant 16 : index
      %get3A_263 = tpu.vector_load %arg7[%get3A_260, %get3A_261, %get3A_262] {strides = array<i32>} : memref<4x200x32xi32, #tpu.memory_space<vmem>>, vector<16xi32>,
      %bitcast3A_264 = vector.bitcast %get3A_263 : vector<16xi32> to vector<32xbf16>
      %unpack3A_265 = tpu.unpack_subelements %bitcast3A_264, 0 {pack_format = #tpu.pack_format<interleaved>} : vector<32xbf16> -> vector<16xf32>
      %unpack3A_266 = tpu.unpack_subelements %bitcast3A_264, 1 {pack_format = #tpu.pack_format<interleaved>} : vector<32xbf16> -> vector<16xf32>
      %add3A_267 = arith.addf %add3A_245, %unpack3A_257 : vector<16xf32>
      %add3A_268 = arith.addf %add3A_246, %unpack3A_258 : vector<16xf32>
      %add3A_269 = arith.addf %add3A_247, %unpack3A_265 : vector<16xf32>
      %add3A_270 = arith.addf %add3A_248, %unpack3A_266 : vector<16xf32>
      %scan3A_271 = arith.constant 199 : i32
      %scan3A_272 = arith.addi %scan3A_114, %scan3A_271 : i32
      %get3A_273 = arith.constant 0 : i32
      %get3A_274 = arith.index_cast %get3A_273 : i32 to index
      %get3A_275 = arith.index_cast %scan3A_272 : i32 to index
      %get3A_276 = arith.constant 0 : index
      %get3A_277 = tpu.vector_load %arg7[%get3A_274, %get3A_275, %get3A_276] {strides = array<i32>} : memref<4x200x32xi32, #tpu.memory_space<vmem>>, vector<16xi32>,
      %bitcast3A_278 = vector.bitcast %get3A_277 : vector<16xi32> to vector<32xbf16>
      %unpack3A_279 = tpu.unpack_subelements %bitcast3A_278, 0 {pack_format = #tpu.pack_format<interleaved>} : vector<32xbf16> -> vector<16xf32>
      %unpack3A_280 = tpu.unpack_subelements %bitcast3A_278, 1 {pack_format = #tpu.pack_format<interleaved>} : vector<32xbf16> -> vector<16xf32>
      %get3A_281 = arith.constant 0 : i32
      %get3A_282 = arith.index_cast %get3A_281 : i32 to index
      %get3A_283 = arith.index_cast %scan3A_272 : i32 to index
      %get3A_284 = arith.constant 16 : index
      %get3A_285 = tpu.vector_load %arg7[%get3A_282, %get3A_283, %get3A_284] {strides = array<i32>} : memref<4x200x32xi32, #tpu.memory_space<vmem>>, vector<16xi32>,
      %bitcast3A_286 = vector.bitcast %get3A_285 : vector<16xi32> to vector<32xbf16>
      %unpack3A_287 = tpu.unpack_subelements %bitcast3A_286, 0 {pack_format = #tpu.pack_format<interleaved>} : vector<32xbf16> -> vector<16xf32>
      %unpack3A_288 = tpu.unpack_subelements %bitcast3A_286, 1 {pack_format = #tpu.pack_format<interleaved>} : vector<32xbf16> -> vector<16xf32>
      %add3A_289 = arith.addf %add3A_267, %unpack3A_279 : vector<16xf32>
      %add3A_290 = arith.addf %add3A_268, %unpack3A_280 : vector<16xf32>
      %add3A_291 = arith.addf %add3A_269, %unpack3A_287 : vector<16xf32>
      %add3A_292 = arith.addf %add3A_270, %unpack3A_288 : vector<16xf32>
      %scan3A_293 = arith.constant 200 : i32
      %mul3A_294 = vector.broadcast %scan3A : f32 to vector<16xf32>
      %mul3A_295 = arith.mulf %add3A_289, %mul3A_294 : vector<16xf32>
      %add3A_296 = arith.addf %mul3A_295, %get3A_3 : vector<16xf32>
      %swap3A = arith.index_cast %add3A_112 : i32 to index
      %swap3A_297 = arith.constant 0 : index
      %swap3A_298 = tpu.vector_load %arg8[%swap3A, %swap3A_297] {strides = array<i32>} : memref<128x64xf32, #tpu.memory_space<vmem>>, vector<16xf32>,
      tpu.vector_store %arg8[%swap3A, %swap3A_297], %add3A_296 {strides = array<i32>} : memref<128x64xf32, #tpu.memory_space<vmem>>, vector<16xf32>,
      %mul3A_299 = vector.broadcast %scan3A : f32 to vector<16xf32>
      %mul3A_300 = arith.mulf %add3A_290, %mul3A_299 : vector<16xf32>
      %add3A_301 = arith.addf %mul3A_300, %get3A_5 : vector<16xf32>
      %swap3A_302 = arith.index_cast %add3A_112 : i32 to index
      %swap3A_303 = arith.constant 16 : index
      %swap3A_304 = tpu.vector_load %arg8[%swap3A_302, %swap3A_303] {strides = array<i32>} : memref<128x64xf32, #tpu.memory_space<vmem>>, vector<16xf32>,
      tpu.vector_store %arg8[%swap3A_302, %swap3A_303], %add3A_301 {strides = array<i32>} : memref<128x64xf32, #tpu.memory_space<vmem>>, vector<16xf32>,
      %mul3A_305 = vector.broadcast %scan3A : f32 to vector<16xf32>
      %mul3A_306 = arith.mulf %add3A_291, %mul3A_305 : vector<16xf32>
      %add3A_307 = arith.addf %mul3A_306, %get3A_7 : vector<16xf32>
      %swap3A_308 = arith.index_cast %add3A_112 : i32 to index
      %swap3A_309 = arith.constant 32 : index
      %swap3A_310 = tpu.vector_load %arg8[%swap3A_308, %swap3A_309] {strides = array<i32>} : memref<128x64xf32, #tpu.memory_space<vmem>>, vector<16xf32>,
      tpu.vector_store %arg8[%swap3A_308, %swap3A_309], %add3A_307 {strides = array<i32>} : memref<128x64xf32, #tpu.memory_space<vmem>>, vector<16xf32>,
      %mul3A_311 = vector.broadcast %scan3A : f32 to vector<16xf32>
      %mul3A_312 = arith.mulf %add3A_292, %mul3A_311 : vector<16xf32>
      %add3A_313 = arith.addf %mul3A_312, %get3A_9 : vector<16xf32>
      %swap3A_314 = arith.index_cast %add3A_112 : i32 to index
      %swap3A_315 = arith.constant 48 : index
      %swap3A_316 = tpu.vector_load %arg8[%swap3A_314, %swap3A_315] {strides = array<i32>} : memref<128x64xf32, #tpu.memory_space<vmem>>, vector<16xf32>,
      tpu.vector_store %arg8[%swap3A_314, %swap3A_315], %add3A_313 {strides = array<i32>} : memref<128x64xf32, #tpu.memory_space<vmem>>, vector<16xf32>,
      %add3A_317 = arith.constant 1 : i32
      %add3A_318 = arith.addi %add3A_90, %add3A_317 : i32
      %add3A_319 = arith.constant 3 : i32
      %add3A_320 = arith.addi %add3A_318, %add3A_319 : i32
      %lt3A_321 = arith.constant 128 : i32
      %lt3A_322 = arith.cmpi slt, %add3A_320, %lt3A_321 : i32
      %convert_element_type3A_323 = arith.extui %lt3A_322 : i1 to i32
      %cond3A_324 = arith.constant 0 : i32
      %cond3A_325 = arith.cmpi ne, %convert_element_type3A_323, %cond3A_324 : i32
      scf.if %cond3A_325 {
        %add3A_1019 = arith.constant 1 : i32
        %add3A_1020 = arith.addi %add3A_90, %add3A_1019 : i32
        %add3A_1021 = arith.constant 3 : i32
        %add3A_1022 = arith.addi %add3A_1020, %add3A_1021 : i32
        %dma_start3A_1023 = arith.constant 0 : i32
        %dma_start3A_1024 = arith.constant 0 : i32
        %dma_start3A_1025 = arith.constant 0 : i32
        %dma_start3A_1026 = tpu.memref_slice %arg7[%dma_start3A_1023, %dma_start3A_1024, %dma_start3A_1025] : memref<4x200x32xi32, #tpu.memory_space<vmem>> -> memref<1x128x32xi32, #tpu.memory_space<vmem>>
        %dma_start3A_1027 = tpu.memref_squeeze %dma_start3A_1026 : memref<1x128x32xi32, #tpu.memory_space<vmem>> -> memref<128x32xi32, #tpu.memory_space<vmem>>
        %dma_start3A_1028 = arith.constant 0 : i32
        %dma_start3A_1029 = tpu.memref_slice %arg6[%add3A_1022, %dma_start3A_1028] : memref<128x256xi32, #tpu.memory_space<vmem>> -> memref<1x128xi32, #tpu.memory_space<vmem>>
        %dma_start3A_1030 = tpu.memref_squeeze %dma_start3A_1029 : memref<1x128xi32, #tpu.memory_space<vmem>> -> memref<128xi32, #tpu.memory_space<vmem>>
        %dma_start3A_1031 = arith.constant 0 : i32
        %dma_start3A_1032 = arith.constant 0 : i32
        %dma_start3A_1033 = tpu.memref_slice %arg2[%dma_start3A_1031, %dma_start3A_1032] : memref<100000x32xi32, #tpu.memory_space<hbm>> -> memref<100000x32xi32, #tpu.memory_space<hbm>>
        tpu.enqueue_indirect_dma source(%dma_start3A_1033 : memref<100000x32xi32, #tpu.memory_space<hbm>>) target(%dma_start3A_1027 : memref<128x32xi32, #tpu.memory_space<vmem>>) offsets(%dma_start3A_1030 : memref<128xi32, #tpu.memory_space<vmem>>) semaphore(%arg10 : memref<!tpu.dma_semaphore, #tpu.memory_space<semaphore_mem>>)
        %dma_start3A_1034 = arith.constant 0 : i32
        %dma_start3A_1035 = arith.constant 128 : i32
        %dma_start3A_1036 = arith.constant 0 : i32
        %dma_start3A_1037 = tpu.memref_slice %arg7[%dma_start3A_1034, %dma_start3A_1035, %dma_start3A_1036] : memref<4x200x32xi32, #tpu.memory_space<vmem>> -> memref<1x72x32xi32, #tpu.memory_space<vmem>>
        %dma_start3A_1038 = tpu.memref_squeeze %dma_start3A_1037 : memref<1x72x32xi32, #tpu.memory_space<vmem>> -> memref<72x32xi32, #tpu.memory_space<vmem>>
        %dma_start3A_1039 = arith.constant 128 : i32
        %dma_start3A_1040 = tpu.memref_slice %arg6[%add3A_1022, %dma_start3A_1039] : memref<128x256xi32, #tpu.memory_space<vmem>> -> memref<1x72xi32, #tpu.memory_space<vmem>>
        %dma_start3A_1041 = tpu.memref_squeeze %dma_start3A_1040 : memref<1x72xi32, #tpu.memory_space<vmem>> -> memref<72xi32, #tpu.memory_space<vmem>>
        %dma_start3A_1042 = arith.constant 0 : i32
        %dma_start3A_1043 = arith.constant 0 : i32
        %dma_start3A_1044 = tpu.memref_slice %arg2[%dma_start3A_1042, %dma_start3A_1043] : memref<100000x32xi32, #tpu.memory_space<hbm>> -> memref<100000x32xi32, #tpu.memory_space<hbm>>
        tpu.enqueue_indirect_dma source(%dma_start3A_1044 : memref<100000x32xi32, #tpu.memory_space<hbm>>) target(%dma_start3A_1038 : memref<72x32xi32, #tpu.memory_space<vmem>>) offsets(%dma_start3A_1041 : memref<72xi32, #tpu.memory_space<vmem>>) semaphore(%arg10 : memref<!tpu.dma_semaphore, #tpu.memory_space<semaphore_mem>>)
      } else {
      }
      %dma_wait3A_326 = arith.constant 1 : i32
      %dma_wait3A_327 = arith.constant 0 : i32
      %dma_wait3A_328 = arith.constant 0 : i32
      %dma_wait3A_329 = tpu.memref_slice %arg7[%dma_wait3A_326, %dma_wait3A_327, %dma_wait3A_328] : memref<4x200x32xi32, #tpu.memory_space<vmem>> -> memref<1x200x32xi32, #tpu.memory_space<vmem>>
      %dma_wait3A_330 = tpu.memref_squeeze %dma_wait3A_329 : memref<1x200x32xi32, #tpu.memory_space<vmem>> -> memref<200x32xi32, #tpu.memory_space<vmem>>
      %dma_wait3A_331 = arith.constant 0 : i32
      %dma_wait3A_332 = arith.constant 0 : i32
      %dma_wait3A_333 = tpu.memref_slice %arg2[%dma_wait3A_331, %dma_wait3A_332] : memref<100000x32xi32, #tpu.memory_space<hbm>> -> memref<200x32xi32, #tpu.memory_space<hbm>>
      %dma_wait3A_334 = arith.constant 0 : i32
      %dma_wait3A_335 = arith.constant 0 : i32
      %dma_wait3A_336 = tpu.memref_slice %arg7[%dma_wait3A_326, %dma_wait3A_334, %dma_wait3A_335] : memref<4x200x32xi32, #tpu.memory_space<vmem>> -> memref<1x200x32xi32, #tpu.memory_space<vmem>>
      %dma_wait3A_337 = tpu.memref_squeeze %dma_wait3A_336 : memref<1x200x32xi32, #tpu.memory_space<vmem>> -> memref<200x32xi32, #tpu.memory_space<vmem>>
      %dma_wait3A_338 = arith.constant 0 : i32
      %dma_wait3A_339 = arith.constant 0 : i32
      %dma_wait3A_340 = tpu.memref_slice %arg2[%dma_wait3A_338, %dma_wait3A_339] : memref<100000x32xi32, #tpu.memory_space<hbm>> -> memref<200x32xi32, #tpu.memory_space<hbm>>
      tpu.wait_dma2 semaphore(%arg11 : memref<!tpu.dma_semaphore, #tpu.memory_space<semaphore_mem>>) src(%dma_wait3A_340 : memref<200x32xi32, #tpu.memory_space<hbm>>) dst(%dma_wait3A_337 : memref<200x32xi32, #tpu.memory_space<vmem>>)
      %add3A_341 = arith.constant 1 : i32
      %add3A_342 = arith.addi %add3A_90, %add3A_341 : i32
      %broadcast_in_dim3A_343 = arith.constant 0.000000e+00 : f32
      %broadcast_in_dim3A_344 = vector.broadcast %broadcast_in_dim3A_343 : f32 to vector<16xf32>
      %scan3A_345 = arith.constant 0 : i32
      %scan3A_346 = arith.constant 192 : i32
      %scan3A_347 = arith.addi %scan3A_345, %scan3A_346 : i32
      %scan3A_348 = arith.constant 16 : i32
      %scan3A_349:4 = scf.for %scan3A_1019 = %scan3A_345 to %scan3A_347 step %scan3A_348 iter_args(%scan3A_1020 = %broadcast_in_dim3A_344, %scan3A_1021 = %broadcast_in_dim3A_344, %scan3A_1022 = %broadcast_in_dim3A_344, %scan3A_1023 = %broadcast_in_dim3A_344) -> (vector<16xf32>, vector<16xf32>, vector<16xf32>, vector<16xf32>)  : i32 {
        %get3A_1024 = arith.constant 1 : i32
        %get3A_1025 = arith.index_cast %get3A_1024 : i32 to index
        %get3A_1026 = arith.index_cast %scan3A_1019 : i32 to index
        %get3A_1027 = arith.constant 0 : index
        %get3A_1028 = tpu.vector_load %arg7[%get3A_1025, %get3A_1026, %get3A_1027] {strides = array<i32>} : memref<4x200x32xi32, #tpu.memory_space<vmem>>, vector<16xi32>,
        %bitcast3A_1029 = vector.bitcast %get3A_1028 : vector<16xi32> to vector<32xbf16>
        %unpack3A_1030 = tpu.unpack_subelements %bitcast3A_1029, 0 {pack_format = #tpu.pack_format<interleaved>} : vector<32xbf16> -> vector<16xf32>
        %unpack3A_1031 = tpu.unpack_subelements %bitcast3A_1029, 1 {pack_format = #tpu.pack_format<interleaved>} : vector<32xbf16> -> vector<16xf32>
        %get3A_1032 = arith.constant 1 : i32
        %get3A_1033 = arith.index_cast %get3A_1032 : i32 to index
        %get3A_1034 = arith.index_cast %scan3A_1019 : i32 to index
        %get3A_1035 = arith.constant 16 : index
        %get3A_1036 = tpu.vector_load %arg7[%get3A_1033, %get3A_1034, %get3A_1035] {strides = array<i32>} : memref<4x200x32xi32, #tpu.memory_space<vmem>>, vector<16xi32>,
        %bitcast3A_1037 = vector.bitcast %get3A_1036 : vector<16xi32> to vector<32xbf16>
        %unpack3A_1038 = tpu.unpack_subelements %bitcast3A_1037, 0 {pack_format = #tpu.pack_format<interleaved>} : vector<32xbf16> -> vector<16xf32>
        %unpack3A_1039 = tpu.unpack_subelements %bitcast3A_1037, 1 {pack_format = #tpu.pack_format<interleaved>} : vector<32xbf16> -> vector<16xf32>
        %add3A_1040 = arith.addf %scan3A_1020, %unpack3A_1030 : vector<16xf32>
        %add3A_1041 = arith.addf %scan3A_1021, %unpack3A_1031 : vector<16xf32>
        %add3A_1042 = arith.addf %scan3A_1022, %unpack3A_1038 : vector<16xf32>
        %add3A_1043 = arith.addf %scan3A_1023, %unpack3A_1039 : vector<16xf32>
        %scan3A_1044 = arith.constant 1 : i32
        %scan3A_1045 = arith.addi %scan3A_1019, %scan3A_1044 : i32
        %get3A_1046 = arith.constant 1 : i32
        %get3A_1047 = arith.index_cast %get3A_1046 : i32 to index
        %get3A_1048 = arith.index_cast %scan3A_1045 : i32 to index
        %get3A_1049 = arith.constant 0 : index
        %get3A_1050 = tpu.vector_load %arg7[%get3A_1047, %get3A_1048, %get3A_1049] {strides = array<i32>} : memref<4x200x32xi32, #tpu.memory_space<vmem>>, vector<16xi32>,
        %bitcast3A_1051 = vector.bitcast %get3A_1050 : vector<16xi32> to vector<32xbf16>
        %unpack3A_1052 = tpu.unpack_subelements %bitcast3A_1051, 0 {pack_format = #tpu.pack_format<interleaved>} : vector<32xbf16> -> vector<16xf32>
        %unpack3A_1053 = tpu.unpack_subelements %bitcast3A_1051, 1 {pack_format = #tpu.pack_format<interleaved>} : vector<32xbf16> -> vector<16xf32>
        %get3A_1054 = arith.constant 1 : i32
        %get3A_1055 = arith.index_cast %get3A_1054 : i32 to index
        %get3A_1056 = arith.index_cast %scan3A_1045 : i32 to index
        %get3A_1057 = arith.constant 16 : index
        %get3A_1058 = tpu.vector_load %arg7[%get3A_1055, %get3A_1056, %get3A_1057] {strides = array<i32>} : memref<4x200x32xi32, #tpu.memory_space<vmem>>, vector<16xi32>,
        %bitcast3A_1059 = vector.bitcast %get3A_1058 : vector<16xi32> to vector<32xbf16>
        %unpack3A_1060 = tpu.unpack_subelements %bitcast3A_1059, 0 {pack_format = #tpu.pack_format<interleaved>} : vector<32xbf16> -> vector<16xf32>
        %unpack3A_1061 = tpu.unpack_subelements %bitcast3A_1059, 1 {pack_format = #tpu.pack_format<interleaved>} : vector<32xbf16> -> vector<16xf32>
        %add3A_1062 = arith.addf %add3A_1040, %unpack3A_1052 : vector<16xf32>
        %add3A_1063 = arith.addf %add3A_1041, %unpack3A_1053 : vector<16xf32>
        %add3A_1064 = arith.addf %add3A_1042, %unpack3A_1060 : vector<16xf32>
        %add3A_1065 = arith.addf %add3A_1043, %unpack3A_1061 : vector<16xf32>
        %scan3A_1066 = arith.constant 2 : i32
        %scan3A_1067 = arith.addi %scan3A_1019, %scan3A_1066 : i32
        %get3A_1068 = arith.constant 1 : i32
        %get3A_1069 = arith.index_cast %get3A_1068 : i32 to index
        %get3A_1070 = arith.index_cast %scan3A_1067 : i32 to index
        %get3A_1071 = arith.constant 0 : index
        %get3A_1072 = tpu.vector_load %arg7[%get3A_1069, %get3A_1070, %get3A_1071] {strides = array<i32>} : memref<4x200x32xi32, #tpu.memory_space<vmem>>, vector<16xi32>,
        %bitcast3A_1073 = vector.bitcast %get3A_1072 : vector<16xi32> to vector<32xbf16>
        %unpack3A_1074 = tpu.unpack_subelements %bitcast3A_1073, 0 {pack_format = #tpu.pack_format<interleaved>} : vector<32xbf16> -> vector<16xf32>
        %unpack3A_1075 = tpu.unpack_subelements %bitcast3A_1073, 1 {pack_format = #tpu.pack_format<interleaved>} : vector<32xbf16> -> vector<16xf32>
        %get3A_1076 = arith.constant 1 : i32
        %get3A_1077 = arith.index_cast %get3A_1076 : i32 to index
        %get3A_1078 = arith.index_cast %scan3A_1067 : i32 to index
        %get3A_1079 = arith.constant 16 : index
        %get3A_1080 = tpu.vector_load %arg7[%get3A_1077, %get3A_1078, %get3A_1079] {strides = array<i32>} : memref<4x200x32xi32, #tpu.memory_space<vmem>>, vector<16xi32>,
        %bitcast3A_1081 = vector.bitcast %get3A_1080 : vector<16xi32> to vector<32xbf16>
        %unpack3A_1082 = tpu.unpack_subelements %bitcast3A_1081, 0 {pack_format = #tpu.pack_format<interleaved>} : vector<32xbf16> -> vector<16xf32>
        %unpack3A_1083 = tpu.unpack_subelements %bitcast3A_1081, 1 {pack_format = #tpu.pack_format<interleaved>} : vector<32xbf16> -> vector<16xf32>
        %add3A_1084 = arith.addf %add3A_1062, %unpack3A_1074 : vector<16xf32>
        %add3A_1085 = arith.addf %add3A_1063, %unpack3A_1075 : vector<16xf32>
        %add3A_1086 = arith.addf %add3A_1064, %unpack3A_1082 : vector<16xf32>
        %add3A_1087 = arith.addf %add3A_1065, %unpack3A_1083 : vector<16xf32>
        %scan3A_1088 = arith.constant 3 : i32
        %scan3A_1089 = arith.addi %scan3A_1019, %scan3A_1088 : i32
        %get3A_1090 = arith.constant 1 : i32
        %get3A_1091 = arith.index_cast %get3A_1090 : i32 to index
        %get3A_1092 = arith.index_cast %scan3A_1089 : i32 to index
        %get3A_1093 = arith.constant 0 : index
        %get3A_1094 = tpu.vector_load %arg7[%get3A_1091, %get3A_1092, %get3A_1093] {strides = array<i32>} : memref<4x200x32xi32, #tpu.memory_space<vmem>>, vector<16xi32>,
        %bitcast3A_1095 = vector.bitcast %get3A_1094 : vector<16xi32> to vector<32xbf16>
        %unpack3A_1096 = tpu.unpack_subelements %bitcast3A_1095, 0 {pack_format = #tpu.pack_format<interleaved>} : vector<32xbf16> -> vector<16xf32>
        %unpack3A_1097 = tpu.unpack_subelements %bitcast3A_1095, 1 {pack_format = #tpu.pack_format<interleaved>} : vector<32xbf16> -> vector<16xf32>
        %get3A_1098 = arith.constant 1 : i32
        %get3A_1099 = arith.index_cast %get3A_1098 : i32 to index
        %get3A_1100 = arith.index_cast %scan3A_1089 : i32 to index
        %get3A_1101 = arith.constant 16 : index
        %get3A_1102 = tpu.vector_load %arg7[%get3A_1099, %get3A_1100, %get3A_1101] {strides = array<i32>} : memref<4x200x32xi32, #tpu.memory_space<vmem>>, vector<16xi32>,
        %bitcast3A_1103 = vector.bitcast %get3A_1102 : vector<16xi32> to vector<32xbf16>
        %unpack3A_1104 = tpu.unpack_subelements %bitcast3A_1103, 0 {pack_format = #tpu.pack_format<interleaved>} : vector<32xbf16> -> vector<16xf32>
        %unpack3A_1105 = tpu.unpack_subelements %bitcast3A_1103, 1 {pack_format = #tpu.pack_format<interleaved>} : vector<32xbf16> -> vector<16xf32>
        %add3A_1106 = arith.addf %add3A_1084, %unpack3A_1096 : vector<16xf32>
        %add3A_1107 = arith.addf %add3A_1085, %unpack3A_1097 : vector<16xf32>
        %add3A_1108 = arith.addf %add3A_1086, %unpack3A_1104 : vector<16xf32>
        %add3A_1109 = arith.addf %add3A_1087, %unpack3A_1105 : vector<16xf32>
        %scan3A_1110 = arith.constant 4 : i32
        %scan3A_1111 = arith.addi %scan3A_1019, %scan3A_1110 : i32
        %get3A_1112 = arith.constant 1 : i32
        %get3A_1113 = arith.index_cast %get3A_1112 : i32 to index
        %get3A_1114 = arith.index_cast %scan3A_1111 : i32 to index
        %get3A_1115 = arith.constant 0 : index
        %get3A_1116 = tpu.vector_load %arg7[%get3A_1113, %get3A_1114, %get3A_1115] {strides = array<i32>} : memref<4x200x32xi32, #tpu.memory_space<vmem>>, vector<16xi32>,
        %bitcast3A_1117 = vector.bitcast %get3A_1116 : vector<16xi32> to vector<32xbf16>
        %unpack3A_1118 = tpu.unpack_subelements %bitcast3A_1117, 0 {pack_format = #tpu.pack_format<interleaved>} : vector<32xbf16> -> vector<16xf32>
        %unpack3A_1119 = tpu.unpack_subelements %bitcast3A_1117, 1 {pack_format = #tpu.pack_format<interleaved>} : vector<32xbf16> -> vector<16xf32>
        %get3A_1120 = arith.constant 1 : i32
        %get3A_1121 = arith.index_cast %get3A_1120 : i32 to index
        %get3A_1122 = arith.index_cast %scan3A_1111 : i32 to index
        %get3A_1123 = arith.constant 16 : index
        %get3A_1124 = tpu.vector_load %arg7[%get3A_1121, %get3A_1122, %get3A_1123] {strides = array<i32>} : memref<4x200x32xi32, #tpu.memory_space<vmem>>, vector<16xi32>,
        %bitcast3A_1125 = vector.bitcast %get3A_1124 : vector<16xi32> to vector<32xbf16>
        %unpack3A_1126 = tpu.unpack_subelements %bitcast3A_1125, 0 {pack_format = #tpu.pack_format<interleaved>} : vector<32xbf16> -> vector<16xf32>
        %unpack3A_1127 = tpu.unpack_subelements %bitcast3A_1125, 1 {pack_format = #tpu.pack_format<interleaved>} : vector<32xbf16> -> vector<16xf32>
        %add3A_1128 = arith.addf %add3A_1106, %unpack3A_1118 : vector<16xf32>
        %add3A_1129 = arith.addf %add3A_1107, %unpack3A_1119 : vector<16xf32>
        %add3A_1130 = arith.addf %add3A_1108, %unpack3A_1126 : vector<16xf32>
        %add3A_1131 = arith.addf %add3A_1109, %unpack3A_1127 : vector<16xf32>
        %scan3A_1132 = arith.constant 5 : i32
        %scan3A_1133 = arith.addi %scan3A_1019, %scan3A_1132 : i32
        %get3A_1134 = arith.constant 1 : i32
        %get3A_1135 = arith.index_cast %get3A_1134 : i32 to index
        %get3A_1136 = arith.index_cast %scan3A_1133 : i32 to index
        %get3A_1137 = arith.constant 0 : index
        %get3A_1138 = tpu.vector_load %arg7[%get3A_1135, %get3A_1136, %get3A_1137] {strides = array<i32>} : memref<4x200x32xi32, #tpu.memory_space<vmem>>, vector<16xi32>,
        %bitcast3A_1139 = vector.bitcast %get3A_1138 : vector<16xi32> to vector<32xbf16>
        %unpack3A_1140 = tpu.unpack_subelements %bitcast3A_1139, 0 {pack_format = #tpu.pack_format<interleaved>} : vector<32xbf16> -> vector<16xf32>
        %unpack3A_1141 = tpu.unpack_subelements %bitcast3A_1139, 1 {pack_format = #tpu.pack_format<interleaved>} : vector<32xbf16> -> vector<16xf32>
        %get3A_1142 = arith.constant 1 : i32
        %get3A_1143 = arith.index_cast %get3A_1142 : i32 to index
        %get3A_1144 = arith.index_cast %scan3A_1133 : i32 to index
        %get3A_1145 = arith.constant 16 : index
        %get3A_1146 = tpu.vector_load %arg7[%get3A_1143, %get3A_1144, %get3A_1145] {strides = array<i32>} : memref<4x200x32xi32, #tpu.memory_space<vmem>>, vector<16xi32>,
        %bitcast3A_1147 = vector.bitcast %get3A_1146 : vector<16xi32> to vector<32xbf16>
        %unpack3A_1148 = tpu.unpack_subelements %bitcast3A_1147, 0 {pack_format = #tpu.pack_format<interleaved>} : vector<32xbf16> -> vector<16xf32>
        %unpack3A_1149 = tpu.unpack_subelements %bitcast3A_1147, 1 {pack_format = #tpu.pack_format<interleaved>} : vector<32xbf16> -> vector<16xf32>
        %add3A_1150 = arith.addf %add3A_1128, %unpack3A_1140 : vector<16xf32>
        %add3A_1151 = arith.addf %add3A_1129, %unpack3A_1141 : vector<16xf32>
        %add3A_1152 = arith.addf %add3A_1130, %unpack3A_1148 : vector<16xf32>
        %add3A_1153 = arith.addf %add3A_1131, %unpack3A_1149 : vector<16xf32>
        %scan3A_1154 = arith.constant 6 : i32
        %scan3A_1155 = arith.addi %scan3A_1019, %scan3A_1154 : i32
        %get3A_1156 = arith.constant 1 : i32
        %get3A_1157 = arith.index_cast %get3A_1156 : i32 to index
        %get3A_1158 = arith.index_cast %scan3A_1155 : i32 to index
        %get3A_1159 = arith.constant 0 : index
        %get3A_1160 = tpu.vector_load %arg7[%get3A_1157, %get3A_1158, %get3A_1159] {strides = array<i32>} : memref<4x200x32xi32, #tpu.memory_space<vmem>>, vector<16xi32>,
        %bitcast3A_1161 = vector.bitcast %get3A_1160 : vector<16xi32> to vector<32xbf16>
        %unpack3A_1162 = tpu.unpack_subelements %bitcast3A_1161, 0 {pack_format = #tpu.pack_format<interleaved>} : vector<32xbf16> -> vector<16xf32>
        %unpack3A_1163 = tpu.unpack_subelements %bitcast3A_1161, 1 {pack_format = #tpu.pack_format<interleaved>} : vector<32xbf16> -> vector<16xf32>
        %get3A_1164 = arith.constant 1 : i32
        %get3A_1165 = arith.index_cast %get3A_1164 : i32 to index
        %get3A_1166 = arith.index_cast %scan3A_1155 : i32 to index
        %get3A_1167 = arith.constant 16 : index
        %get3A_1168 = tpu.vector_load %arg7[%get3A_1165, %get3A_1166, %get3A_1167] {strides = array<i32>} : memref<4x200x32xi32, #tpu.memory_space<vmem>>, vector<16xi32>,
        %bitcast3A_1169 = vector.bitcast %get3A_1168 : vector<16xi32> to vector<32xbf16>
        %unpack3A_1170 = tpu.unpack_subelements %bitcast3A_1169, 0 {pack_format = #tpu.pack_format<interleaved>} : vector<32xbf16> -> vector<16xf32>
        %unpack3A_1171 = tpu.unpack_subelements %bitcast3A_1169, 1 {pack_format = #tpu.pack_format<interleaved>} : vector<32xbf16> -> vector<16xf32>
        %add3A_1172 = arith.addf %add3A_1150, %unpack3A_1162 : vector<16xf32>
        %add3A_1173 = arith.addf %add3A_1151, %unpack3A_1163 : vector<16xf32>
        %add3A_1174 = arith.addf %add3A_1152, %unpack3A_1170 : vector<16xf32>
        %add3A_1175 = arith.addf %add3A_1153, %unpack3A_1171 : vector<16xf32>
        %scan3A_1176 = arith.constant 7 : i32
        %scan3A_1177 = arith.addi %scan3A_1019, %scan3A_1176 : i32
        %get3A_1178 = arith.constant 1 : i32
        %get3A_1179 = arith.index_cast %get3A_1178 : i32 to index
        %get3A_1180 = arith.index_cast %scan3A_1177 : i32 to index
        %get3A_1181 = arith.constant 0 : index
        %get3A_1182 = tpu.vector_load %arg7[%get3A_1179, %get3A_1180, %get3A_1181] {strides = array<i32>} : memref<4x200x32xi32, #tpu.memory_space<vmem>>, vector<16xi32>,
        %bitcast3A_1183 = vector.bitcast %get3A_1182 : vector<16xi32> to vector<32xbf16>
        %unpack3A_1184 = tpu.unpack_subelements %bitcast3A_1183, 0 {pack_format = #tpu.pack_format<interleaved>} : vector<32xbf16> -> vector<16xf32>
        %unpack3A_1185 = tpu.unpack_subelements %bitcast3A_1183, 1 {pack_format = #tpu.pack_format<interleaved>} : vector<32xbf16> -> vector<16xf32>
        %get3A_1186 = arith.constant 1 : i32
        %get3A_1187 = arith.index_cast %get3A_1186 : i32 to index
        %get3A_1188 = arith.index_cast %scan3A_1177 : i32 to index
        %get3A_1189 = arith.constant 16 : index
        %get3A_1190 = tpu.vector_load %arg7[%get3A_1187, %get3A_1188, %get3A_1189] {strides = array<i32>} : memref<4x200x32xi32, #tpu.memory_space<vmem>>, vector<16xi32>,
        %bitcast3A_1191 = vector.bitcast %get3A_1190 : vector<16xi32> to vector<32xbf16>
        %unpack3A_1192 = tpu.unpack_subelements %bitcast3A_1191, 0 {pack_format = #tpu.pack_format<interleaved>} : vector<32xbf16> -> vector<16xf32>
        %unpack3A_1193 = tpu.unpack_subelements %bitcast3A_1191, 1 {pack_format = #tpu.pack_format<interleaved>} : vector<32xbf16> -> vector<16xf32>
        %add3A_1194 = arith.addf %add3A_1172, %unpack3A_1184 : vector<16xf32>
        %add3A_1195 = arith.addf %add3A_1173, %unpack3A_1185 : vector<16xf32>
        %add3A_1196 = arith.addf %add3A_1174, %unpack3A_1192 : vector<16xf32>
        %add3A_1197 = arith.addf %add3A_1175, %unpack3A_1193 : vector<16xf32>
        %scan3A_1198 = arith.constant 8 : i32
        %scan3A_1199 = arith.addi %scan3A_1019, %scan3A_1198 : i32
        %get3A_1200 = arith.constant 1 : i32
        %get3A_1201 = arith.index_cast %get3A_1200 : i32 to index
        %get3A_1202 = arith.index_cast %scan3A_1199 : i32 to index
        %get3A_1203 = arith.constant 0 : index
        %get3A_1204 = tpu.vector_load %arg7[%get3A_1201, %get3A_1202, %get3A_1203] {strides = array<i32>} : memref<4x200x32xi32, #tpu.memory_space<vmem>>, vector<16xi32>,
        %bitcast3A_1205 = vector.bitcast %get3A_1204 : vector<16xi32> to vector<32xbf16>
        %unpack3A_1206 = tpu.unpack_subelements %bitcast3A_1205, 0 {pack_format = #tpu.pack_format<interleaved>} : vector<32xbf16> -> vector<16xf32>
        %unpack3A_1207 = tpu.unpack_subelements %bitcast3A_1205, 1 {pack_format = #tpu.pack_format<interleaved>} : vector<32xbf16> -> vector<16xf32>
        %get3A_1208 = arith.constant 1 : i32
        %get3A_1209 = arith.index_cast %get3A_1208 : i32 to index
        %get3A_1210 = arith.index_cast %scan3A_1199 : i32 to index
        %get3A_1211 = arith.constant 16 : index
        %get3A_1212 = tpu.vector_load %arg7[%get3A_1209, %get3A_1210, %get3A_1211] {strides = array<i32>} : memref<4x200x32xi32, #tpu.memory_space<vmem>>, vector<16xi32>,
        %bitcast3A_1213 = vector.bitcast %get3A_1212 : vector<16xi32> to vector<32xbf16>
        %unpack3A_1214 = tpu.unpack_subelements %bitcast3A_1213, 0 {pack_format = #tpu.pack_format<interleaved>} : vector<32xbf16> -> vector<16xf32>
        %unpack3A_1215 = tpu.unpack_subelements %bitcast3A_1213, 1 {pack_format = #tpu.pack_format<interleaved>} : vector<32xbf16> -> vector<16xf32>
        %add3A_1216 = arith.addf %add3A_1194, %unpack3A_1206 : vector<16xf32>
        %add3A_1217 = arith.addf %add3A_1195, %unpack3A_1207 : vector<16xf32>
        %add3A_1218 = arith.addf %add3A_1196, %unpack3A_1214 : vector<16xf32>
        %add3A_1219 = arith.addf %add3A_1197, %unpack3A_1215 : vector<16xf32>
        %scan3A_1220 = arith.constant 9 : i32
        %scan3A_1221 = arith.addi %scan3A_1019, %scan3A_1220 : i32
        %get3A_1222 = arith.constant 1 : i32
        %get3A_1223 = arith.index_cast %get3A_1222 : i32 to index
        %get3A_1224 = arith.index_cast %scan3A_1221 : i32 to index
        %get3A_1225 = arith.constant 0 : index
        %get3A_1226 = tpu.vector_load %arg7[%get3A_1223, %get3A_1224, %get3A_1225] {strides = array<i32>} : memref<4x200x32xi32, #tpu.memory_space<vmem>>, vector<16xi32>,
        %bitcast3A_1227 = vector.bitcast %get3A_1226 : vector<16xi32> to vector<32xbf16>
        %unpack3A_1228 = tpu.unpack_subelements %bitcast3A_1227, 0 {pack_format = #tpu.pack_format<interleaved>} : vector<32xbf16> -> vector<16xf32>
        %unpack3A_1229 = tpu.unpack_subelements %bitcast3A_1227, 1 {pack_format = #tpu.pack_format<interleaved>} : vector<32xbf16> -> vector<16xf32>
        %get3A_1230 = arith.constant 1 : i32
        %get3A_1231 = arith.index_cast %get3A_1230 : i32 to index
        %get3A_1232 = arith.index_cast %scan3A_1221 : i32 to index
        %get3A_1233 = arith.constant 16 : index
        %get3A_1234 = tpu.vector_load %arg7[%get3A_1231, %get3A_1232, %get3A_1233] {strides = array<i32>} : memref<4x200x32xi32, #tpu.memory_space<vmem>>, vector<16xi32>,
        %bitcast3A_1235 = vector.bitcast %get3A_1234 : vector<16xi32> to vector<32xbf16>
        %unpack3A_1236 = tpu.unpack_subelements %bitcast3A_1235, 0 {pack_format = #tpu.pack_format<interleaved>} : vector<32xbf16> -> vector<16xf32>
        %unpack3A_1237 = tpu.unpack_subelements %bitcast3A_1235, 1 {pack_format = #tpu.pack_format<interleaved>} : vector<32xbf16> -> vector<16xf32>
        %add3A_1238 = arith.addf %add3A_1216, %unpack3A_1228 : vector<16xf32>
        %add3A_1239 = arith.addf %add3A_1217, %unpack3A_1229 : vector<16xf32>
        %add3A_1240 = arith.addf %add3A_1218, %unpack3A_1236 : vector<16xf32>
        %add3A_1241 = arith.addf %add3A_1219, %unpack3A_1237 : vector<16xf32>
        %scan3A_1242 = arith.constant 10 : i32
        %scan3A_1243 = arith.addi %scan3A_1019, %scan3A_1242 : i32
        %get3A_1244 = arith.constant 1 : i32
        %get3A_1245 = arith.index_cast %get3A_1244 : i32 to index
        %get3A_1246 = arith.index_cast %scan3A_1243 : i32 to index
        %get3A_1247 = arith.constant 0 : index
        %get3A_1248 = tpu.vector_load %arg7[%get3A_1245, %get3A_1246, %get3A_1247] {strides = array<i32>} : memref<4x200x32xi32, #tpu.memory_space<vmem>>, vector<16xi32>,
        %bitcast3A_1249 = vector.bitcast %get3A_1248 : vector<16xi32> to vector<32xbf16>
        %unpack3A_1250 = tpu.unpack_subelements %bitcast3A_1249, 0 {pack_format = #tpu.pack_format<interleaved>} : vector<32xbf16> -> vector<16xf32>
        %unpack3A_1251 = tpu.unpack_subelements %bitcast3A_1249, 1 {pack_format = #tpu.pack_format<interleaved>} : vector<32xbf16> -> vector<16xf32>
        %get3A_1252 = arith.constant 1 : i32
        %get3A_1253 = arith.index_cast %get3A_1252 : i32 to index
        %get3A_1254 = arith.index_cast %scan3A_1243 : i32 to index
        %get3A_1255 = arith.constant 16 : index
        %get3A_1256 = tpu.vector_load %arg7[%get3A_1253, %get3A_1254, %get3A_1255] {strides = array<i32>} : memref<4x200x32xi32, #tpu.memory_space<vmem>>, vector<16xi32>,
        %bitcast3A_1257 = vector.bitcast %get3A_1256 : vector<16xi32> to vector<32xbf16>
        %unpack3A_1258 = tpu.unpack_subelements %bitcast3A_1257, 0 {pack_format = #tpu.pack_format<interleaved>} : vector<32xbf16> -> vector<16xf32>
        %unpack3A_1259 = tpu.unpack_subelements %bitcast3A_1257, 1 {pack_format = #tpu.pack_format<interleaved>} : vector<32xbf16> -> vector<16xf32>
        %add3A_1260 = arith.addf %add3A_1238, %unpack3A_1250 : vector<16xf32>
        %add3A_1261 = arith.addf %add3A_1239, %unpack3A_1251 : vector<16xf32>
        %add3A_1262 = arith.addf %add3A_1240, %unpack3A_1258 : vector<16xf32>
        %add3A_1263 = arith.addf %add3A_1241, %unpack3A_1259 : vector<16xf32>
        %scan3A_1264 = arith.constant 11 : i32
        %scan3A_1265 = arith.addi %scan3A_1019, %scan3A_1264 : i32
        %get3A_1266 = arith.constant 1 : i32
        %get3A_1267 = arith.index_cast %get3A_1266 : i32 to index
        %get3A_1268 = arith.index_cast %scan3A_1265 : i32 to index
        %get3A_1269 = arith.constant 0 : index
        %get3A_1270 = tpu.vector_load %arg7[%get3A_1267, %get3A_1268, %get3A_1269] {strides = array<i32>} : memref<4x200x32xi32, #tpu.memory_space<vmem>>, vector<16xi32>,
        %bitcast3A_1271 = vector.bitcast %get3A_1270 : vector<16xi32> to vector<32xbf16>
        %unpack3A_1272 = tpu.unpack_subelements %bitcast3A_1271, 0 {pack_format = #tpu.pack_format<interleaved>} : vector<32xbf16> -> vector<16xf32>
        %unpack3A_1273 = tpu.unpack_subelements %bitcast3A_1271, 1 {pack_format = #tpu.pack_format<interleaved>} : vector<32xbf16> -> vector<16xf32>
        %get3A_1274 = arith.constant 1 : i32
        %get3A_1275 = arith.index_cast %get3A_1274 : i32 to index
        %get3A_1276 = arith.index_cast %scan3A_1265 : i32 to index
        %get3A_1277 = arith.constant 16 : index
        %get3A_1278 = tpu.vector_load %arg7[%get3A_1275, %get3A_1276, %get3A_1277] {strides = array<i32>} : memref<4x200x32xi32, #tpu.memory_space<vmem>>, vector<16xi32>,
        %bitcast3A_1279 = vector.bitcast %get3A_1278 : vector<16xi32> to vector<32xbf16>
        %unpack3A_1280 = tpu.unpack_subelements %bitcast3A_1279, 0 {pack_format = #tpu.pack_format<interleaved>} : vector<32xbf16> -> vector<16xf32>
        %unpack3A_1281 = tpu.unpack_subelements %bitcast3A_1279, 1 {pack_format = #tpu.pack_format<interleaved>} : vector<32xbf16> -> vector<16xf32>
        %add3A_1282 = arith.addf %add3A_1260, %unpack3A_1272 : vector<16xf32>
        %add3A_1283 = arith.addf %add3A_1261, %unpack3A_1273 : vector<16xf32>
        %add3A_1284 = arith.addf %add3A_1262, %unpack3A_1280 : vector<16xf32>
        %add3A_1285 = arith.addf %add3A_1263, %unpack3A_1281 : vector<16xf32>
        %scan3A_1286 = arith.constant 12 : i32
        %scan3A_1287 = arith.addi %scan3A_1019, %scan3A_1286 : i32
        %get3A_1288 = arith.constant 1 : i32
        %get3A_1289 = arith.index_cast %get3A_1288 : i32 to index
        %get3A_1290 = arith.index_cast %scan3A_1287 : i32 to index
        %get3A_1291 = arith.constant 0 : index
        %get3A_1292 = tpu.vector_load %arg7[%get3A_1289, %get3A_1290, %get3A_1291] {strides = array<i32>} : memref<4x200x32xi32, #tpu.memory_space<vmem>>, vector<16xi32>,
        %bitcast3A_1293 = vector.bitcast %get3A_1292 : vector<16xi32> to vector<32xbf16>
        %unpack3A_1294 = tpu.unpack_subelements %bitcast3A_1293, 0 {pack_format = #tpu.pack_format<interleaved>} : vector<32xbf16> -> vector<16xf32>
        %unpack3A_1295 = tpu.unpack_subelements %bitcast3A_1293, 1 {pack_format = #tpu.pack_format<interleaved>} : vector<32xbf16> -> vector<16xf32>
        %get3A_1296 = arith.constant 1 : i32
        %get3A_1297 = arith.index_cast %get3A_1296 : i32 to index
        %get3A_1298 = arith.index_cast %scan3A_1287 : i32 to index
        %get3A_1299 = arith.constant 16 : index
        %get3A_1300 = tpu.vector_load %arg7[%get3A_1297, %get3A_1298, %get3A_1299] {strides = array<i32>} : memref<4x200x32xi32, #tpu.memory_space<vmem>>, vector<16xi32>,
        %bitcast3A_1301 = vector.bitcast %get3A_1300 : vector<16xi32> to vector<32xbf16>
        %unpack3A_1302 = tpu.unpack_subelements %bitcast3A_1301, 0 {pack_format = #tpu.pack_format<interleaved>} : vector<32xbf16> -> vector<16xf32>
        %unpack3A_1303 = tpu.unpack_subelements %bitcast3A_1301, 1 {pack_format = #tpu.pack_format<interleaved>} : vector<32xbf16> -> vector<16xf32>
        %add3A_1304 = arith.addf %add3A_1282, %unpack3A_1294 : vector<16xf32>
        %add3A_1305 = arith.addf %add3A_1283, %unpack3A_1295 : vector<16xf32>
        %add3A_1306 = arith.addf %add3A_1284, %unpack3A_1302 : vector<16xf32>
        %add3A_1307 = arith.addf %add3A_1285, %unpack3A_1303 : vector<16xf32>
        %scan3A_1308 = arith.constant 13 : i32
        %scan3A_1309 = arith.addi %scan3A_1019, %scan3A_1308 : i32
        %get3A_1310 = arith.constant 1 : i32
        %get3A_1311 = arith.index_cast %get3A_1310 : i32 to index
        %get3A_1312 = arith.index_cast %scan3A_1309 : i32 to index
        %get3A_1313 = arith.constant 0 : index
        %get3A_1314 = tpu.vector_load %arg7[%get3A_1311, %get3A_1312, %get3A_1313] {strides = array<i32>} : memref<4x200x32xi32, #tpu.memory_space<vmem>>, vector<16xi32>,
        %bitcast3A_1315 = vector.bitcast %get3A_1314 : vector<16xi32> to vector<32xbf16>
        %unpack3A_1316 = tpu.unpack_subelements %bitcast3A_1315, 0 {pack_format = #tpu.pack_format<interleaved>} : vector<32xbf16> -> vector<16xf32>
        %unpack3A_1317 = tpu.unpack_subelements %bitcast3A_1315, 1 {pack_format = #tpu.pack_format<interleaved>} : vector<32xbf16> -> vector<16xf32>
        %get3A_1318 = arith.constant 1 : i32
        %get3A_1319 = arith.index_cast %get3A_1318 : i32 to index
        %get3A_1320 = arith.index_cast %scan3A_1309 : i32 to index
        %get3A_1321 = arith.constant 16 : index
        %get3A_1322 = tpu.vector_load %arg7[%get3A_1319, %get3A_1320, %get3A_1321] {strides = array<i32>} : memref<4x200x32xi32, #tpu.memory_space<vmem>>, vector<16xi32>,
        %bitcast3A_1323 = vector.bitcast %get3A_1322 : vector<16xi32> to vector<32xbf16>
        %unpack3A_1324 = tpu.unpack_subelements %bitcast3A_1323, 0 {pack_format = #tpu.pack_format<interleaved>} : vector<32xbf16> -> vector<16xf32>
        %unpack3A_1325 = tpu.unpack_subelements %bitcast3A_1323, 1 {pack_format = #tpu.pack_format<interleaved>} : vector<32xbf16> -> vector<16xf32>
        %add3A_1326 = arith.addf %add3A_1304, %unpack3A_1316 : vector<16xf32>
        %add3A_1327 = arith.addf %add3A_1305, %unpack3A_1317 : vector<16xf32>
        %add3A_1328 = arith.addf %add3A_1306, %unpack3A_1324 : vector<16xf32>
        %add3A_1329 = arith.addf %add3A_1307, %unpack3A_1325 : vector<16xf32>
        %scan3A_1330 = arith.constant 14 : i32
        %scan3A_1331 = arith.addi %scan3A_1019, %scan3A_1330 : i32
        %get3A_1332 = arith.constant 1 : i32
        %get3A_1333 = arith.index_cast %get3A_1332 : i32 to index
        %get3A_1334 = arith.index_cast %scan3A_1331 : i32 to index
        %get3A_1335 = arith.constant 0 : index
        %get3A_1336 = tpu.vector_load %arg7[%get3A_1333, %get3A_1334, %get3A_1335] {strides = array<i32>} : memref<4x200x32xi32, #tpu.memory_space<vmem>>, vector<16xi32>,
        %bitcast3A_1337 = vector.bitcast %get3A_1336 : vector<16xi32> to vector<32xbf16>
        %unpack3A_1338 = tpu.unpack_subelements %bitcast3A_1337, 0 {pack_format = #tpu.pack_format<interleaved>} : vector<32xbf16> -> vector<16xf32>
        %unpack3A_1339 = tpu.unpack_subelements %bitcast3A_1337, 1 {pack_format = #tpu.pack_format<interleaved>} : vector<32xbf16> -> vector<16xf32>
        %get3A_1340 = arith.constant 1 : i32
        %get3A_1341 = arith.index_cast %get3A_1340 : i32 to index
        %get3A_1342 = arith.index_cast %scan3A_1331 : i32 to index
        %get3A_1343 = arith.constant 16 : index
        %get3A_1344 = tpu.vector_load %arg7[%get3A_1341, %get3A_1342, %get3A_1343] {strides = array<i32>} : memref<4x200x32xi32, #tpu.memory_space<vmem>>, vector<16xi32>,
        %bitcast3A_1345 = vector.bitcast %get3A_1344 : vector<16xi32> to vector<32xbf16>
        %unpack3A_1346 = tpu.unpack_subelements %bitcast3A_1345, 0 {pack_format = #tpu.pack_format<interleaved>} : vector<32xbf16> -> vector<16xf32>
        %unpack3A_1347 = tpu.unpack_subelements %bitcast3A_1345, 1 {pack_format = #tpu.pack_format<interleaved>} : vector<32xbf16> -> vector<16xf32>
        %add3A_1348 = arith.addf %add3A_1326, %unpack3A_1338 : vector<16xf32>
        %add3A_1349 = arith.addf %add3A_1327, %unpack3A_1339 : vector<16xf32>
        %add3A_1350 = arith.addf %add3A_1328, %unpack3A_1346 : vector<16xf32>
        %add3A_1351 = arith.addf %add3A_1329, %unpack3A_1347 : vector<16xf32>
        %scan3A_1352 = arith.constant 15 : i32
        %scan3A_1353 = arith.addi %scan3A_1019, %scan3A_1352 : i32
        %get3A_1354 = arith.constant 1 : i32
        %get3A_1355 = arith.index_cast %get3A_1354 : i32 to index
        %get3A_1356 = arith.index_cast %scan3A_1353 : i32 to index
        %get3A_1357 = arith.constant 0 : index
        %get3A_1358 = tpu.vector_load %arg7[%get3A_1355, %get3A_1356, %get3A_1357] {strides = array<i32>} : memref<4x200x32xi32, #tpu.memory_space<vmem>>, vector<16xi32>,
        %bitcast3A_1359 = vector.bitcast %get3A_1358 : vector<16xi32> to vector<32xbf16>
        %unpack3A_1360 = tpu.unpack_subelements %bitcast3A_1359, 0 {pack_format = #tpu.pack_format<interleaved>} : vector<32xbf16> -> vector<16xf32>
        %unpack3A_1361 = tpu.unpack_subelements %bitcast3A_1359, 1 {pack_format = #tpu.pack_format<interleaved>} : vector<32xbf16> -> vector<16xf32>
        %get3A_1362 = arith.constant 1 : i32
        %get3A_1363 = arith.index_cast %get3A_1362 : i32 to index
        %get3A_1364 = arith.index_cast %scan3A_1353 : i32 to index
        %get3A_1365 = arith.constant 16 : index
        %get3A_1366 = tpu.vector_load %arg7[%get3A_1363, %get3A_1364, %get3A_1365] {strides = array<i32>} : memref<4x200x32xi32, #tpu.memory_space<vmem>>, vector<16xi32>,
        %bitcast3A_1367 = vector.bitcast %get3A_1366 : vector<16xi32> to vector<32xbf16>
        %unpack3A_1368 = tpu.unpack_subelements %bitcast3A_1367, 0 {pack_format = #tpu.pack_format<interleaved>} : vector<32xbf16> -> vector<16xf32>
        %unpack3A_1369 = tpu.unpack_subelements %bitcast3A_1367, 1 {pack_format = #tpu.pack_format<interleaved>} : vector<32xbf16> -> vector<16xf32>
        %add3A_1370 = arith.addf %add3A_1348, %unpack3A_1360 : vector<16xf32>
        %add3A_1371 = arith.addf %add3A_1349, %unpack3A_1361 : vector<16xf32>
        %add3A_1372 = arith.addf %add3A_1350, %unpack3A_1368 : vector<16xf32>
        %add3A_1373 = arith.addf %add3A_1351, %unpack3A_1369 : vector<16xf32>
        scf.yield %add3A_1370, %add3A_1371, %add3A_1372, %add3A_1373 : vector<16xf32>, vector<16xf32>, vector<16xf32>, vector<16xf32>
      }
      %scan3A_350 = arith.constant 192 : i32
      %scan3A_351 = arith.addi %scan3A_345, %scan3A_350 : i32
      %get3A_352 = arith.constant 1 : i32
      %get3A_353 = arith.index_cast %get3A_352 : i32 to index
      %get3A_354 = arith.index_cast %scan3A_351 : i32 to index
      %get3A_355 = arith.constant 0 : index
      %get3A_356 = tpu.vector_load %arg7[%get3A_353, %get3A_354, %get3A_355] {strides = array<i32>} : memref<4x200x32xi32, #tpu.memory_space<vmem>>, vector<16xi32>,
      %bitcast3A_357 = vector.bitcast %get3A_356 : vector<16xi32> to vector<32xbf16>
      %unpack3A_358 = tpu.unpack_subelements %bitcast3A_357, 0 {pack_format = #tpu.pack_format<interleaved>} : vector<32xbf16> -> vector<16xf32>
      %unpack3A_359 = tpu.unpack_subelements %bitcast3A_357, 1 {pack_format = #tpu.pack_format<interleaved>} : vector<32xbf16> -> vector<16xf32>
      %get3A_360 = arith.constant 1 : i32
      %get3A_361 = arith.index_cast %get3A_360 : i32 to index
      %get3A_362 = arith.index_cast %scan3A_351 : i32 to index
      %get3A_363 = arith.constant 16 : index
      %get3A_364 = tpu.vector_load %arg7[%get3A_361, %get3A_362, %get3A_363] {strides = array<i32>} : memref<4x200x32xi32, #tpu.memory_space<vmem>>, vector<16xi32>,
      %bitcast3A_365 = vector.bitcast %get3A_364 : vector<16xi32> to vector<32xbf16>
      %unpack3A_366 = tpu.unpack_subelements %bitcast3A_365, 0 {pack_format = #tpu.pack_format<interleaved>} : vector<32xbf16> -> vector<16xf32>
      %unpack3A_367 = tpu.unpack_subelements %bitcast3A_365, 1 {pack_format = #tpu.pack_format<interleaved>} : vector<32xbf16> -> vector<16xf32>
      %add3A_368 = arith.addf %scan3A_349#0, %unpack3A_358 : vector<16xf32>
      %add3A_369 = arith.addf %scan3A_349#1, %unpack3A_359 : vector<16xf32>
      %add3A_370 = arith.addf %scan3A_349#2, %unpack3A_366 : vector<16xf32>
      %add3A_371 = arith.addf %scan3A_349#3, %unpack3A_367 : vector<16xf32>
      %scan3A_372 = arith.constant 193 : i32
      %scan3A_373 = arith.addi %scan3A_345, %scan3A_372 : i32
      %get3A_374 = arith.constant 1 : i32
      %get3A_375 = arith.index_cast %get3A_374 : i32 to index
      %get3A_376 = arith.index_cast %scan3A_373 : i32 to index
      %get3A_377 = arith.constant 0 : index
      %get3A_378 = tpu.vector_load %arg7[%get3A_375, %get3A_376, %get3A_377] {strides = array<i32>} : memref<4x200x32xi32, #tpu.memory_space<vmem>>, vector<16xi32>,
      %bitcast3A_379 = vector.bitcast %get3A_378 : vector<16xi32> to vector<32xbf16>
      %unpack3A_380 = tpu.unpack_subelements %bitcast3A_379, 0 {pack_format = #tpu.pack_format<interleaved>} : vector<32xbf16> -> vector<16xf32>
      %unpack3A_381 = tpu.unpack_subelements %bitcast3A_379, 1 {pack_format = #tpu.pack_format<interleaved>} : vector<32xbf16> -> vector<16xf32>
      %get3A_382 = arith.constant 1 : i32
      %get3A_383 = arith.index_cast %get3A_382 : i32 to index
      %get3A_384 = arith.index_cast %scan3A_373 : i32 to index
      %get3A_385 = arith.constant 16 : index
      %get3A_386 = tpu.vector_load %arg7[%get3A_383, %get3A_384, %get3A_385] {strides = array<i32>} : memref<4x200x32xi32, #tpu.memory_space<vmem>>, vector<16xi32>,
      %bitcast3A_387 = vector.bitcast %get3A_386 : vector<16xi32> to vector<32xbf16>
      %unpack3A_388 = tpu.unpack_subelements %bitcast3A_387, 0 {pack_format = #tpu.pack_format<interleaved>} : vector<32xbf16> -> vector<16xf32>
      %unpack3A_389 = tpu.unpack_subelements %bitcast3A_387, 1 {pack_format = #tpu.pack_format<interleaved>} : vector<32xbf16> -> vector<16xf32>
      %add3A_390 = arith.addf %add3A_368, %unpack3A_380 : vector<16xf32>
      %add3A_391 = arith.addf %add3A_369, %unpack3A_381 : vector<16xf32>
      %add3A_392 = arith.addf %add3A_370, %unpack3A_388 : vector<16xf32>
      %add3A_393 = arith.addf %add3A_371, %unpack3A_389 : vector<16xf32>
      %scan3A_394 = arith.constant 194 : i32
      %scan3A_395 = arith.addi %scan3A_345, %scan3A_394 : i32
      %get3A_396 = arith.constant 1 : i32
      %get3A_397 = arith.index_cast %get3A_396 : i32 to index
      %get3A_398 = arith.index_cast %scan3A_395 : i32 to index
      %get3A_399 = arith.constant 0 : index
      %get3A_400 = tpu.vector_load %arg7[%get3A_397, %get3A_398, %get3A_399] {strides = array<i32>} : memref<4x200x32xi32, #tpu.memory_space<vmem>>, vector<16xi32>,
      %bitcast3A_401 = vector.bitcast %get3A_400 : vector<16xi32> to vector<32xbf16>
      %unpack3A_402 = tpu.unpack_subelements %bitcast3A_401, 0 {pack_format = #tpu.pack_format<interleaved>} : vector<32xbf16> -> vector<16xf32>
      %unpack3A_403 = tpu.unpack_subelements %bitcast3A_401, 1 {pack_format = #tpu.pack_format<interleaved>} : vector<32xbf16> -> vector<16xf32>
      %get3A_404 = arith.constant 1 : i32
      %get3A_405 = arith.index_cast %get3A_404 : i32 to index
      %get3A_406 = arith.index_cast %scan3A_395 : i32 to index
      %get3A_407 = arith.constant 16 : index
      %get3A_408 = tpu.vector_load %arg7[%get3A_405, %get3A_406, %get3A_407] {strides = array<i32>} : memref<4x200x32xi32, #tpu.memory_space<vmem>>, vector<16xi32>,
      %bitcast3A_409 = vector.bitcast %get3A_408 : vector<16xi32> to vector<32xbf16>
      %unpack3A_410 = tpu.unpack_subelements %bitcast3A_409, 0 {pack_format = #tpu.pack_format<interleaved>} : vector<32xbf16> -> vector<16xf32>
      %unpack3A_411 = tpu.unpack_subelements %bitcast3A_409, 1 {pack_format = #tpu.pack_format<interleaved>} : vector<32xbf16> -> vector<16xf32>
      %add3A_412 = arith.addf %add3A_390, %unpack3A_402 : vector<16xf32>
      %add3A_413 = arith.addf %add3A_391, %unpack3A_403 : vector<16xf32>
      %add3A_414 = arith.addf %add3A_392, %unpack3A_410 : vector<16xf32>
      %add3A_415 = arith.addf %add3A_393, %unpack3A_411 : vector<16xf32>
      %scan3A_416 = arith.constant 195 : i32
      %scan3A_417 = arith.addi %scan3A_345, %scan3A_416 : i32
      %get3A_418 = arith.constant 1 : i32
      %get3A_419 = arith.index_cast %get3A_418 : i32 to index
      %get3A_420 = arith.index_cast %scan3A_417 : i32 to index
      %get3A_421 = arith.constant 0 : index
      %get3A_422 = tpu.vector_load %arg7[%get3A_419, %get3A_420, %get3A_421] {strides = array<i32>} : memref<4x200x32xi32, #tpu.memory_space<vmem>>, vector<16xi32>,
      %bitcast3A_423 = vector.bitcast %get3A_422 : vector<16xi32> to vector<32xbf16>
      %unpack3A_424 = tpu.unpack_subelements %bitcast3A_423, 0 {pack_format = #tpu.pack_format<interleaved>} : vector<32xbf16> -> vector<16xf32>
      %unpack3A_425 = tpu.unpack_subelements %bitcast3A_423, 1 {pack_format = #tpu.pack_format<interleaved>} : vector<32xbf16> -> vector<16xf32>
      %get3A_426 = arith.constant 1 : i32
      %get3A_427 = arith.index_cast %get3A_426 : i32 to index
      %get3A_428 = arith.index_cast %scan3A_417 : i32 to index
      %get3A_429 = arith.constant 16 : index
      %get3A_430 = tpu.vector_load %arg7[%get3A_427, %get3A_428, %get3A_429] {strides = array<i32>} : memref<4x200x32xi32, #tpu.memory_space<vmem>>, vector<16xi32>,
      %bitcast3A_431 = vector.bitcast %get3A_430 : vector<16xi32> to vector<32xbf16>
      %unpack3A_432 = tpu.unpack_subelements %bitcast3A_431, 0 {pack_format = #tpu.pack_format<interleaved>} : vector<32xbf16> -> vector<16xf32>
      %unpack3A_433 = tpu.unpack_subelements %bitcast3A_431, 1 {pack_format = #tpu.pack_format<interleaved>} : vector<32xbf16> -> vector<16xf32>
      %add3A_434 = arith.addf %add3A_412, %unpack3A_424 : vector<16xf32>
      %add3A_435 = arith.addf %add3A_413, %unpack3A_425 : vector<16xf32>
      %add3A_436 = arith.addf %add3A_414, %unpack3A_432 : vector<16xf32>
      %add3A_437 = arith.addf %add3A_415, %unpack3A_433 : vector<16xf32>
      %scan3A_438 = arith.constant 196 : i32
      %scan3A_439 = arith.addi %scan3A_345, %scan3A_438 : i32
      %get3A_440 = arith.constant 1 : i32
      %get3A_441 = arith.index_cast %get3A_440 : i32 to index
      %get3A_442 = arith.index_cast %scan3A_439 : i32 to index
      %get3A_443 = arith.constant 0 : index
      %get3A_444 = tpu.vector_load %arg7[%get3A_441, %get3A_442, %get3A_443] {strides = array<i32>} : memref<4x200x32xi32, #tpu.memory_space<vmem>>, vector<16xi32>,
      %bitcast3A_445 = vector.bitcast %get3A_444 : vector<16xi32> to vector<32xbf16>
      %unpack3A_446 = tpu.unpack_subelements %bitcast3A_445, 0 {pack_format = #tpu.pack_format<interleaved>} : vector<32xbf16> -> vector<16xf32>
      %unpack3A_447 = tpu.unpack_subelements %bitcast3A_445, 1 {pack_format = #tpu.pack_format<interleaved>} : vector<32xbf16> -> vector<16xf32>
      %get3A_448 = arith.constant 1 : i32
      %get3A_449 = arith.index_cast %get3A_448 : i32 to index
      %get3A_450 = arith.index_cast %scan3A_439 : i32 to index
      %get3A_451 = arith.constant 16 : index
      %get3A_452 = tpu.vector_load %arg7[%get3A_449, %get3A_450, %get3A_451] {strides = array<i32>} : memref<4x200x32xi32, #tpu.memory_space<vmem>>, vector<16xi32>,
      %bitcast3A_453 = vector.bitcast %get3A_452 : vector<16xi32> to vector<32xbf16>
      %unpack3A_454 = tpu.unpack_subelements %bitcast3A_453, 0 {pack_format = #tpu.pack_format<interleaved>} : vector<32xbf16> -> vector<16xf32>
      %unpack3A_455 = tpu.unpack_subelements %bitcast3A_453, 1 {pack_format = #tpu.pack_format<interleaved>} : vector<32xbf16> -> vector<16xf32>
      %add3A_456 = arith.addf %add3A_434, %unpack3A_446 : vector<16xf32>
      %add3A_457 = arith.addf %add3A_435, %unpack3A_447 : vector<16xf32>
      %add3A_458 = arith.addf %add3A_436, %unpack3A_454 : vector<16xf32>
      %add3A_459 = arith.addf %add3A_437, %unpack3A_455 : vector<16xf32>
      %scan3A_460 = arith.constant 197 : i32
      %scan3A_461 = arith.addi %scan3A_345, %scan3A_460 : i32
      %get3A_462 = arith.constant 1 : i32
      %get3A_463 = arith.index_cast %get3A_462 : i32 to index
      %get3A_464 = arith.index_cast %scan3A_461 : i32 to index
      %get3A_465 = arith.constant 0 : index
      %get3A_466 = tpu.vector_load %arg7[%get3A_463, %get3A_464, %get3A_465] {strides = array<i32>} : memref<4x200x32xi32, #tpu.memory_space<vmem>>, vector<16xi32>,
      %bitcast3A_467 = vector.bitcast %get3A_466 : vector<16xi32> to vector<32xbf16>
      %unpack3A_468 = tpu.unpack_subelements %bitcast3A_467, 0 {pack_format = #tpu.pack_format<interleaved>} : vector<32xbf16> -> vector<16xf32>
      %unpack3A_469 = tpu.unpack_subelements %bitcast3A_467, 1 {pack_format = #tpu.pack_format<interleaved>} : vector<32xbf16> -> vector<16xf32>
      %get3A_470 = arith.constant 1 : i32
      %get3A_471 = arith.index_cast %get3A_470 : i32 to index
      %get3A_472 = arith.index_cast %scan3A_461 : i32 to index
      %get3A_473 = arith.constant 16 : index
      %get3A_474 = tpu.vector_load %arg7[%get3A_471, %get3A_472, %get3A_473] {strides = array<i32>} : memref<4x200x32xi32, #tpu.memory_space<vmem>>, vector<16xi32>,
      %bitcast3A_475 = vector.bitcast %get3A_474 : vector<16xi32> to vector<32xbf16>
      %unpack3A_476 = tpu.unpack_subelements %bitcast3A_475, 0 {pack_format = #tpu.pack_format<interleaved>} : vector<32xbf16> -> vector<16xf32>
      %unpack3A_477 = tpu.unpack_subelements %bitcast3A_475, 1 {pack_format = #tpu.pack_format<interleaved>} : vector<32xbf16> -> vector<16xf32>
      %add3A_478 = arith.addf %add3A_456, %unpack3A_468 : vector<16xf32>
      %add3A_479 = arith.addf %add3A_457, %unpack3A_469 : vector<16xf32>
      %add3A_480 = arith.addf %add3A_458, %unpack3A_476 : vector<16xf32>
      %add3A_481 = arith.addf %add3A_459, %unpack3A_477 : vector<16xf32>
      %scan3A_482 = arith.constant 198 : i32
      %scan3A_483 = arith.addi %scan3A_345, %scan3A_482 : i32
      %get3A_484 = arith.constant 1 : i32
      %get3A_485 = arith.index_cast %get3A_484 : i32 to index
      %get3A_486 = arith.index_cast %scan3A_483 : i32 to index
      %get3A_487 = arith.constant 0 : index
      %get3A_488 = tpu.vector_load %arg7[%get3A_485, %get3A_486, %get3A_487] {strides = array<i32>} : memref<4x200x32xi32, #tpu.memory_space<vmem>>, vector<16xi32>,
      %bitcast3A_489 = vector.bitcast %get3A_488 : vector<16xi32> to vector<32xbf16>
      %unpack3A_490 = tpu.unpack_subelements %bitcast3A_489, 0 {pack_format = #tpu.pack_format<interleaved>} : vector<32xbf16> -> vector<16xf32>
      %unpack3A_491 = tpu.unpack_subelements %bitcast3A_489, 1 {pack_format = #tpu.pack_format<interleaved>} : vector<32xbf16> -> vector<16xf32>
      %get3A_492 = arith.constant 1 : i32
      %get3A_493 = arith.index_cast %get3A_492 : i32 to index
      %get3A_494 = arith.index_cast %scan3A_483 : i32 to index
      %get3A_495 = arith.constant 16 : index
      %get3A_496 = tpu.vector_load %arg7[%get3A_493, %get3A_494, %get3A_495] {strides = array<i32>} : memref<4x200x32xi32, #tpu.memory_space<vmem>>, vector<16xi32>,
      %bitcast3A_497 = vector.bitcast %get3A_496 : vector<16xi32> to vector<32xbf16>
      %unpack3A_498 = tpu.unpack_subelements %bitcast3A_497, 0 {pack_format = #tpu.pack_format<interleaved>} : vector<32xbf16> -> vector<16xf32>
      %unpack3A_499 = tpu.unpack_subelements %bitcast3A_497, 1 {pack_format = #tpu.pack_format<interleaved>} : vector<32xbf16> -> vector<16xf32>
      %add3A_500 = arith.addf %add3A_478, %unpack3A_490 : vector<16xf32>
      %add3A_501 = arith.addf %add3A_479, %unpack3A_491 : vector<16xf32>
      %add3A_502 = arith.addf %add3A_480, %unpack3A_498 : vector<16xf32>
      %add3A_503 = arith.addf %add3A_481, %unpack3A_499 : vector<16xf32>
      %scan3A_504 = arith.constant 199 : i32
      %scan3A_505 = arith.addi %scan3A_345, %scan3A_504 : i32
      %get3A_506 = arith.constant 1 : i32
      %get3A_507 = arith.index_cast %get3A_506 : i32 to index
      %get3A_508 = arith.index_cast %scan3A_505 : i32 to index
      %get3A_509 = arith.constant 0 : index
      %get3A_510 = tpu.vector_load %arg7[%get3A_507, %get3A_508, %get3A_509] {strides = array<i32>} : memref<4x200x32xi32, #tpu.memory_space<vmem>>, vector<16xi32>,
      %bitcast3A_511 = vector.bitcast %get3A_510 : vector<16xi32> to vector<32xbf16>
      %unpack3A_512 = tpu.unpack_subelements %bitcast3A_511, 0 {pack_format = #tpu.pack_format<interleaved>} : vector<32xbf16> -> vector<16xf32>
      %unpack3A_513 = tpu.unpack_subelements %bitcast3A_511, 1 {pack_format = #tpu.pack_format<interleaved>} : vector<32xbf16> -> vector<16xf32>
      %get3A_514 = arith.constant 1 : i32
      %get3A_515 = arith.index_cast %get3A_514 : i32 to index
      %get3A_516 = arith.index_cast %scan3A_505 : i32 to index
      %get3A_517 = arith.constant 16 : index
      %get3A_518 = tpu.vector_load %arg7[%get3A_515, %get3A_516, %get3A_517] {strides = array<i32>} : memref<4x200x32xi32, #tpu.memory_space<vmem>>, vector<16xi32>,
      %bitcast3A_519 = vector.bitcast %get3A_518 : vector<16xi32> to vector<32xbf16>
      %unpack3A_520 = tpu.unpack_subelements %bitcast3A_519, 0 {pack_format = #tpu.pack_format<interleaved>} : vector<32xbf16> -> vector<16xf32>
      %unpack3A_521 = tpu.unpack_subelements %bitcast3A_519, 1 {pack_format = #tpu.pack_format<interleaved>} : vector<32xbf16> -> vector<16xf32>
      %add3A_522 = arith.addf %add3A_500, %unpack3A_512 : vector<16xf32>
      %add3A_523 = arith.addf %add3A_501, %unpack3A_513 : vector<16xf32>
      %add3A_524 = arith.addf %add3A_502, %unpack3A_520 : vector<16xf32>
      %add3A_525 = arith.addf %add3A_503, %unpack3A_521 : vector<16xf32>
      %scan3A_526 = arith.constant 200 : i32
      %mul3A_527 = vector.broadcast %scan3A : f32 to vector<16xf32>
      %mul3A_528 = arith.mulf %add3A_522, %mul3A_527 : vector<16xf32>
      %add3A_529 = arith.addf %mul3A_528, %get3A_3 : vector<16xf32>
      %swap3A_530 = arith.index_cast %add3A_342 : i32 to index
      %swap3A_531 = arith.constant 0 : index
      %swap3A_532 = tpu.vector_load %arg8[%swap3A_530, %swap3A_531] {strides = array<i32>} : memref<128x64xf32, #tpu.memory_space<vmem>>, vector<16xf32>,
      tpu.vector_store %arg8[%swap3A_530, %swap3A_531], %add3A_529 {strides = array<i32>} : memref<128x64xf32, #tpu.memory_space<vmem>>, vector<16xf32>,
      %mul3A_533 = vector.broadcast %scan3A : f32 to vector<16xf32>
      %mul3A_534 = arith.mulf %add3A_523, %mul3A_533 : vector<16xf32>
      %add3A_535 = arith.addf %mul3A_534, %get3A_5 : vector<16xf32>
      %swap3A_536 = arith.index_cast %add3A_342 : i32 to index
      %swap3A_537 = arith.constant 16 : index
      %swap3A_538 = tpu.vector_load %arg8[%swap3A_536, %swap3A_537] {strides = array<i32>} : memref<128x64xf32, #tpu.memory_space<vmem>>, vector<16xf32>,
      tpu.vector_store %arg8[%swap3A_536, %swap3A_537], %add3A_535 {strides = array<i32>} : memref<128x64xf32, #tpu.memory_space<vmem>>, vector<16xf32>,
      %mul3A_539 = vector.broadcast %scan3A : f32 to vector<16xf32>
      %mul3A_540 = arith.mulf %add3A_524, %mul3A_539 : vector<16xf32>
      %add3A_541 = arith.addf %mul3A_540, %get3A_7 : vector<16xf32>
      %swap3A_542 = arith.index_cast %add3A_342 : i32 to index
      %swap3A_543 = arith.constant 32 : index
      %swap3A_544 = tpu.vector_load %arg8[%swap3A_542, %swap3A_543] {strides = array<i32>} : memref<128x64xf32, #tpu.memory_space<vmem>>, vector<16xf32>,
      tpu.vector_store %arg8[%swap3A_542, %swap3A_543], %add3A_541 {strides = array<i32>} : memref<128x64xf32, #tpu.memory_space<vmem>>, vector<16xf32>,
      %mul3A_545 = vector.broadcast %scan3A : f32 to vector<16xf32>
      %mul3A_546 = arith.mulf %add3A_525, %mul3A_545 : vector<16xf32>
      %add3A_547 = arith.addf %mul3A_546, %get3A_9 : vector<16xf32>
      %swap3A_548 = arith.index_cast %add3A_342 : i32 to index
      %swap3A_549 = arith.constant 48 : index
      %swap3A_550 = tpu.vector_load %arg8[%swap3A_548, %swap3A_549] {strides = array<i32>} : memref<128x64xf32, #tpu.memory_space<vmem>>, vector<16xf32>,
      tpu.vector_store %arg8[%swap3A_548, %swap3A_549], %add3A_547 {strides = array<i32>} : memref<128x64xf32, #tpu.memory_space<vmem>>, vector<16xf32>,
      %add3A_551 = arith.constant 2 : i32
      %add3A_552 = arith.addi %add3A_90, %add3A_551 : i32
      %add3A_553 = arith.constant 3 : i32
      %add3A_554 = arith.addi %add3A_552, %add3A_553 : i32
      %lt3A_555 = arith.constant 128 : i32
      %lt3A_556 = arith.cmpi slt, %add3A_554, %lt3A_555 : i32
      %convert_element_type3A_557 = arith.extui %lt3A_556 : i1 to i32
      %cond3A_558 = arith.constant 0 : i32
      %cond3A_559 = arith.cmpi ne, %convert_element_type3A_557, %cond3A_558 : i32
      scf.if %cond3A_559 {
        %add3A_1019 = arith.constant 2 : i32
        %add3A_1020 = arith.addi %add3A_90, %add3A_1019 : i32
        %add3A_1021 = arith.constant 3 : i32
        %add3A_1022 = arith.addi %add3A_1020, %add3A_1021 : i32
        %dma_start3A_1023 = arith.constant 1 : i32
        %dma_start3A_1024 = arith.constant 0 : i32
        %dma_start3A_1025 = arith.constant 0 : i32
        %dma_start3A_1026 = tpu.memref_slice %arg7[%dma_start3A_1023, %dma_start3A_1024, %dma_start3A_1025] : memref<4x200x32xi32, #tpu.memory_space<vmem>> -> memref<1x128x32xi32, #tpu.memory_space<vmem>>
        %dma_start3A_1027 = tpu.memref_squeeze %dma_start3A_1026 : memref<1x128x32xi32, #tpu.memory_space<vmem>> -> memref<128x32xi32, #tpu.memory_space<vmem>>
        %dma_start3A_1028 = arith.constant 0 : i32
        %dma_start3A_1029 = tpu.memref_slice %arg6[%add3A_1022, %dma_start3A_1028] : memref<128x256xi32, #tpu.memory_space<vmem>> -> memref<1x128xi32, #tpu.memory_space<vmem>>
        %dma_start3A_1030 = tpu.memref_squeeze %dma_start3A_1029 : memref<1x128xi32, #tpu.memory_space<vmem>> -> memref<128xi32, #tpu.memory_space<vmem>>
        %dma_start3A_1031 = arith.constant 0 : i32
        %dma_start3A_1032 = arith.constant 0 : i32
        %dma_start3A_1033 = tpu.memref_slice %arg2[%dma_start3A_1031, %dma_start3A_1032] : memref<100000x32xi32, #tpu.memory_space<hbm>> -> memref<100000x32xi32, #tpu.memory_space<hbm>>
        tpu.enqueue_indirect_dma source(%dma_start3A_1033 : memref<100000x32xi32, #tpu.memory_space<hbm>>) target(%dma_start3A_1027 : memref<128x32xi32, #tpu.memory_space<vmem>>) offsets(%dma_start3A_1030 : memref<128xi32, #tpu.memory_space<vmem>>) semaphore(%arg11 : memref<!tpu.dma_semaphore, #tpu.memory_space<semaphore_mem>>)
        %dma_start3A_1034 = arith.constant 1 : i32
        %dma_start3A_1035 = arith.constant 128 : i32
        %dma_start3A_1036 = arith.constant 0 : i32
        %dma_start3A_1037 = tpu.memref_slice %arg7[%dma_start3A_1034, %dma_start3A_1035, %dma_start3A_1036] : memref<4x200x32xi32, #tpu.memory_space<vmem>> -> memref<1x72x32xi32, #tpu.memory_space<vmem>>
        %dma_start3A_1038 = tpu.memref_squeeze %dma_start3A_1037 : memref<1x72x32xi32, #tpu.memory_space<vmem>> -> memref<72x32xi32, #tpu.memory_space<vmem>>
        %dma_start3A_1039 = arith.constant 128 : i32
        %dma_start3A_1040 = tpu.memref_slice %arg6[%add3A_1022, %dma_start3A_1039] : memref<128x256xi32, #tpu.memory_space<vmem>> -> memref<1x72xi32, #tpu.memory_space<vmem>>
        %dma_start3A_1041 = tpu.memref_squeeze %dma_start3A_1040 : memref<1x72xi32, #tpu.memory_space<vmem>> -> memref<72xi32, #tpu.memory_space<vmem>>
        %dma_start3A_1042 = arith.constant 0 : i32
        %dma_start3A_1043 = arith.constant 0 : i32
        %dma_start3A_1044 = tpu.memref_slice %arg2[%dma_start3A_1042, %dma_start3A_1043] : memref<100000x32xi32, #tpu.memory_space<hbm>> -> memref<100000x32xi32, #tpu.memory_space<hbm>>
        tpu.enqueue_indirect_dma source(%dma_start3A_1044 : memref<100000x32xi32, #tpu.memory_space<hbm>>) target(%dma_start3A_1038 : memref<72x32xi32, #tpu.memory_space<vmem>>) offsets(%dma_start3A_1041 : memref<72xi32, #tpu.memory_space<vmem>>) semaphore(%arg11 : memref<!tpu.dma_semaphore, #tpu.memory_space<semaphore_mem>>)
      } else {
      }
      %dma_wait3A_560 = arith.constant 2 : i32
      %dma_wait3A_561 = arith.constant 0 : i32
      %dma_wait3A_562 = arith.constant 0 : i32
      %dma_wait3A_563 = tpu.memref_slice %arg7[%dma_wait3A_560, %dma_wait3A_561, %dma_wait3A_562] : memref<4x200x32xi32, #tpu.memory_space<vmem>> -> memref<1x200x32xi32, #tpu.memory_space<vmem>>
      %dma_wait3A_564 = tpu.memref_squeeze %dma_wait3A_563 : memref<1x200x32xi32, #tpu.memory_space<vmem>> -> memref<200x32xi32, #tpu.memory_space<vmem>>
      %dma_wait3A_565 = arith.constant 0 : i32
      %dma_wait3A_566 = arith.constant 0 : i32
      %dma_wait3A_567 = tpu.memref_slice %arg2[%dma_wait3A_565, %dma_wait3A_566] : memref<100000x32xi32, #tpu.memory_space<hbm>> -> memref<200x32xi32, #tpu.memory_space<hbm>>
      %dma_wait3A_568 = arith.constant 0 : i32
      %dma_wait3A_569 = arith.constant 0 : i32
      %dma_wait3A_570 = tpu.memref_slice %arg7[%dma_wait3A_560, %dma_wait3A_568, %dma_wait3A_569] : memref<4x200x32xi32, #tpu.memory_space<vmem>> -> memref<1x200x32xi32, #tpu.memory_space<vmem>>
      %dma_wait3A_571 = tpu.memref_squeeze %dma_wait3A_570 : memref<1x200x32xi32, #tpu.memory_space<vmem>> -> memref<200x32xi32, #tpu.memory_space<vmem>>
      %dma_wait3A_572 = arith.constant 0 : i32
      %dma_wait3A_573 = arith.constant 0 : i32
      %dma_wait3A_574 = tpu.memref_slice %arg2[%dma_wait3A_572, %dma_wait3A_573] : memref<100000x32xi32, #tpu.memory_space<hbm>> -> memref<200x32xi32, #tpu.memory_space<hbm>>
      tpu.wait_dma2 semaphore(%arg12 : memref<!tpu.dma_semaphore, #tpu.memory_space<semaphore_mem>>) src(%dma_wait3A_574 : memref<200x32xi32, #tpu.memory_space<hbm>>) dst(%dma_wait3A_571 : memref<200x32xi32, #tpu.memory_space<vmem>>)
      %add3A_575 = arith.constant 2 : i32
      %add3A_576 = arith.addi %add3A_90, %add3A_575 : i32
      %broadcast_in_dim3A_577 = arith.constant 0.000000e+00 : f32
      %broadcast_in_dim3A_578 = vector.broadcast %broadcast_in_dim3A_577 : f32 to vector<16xf32>
      %scan3A_579 = arith.constant 0 : i32
      %scan3A_580 = arith.constant 192 : i32
      %scan3A_581 = arith.addi %scan3A_579, %scan3A_580 : i32
      %scan3A_582 = arith.constant 16 : i32
      %scan3A_583:4 = scf.for %scan3A_1019 = %scan3A_579 to %scan3A_581 step %scan3A_582 iter_args(%scan3A_1020 = %broadcast_in_dim3A_578, %scan3A_1021 = %broadcast_in_dim3A_578, %scan3A_1022 = %broadcast_in_dim3A_578, %scan3A_1023 = %broadcast_in_dim3A_578) -> (vector<16xf32>, vector<16xf32>, vector<16xf32>, vector<16xf32>)  : i32 {
        %get3A_1024 = arith.constant 2 : i32
        %get3A_1025 = arith.index_cast %get3A_1024 : i32 to index
        %get3A_1026 = arith.index_cast %scan3A_1019 : i32 to index
        %get3A_1027 = arith.constant 0 : index
        %get3A_1028 = tpu.vector_load %arg7[%get3A_1025, %get3A_1026, %get3A_1027] {strides = array<i32>} : memref<4x200x32xi32, #tpu.memory_space<vmem>>, vector<16xi32>,
        %bitcast3A_1029 = vector.bitcast %get3A_1028 : vector<16xi32> to vector<32xbf16>
        %unpack3A_1030 = tpu.unpack_subelements %bitcast3A_1029, 0 {pack_format = #tpu.pack_format<interleaved>} : vector<32xbf16> -> vector<16xf32>
        %unpack3A_1031 = tpu.unpack_subelements %bitcast3A_1029, 1 {pack_format = #tpu.pack_format<interleaved>} : vector<32xbf16> -> vector<16xf32>
        %get3A_1032 = arith.constant 2 : i32
        %get3A_1033 = arith.index_cast %get3A_1032 : i32 to index
        %get3A_1034 = arith.index_cast %scan3A_1019 : i32 to index
        %get3A_1035 = arith.constant 16 : index
        %get3A_1036 = tpu.vector_load %arg7[%get3A_1033, %get3A_1034, %get3A_1035] {strides = array<i32>} : memref<4x200x32xi32, #tpu.memory_space<vmem>>, vector<16xi32>,
        %bitcast3A_1037 = vector.bitcast %get3A_1036 : vector<16xi32> to vector<32xbf16>
        %unpack3A_1038 = tpu.unpack_subelements %bitcast3A_1037, 0 {pack_format = #tpu.pack_format<interleaved>} : vector<32xbf16> -> vector<16xf32>
        %unpack3A_1039 = tpu.unpack_subelements %bitcast3A_1037, 1 {pack_format = #tpu.pack_format<interleaved>} : vector<32xbf16> -> vector<16xf32>
        %add3A_1040 = arith.addf %scan3A_1020, %unpack3A_1030 : vector<16xf32>
        %add3A_1041 = arith.addf %scan3A_1021, %unpack3A_1031 : vector<16xf32>
        %add3A_1042 = arith.addf %scan3A_1022, %unpack3A_1038 : vector<16xf32>
        %add3A_1043 = arith.addf %scan3A_1023, %unpack3A_1039 : vector<16xf32>
        %scan3A_1044 = arith.constant 1 : i32
        %scan3A_1045 = arith.addi %scan3A_1019, %scan3A_1044 : i32
        %get3A_1046 = arith.constant 2 : i32
        %get3A_1047 = arith.index_cast %get3A_1046 : i32 to index
        %get3A_1048 = arith.index_cast %scan3A_1045 : i32 to index
        %get3A_1049 = arith.constant 0 : index
        %get3A_1050 = tpu.vector_load %arg7[%get3A_1047, %get3A_1048, %get3A_1049] {strides = array<i32>} : memref<4x200x32xi32, #tpu.memory_space<vmem>>, vector<16xi32>,
        %bitcast3A_1051 = vector.bitcast %get3A_1050 : vector<16xi32> to vector<32xbf16>
        %unpack3A_1052 = tpu.unpack_subelements %bitcast3A_1051, 0 {pack_format = #tpu.pack_format<interleaved>} : vector<32xbf16> -> vector<16xf32>
        %unpack3A_1053 = tpu.unpack_subelements %bitcast3A_1051, 1 {pack_format = #tpu.pack_format<interleaved>} : vector<32xbf16> -> vector<16xf32>
        %get3A_1054 = arith.constant 2 : i32
        %get3A_1055 = arith.index_cast %get3A_1054 : i32 to index
        %get3A_1056 = arith.index_cast %scan3A_1045 : i32 to index
        %get3A_1057 = arith.constant 16 : index
        %get3A_1058 = tpu.vector_load %arg7[%get3A_1055, %get3A_1056, %get3A_1057] {strides = array<i32>} : memref<4x200x32xi32, #tpu.memory_space<vmem>>, vector<16xi32>,
        %bitcast3A_1059 = vector.bitcast %get3A_1058 : vector<16xi32> to vector<32xbf16>
        %unpack3A_1060 = tpu.unpack_subelements %bitcast3A_1059, 0 {pack_format = #tpu.pack_format<interleaved>} : vector<32xbf16> -> vector<16xf32>
        %unpack3A_1061 = tpu.unpack_subelements %bitcast3A_1059, 1 {pack_format = #tpu.pack_format<interleaved>} : vector<32xbf16> -> vector<16xf32>
        %add3A_1062 = arith.addf %add3A_1040, %unpack3A_1052 : vector<16xf32>
        %add3A_1063 = arith.addf %add3A_1041, %unpack3A_1053 : vector<16xf32>
        %add3A_1064 = arith.addf %add3A_1042, %unpack3A_1060 : vector<16xf32>
        %add3A_1065 = arith.addf %add3A_1043, %unpack3A_1061 : vector<16xf32>
        %scan3A_1066 = arith.constant 2 : i32
        %scan3A_1067 = arith.addi %scan3A_1019, %scan3A_1066 : i32
        %get3A_1068 = arith.constant 2 : i32
        %get3A_1069 = arith.index_cast %get3A_1068 : i32 to index
        %get3A_1070 = arith.index_cast %scan3A_1067 : i32 to index
        %get3A_1071 = arith.constant 0 : index
        %get3A_1072 = tpu.vector_load %arg7[%get3A_1069, %get3A_1070, %get3A_1071] {strides = array<i32>} : memref<4x200x32xi32, #tpu.memory_space<vmem>>, vector<16xi32>,
        %bitcast3A_1073 = vector.bitcast %get3A_1072 : vector<16xi32> to vector<32xbf16>
        %unpack3A_1074 = tpu.unpack_subelements %bitcast3A_1073, 0 {pack_format = #tpu.pack_format<interleaved>} : vector<32xbf16> -> vector<16xf32>
        %unpack3A_1075 = tpu.unpack_subelements %bitcast3A_1073, 1 {pack_format = #tpu.pack_format<interleaved>} : vector<32xbf16> -> vector<16xf32>
        %get3A_1076 = arith.constant 2 : i32
        %get3A_1077 = arith.index_cast %get3A_1076 : i32 to index
        %get3A_1078 = arith.index_cast %scan3A_1067 : i32 to index
        %get3A_1079 = arith.constant 16 : index
        %get3A_1080 = tpu.vector_load %arg7[%get3A_1077, %get3A_1078, %get3A_1079] {strides = array<i32>} : memref<4x200x32xi32, #tpu.memory_space<vmem>>, vector<16xi32>,
        %bitcast3A_1081 = vector.bitcast %get3A_1080 : vector<16xi32> to vector<32xbf16>
        %unpack3A_1082 = tpu.unpack_subelements %bitcast3A_1081, 0 {pack_format = #tpu.pack_format<interleaved>} : vector<32xbf16> -> vector<16xf32>
        %unpack3A_1083 = tpu.unpack_subelements %bitcast3A_1081, 1 {pack_format = #tpu.pack_format<interleaved>} : vector<32xbf16> -> vector<16xf32>
        %add3A_1084 = arith.addf %add3A_1062, %unpack3A_1074 : vector<16xf32>
        %add3A_1085 = arith.addf %add3A_1063, %unpack3A_1075 : vector<16xf32>
        %add3A_1086 = arith.addf %add3A_1064, %unpack3A_1082 : vector<16xf32>
        %add3A_1087 = arith.addf %add3A_1065, %unpack3A_1083 : vector<16xf32>
        %scan3A_1088 = arith.constant 3 : i32
        %scan3A_1089 = arith.addi %scan3A_1019, %scan3A_1088 : i32
        %get3A_1090 = arith.constant 2 : i32
        %get3A_1091 = arith.index_cast %get3A_1090 : i32 to index
        %get3A_1092 = arith.index_cast %scan3A_1089 : i32 to index
        %get3A_1093 = arith.constant 0 : index
        %get3A_1094 = tpu.vector_load %arg7[%get3A_1091, %get3A_1092, %get3A_1093] {strides = array<i32>} : memref<4x200x32xi32, #tpu.memory_space<vmem>>, vector<16xi32>,
        %bitcast3A_1095 = vector.bitcast %get3A_1094 : vector<16xi32> to vector<32xbf16>
        %unpack3A_1096 = tpu.unpack_subelements %bitcast3A_1095, 0 {pack_format = #tpu.pack_format<interleaved>} : vector<32xbf16> -> vector<16xf32>
        %unpack3A_1097 = tpu.unpack_subelements %bitcast3A_1095, 1 {pack_format = #tpu.pack_format<interleaved>} : vector<32xbf16> -> vector<16xf32>
        %get3A_1098 = arith.constant 2 : i32
        %get3A_1099 = arith.index_cast %get3A_1098 : i32 to index
        %get3A_1100 = arith.index_cast %scan3A_1089 : i32 to index
        %get3A_1101 = arith.constant 16 : index
        %get3A_1102 = tpu.vector_load %arg7[%get3A_1099, %get3A_1100, %get3A_1101] {strides = array<i32>} : memref<4x200x32xi32, #tpu.memory_space<vmem>>, vector<16xi32>,
        %bitcast3A_1103 = vector.bitcast %get3A_1102 : vector<16xi32> to vector<32xbf16>
        %unpack3A_1104 = tpu.unpack_subelements %bitcast3A_1103, 0 {pack_format = #tpu.pack_format<interleaved>} : vector<32xbf16> -> vector<16xf32>
        %unpack3A_1105 = tpu.unpack_subelements %bitcast3A_1103, 1 {pack_format = #tpu.pack_format<interleaved>} : vector<32xbf16> -> vector<16xf32>
        %add3A_1106 = arith.addf %add3A_1084, %unpack3A_1096 : vector<16xf32>
        %add3A_1107 = arith.addf %add3A_1085, %unpack3A_1097 : vector<16xf32>
        %add3A_1108 = arith.addf %add3A_1086, %unpack3A_1104 : vector<16xf32>
        %add3A_1109 = arith.addf %add3A_1087, %unpack3A_1105 : vector<16xf32>
        %scan3A_1110 = arith.constant 4 : i32
        %scan3A_1111 = arith.addi %scan3A_1019, %scan3A_1110 : i32
        %get3A_1112 = arith.constant 2 : i32
        %get3A_1113 = arith.index_cast %get3A_1112 : i32 to index
        %get3A_1114 = arith.index_cast %scan3A_1111 : i32 to index
        %get3A_1115 = arith.constant 0 : index
        %get3A_1116 = tpu.vector_load %arg7[%get3A_1113, %get3A_1114, %get3A_1115] {strides = array<i32>} : memref<4x200x32xi32, #tpu.memory_space<vmem>>, vector<16xi32>,
        %bitcast3A_1117 = vector.bitcast %get3A_1116 : vector<16xi32> to vector<32xbf16>
        %unpack3A_1118 = tpu.unpack_subelements %bitcast3A_1117, 0 {pack_format = #tpu.pack_format<interleaved>} : vector<32xbf16> -> vector<16xf32>
        %unpack3A_1119 = tpu.unpack_subelements %bitcast3A_1117, 1 {pack_format = #tpu.pack_format<interleaved>} : vector<32xbf16> -> vector<16xf32>
        %get3A_1120 = arith.constant 2 : i32
        %get3A_1121 = arith.index_cast %get3A_1120 : i32 to index
        %get3A_1122 = arith.index_cast %scan3A_1111 : i32 to index
        %get3A_1123 = arith.constant 16 : index
        %get3A_1124 = tpu.vector_load %arg7[%get3A_1121, %get3A_1122, %get3A_1123] {strides = array<i32>} : memref<4x200x32xi32, #tpu.memory_space<vmem>>, vector<16xi32>,
        %bitcast3A_1125 = vector.bitcast %get3A_1124 : vector<16xi32> to vector<32xbf16>
        %unpack3A_1126 = tpu.unpack_subelements %bitcast3A_1125, 0 {pack_format = #tpu.pack_format<interleaved>} : vector<32xbf16> -> vector<16xf32>
        %unpack3A_1127 = tpu.unpack_subelements %bitcast3A_1125, 1 {pack_format = #tpu.pack_format<interleaved>} : vector<32xbf16> -> vector<16xf32>
        %add3A_1128 = arith.addf %add3A_1106, %unpack3A_1118 : vector<16xf32>
        %add3A_1129 = arith.addf %add3A_1107, %unpack3A_1119 : vector<16xf32>
        %add3A_1130 = arith.addf %add3A_1108, %unpack3A_1126 : vector<16xf32>
        %add3A_1131 = arith.addf %add3A_1109, %unpack3A_1127 : vector<16xf32>
        %scan3A_1132 = arith.constant 5 : i32
        %scan3A_1133 = arith.addi %scan3A_1019, %scan3A_1132 : i32
        %get3A_1134 = arith.constant 2 : i32
        %get3A_1135 = arith.index_cast %get3A_1134 : i32 to index
        %get3A_1136 = arith.index_cast %scan3A_1133 : i32 to index
        %get3A_1137 = arith.constant 0 : index
        %get3A_1138 = tpu.vector_load %arg7[%get3A_1135, %get3A_1136, %get3A_1137] {strides = array<i32>} : memref<4x200x32xi32, #tpu.memory_space<vmem>>, vector<16xi32>,
        %bitcast3A_1139 = vector.bitcast %get3A_1138 : vector<16xi32> to vector<32xbf16>
        %unpack3A_1140 = tpu.unpack_subelements %bitcast3A_1139, 0 {pack_format = #tpu.pack_format<interleaved>} : vector<32xbf16> -> vector<16xf32>
        %unpack3A_1141 = tpu.unpack_subelements %bitcast3A_1139, 1 {pack_format = #tpu.pack_format<interleaved>} : vector<32xbf16> -> vector<16xf32>
        %get3A_1142 = arith.constant 2 : i32
        %get3A_1143 = arith.index_cast %get3A_1142 : i32 to index
        %get3A_1144 = arith.index_cast %scan3A_1133 : i32 to index
        %get3A_1145 = arith.constant 16 : index
        %get3A_1146 = tpu.vector_load %arg7[%get3A_1143, %get3A_1144, %get3A_1145] {strides = array<i32>} : memref<4x200x32xi32, #tpu.memory_space<vmem>>, vector<16xi32>,
        %bitcast3A_1147 = vector.bitcast %get3A_1146 : vector<16xi32> to vector<32xbf16>
        %unpack3A_1148 = tpu.unpack_subelements %bitcast3A_1147, 0 {pack_format = #tpu.pack_format<interleaved>} : vector<32xbf16> -> vector<16xf32>
        %unpack3A_1149 = tpu.unpack_subelements %bitcast3A_1147, 1 {pack_format = #tpu.pack_format<interleaved>} : vector<32xbf16> -> vector<16xf32>
        %add3A_1150 = arith.addf %add3A_1128, %unpack3A_1140 : vector<16xf32>
        %add3A_1151 = arith.addf %add3A_1129, %unpack3A_1141 : vector<16xf32>
        %add3A_1152 = arith.addf %add3A_1130, %unpack3A_1148 : vector<16xf32>
        %add3A_1153 = arith.addf %add3A_1131, %unpack3A_1149 : vector<16xf32>
        %scan3A_1154 = arith.constant 6 : i32
        %scan3A_1155 = arith.addi %scan3A_1019, %scan3A_1154 : i32
        %get3A_1156 = arith.constant 2 : i32
        %get3A_1157 = arith.index_cast %get3A_1156 : i32 to index
        %get3A_1158 = arith.index_cast %scan3A_1155 : i32 to index
        %get3A_1159 = arith.constant 0 : index
        %get3A_1160 = tpu.vector_load %arg7[%get3A_1157, %get3A_1158, %get3A_1159] {strides = array<i32>} : memref<4x200x32xi32, #tpu.memory_space<vmem>>, vector<16xi32>,
        %bitcast3A_1161 = vector.bitcast %get3A_1160 : vector<16xi32> to vector<32xbf16>
        %unpack3A_1162 = tpu.unpack_subelements %bitcast3A_1161, 0 {pack_format = #tpu.pack_format<interleaved>} : vector<32xbf16> -> vector<16xf32>
        %unpack3A_1163 = tpu.unpack_subelements %bitcast3A_1161, 1 {pack_format = #tpu.pack_format<interleaved>} : vector<32xbf16> -> vector<16xf32>
        %get3A_1164 = arith.constant 2 : i32
        %get3A_1165 = arith.index_cast %get3A_1164 : i32 to index
        %get3A_1166 = arith.index_cast %scan3A_1155 : i32 to index
        %get3A_1167 = arith.constant 16 : index
        %get3A_1168 = tpu.vector_load %arg7[%get3A_1165, %get3A_1166, %get3A_1167] {strides = array<i32>} : memref<4x200x32xi32, #tpu.memory_space<vmem>>, vector<16xi32>,
        %bitcast3A_1169 = vector.bitcast %get3A_1168 : vector<16xi32> to vector<32xbf16>
        %unpack3A_1170 = tpu.unpack_subelements %bitcast3A_1169, 0 {pack_format = #tpu.pack_format<interleaved>} : vector<32xbf16> -> vector<16xf32>
        %unpack3A_1171 = tpu.unpack_subelements %bitcast3A_1169, 1 {pack_format = #tpu.pack_format<interleaved>} : vector<32xbf16> -> vector<16xf32>
        %add3A_1172 = arith.addf %add3A_1150, %unpack3A_1162 : vector<16xf32>
        %add3A_1173 = arith.addf %add3A_1151, %unpack3A_1163 : vector<16xf32>
        %add3A_1174 = arith.addf %add3A_1152, %unpack3A_1170 : vector<16xf32>
        %add3A_1175 = arith.addf %add3A_1153, %unpack3A_1171 : vector<16xf32>
        %scan3A_1176 = arith.constant 7 : i32
        %scan3A_1177 = arith.addi %scan3A_1019, %scan3A_1176 : i32
        %get3A_1178 = arith.constant 2 : i32
        %get3A_1179 = arith.index_cast %get3A_1178 : i32 to index
        %get3A_1180 = arith.index_cast %scan3A_1177 : i32 to index
        %get3A_1181 = arith.constant 0 : index
        %get3A_1182 = tpu.vector_load %arg7[%get3A_1179, %get3A_1180, %get3A_1181] {strides = array<i32>} : memref<4x200x32xi32, #tpu.memory_space<vmem>>, vector<16xi32>,
        %bitcast3A_1183 = vector.bitcast %get3A_1182 : vector<16xi32> to vector<32xbf16>
        %unpack3A_1184 = tpu.unpack_subelements %bitcast3A_1183, 0 {pack_format = #tpu.pack_format<interleaved>} : vector<32xbf16> -> vector<16xf32>
        %unpack3A_1185 = tpu.unpack_subelements %bitcast3A_1183, 1 {pack_format = #tpu.pack_format<interleaved>} : vector<32xbf16> -> vector<16xf32>
        %get3A_1186 = arith.constant 2 : i32
        %get3A_1187 = arith.index_cast %get3A_1186 : i32 to index
        %get3A_1188 = arith.index_cast %scan3A_1177 : i32 to index
        %get3A_1189 = arith.constant 16 : index
        %get3A_1190 = tpu.vector_load %arg7[%get3A_1187, %get3A_1188, %get3A_1189] {strides = array<i32>} : memref<4x200x32xi32, #tpu.memory_space<vmem>>, vector<16xi32>,
        %bitcast3A_1191 = vector.bitcast %get3A_1190 : vector<16xi32> to vector<32xbf16>
        %unpack3A_1192 = tpu.unpack_subelements %bitcast3A_1191, 0 {pack_format = #tpu.pack_format<interleaved>} : vector<32xbf16> -> vector<16xf32>
        %unpack3A_1193 = tpu.unpack_subelements %bitcast3A_1191, 1 {pack_format = #tpu.pack_format<interleaved>} : vector<32xbf16> -> vector<16xf32>
        %add3A_1194 = arith.addf %add3A_1172, %unpack3A_1184 : vector<16xf32>
        %add3A_1195 = arith.addf %add3A_1173, %unpack3A_1185 : vector<16xf32>
        %add3A_1196 = arith.addf %add3A_1174, %unpack3A_1192 : vector<16xf32>
        %add3A_1197 = arith.addf %add3A_1175, %unpack3A_1193 : vector<16xf32>
        %scan3A_1198 = arith.constant 8 : i32
        %scan3A_1199 = arith.addi %scan3A_1019, %scan3A_1198 : i32
        %get3A_1200 = arith.constant 2 : i32
        %get3A_1201 = arith.index_cast %get3A_1200 : i32 to index
        %get3A_1202 = arith.index_cast %scan3A_1199 : i32 to index
        %get3A_1203 = arith.constant 0 : index
        %get3A_1204 = tpu.vector_load %arg7[%get3A_1201, %get3A_1202, %get3A_1203] {strides = array<i32>} : memref<4x200x32xi32, #tpu.memory_space<vmem>>, vector<16xi32>,
        %bitcast3A_1205 = vector.bitcast %get3A_1204 : vector<16xi32> to vector<32xbf16>
        %unpack3A_1206 = tpu.unpack_subelements %bitcast3A_1205, 0 {pack_format = #tpu.pack_format<interleaved>} : vector<32xbf16> -> vector<16xf32>
        %unpack3A_1207 = tpu.unpack_subelements %bitcast3A_1205, 1 {pack_format = #tpu.pack_format<interleaved>} : vector<32xbf16> -> vector<16xf32>
        %get3A_1208 = arith.constant 2 : i32
        %get3A_1209 = arith.index_cast %get3A_1208 : i32 to index
        %get3A_1210 = arith.index_cast %scan3A_1199 : i32 to index
        %get3A_1211 = arith.constant 16 : index
        %get3A_1212 = tpu.vector_load %arg7[%get3A_1209, %get3A_1210, %get3A_1211] {strides = array<i32>} : memref<4x200x32xi32, #tpu.memory_space<vmem>>, vector<16xi32>,
        %bitcast3A_1213 = vector.bitcast %get3A_1212 : vector<16xi32> to vector<32xbf16>
        %unpack3A_1214 = tpu.unpack_subelements %bitcast3A_1213, 0 {pack_format = #tpu.pack_format<interleaved>} : vector<32xbf16> -> vector<16xf32>
        %unpack3A_1215 = tpu.unpack_subelements %bitcast3A_1213, 1 {pack_format = #tpu.pack_format<interleaved>} : vector<32xbf16> -> vector<16xf32>
        %add3A_1216 = arith.addf %add3A_1194, %unpack3A_1206 : vector<16xf32>
        %add3A_1217 = arith.addf %add3A_1195, %unpack3A_1207 : vector<16xf32>
        %add3A_1218 = arith.addf %add3A_1196, %unpack3A_1214 : vector<16xf32>
        %add3A_1219 = arith.addf %add3A_1197, %unpack3A_1215 : vector<16xf32>
        %scan3A_1220 = arith.constant 9 : i32
        %scan3A_1221 = arith.addi %scan3A_1019, %scan3A_1220 : i32
        %get3A_1222 = arith.constant 2 : i32
        %get3A_1223 = arith.index_cast %get3A_1222 : i32 to index
        %get3A_1224 = arith.index_cast %scan3A_1221 : i32 to index
        %get3A_1225 = arith.constant 0 : index
        %get3A_1226 = tpu.vector_load %arg7[%get3A_1223, %get3A_1224, %get3A_1225] {strides = array<i32>} : memref<4x200x32xi32, #tpu.memory_space<vmem>>, vector<16xi32>,
        %bitcast3A_1227 = vector.bitcast %get3A_1226 : vector<16xi32> to vector<32xbf16>
        %unpack3A_1228 = tpu.unpack_subelements %bitcast3A_1227, 0 {pack_format = #tpu.pack_format<interleaved>} : vector<32xbf16> -> vector<16xf32>
        %unpack3A_1229 = tpu.unpack_subelements %bitcast3A_1227, 1 {pack_format = #tpu.pack_format<interleaved>} : vector<32xbf16> -> vector<16xf32>
        %get3A_1230 = arith.constant 2 : i32
        %get3A_1231 = arith.index_cast %get3A_1230 : i32 to index
        %get3A_1232 = arith.index_cast %scan3A_1221 : i32 to index
        %get3A_1233 = arith.constant 16 : index
        %get3A_1234 = tpu.vector_load %arg7[%get3A_1231, %get3A_1232, %get3A_1233] {strides = array<i32>} : memref<4x200x32xi32, #tpu.memory_space<vmem>>, vector<16xi32>,
        %bitcast3A_1235 = vector.bitcast %get3A_1234 : vector<16xi32> to vector<32xbf16>
        %unpack3A_1236 = tpu.unpack_subelements %bitcast3A_1235, 0 {pack_format = #tpu.pack_format<interleaved>} : vector<32xbf16> -> vector<16xf32>
        %unpack3A_1237 = tpu.unpack_subelements %bitcast3A_1235, 1 {pack_format = #tpu.pack_format<interleaved>} : vector<32xbf16> -> vector<16xf32>
        %add3A_1238 = arith.addf %add3A_1216, %unpack3A_1228 : vector<16xf32>
        %add3A_1239 = arith.addf %add3A_1217, %unpack3A_1229 : vector<16xf32>
        %add3A_1240 = arith.addf %add3A_1218, %unpack3A_1236 : vector<16xf32>
        %add3A_1241 = arith.addf %add3A_1219, %unpack3A_1237 : vector<16xf32>
        %scan3A_1242 = arith.constant 10 : i32
        %scan3A_1243 = arith.addi %scan3A_1019, %scan3A_1242 : i32
        %get3A_1244 = arith.constant 2 : i32
        %get3A_1245 = arith.index_cast %get3A_1244 : i32 to index
        %get3A_1246 = arith.index_cast %scan3A_1243 : i32 to index
        %get3A_1247 = arith.constant 0 : index
        %get3A_1248 = tpu.vector_load %arg7[%get3A_1245, %get3A_1246, %get3A_1247] {strides = array<i32>} : memref<4x200x32xi32, #tpu.memory_space<vmem>>, vector<16xi32>,
        %bitcast3A_1249 = vector.bitcast %get3A_1248 : vector<16xi32> to vector<32xbf16>
        %unpack3A_1250 = tpu.unpack_subelements %bitcast3A_1249, 0 {pack_format = #tpu.pack_format<interleaved>} : vector<32xbf16> -> vector<16xf32>
        %unpack3A_1251 = tpu.unpack_subelements %bitcast3A_1249, 1 {pack_format = #tpu.pack_format<interleaved>} : vector<32xbf16> -> vector<16xf32>
        %get3A_1252 = arith.constant 2 : i32
        %get3A_1253 = arith.index_cast %get3A_1252 : i32 to index
        %get3A_1254 = arith.index_cast %scan3A_1243 : i32 to index
        %get3A_1255 = arith.constant 16 : index
        %get3A_1256 = tpu.vector_load %arg7[%get3A_1253, %get3A_1254, %get3A_1255] {strides = array<i32>} : memref<4x200x32xi32, #tpu.memory_space<vmem>>, vector<16xi32>,
        %bitcast3A_1257 = vector.bitcast %get3A_1256 : vector<16xi32> to vector<32xbf16>
        %unpack3A_1258 = tpu.unpack_subelements %bitcast3A_1257, 0 {pack_format = #tpu.pack_format<interleaved>} : vector<32xbf16> -> vector<16xf32>
        %unpack3A_1259 = tpu.unpack_subelements %bitcast3A_1257, 1 {pack_format = #tpu.pack_format<interleaved>} : vector<32xbf16> -> vector<16xf32>
        %add3A_1260 = arith.addf %add3A_1238, %unpack3A_1250 : vector<16xf32>
        %add3A_1261 = arith.addf %add3A_1239, %unpack3A_1251 : vector<16xf32>
        %add3A_1262 = arith.addf %add3A_1240, %unpack3A_1258 : vector<16xf32>
        %add3A_1263 = arith.addf %add3A_1241, %unpack3A_1259 : vector<16xf32>
        %scan3A_1264 = arith.constant 11 : i32
        %scan3A_1265 = arith.addi %scan3A_1019, %scan3A_1264 : i32
        %get3A_1266 = arith.constant 2 : i32
        %get3A_1267 = arith.index_cast %get3A_1266 : i32 to index
        %get3A_1268 = arith.index_cast %scan3A_1265 : i32 to index
        %get3A_1269 = arith.constant 0 : index
        %get3A_1270 = tpu.vector_load %arg7[%get3A_1267, %get3A_1268, %get3A_1269] {strides = array<i32>} : memref<4x200x32xi32, #tpu.memory_space<vmem>>, vector<16xi32>,
        %bitcast3A_1271 = vector.bitcast %get3A_1270 : vector<16xi32> to vector<32xbf16>
        %unpack3A_1272 = tpu.unpack_subelements %bitcast3A_1271, 0 {pack_format = #tpu.pack_format<interleaved>} : vector<32xbf16> -> vector<16xf32>
        %unpack3A_1273 = tpu.unpack_subelements %bitcast3A_1271, 1 {pack_format = #tpu.pack_format<interleaved>} : vector<32xbf16> -> vector<16xf32>
        %get3A_1274 = arith.constant 2 : i32
        %get3A_1275 = arith.index_cast %get3A_1274 : i32 to index
        %get3A_1276 = arith.index_cast %scan3A_1265 : i32 to index
        %get3A_1277 = arith.constant 16 : index
        %get3A_1278 = tpu.vector_load %arg7[%get3A_1275, %get3A_1276, %get3A_1277] {strides = array<i32>} : memref<4x200x32xi32, #tpu.memory_space<vmem>>, vector<16xi32>,
        %bitcast3A_1279 = vector.bitcast %get3A_1278 : vector<16xi32> to vector<32xbf16>
        %unpack3A_1280 = tpu.unpack_subelements %bitcast3A_1279, 0 {pack_format = #tpu.pack_format<interleaved>} : vector<32xbf16> -> vector<16xf32>
        %unpack3A_1281 = tpu.unpack_subelements %bitcast3A_1279, 1 {pack_format = #tpu.pack_format<interleaved>} : vector<32xbf16> -> vector<16xf32>
        %add3A_1282 = arith.addf %add3A_1260, %unpack3A_1272 : vector<16xf32>
        %add3A_1283 = arith.addf %add3A_1261, %unpack3A_1273 : vector<16xf32>
        %add3A_1284 = arith.addf %add3A_1262, %unpack3A_1280 : vector<16xf32>
        %add3A_1285 = arith.addf %add3A_1263, %unpack3A_1281 : vector<16xf32>
        %scan3A_1286 = arith.constant 12 : i32
        %scan3A_1287 = arith.addi %scan3A_1019, %scan3A_1286 : i32
        %get3A_1288 = arith.constant 2 : i32
        %get3A_1289 = arith.index_cast %get3A_1288 : i32 to index
        %get3A_1290 = arith.index_cast %scan3A_1287 : i32 to index
        %get3A_1291 = arith.constant 0 : index
        %get3A_1292 = tpu.vector_load %arg7[%get3A_1289, %get3A_1290, %get3A_1291] {strides = array<i32>} : memref<4x200x32xi32, #tpu.memory_space<vmem>>, vector<16xi32>,
        %bitcast3A_1293 = vector.bitcast %get3A_1292 : vector<16xi32> to vector<32xbf16>
        %unpack3A_1294 = tpu.unpack_subelements %bitcast3A_1293, 0 {pack_format = #tpu.pack_format<interleaved>} : vector<32xbf16> -> vector<16xf32>
        %unpack3A_1295 = tpu.unpack_subelements %bitcast3A_1293, 1 {pack_format = #tpu.pack_format<interleaved>} : vector<32xbf16> -> vector<16xf32>
        %get3A_1296 = arith.constant 2 : i32
        %get3A_1297 = arith.index_cast %get3A_1296 : i32 to index
        %get3A_1298 = arith.index_cast %scan3A_1287 : i32 to index
        %get3A_1299 = arith.constant 16 : index
        %get3A_1300 = tpu.vector_load %arg7[%get3A_1297, %get3A_1298, %get3A_1299] {strides = array<i32>} : memref<4x200x32xi32, #tpu.memory_space<vmem>>, vector<16xi32>,
        %bitcast3A_1301 = vector.bitcast %get3A_1300 : vector<16xi32> to vector<32xbf16>
        %unpack3A_1302 = tpu.unpack_subelements %bitcast3A_1301, 0 {pack_format = #tpu.pack_format<interleaved>} : vector<32xbf16> -> vector<16xf32>
        %unpack3A_1303 = tpu.unpack_subelements %bitcast3A_1301, 1 {pack_format = #tpu.pack_format<interleaved>} : vector<32xbf16> -> vector<16xf32>
        %add3A_1304 = arith.addf %add3A_1282, %unpack3A_1294 : vector<16xf32>
        %add3A_1305 = arith.addf %add3A_1283, %unpack3A_1295 : vector<16xf32>
        %add3A_1306 = arith.addf %add3A_1284, %unpack3A_1302 : vector<16xf32>
        %add3A_1307 = arith.addf %add3A_1285, %unpack3A_1303 : vector<16xf32>
        %scan3A_1308 = arith.constant 13 : i32
        %scan3A_1309 = arith.addi %scan3A_1019, %scan3A_1308 : i32
        %get3A_1310 = arith.constant 2 : i32
        %get3A_1311 = arith.index_cast %get3A_1310 : i32 to index
        %get3A_1312 = arith.index_cast %scan3A_1309 : i32 to index
        %get3A_1313 = arith.constant 0 : index
        %get3A_1314 = tpu.vector_load %arg7[%get3A_1311, %get3A_1312, %get3A_1313] {strides = array<i32>} : memref<4x200x32xi32, #tpu.memory_space<vmem>>, vector<16xi32>,
        %bitcast3A_1315 = vector.bitcast %get3A_1314 : vector<16xi32> to vector<32xbf16>
        %unpack3A_1316 = tpu.unpack_subelements %bitcast3A_1315, 0 {pack_format = #tpu.pack_format<interleaved>} : vector<32xbf16> -> vector<16xf32>
        %unpack3A_1317 = tpu.unpack_subelements %bitcast3A_1315, 1 {pack_format = #tpu.pack_format<interleaved>} : vector<32xbf16> -> vector<16xf32>
        %get3A_1318 = arith.constant 2 : i32
        %get3A_1319 = arith.index_cast %get3A_1318 : i32 to index
        %get3A_1320 = arith.index_cast %scan3A_1309 : i32 to index
        %get3A_1321 = arith.constant 16 : index
        %get3A_1322 = tpu.vector_load %arg7[%get3A_1319, %get3A_1320, %get3A_1321] {strides = array<i32>} : memref<4x200x32xi32, #tpu.memory_space<vmem>>, vector<16xi32>,
        %bitcast3A_1323 = vector.bitcast %get3A_1322 : vector<16xi32> to vector<32xbf16>
        %unpack3A_1324 = tpu.unpack_subelements %bitcast3A_1323, 0 {pack_format = #tpu.pack_format<interleaved>} : vector<32xbf16> -> vector<16xf32>
        %unpack3A_1325 = tpu.unpack_subelements %bitcast3A_1323, 1 {pack_format = #tpu.pack_format<interleaved>} : vector<32xbf16> -> vector<16xf32>
        %add3A_1326 = arith.addf %add3A_1304, %unpack3A_1316 : vector<16xf32>
        %add3A_1327 = arith.addf %add3A_1305, %unpack3A_1317 : vector<16xf32>
        %add3A_1328 = arith.addf %add3A_1306, %unpack3A_1324 : vector<16xf32>
        %add3A_1329 = arith.addf %add3A_1307, %unpack3A_1325 : vector<16xf32>
        %scan3A_1330 = arith.constant 14 : i32
        %scan3A_1331 = arith.addi %scan3A_1019, %scan3A_1330 : i32
        %get3A_1332 = arith.constant 2 : i32
        %get3A_1333 = arith.index_cast %get3A_1332 : i32 to index
        %get3A_1334 = arith.index_cast %scan3A_1331 : i32 to index
        %get3A_1335 = arith.constant 0 : index
        %get3A_1336 = tpu.vector_load %arg7[%get3A_1333, %get3A_1334, %get3A_1335] {strides = array<i32>} : memref<4x200x32xi32, #tpu.memory_space<vmem>>, vector<16xi32>,
        %bitcast3A_1337 = vector.bitcast %get3A_1336 : vector<16xi32> to vector<32xbf16>
        %unpack3A_1338 = tpu.unpack_subelements %bitcast3A_1337, 0 {pack_format = #tpu.pack_format<interleaved>} : vector<32xbf16> -> vector<16xf32>
        %unpack3A_1339 = tpu.unpack_subelements %bitcast3A_1337, 1 {pack_format = #tpu.pack_format<interleaved>} : vector<32xbf16> -> vector<16xf32>
        %get3A_1340 = arith.constant 2 : i32
        %get3A_1341 = arith.index_cast %get3A_1340 : i32 to index
        %get3A_1342 = arith.index_cast %scan3A_1331 : i32 to index
        %get3A_1343 = arith.constant 16 : index
        %get3A_1344 = tpu.vector_load %arg7[%get3A_1341, %get3A_1342, %get3A_1343] {strides = array<i32>} : memref<4x200x32xi32, #tpu.memory_space<vmem>>, vector<16xi32>,
        %bitcast3A_1345 = vector.bitcast %get3A_1344 : vector<16xi32> to vector<32xbf16>
        %unpack3A_1346 = tpu.unpack_subelements %bitcast3A_1345, 0 {pack_format = #tpu.pack_format<interleaved>} : vector<32xbf16> -> vector<16xf32>
        %unpack3A_1347 = tpu.unpack_subelements %bitcast3A_1345, 1 {pack_format = #tpu.pack_format<interleaved>} : vector<32xbf16> -> vector<16xf32>
        %add3A_1348 = arith.addf %add3A_1326, %unpack3A_1338 : vector<16xf32>
        %add3A_1349 = arith.addf %add3A_1327, %unpack3A_1339 : vector<16xf32>
        %add3A_1350 = arith.addf %add3A_1328, %unpack3A_1346 : vector<16xf32>
        %add3A_1351 = arith.addf %add3A_1329, %unpack3A_1347 : vector<16xf32>
        %scan3A_1352 = arith.constant 15 : i32
        %scan3A_1353 = arith.addi %scan3A_1019, %scan3A_1352 : i32
        %get3A_1354 = arith.constant 2 : i32
        %get3A_1355 = arith.index_cast %get3A_1354 : i32 to index
        %get3A_1356 = arith.index_cast %scan3A_1353 : i32 to index
        %get3A_1357 = arith.constant 0 : index
        %get3A_1358 = tpu.vector_load %arg7[%get3A_1355, %get3A_1356, %get3A_1357] {strides = array<i32>} : memref<4x200x32xi32, #tpu.memory_space<vmem>>, vector<16xi32>,
        %bitcast3A_1359 = vector.bitcast %get3A_1358 : vector<16xi32> to vector<32xbf16>
        %unpack3A_1360 = tpu.unpack_subelements %bitcast3A_1359, 0 {pack_format = #tpu.pack_format<interleaved>} : vector<32xbf16> -> vector<16xf32>
        %unpack3A_1361 = tpu.unpack_subelements %bitcast3A_1359, 1 {pack_format = #tpu.pack_format<interleaved>} : vector<32xbf16> -> vector<16xf32>
        %get3A_1362 = arith.constant 2 : i32
        %get3A_1363 = arith.index_cast %get3A_1362 : i32 to index
        %get3A_1364 = arith.index_cast %scan3A_1353 : i32 to index
        %get3A_1365 = arith.constant 16 : index
        %get3A_1366 = tpu.vector_load %arg7[%get3A_1363, %get3A_1364, %get3A_1365] {strides = array<i32>} : memref<4x200x32xi32, #tpu.memory_space<vmem>>, vector<16xi32>,
        %bitcast3A_1367 = vector.bitcast %get3A_1366 : vector<16xi32> to vector<32xbf16>
        %unpack3A_1368 = tpu.unpack_subelements %bitcast3A_1367, 0 {pack_format = #tpu.pack_format<interleaved>} : vector<32xbf16> -> vector<16xf32>
        %unpack3A_1369 = tpu.unpack_subelements %bitcast3A_1367, 1 {pack_format = #tpu.pack_format<interleaved>} : vector<32xbf16> -> vector<16xf32>
        %add3A_1370 = arith.addf %add3A_1348, %unpack3A_1360 : vector<16xf32>
        %add3A_1371 = arith.addf %add3A_1349, %unpack3A_1361 : vector<16xf32>
        %add3A_1372 = arith.addf %add3A_1350, %unpack3A_1368 : vector<16xf32>
        %add3A_1373 = arith.addf %add3A_1351, %unpack3A_1369 : vector<16xf32>
        scf.yield %add3A_1370, %add3A_1371, %add3A_1372, %add3A_1373 : vector<16xf32>, vector<16xf32>, vector<16xf32>, vector<16xf32>
      }
      %scan3A_584 = arith.constant 192 : i32
      %scan3A_585 = arith.addi %scan3A_579, %scan3A_584 : i32
      %get3A_586 = arith.constant 2 : i32
      %get3A_587 = arith.index_cast %get3A_586 : i32 to index
      %get3A_588 = arith.index_cast %scan3A_585 : i32 to index
      %get3A_589 = arith.constant 0 : index
      %get3A_590 = tpu.vector_load %arg7[%get3A_587, %get3A_588, %get3A_589] {strides = array<i32>} : memref<4x200x32xi32, #tpu.memory_space<vmem>>, vector<16xi32>,
      %bitcast3A_591 = vector.bitcast %get3A_590 : vector<16xi32> to vector<32xbf16>
      %unpack3A_592 = tpu.unpack_subelements %bitcast3A_591, 0 {pack_format = #tpu.pack_format<interleaved>} : vector<32xbf16> -> vector<16xf32>
      %unpack3A_593 = tpu.unpack_subelements %bitcast3A_591, 1 {pack_format = #tpu.pack_format<interleaved>} : vector<32xbf16> -> vector<16xf32>
      %get3A_594 = arith.constant 2 : i32
      %get3A_595 = arith.index_cast %get3A_594 : i32 to index
      %get3A_596 = arith.index_cast %scan3A_585 : i32 to index
      %get3A_597 = arith.constant 16 : index
      %get3A_598 = tpu.vector_load %arg7[%get3A_595, %get3A_596, %get3A_597] {strides = array<i32>} : memref<4x200x32xi32, #tpu.memory_space<vmem>>, vector<16xi32>,
      %bitcast3A_599 = vector.bitcast %get3A_598 : vector<16xi32> to vector<32xbf16>
      %unpack3A_600 = tpu.unpack_subelements %bitcast3A_599, 0 {pack_format = #tpu.pack_format<interleaved>} : vector<32xbf16> -> vector<16xf32>
      %unpack3A_601 = tpu.unpack_subelements %bitcast3A_599, 1 {pack_format = #tpu.pack_format<interleaved>} : vector<32xbf16> -> vector<16xf32>
      %add3A_602 = arith.addf %scan3A_583#0, %unpack3A_592 : vector<16xf32>
      %add3A_603 = arith.addf %scan3A_583#1, %unpack3A_593 : vector<16xf32>
      %add3A_604 = arith.addf %scan3A_583#2, %unpack3A_600 : vector<16xf32>
      %add3A_605 = arith.addf %scan3A_583#3, %unpack3A_601 : vector<16xf32>
      %scan3A_606 = arith.constant 193 : i32
      %scan3A_607 = arith.addi %scan3A_579, %scan3A_606 : i32
      %get3A_608 = arith.constant 2 : i32
      %get3A_609 = arith.index_cast %get3A_608 : i32 to index
      %get3A_610 = arith.index_cast %scan3A_607 : i32 to index
      %get3A_611 = arith.constant 0 : index
      %get3A_612 = tpu.vector_load %arg7[%get3A_609, %get3A_610, %get3A_611] {strides = array<i32>} : memref<4x200x32xi32, #tpu.memory_space<vmem>>, vector<16xi32>,
      %bitcast3A_613 = vector.bitcast %get3A_612 : vector<16xi32> to vector<32xbf16>
      %unpack3A_614 = tpu.unpack_subelements %bitcast3A_613, 0 {pack_format = #tpu.pack_format<interleaved>} : vector<32xbf16> -> vector<16xf32>
      %unpack3A_615 = tpu.unpack_subelements %bitcast3A_613, 1 {pack_format = #tpu.pack_format<interleaved>} : vector<32xbf16> -> vector<16xf32>
      %get3A_616 = arith.constant 2 : i32
      %get3A_617 = arith.index_cast %get3A_616 : i32 to index
      %get3A_618 = arith.index_cast %scan3A_607 : i32 to index
      %get3A_619 = arith.constant 16 : index
      %get3A_620 = tpu.vector_load %arg7[%get3A_617, %get3A_618, %get3A_619] {strides = array<i32>} : memref<4x200x32xi32, #tpu.memory_space<vmem>>, vector<16xi32>,
      %bitcast3A_621 = vector.bitcast %get3A_620 : vector<16xi32> to vector<32xbf16>
      %unpack3A_622 = tpu.unpack_subelements %bitcast3A_621, 0 {pack_format = #tpu.pack_format<interleaved>} : vector<32xbf16> -> vector<16xf32>
      %unpack3A_623 = tpu.unpack_subelements %bitcast3A_621, 1 {pack_format = #tpu.pack_format<interleaved>} : vector<32xbf16> -> vector<16xf32>
      %add3A_624 = arith.addf %add3A_602, %unpack3A_614 : vector<16xf32>
      %add3A_625 = arith.addf %add3A_603, %unpack3A_615 : vector<16xf32>
      %add3A_626 = arith.addf %add3A_604, %unpack3A_622 : vector<16xf32>
      %add3A_627 = arith.addf %add3A_605, %unpack3A_623 : vector<16xf32>
      %scan3A_628 = arith.constant 194 : i32
      %scan3A_629 = arith.addi %scan3A_579, %scan3A_628 : i32
      %get3A_630 = arith.constant 2 : i32
      %get3A_631 = arith.index_cast %get3A_630 : i32 to index
      %get3A_632 = arith.index_cast %scan3A_629 : i32 to index
      %get3A_633 = arith.constant 0 : index
      %get3A_634 = tpu.vector_load %arg7[%get3A_631, %get3A_632, %get3A_633] {strides = array<i32>} : memref<4x200x32xi32, #tpu.memory_space<vmem>>, vector<16xi32>,
      %bitcast3A_635 = vector.bitcast %get3A_634 : vector<16xi32> to vector<32xbf16>
      %unpack3A_636 = tpu.unpack_subelements %bitcast3A_635, 0 {pack_format = #tpu.pack_format<interleaved>} : vector<32xbf16> -> vector<16xf32>
      %unpack3A_637 = tpu.unpack_subelements %bitcast3A_635, 1 {pack_format = #tpu.pack_format<interleaved>} : vector<32xbf16> -> vector<16xf32>
      %get3A_638 = arith.constant 2 : i32
      %get3A_639 = arith.index_cast %get3A_638 : i32 to index
      %get3A_640 = arith.index_cast %scan3A_629 : i32 to index
      %get3A_641 = arith.constant 16 : index
      %get3A_642 = tpu.vector_load %arg7[%get3A_639, %get3A_640, %get3A_641] {strides = array<i32>} : memref<4x200x32xi32, #tpu.memory_space<vmem>>, vector<16xi32>,
      %bitcast3A_643 = vector.bitcast %get3A_642 : vector<16xi32> to vector<32xbf16>
      %unpack3A_644 = tpu.unpack_subelements %bitcast3A_643, 0 {pack_format = #tpu.pack_format<interleaved>} : vector<32xbf16> -> vector<16xf32>
      %unpack3A_645 = tpu.unpack_subelements %bitcast3A_643, 1 {pack_format = #tpu.pack_format<interleaved>} : vector<32xbf16> -> vector<16xf32>
      %add3A_646 = arith.addf %add3A_624, %unpack3A_636 : vector<16xf32>
      %add3A_647 = arith.addf %add3A_625, %unpack3A_637 : vector<16xf32>
      %add3A_648 = arith.addf %add3A_626, %unpack3A_644 : vector<16xf32>
      %add3A_649 = arith.addf %add3A_627, %unpack3A_645 : vector<16xf32>
      %scan3A_650 = arith.constant 195 : i32
      %scan3A_651 = arith.addi %scan3A_579, %scan3A_650 : i32
      %get3A_652 = arith.constant 2 : i32
      %get3A_653 = arith.index_cast %get3A_652 : i32 to index
      %get3A_654 = arith.index_cast %scan3A_651 : i32 to index
      %get3A_655 = arith.constant 0 : index
      %get3A_656 = tpu.vector_load %arg7[%get3A_653, %get3A_654, %get3A_655] {strides = array<i32>} : memref<4x200x32xi32, #tpu.memory_space<vmem>>, vector<16xi32>,
      %bitcast3A_657 = vector.bitcast %get3A_656 : vector<16xi32> to vector<32xbf16>
      %unpack3A_658 = tpu.unpack_subelements %bitcast3A_657, 0 {pack_format = #tpu.pack_format<interleaved>} : vector<32xbf16> -> vector<16xf32>
      %unpack3A_659 = tpu.unpack_subelements %bitcast3A_657, 1 {pack_format = #tpu.pack_format<interleaved>} : vector<32xbf16> -> vector<16xf32>
      %get3A_660 = arith.constant 2 : i32
      %get3A_661 = arith.index_cast %get3A_660 : i32 to index
      %get3A_662 = arith.index_cast %scan3A_651 : i32 to index
      %get3A_663 = arith.constant 16 : index
      %get3A_664 = tpu.vector_load %arg7[%get3A_661, %get3A_662, %get3A_663] {strides = array<i32>} : memref<4x200x32xi32, #tpu.memory_space<vmem>>, vector<16xi32>,
      %bitcast3A_665 = vector.bitcast %get3A_664 : vector<16xi32> to vector<32xbf16>
      %unpack3A_666 = tpu.unpack_subelements %bitcast3A_665, 0 {pack_format = #tpu.pack_format<interleaved>} : vector<32xbf16> -> vector<16xf32>
      %unpack3A_667 = tpu.unpack_subelements %bitcast3A_665, 1 {pack_format = #tpu.pack_format<interleaved>} : vector<32xbf16> -> vector<16xf32>
      %add3A_668 = arith.addf %add3A_646, %unpack3A_658 : vector<16xf32>
      %add3A_669 = arith.addf %add3A_647, %unpack3A_659 : vector<16xf32>
      %add3A_670 = arith.addf %add3A_648, %unpack3A_666 : vector<16xf32>
      %add3A_671 = arith.addf %add3A_649, %unpack3A_667 : vector<16xf32>
      %scan3A_672 = arith.constant 196 : i32
      %scan3A_673 = arith.addi %scan3A_579, %scan3A_672 : i32
      %get3A_674 = arith.constant 2 : i32
      %get3A_675 = arith.index_cast %get3A_674 : i32 to index
      %get3A_676 = arith.index_cast %scan3A_673 : i32 to index
      %get3A_677 = arith.constant 0 : index
      %get3A_678 = tpu.vector_load %arg7[%get3A_675, %get3A_676, %get3A_677] {strides = array<i32>} : memref<4x200x32xi32, #tpu.memory_space<vmem>>, vector<16xi32>,
      %bitcast3A_679 = vector.bitcast %get3A_678 : vector<16xi32> to vector<32xbf16>
      %unpack3A_680 = tpu.unpack_subelements %bitcast3A_679, 0 {pack_format = #tpu.pack_format<interleaved>} : vector<32xbf16> -> vector<16xf32>
      %unpack3A_681 = tpu.unpack_subelements %bitcast3A_679, 1 {pack_format = #tpu.pack_format<interleaved>} : vector<32xbf16> -> vector<16xf32>
      %get3A_682 = arith.constant 2 : i32
      %get3A_683 = arith.index_cast %get3A_682 : i32 to index
      %get3A_684 = arith.index_cast %scan3A_673 : i32 to index
      %get3A_685 = arith.constant 16 : index
      %get3A_686 = tpu.vector_load %arg7[%get3A_683, %get3A_684, %get3A_685] {strides = array<i32>} : memref<4x200x32xi32, #tpu.memory_space<vmem>>, vector<16xi32>,
      %bitcast3A_687 = vector.bitcast %get3A_686 : vector<16xi32> to vector<32xbf16>
      %unpack3A_688 = tpu.unpack_subelements %bitcast3A_687, 0 {pack_format = #tpu.pack_format<interleaved>} : vector<32xbf16> -> vector<16xf32>
      %unpack3A_689 = tpu.unpack_subelements %bitcast3A_687, 1 {pack_format = #tpu.pack_format<interleaved>} : vector<32xbf16> -> vector<16xf32>
      %add3A_690 = arith.addf %add3A_668, %unpack3A_680 : vector<16xf32>
      %add3A_691 = arith.addf %add3A_669, %unpack3A_681 : vector<16xf32>
      %add3A_692 = arith.addf %add3A_670, %unpack3A_688 : vector<16xf32>
      %add3A_693 = arith.addf %add3A_671, %unpack3A_689 : vector<16xf32>
      %scan3A_694 = arith.constant 197 : i32
      %scan3A_695 = arith.addi %scan3A_579, %scan3A_694 : i32
      %get3A_696 = arith.constant 2 : i32
      %get3A_697 = arith.index_cast %get3A_696 : i32 to index
      %get3A_698 = arith.index_cast %scan3A_695 : i32 to index
      %get3A_699 = arith.constant 0 : index
      %get3A_700 = tpu.vector_load %arg7[%get3A_697, %get3A_698, %get3A_699] {strides = array<i32>} : memref<4x200x32xi32, #tpu.memory_space<vmem>>, vector<16xi32>,
      %bitcast3A_701 = vector.bitcast %get3A_700 : vector<16xi32> to vector<32xbf16>
      %unpack3A_702 = tpu.unpack_subelements %bitcast3A_701, 0 {pack_format = #tpu.pack_format<interleaved>} : vector<32xbf16> -> vector<16xf32>
      %unpack3A_703 = tpu.unpack_subelements %bitcast3A_701, 1 {pack_format = #tpu.pack_format<interleaved>} : vector<32xbf16> -> vector<16xf32>
      %get3A_704 = arith.constant 2 : i32
      %get3A_705 = arith.index_cast %get3A_704 : i32 to index
      %get3A_706 = arith.index_cast %scan3A_695 : i32 to index
      %get3A_707 = arith.constant 16 : index
      %get3A_708 = tpu.vector_load %arg7[%get3A_705, %get3A_706, %get3A_707] {strides = array<i32>} : memref<4x200x32xi32, #tpu.memory_space<vmem>>, vector<16xi32>,
      %bitcast3A_709 = vector.bitcast %get3A_708 : vector<16xi32> to vector<32xbf16>
      %unpack3A_710 = tpu.unpack_subelements %bitcast3A_709, 0 {pack_format = #tpu.pack_format<interleaved>} : vector<32xbf16> -> vector<16xf32>
      %unpack3A_711 = tpu.unpack_subelements %bitcast3A_709, 1 {pack_format = #tpu.pack_format<interleaved>} : vector<32xbf16> -> vector<16xf32>
      %add3A_712 = arith.addf %add3A_690, %unpack3A_702 : vector<16xf32>
      %add3A_713 = arith.addf %add3A_691, %unpack3A_703 : vector<16xf32>
      %add3A_714 = arith.addf %add3A_692, %unpack3A_710 : vector<16xf32>
      %add3A_715 = arith.addf %add3A_693, %unpack3A_711 : vector<16xf32>
      %scan3A_716 = arith.constant 198 : i32
      %scan3A_717 = arith.addi %scan3A_579, %scan3A_716 : i32
      %get3A_718 = arith.constant 2 : i32
      %get3A_719 = arith.index_cast %get3A_718 : i32 to index
      %get3A_720 = arith.index_cast %scan3A_717 : i32 to index
      %get3A_721 = arith.constant 0 : index
      %get3A_722 = tpu.vector_load %arg7[%get3A_719, %get3A_720, %get3A_721] {strides = array<i32>} : memref<4x200x32xi32, #tpu.memory_space<vmem>>, vector<16xi32>,
      %bitcast3A_723 = vector.bitcast %get3A_722 : vector<16xi32> to vector<32xbf16>
      %unpack3A_724 = tpu.unpack_subelements %bitcast3A_723, 0 {pack_format = #tpu.pack_format<interleaved>} : vector<32xbf16> -> vector<16xf32>
      %unpack3A_725 = tpu.unpack_subelements %bitcast3A_723, 1 {pack_format = #tpu.pack_format<interleaved>} : vector<32xbf16> -> vector<16xf32>
      %get3A_726 = arith.constant 2 : i32
      %get3A_727 = arith.index_cast %get3A_726 : i32 to index
      %get3A_728 = arith.index_cast %scan3A_717 : i32 to index
      %get3A_729 = arith.constant 16 : index
      %get3A_730 = tpu.vector_load %arg7[%get3A_727, %get3A_728, %get3A_729] {strides = array<i32>} : memref<4x200x32xi32, #tpu.memory_space<vmem>>, vector<16xi32>,
      %bitcast3A_731 = vector.bitcast %get3A_730 : vector<16xi32> to vector<32xbf16>
      %unpack3A_732 = tpu.unpack_subelements %bitcast3A_731, 0 {pack_format = #tpu.pack_format<interleaved>} : vector<32xbf16> -> vector<16xf32>
      %unpack3A_733 = tpu.unpack_subelements %bitcast3A_731, 1 {pack_format = #tpu.pack_format<interleaved>} : vector<32xbf16> -> vector<16xf32>
      %add3A_734 = arith.addf %add3A_712, %unpack3A_724 : vector<16xf32>
      %add3A_735 = arith.addf %add3A_713, %unpack3A_725 : vector<16xf32>
      %add3A_736 = arith.addf %add3A_714, %unpack3A_732 : vector<16xf32>
      %add3A_737 = arith.addf %add3A_715, %unpack3A_733 : vector<16xf32>
      %scan3A_738 = arith.constant 199 : i32
      %scan3A_739 = arith.addi %scan3A_579, %scan3A_738 : i32
      %get3A_740 = arith.constant 2 : i32
      %get3A_741 = arith.index_cast %get3A_740 : i32 to index
      %get3A_742 = arith.index_cast %scan3A_739 : i32 to index
      %get3A_743 = arith.constant 0 : index
      %get3A_744 = tpu.vector_load %arg7[%get3A_741, %get3A_742, %get3A_743] {strides = array<i32>} : memref<4x200x32xi32, #tpu.memory_space<vmem>>, vector<16xi32>,
      %bitcast3A_745 = vector.bitcast %get3A_744 : vector<16xi32> to vector<32xbf16>
      %unpack3A_746 = tpu.unpack_subelements %bitcast3A_745, 0 {pack_format = #tpu.pack_format<interleaved>} : vector<32xbf16> -> vector<16xf32>
      %unpack3A_747 = tpu.unpack_subelements %bitcast3A_745, 1 {pack_format = #tpu.pack_format<interleaved>} : vector<32xbf16> -> vector<16xf32>
      %get3A_748 = arith.constant 2 : i32
      %get3A_749 = arith.index_cast %get3A_748 : i32 to index
      %get3A_750 = arith.index_cast %scan3A_739 : i32 to index
      %get3A_751 = arith.constant 16 : index
      %get3A_752 = tpu.vector_load %arg7[%get3A_749, %get3A_750, %get3A_751] {strides = array<i32>} : memref<4x200x32xi32, #tpu.memory_space<vmem>>, vector<16xi32>,
      %bitcast3A_753 = vector.bitcast %get3A_752 : vector<16xi32> to vector<32xbf16>
      %unpack3A_754 = tpu.unpack_subelements %bitcast3A_753, 0 {pack_format = #tpu.pack_format<interleaved>} : vector<32xbf16> -> vector<16xf32>
      %unpack3A_755 = tpu.unpack_subelements %bitcast3A_753, 1 {pack_format = #tpu.pack_format<interleaved>} : vector<32xbf16> -> vector<16xf32>
      %add3A_756 = arith.addf %add3A_734, %unpack3A_746 : vector<16xf32>
      %add3A_757 = arith.addf %add3A_735, %unpack3A_747 : vector<16xf32>
      %add3A_758 = arith.addf %add3A_736, %unpack3A_754 : vector<16xf32>
      %add3A_759 = arith.addf %add3A_737, %unpack3A_755 : vector<16xf32>
      %scan3A_760 = arith.constant 200 : i32
      %mul3A_761 = vector.broadcast %scan3A : f32 to vector<16xf32>
      %mul3A_762 = arith.mulf %add3A_756, %mul3A_761 : vector<16xf32>
      %add3A_763 = arith.addf %mul3A_762, %get3A_3 : vector<16xf32>
      %swap3A_764 = arith.index_cast %add3A_576 : i32 to index
      %swap3A_765 = arith.constant 0 : index
      %swap3A_766 = tpu.vector_load %arg8[%swap3A_764, %swap3A_765] {strides = array<i32>} : memref<128x64xf32, #tpu.memory_space<vmem>>, vector<16xf32>,
      tpu.vector_store %arg8[%swap3A_764, %swap3A_765], %add3A_763 {strides = array<i32>} : memref<128x64xf32, #tpu.memory_space<vmem>>, vector<16xf32>,
      %mul3A_767 = vector.broadcast %scan3A : f32 to vector<16xf32>
      %mul3A_768 = arith.mulf %add3A_757, %mul3A_767 : vector<16xf32>
      %add3A_769 = arith.addf %mul3A_768, %get3A_5 : vector<16xf32>
      %swap3A_770 = arith.index_cast %add3A_576 : i32 to index
      %swap3A_771 = arith.constant 16 : index
      %swap3A_772 = tpu.vector_load %arg8[%swap3A_770, %swap3A_771] {strides = array<i32>} : memref<128x64xf32, #tpu.memory_space<vmem>>, vector<16xf32>,
      tpu.vector_store %arg8[%swap3A_770, %swap3A_771], %add3A_769 {strides = array<i32>} : memref<128x64xf32, #tpu.memory_space<vmem>>, vector<16xf32>,
      %mul3A_773 = vector.broadcast %scan3A : f32 to vector<16xf32>
      %mul3A_774 = arith.mulf %add3A_758, %mul3A_773 : vector<16xf32>
      %add3A_775 = arith.addf %mul3A_774, %get3A_7 : vector<16xf32>
      %swap3A_776 = arith.index_cast %add3A_576 : i32 to index
      %swap3A_777 = arith.constant 32 : index
      %swap3A_778 = tpu.vector_load %arg8[%swap3A_776, %swap3A_777] {strides = array<i32>} : memref<128x64xf32, #tpu.memory_space<vmem>>, vector<16xf32>,
      tpu.vector_store %arg8[%swap3A_776, %swap3A_777], %add3A_775 {strides = array<i32>} : memref<128x64xf32, #tpu.memory_space<vmem>>, vector<16xf32>,
      %mul3A_779 = vector.broadcast %scan3A : f32 to vector<16xf32>
      %mul3A_780 = arith.mulf %add3A_759, %mul3A_779 : vector<16xf32>
      %add3A_781 = arith.addf %mul3A_780, %get3A_9 : vector<16xf32>
      %swap3A_782 = arith.index_cast %add3A_576 : i32 to index
      %swap3A_783 = arith.constant 48 : index
      %swap3A_784 = tpu.vector_load %arg8[%swap3A_782, %swap3A_783] {strides = array<i32>} : memref<128x64xf32, #tpu.memory_space<vmem>>, vector<16xf32>,
      tpu.vector_store %arg8[%swap3A_782, %swap3A_783], %add3A_781 {strides = array<i32>} : memref<128x64xf32, #tpu.memory_space<vmem>>, vector<16xf32>,
      %add3A_785 = arith.constant 3 : i32
      %add3A_786 = arith.addi %add3A_90, %add3A_785 : i32
      %add3A_787 = arith.constant 3 : i32
      %add3A_788 = arith.addi %add3A_786, %add3A_787 : i32
      %lt3A_789 = arith.constant 128 : i32
      %lt3A_790 = arith.cmpi slt, %add3A_788, %lt3A_789 : i32
      %convert_element_type3A_791 = arith.extui %lt3A_790 : i1 to i32
      %cond3A_792 = arith.constant 0 : i32
      %cond3A_793 = arith.cmpi ne, %convert_element_type3A_791, %cond3A_792 : i32
      scf.if %cond3A_793 {
        %add3A_1019 = arith.constant 3 : i32
        %add3A_1020 = arith.addi %add3A_90, %add3A_1019 : i32
        %add3A_1021 = arith.constant 3 : i32
        %add3A_1022 = arith.addi %add3A_1020, %add3A_1021 : i32
        %dma_start3A_1023 = arith.constant 2 : i32
        %dma_start3A_1024 = arith.constant 0 : i32
        %dma_start3A_1025 = arith.constant 0 : i32
        %dma_start3A_1026 = tpu.memref_slice %arg7[%dma_start3A_1023, %dma_start3A_1024, %dma_start3A_1025] : memref<4x200x32xi32, #tpu.memory_space<vmem>> -> memref<1x128x32xi32, #tpu.memory_space<vmem>>
        %dma_start3A_1027 = tpu.memref_squeeze %dma_start3A_1026 : memref<1x128x32xi32, #tpu.memory_space<vmem>> -> memref<128x32xi32, #tpu.memory_space<vmem>>
        %dma_start3A_1028 = arith.constant 0 : i32
        %dma_start3A_1029 = tpu.memref_slice %arg6[%add3A_1022, %dma_start3A_1028] : memref<128x256xi32, #tpu.memory_space<vmem>> -> memref<1x128xi32, #tpu.memory_space<vmem>>
        %dma_start3A_1030 = tpu.memref_squeeze %dma_start3A_1029 : memref<1x128xi32, #tpu.memory_space<vmem>> -> memref<128xi32, #tpu.memory_space<vmem>>
        %dma_start3A_1031 = arith.constant 0 : i32
        %dma_start3A_1032 = arith.constant 0 : i32
        %dma_start3A_1033 = tpu.memref_slice %arg2[%dma_start3A_1031, %dma_start3A_1032] : memref<100000x32xi32, #tpu.memory_space<hbm>> -> memref<100000x32xi32, #tpu.memory_space<hbm>>
        tpu.enqueue_indirect_dma source(%dma_start3A_1033 : memref<100000x32xi32, #tpu.memory_space<hbm>>) target(%dma_start3A_1027 : memref<128x32xi32, #tpu.memory_space<vmem>>) offsets(%dma_start3A_1030 : memref<128xi32, #tpu.memory_space<vmem>>) semaphore(%arg12 : memref<!tpu.dma_semaphore, #tpu.memory_space<semaphore_mem>>)
        %dma_start3A_1034 = arith.constant 2 : i32
        %dma_start3A_1035 = arith.constant 128 : i32
        %dma_start3A_1036 = arith.constant 0 : i32
        %dma_start3A_1037 = tpu.memref_slice %arg7[%dma_start3A_1034, %dma_start3A_1035, %dma_start3A_1036] : memref<4x200x32xi32, #tpu.memory_space<vmem>> -> memref<1x72x32xi32, #tpu.memory_space<vmem>>
        %dma_start3A_1038 = tpu.memref_squeeze %dma_start3A_1037 : memref<1x72x32xi32, #tpu.memory_space<vmem>> -> memref<72x32xi32, #tpu.memory_space<vmem>>
        %dma_start3A_1039 = arith.constant 128 : i32
        %dma_start3A_1040 = tpu.memref_slice %arg6[%add3A_1022, %dma_start3A_1039] : memref<128x256xi32, #tpu.memory_space<vmem>> -> memref<1x72xi32, #tpu.memory_space<vmem>>
        %dma_start3A_1041 = tpu.memref_squeeze %dma_start3A_1040 : memref<1x72xi32, #tpu.memory_space<vmem>> -> memref<72xi32, #tpu.memory_space<vmem>>
        %dma_start3A_1042 = arith.constant 0 : i32
        %dma_start3A_1043 = arith.constant 0 : i32
        %dma_start3A_1044 = tpu.memref_slice %arg2[%dma_start3A_1042, %dma_start3A_1043] : memref<100000x32xi32, #tpu.memory_space<hbm>> -> memref<100000x32xi32, #tpu.memory_space<hbm>>
        tpu.enqueue_indirect_dma source(%dma_start3A_1044 : memref<100000x32xi32, #tpu.memory_space<hbm>>) target(%dma_start3A_1038 : memref<72x32xi32, #tpu.memory_space<vmem>>) offsets(%dma_start3A_1041 : memref<72xi32, #tpu.memory_space<vmem>>) semaphore(%arg12 : memref<!tpu.dma_semaphore, #tpu.memory_space<semaphore_mem>>)
      } else {
      }
      %dma_wait3A_794 = arith.constant 3 : i32
      %dma_wait3A_795 = arith.constant 0 : i32
      %dma_wait3A_796 = arith.constant 0 : i32
      %dma_wait3A_797 = tpu.memref_slice %arg7[%dma_wait3A_794, %dma_wait3A_795, %dma_wait3A_796] : memref<4x200x32xi32, #tpu.memory_space<vmem>> -> memref<1x200x32xi32, #tpu.memory_space<vmem>>
      %dma_wait3A_798 = tpu.memref_squeeze %dma_wait3A_797 : memref<1x200x32xi32, #tpu.memory_space<vmem>> -> memref<200x32xi32, #tpu.memory_space<vmem>>
      %dma_wait3A_799 = arith.constant 0 : i32
      %dma_wait3A_800 = arith.constant 0 : i32
      %dma_wait3A_801 = tpu.memref_slice %arg2[%dma_wait3A_799, %dma_wait3A_800] : memref<100000x32xi32, #tpu.memory_space<hbm>> -> memref<200x32xi32, #tpu.memory_space<hbm>>
      %dma_wait3A_802 = arith.constant 0 : i32
      %dma_wait3A_803 = arith.constant 0 : i32
      %dma_wait3A_804 = tpu.memref_slice %arg7[%dma_wait3A_794, %dma_wait3A_802, %dma_wait3A_803] : memref<4x200x32xi32, #tpu.memory_space<vmem>> -> memref<1x200x32xi32, #tpu.memory_space<vmem>>
      %dma_wait3A_805 = tpu.memref_squeeze %dma_wait3A_804 : memref<1x200x32xi32, #tpu.memory_space<vmem>> -> memref<200x32xi32, #tpu.memory_space<vmem>>
      %dma_wait3A_806 = arith.constant 0 : i32
      %dma_wait3A_807 = arith.constant 0 : i32
      %dma_wait3A_808 = tpu.memref_slice %arg2[%dma_wait3A_806, %dma_wait3A_807] : memref<100000x32xi32, #tpu.memory_space<hbm>> -> memref<200x32xi32, #tpu.memory_space<hbm>>
      tpu.wait_dma2 semaphore(%arg13 : memref<!tpu.dma_semaphore, #tpu.memory_space<semaphore_mem>>) src(%dma_wait3A_808 : memref<200x32xi32, #tpu.memory_space<hbm>>) dst(%dma_wait3A_805 : memref<200x32xi32, #tpu.memory_space<vmem>>)
      %add3A_809 = arith.constant 3 : i32
      %add3A_810 = arith.addi %add3A_90, %add3A_809 : i32
      %broadcast_in_dim3A_811 = arith.constant 0.000000e+00 : f32
      %broadcast_in_dim3A_812 = vector.broadcast %broadcast_in_dim3A_811 : f32 to vector<16xf32>
      %scan3A_813 = arith.constant 0 : i32
      %scan3A_814 = arith.constant 192 : i32
      %scan3A_815 = arith.addi %scan3A_813, %scan3A_814 : i32
      %scan3A_816 = arith.constant 16 : i32
      %scan3A_817:4 = scf.for %scan3A_1019 = %scan3A_813 to %scan3A_815 step %scan3A_816 iter_args(%scan3A_1020 = %broadcast_in_dim3A_812, %scan3A_1021 = %broadcast_in_dim3A_812, %scan3A_1022 = %broadcast_in_dim3A_812, %scan3A_1023 = %broadcast_in_dim3A_812) -> (vector<16xf32>, vector<16xf32>, vector<16xf32>, vector<16xf32>)  : i32 {
        %get3A_1024 = arith.constant 3 : i32
        %get3A_1025 = arith.index_cast %get3A_1024 : i32 to index
        %get3A_1026 = arith.index_cast %scan3A_1019 : i32 to index
        %get3A_1027 = arith.constant 0 : index
        %get3A_1028 = tpu.vector_load %arg7[%get3A_1025, %get3A_1026, %get3A_1027] {strides = array<i32>} : memref<4x200x32xi32, #tpu.memory_space<vmem>>, vector<16xi32>,
        %bitcast3A_1029 = vector.bitcast %get3A_1028 : vector<16xi32> to vector<32xbf16>
        %unpack3A_1030 = tpu.unpack_subelements %bitcast3A_1029, 0 {pack_format = #tpu.pack_format<interleaved>} : vector<32xbf16> -> vector<16xf32>
        %unpack3A_1031 = tpu.unpack_subelements %bitcast3A_1029, 1 {pack_format = #tpu.pack_format<interleaved>} : vector<32xbf16> -> vector<16xf32>
        %get3A_1032 = arith.constant 3 : i32
        %get3A_1033 = arith.index_cast %get3A_1032 : i32 to index
        %get3A_1034 = arith.index_cast %scan3A_1019 : i32 to index
        %get3A_1035 = arith.constant 16 : index
        %get3A_1036 = tpu.vector_load %arg7[%get3A_1033, %get3A_1034, %get3A_1035] {strides = array<i32>} : memref<4x200x32xi32, #tpu.memory_space<vmem>>, vector<16xi32>,
        %bitcast3A_1037 = vector.bitcast %get3A_1036 : vector<16xi32> to vector<32xbf16>
        %unpack3A_1038 = tpu.unpack_subelements %bitcast3A_1037, 0 {pack_format = #tpu.pack_format<interleaved>} : vector<32xbf16> -> vector<16xf32>
        %unpack3A_1039 = tpu.unpack_subelements %bitcast3A_1037, 1 {pack_format = #tpu.pack_format<interleaved>} : vector<32xbf16> -> vector<16xf32>
        %add3A_1040 = arith.addf %scan3A_1020, %unpack3A_1030 : vector<16xf32>
        %add3A_1041 = arith.addf %scan3A_1021, %unpack3A_1031 : vector<16xf32>
        %add3A_1042 = arith.addf %scan3A_1022, %unpack3A_1038 : vector<16xf32>
        %add3A_1043 = arith.addf %scan3A_1023, %unpack3A_1039 : vector<16xf32>
        %scan3A_1044 = arith.constant 1 : i32
        %scan3A_1045 = arith.addi %scan3A_1019, %scan3A_1044 : i32
        %get3A_1046 = arith.constant 3 : i32
        %get3A_1047 = arith.index_cast %get3A_1046 : i32 to index
        %get3A_1048 = arith.index_cast %scan3A_1045 : i32 to index
        %get3A_1049 = arith.constant 0 : index
        %get3A_1050 = tpu.vector_load %arg7[%get3A_1047, %get3A_1048, %get3A_1049] {strides = array<i32>} : memref<4x200x32xi32, #tpu.memory_space<vmem>>, vector<16xi32>,
        %bitcast3A_1051 = vector.bitcast %get3A_1050 : vector<16xi32> to vector<32xbf16>
        %unpack3A_1052 = tpu.unpack_subelements %bitcast3A_1051, 0 {pack_format = #tpu.pack_format<interleaved>} : vector<32xbf16> -> vector<16xf32>
        %unpack3A_1053 = tpu.unpack_subelements %bitcast3A_1051, 1 {pack_format = #tpu.pack_format<interleaved>} : vector<32xbf16> -> vector<16xf32>
        %get3A_1054 = arith.constant 3 : i32
        %get3A_1055 = arith.index_cast %get3A_1054 : i32 to index
        %get3A_1056 = arith.index_cast %scan3A_1045 : i32 to index
        %get3A_1057 = arith.constant 16 : index
        %get3A_1058 = tpu.vector_load %arg7[%get3A_1055, %get3A_1056, %get3A_1057] {strides = array<i32>} : memref<4x200x32xi32, #tpu.memory_space<vmem>>, vector<16xi32>,
        %bitcast3A_1059 = vector.bitcast %get3A_1058 : vector<16xi32> to vector<32xbf16>
        %unpack3A_1060 = tpu.unpack_subelements %bitcast3A_1059, 0 {pack_format = #tpu.pack_format<interleaved>} : vector<32xbf16> -> vector<16xf32>
        %unpack3A_1061 = tpu.unpack_subelements %bitcast3A_1059, 1 {pack_format = #tpu.pack_format<interleaved>} : vector<32xbf16> -> vector<16xf32>
        %add3A_1062 = arith.addf %add3A_1040, %unpack3A_1052 : vector<16xf32>
        %add3A_1063 = arith.addf %add3A_1041, %unpack3A_1053 : vector<16xf32>
        %add3A_1064 = arith.addf %add3A_1042, %unpack3A_1060 : vector<16xf32>
        %add3A_1065 = arith.addf %add3A_1043, %unpack3A_1061 : vector<16xf32>
        %scan3A_1066 = arith.constant 2 : i32
        %scan3A_1067 = arith.addi %scan3A_1019, %scan3A_1066 : i32
        %get3A_1068 = arith.constant 3 : i32
        %get3A_1069 = arith.index_cast %get3A_1068 : i32 to index
        %get3A_1070 = arith.index_cast %scan3A_1067 : i32 to index
        %get3A_1071 = arith.constant 0 : index
        %get3A_1072 = tpu.vector_load %arg7[%get3A_1069, %get3A_1070, %get3A_1071] {strides = array<i32>} : memref<4x200x32xi32, #tpu.memory_space<vmem>>, vector<16xi32>,
        %bitcast3A_1073 = vector.bitcast %get3A_1072 : vector<16xi32> to vector<32xbf16>
        %unpack3A_1074 = tpu.unpack_subelements %bitcast3A_1073, 0 {pack_format = #tpu.pack_format<interleaved>} : vector<32xbf16> -> vector<16xf32>
        %unpack3A_1075 = tpu.unpack_subelements %bitcast3A_1073, 1 {pack_format = #tpu.pack_format<interleaved>} : vector<32xbf16> -> vector<16xf32>
        %get3A_1076 = arith.constant 3 : i32
        %get3A_1077 = arith.index_cast %get3A_1076 : i32 to index
        %get3A_1078 = arith.index_cast %scan3A_1067 : i32 to index
        %get3A_1079 = arith.constant 16 : index
        %get3A_1080 = tpu.vector_load %arg7[%get3A_1077, %get3A_1078, %get3A_1079] {strides = array<i32>} : memref<4x200x32xi32, #tpu.memory_space<vmem>>, vector<16xi32>,
        %bitcast3A_1081 = vector.bitcast %get3A_1080 : vector<16xi32> to vector<32xbf16>
        %unpack3A_1082 = tpu.unpack_subelements %bitcast3A_1081, 0 {pack_format = #tpu.pack_format<interleaved>} : vector<32xbf16> -> vector<16xf32>
        %unpack3A_1083 = tpu.unpack_subelements %bitcast3A_1081, 1 {pack_format = #tpu.pack_format<interleaved>} : vector<32xbf16> -> vector<16xf32>
        %add3A_1084 = arith.addf %add3A_1062, %unpack3A_1074 : vector<16xf32>
        %add3A_1085 = arith.addf %add3A_1063, %unpack3A_1075 : vector<16xf32>
        %add3A_1086 = arith.addf %add3A_1064, %unpack3A_1082 : vector<16xf32>
        %add3A_1087 = arith.addf %add3A_1065, %unpack3A_1083 : vector<16xf32>
        %scan3A_1088 = arith.constant 3 : i32
        %scan3A_1089 = arith.addi %scan3A_1019, %scan3A_1088 : i32
        %get3A_1090 = arith.constant 3 : i32
        %get3A_1091 = arith.index_cast %get3A_1090 : i32 to index
        %get3A_1092 = arith.index_cast %scan3A_1089 : i32 to index
        %get3A_1093 = arith.constant 0 : index
        %get3A_1094 = tpu.vector_load %arg7[%get3A_1091, %get3A_1092, %get3A_1093] {strides = array<i32>} : memref<4x200x32xi32, #tpu.memory_space<vmem>>, vector<16xi32>,
        %bitcast3A_1095 = vector.bitcast %get3A_1094 : vector<16xi32> to vector<32xbf16>
        %unpack3A_1096 = tpu.unpack_subelements %bitcast3A_1095, 0 {pack_format = #tpu.pack_format<interleaved>} : vector<32xbf16> -> vector<16xf32>
        %unpack3A_1097 = tpu.unpack_subelements %bitcast3A_1095, 1 {pack_format = #tpu.pack_format<interleaved>} : vector<32xbf16> -> vector<16xf32>
        %get3A_1098 = arith.constant 3 : i32
        %get3A_1099 = arith.index_cast %get3A_1098 : i32 to index
        %get3A_1100 = arith.index_cast %scan3A_1089 : i32 to index
        %get3A_1101 = arith.constant 16 : index
        %get3A_1102 = tpu.vector_load %arg7[%get3A_1099, %get3A_1100, %get3A_1101] {strides = array<i32>} : memref<4x200x32xi32, #tpu.memory_space<vmem>>, vector<16xi32>,
        %bitcast3A_1103 = vector.bitcast %get3A_1102 : vector<16xi32> to vector<32xbf16>
        %unpack3A_1104 = tpu.unpack_subelements %bitcast3A_1103, 0 {pack_format = #tpu.pack_format<interleaved>} : vector<32xbf16> -> vector<16xf32>
        %unpack3A_1105 = tpu.unpack_subelements %bitcast3A_1103, 1 {pack_format = #tpu.pack_format<interleaved>} : vector<32xbf16> -> vector<16xf32>
        %add3A_1106 = arith.addf %add3A_1084, %unpack3A_1096 : vector<16xf32>
        %add3A_1107 = arith.addf %add3A_1085, %unpack3A_1097 : vector<16xf32>
        %add3A_1108 = arith.addf %add3A_1086, %unpack3A_1104 : vector<16xf32>
        %add3A_1109 = arith.addf %add3A_1087, %unpack3A_1105 : vector<16xf32>
        %scan3A_1110 = arith.constant 4 : i32
        %scan3A_1111 = arith.addi %scan3A_1019, %scan3A_1110 : i32
        %get3A_1112 = arith.constant 3 : i32
        %get3A_1113 = arith.index_cast %get3A_1112 : i32 to index
        %get3A_1114 = arith.index_cast %scan3A_1111 : i32 to index
        %get3A_1115 = arith.constant 0 : index
        %get3A_1116 = tpu.vector_load %arg7[%get3A_1113, %get3A_1114, %get3A_1115] {strides = array<i32>} : memref<4x200x32xi32, #tpu.memory_space<vmem>>, vector<16xi32>,
        %bitcast3A_1117 = vector.bitcast %get3A_1116 : vector<16xi32> to vector<32xbf16>
        %unpack3A_1118 = tpu.unpack_subelements %bitcast3A_1117, 0 {pack_format = #tpu.pack_format<interleaved>} : vector<32xbf16> -> vector<16xf32>
        %unpack3A_1119 = tpu.unpack_subelements %bitcast3A_1117, 1 {pack_format = #tpu.pack_format<interleaved>} : vector<32xbf16> -> vector<16xf32>
        %get3A_1120 = arith.constant 3 : i32
        %get3A_1121 = arith.index_cast %get3A_1120 : i32 to index
        %get3A_1122 = arith.index_cast %scan3A_1111 : i32 to index
        %get3A_1123 = arith.constant 16 : index
        %get3A_1124 = tpu.vector_load %arg7[%get3A_1121, %get3A_1122, %get3A_1123] {strides = array<i32>} : memref<4x200x32xi32, #tpu.memory_space<vmem>>, vector<16xi32>,
        %bitcast3A_1125 = vector.bitcast %get3A_1124 : vector<16xi32> to vector<32xbf16>
        %unpack3A_1126 = tpu.unpack_subelements %bitcast3A_1125, 0 {pack_format = #tpu.pack_format<interleaved>} : vector<32xbf16> -> vector<16xf32>
        %unpack3A_1127 = tpu.unpack_subelements %bitcast3A_1125, 1 {pack_format = #tpu.pack_format<interleaved>} : vector<32xbf16> -> vector<16xf32>
        %add3A_1128 = arith.addf %add3A_1106, %unpack3A_1118 : vector<16xf32>
        %add3A_1129 = arith.addf %add3A_1107, %unpack3A_1119 : vector<16xf32>
        %add3A_1130 = arith.addf %add3A_1108, %unpack3A_1126 : vector<16xf32>
        %add3A_1131 = arith.addf %add3A_1109, %unpack3A_1127 : vector<16xf32>
        %scan3A_1132 = arith.constant 5 : i32
        %scan3A_1133 = arith.addi %scan3A_1019, %scan3A_1132 : i32
        %get3A_1134 = arith.constant 3 : i32
        %get3A_1135 = arith.index_cast %get3A_1134 : i32 to index
        %get3A_1136 = arith.index_cast %scan3A_1133 : i32 to index
        %get3A_1137 = arith.constant 0 : index
        %get3A_1138 = tpu.vector_load %arg7[%get3A_1135, %get3A_1136, %get3A_1137] {strides = array<i32>} : memref<4x200x32xi32, #tpu.memory_space<vmem>>, vector<16xi32>,
        %bitcast3A_1139 = vector.bitcast %get3A_1138 : vector<16xi32> to vector<32xbf16>
        %unpack3A_1140 = tpu.unpack_subelements %bitcast3A_1139, 0 {pack_format = #tpu.pack_format<interleaved>} : vector<32xbf16> -> vector<16xf32>
        %unpack3A_1141 = tpu.unpack_subelements %bitcast3A_1139, 1 {pack_format = #tpu.pack_format<interleaved>} : vector<32xbf16> -> vector<16xf32>
        %get3A_1142 = arith.constant 3 : i32
        %get3A_1143 = arith.index_cast %get3A_1142 : i32 to index
        %get3A_1144 = arith.index_cast %scan3A_1133 : i32 to index
        %get3A_1145 = arith.constant 16 : index
        %get3A_1146 = tpu.vector_load %arg7[%get3A_1143, %get3A_1144, %get3A_1145] {strides = array<i32>} : memref<4x200x32xi32, #tpu.memory_space<vmem>>, vector<16xi32>,
        %bitcast3A_1147 = vector.bitcast %get3A_1146 : vector<16xi32> to vector<32xbf16>
        %unpack3A_1148 = tpu.unpack_subelements %bitcast3A_1147, 0 {pack_format = #tpu.pack_format<interleaved>} : vector<32xbf16> -> vector<16xf32>
        %unpack3A_1149 = tpu.unpack_subelements %bitcast3A_1147, 1 {pack_format = #tpu.pack_format<interleaved>} : vector<32xbf16> -> vector<16xf32>
        %add3A_1150 = arith.addf %add3A_1128, %unpack3A_1140 : vector<16xf32>
        %add3A_1151 = arith.addf %add3A_1129, %unpack3A_1141 : vector<16xf32>
        %add3A_1152 = arith.addf %add3A_1130, %unpack3A_1148 : vector<16xf32>
        %add3A_1153 = arith.addf %add3A_1131, %unpack3A_1149 : vector<16xf32>
        %scan3A_1154 = arith.constant 6 : i32
        %scan3A_1155 = arith.addi %scan3A_1019, %scan3A_1154 : i32
        %get3A_1156 = arith.constant 3 : i32
        %get3A_1157 = arith.index_cast %get3A_1156 : i32 to index
        %get3A_1158 = arith.index_cast %scan3A_1155 : i32 to index
        %get3A_1159 = arith.constant 0 : index
        %get3A_1160 = tpu.vector_load %arg7[%get3A_1157, %get3A_1158, %get3A_1159] {strides = array<i32>} : memref<4x200x32xi32, #tpu.memory_space<vmem>>, vector<16xi32>,
        %bitcast3A_1161 = vector.bitcast %get3A_1160 : vector<16xi32> to vector<32xbf16>
        %unpack3A_1162 = tpu.unpack_subelements %bitcast3A_1161, 0 {pack_format = #tpu.pack_format<interleaved>} : vector<32xbf16> -> vector<16xf32>
        %unpack3A_1163 = tpu.unpack_subelements %bitcast3A_1161, 1 {pack_format = #tpu.pack_format<interleaved>} : vector<32xbf16> -> vector<16xf32>
        %get3A_1164 = arith.constant 3 : i32
        %get3A_1165 = arith.index_cast %get3A_1164 : i32 to index
        %get3A_1166 = arith.index_cast %scan3A_1155 : i32 to index
        %get3A_1167 = arith.constant 16 : index
        %get3A_1168 = tpu.vector_load %arg7[%get3A_1165, %get3A_1166, %get3A_1167] {strides = array<i32>} : memref<4x200x32xi32, #tpu.memory_space<vmem>>, vector<16xi32>,
        %bitcast3A_1169 = vector.bitcast %get3A_1168 : vector<16xi32> to vector<32xbf16>
        %unpack3A_1170 = tpu.unpack_subelements %bitcast3A_1169, 0 {pack_format = #tpu.pack_format<interleaved>} : vector<32xbf16> -> vector<16xf32>
        %unpack3A_1171 = tpu.unpack_subelements %bitcast3A_1169, 1 {pack_format = #tpu.pack_format<interleaved>} : vector<32xbf16> -> vector<16xf32>
        %add3A_1172 = arith.addf %add3A_1150, %unpack3A_1162 : vector<16xf32>
        %add3A_1173 = arith.addf %add3A_1151, %unpack3A_1163 : vector<16xf32>
        %add3A_1174 = arith.addf %add3A_1152, %unpack3A_1170 : vector<16xf32>
        %add3A_1175 = arith.addf %add3A_1153, %unpack3A_1171 : vector<16xf32>
        %scan3A_1176 = arith.constant 7 : i32
        %scan3A_1177 = arith.addi %scan3A_1019, %scan3A_1176 : i32
        %get3A_1178 = arith.constant 3 : i32
        %get3A_1179 = arith.index_cast %get3A_1178 : i32 to index
        %get3A_1180 = arith.index_cast %scan3A_1177 : i32 to index
        %get3A_1181 = arith.constant 0 : index
        %get3A_1182 = tpu.vector_load %arg7[%get3A_1179, %get3A_1180, %get3A_1181] {strides = array<i32>} : memref<4x200x32xi32, #tpu.memory_space<vmem>>, vector<16xi32>,
        %bitcast3A_1183 = vector.bitcast %get3A_1182 : vector<16xi32> to vector<32xbf16>
        %unpack3A_1184 = tpu.unpack_subelements %bitcast3A_1183, 0 {pack_format = #tpu.pack_format<interleaved>} : vector<32xbf16> -> vector<16xf32>
        %unpack3A_1185 = tpu.unpack_subelements %bitcast3A_1183, 1 {pack_format = #tpu.pack_format<interleaved>} : vector<32xbf16> -> vector<16xf32>
        %get3A_1186 = arith.constant 3 : i32
        %get3A_1187 = arith.index_cast %get3A_1186 : i32 to index
        %get3A_1188 = arith.index_cast %scan3A_1177 : i32 to index
        %get3A_1189 = arith.constant 16 : index
        %get3A_1190 = tpu.vector_load %arg7[%get3A_1187, %get3A_1188, %get3A_1189] {strides = array<i32>} : memref<4x200x32xi32, #tpu.memory_space<vmem>>, vector<16xi32>,
        %bitcast3A_1191 = vector.bitcast %get3A_1190 : vector<16xi32> to vector<32xbf16>
        %unpack3A_1192 = tpu.unpack_subelements %bitcast3A_1191, 0 {pack_format = #tpu.pack_format<interleaved>} : vector<32xbf16> -> vector<16xf32>
        %unpack3A_1193 = tpu.unpack_subelements %bitcast3A_1191, 1 {pack_format = #tpu.pack_format<interleaved>} : vector<32xbf16> -> vector<16xf32>
        %add3A_1194 = arith.addf %add3A_1172, %unpack3A_1184 : vector<16xf32>
        %add3A_1195 = arith.addf %add3A_1173, %unpack3A_1185 : vector<16xf32>
        %add3A_1196 = arith.addf %add3A_1174, %unpack3A_1192 : vector<16xf32>
        %add3A_1197 = arith.addf %add3A_1175, %unpack3A_1193 : vector<16xf32>
        %scan3A_1198 = arith.constant 8 : i32
        %scan3A_1199 = arith.addi %scan3A_1019, %scan3A_1198 : i32
        %get3A_1200 = arith.constant 3 : i32
        %get3A_1201 = arith.index_cast %get3A_1200 : i32 to index
        %get3A_1202 = arith.index_cast %scan3A_1199 : i32 to index
        %get3A_1203 = arith.constant 0 : index
        %get3A_1204 = tpu.vector_load %arg7[%get3A_1201, %get3A_1202, %get3A_1203] {strides = array<i32>} : memref<4x200x32xi32, #tpu.memory_space<vmem>>, vector<16xi32>,
        %bitcast3A_1205 = vector.bitcast %get3A_1204 : vector<16xi32> to vector<32xbf16>
        %unpack3A_1206 = tpu.unpack_subelements %bitcast3A_1205, 0 {pack_format = #tpu.pack_format<interleaved>} : vector<32xbf16> -> vector<16xf32>
        %unpack3A_1207 = tpu.unpack_subelements %bitcast3A_1205, 1 {pack_format = #tpu.pack_format<interleaved>} : vector<32xbf16> -> vector<16xf32>
        %get3A_1208 = arith.constant 3 : i32
        %get3A_1209 = arith.index_cast %get3A_1208 : i32 to index
        %get3A_1210 = arith.index_cast %scan3A_1199 : i32 to index
        %get3A_1211 = arith.constant 16 : index
        %get3A_1212 = tpu.vector_load %arg7[%get3A_1209, %get3A_1210, %get3A_1211] {strides = array<i32>} : memref<4x200x32xi32, #tpu.memory_space<vmem>>, vector<16xi32>,
        %bitcast3A_1213 = vector.bitcast %get3A_1212 : vector<16xi32> to vector<32xbf16>
        %unpack3A_1214 = tpu.unpack_subelements %bitcast3A_1213, 0 {pack_format = #tpu.pack_format<interleaved>} : vector<32xbf16> -> vector<16xf32>
        %unpack3A_1215 = tpu.unpack_subelements %bitcast3A_1213, 1 {pack_format = #tpu.pack_format<interleaved>} : vector<32xbf16> -> vector<16xf32>
        %add3A_1216 = arith.addf %add3A_1194, %unpack3A_1206 : vector<16xf32>
        %add3A_1217 = arith.addf %add3A_1195, %unpack3A_1207 : vector<16xf32>
        %add3A_1218 = arith.addf %add3A_1196, %unpack3A_1214 : vector<16xf32>
        %add3A_1219 = arith.addf %add3A_1197, %unpack3A_1215 : vector<16xf32>
        %scan3A_1220 = arith.constant 9 : i32
        %scan3A_1221 = arith.addi %scan3A_1019, %scan3A_1220 : i32
        %get3A_1222 = arith.constant 3 : i32
        %get3A_1223 = arith.index_cast %get3A_1222 : i32 to index
        %get3A_1224 = arith.index_cast %scan3A_1221 : i32 to index
        %get3A_1225 = arith.constant 0 : index
        %get3A_1226 = tpu.vector_load %arg7[%get3A_1223, %get3A_1224, %get3A_1225] {strides = array<i32>} : memref<4x200x32xi32, #tpu.memory_space<vmem>>, vector<16xi32>,
        %bitcast3A_1227 = vector.bitcast %get3A_1226 : vector<16xi32> to vector<32xbf16>
        %unpack3A_1228 = tpu.unpack_subelements %bitcast3A_1227, 0 {pack_format = #tpu.pack_format<interleaved>} : vector<32xbf16> -> vector<16xf32>
        %unpack3A_1229 = tpu.unpack_subelements %bitcast3A_1227, 1 {pack_format = #tpu.pack_format<interleaved>} : vector<32xbf16> -> vector<16xf32>
        %get3A_1230 = arith.constant 3 : i32
        %get3A_1231 = arith.index_cast %get3A_1230 : i32 to index
        %get3A_1232 = arith.index_cast %scan3A_1221 : i32 to index
        %get3A_1233 = arith.constant 16 : index
        %get3A_1234 = tpu.vector_load %arg7[%get3A_1231, %get3A_1232, %get3A_1233] {strides = array<i32>} : memref<4x200x32xi32, #tpu.memory_space<vmem>>, vector<16xi32>,
        %bitcast3A_1235 = vector.bitcast %get3A_1234 : vector<16xi32> to vector<32xbf16>
        %unpack3A_1236 = tpu.unpack_subelements %bitcast3A_1235, 0 {pack_format = #tpu.pack_format<interleaved>} : vector<32xbf16> -> vector<16xf32>
        %unpack3A_1237 = tpu.unpack_subelements %bitcast3A_1235, 1 {pack_format = #tpu.pack_format<interleaved>} : vector<32xbf16> -> vector<16xf32>
        %add3A_1238 = arith.addf %add3A_1216, %unpack3A_1228 : vector<16xf32>
        %add3A_1239 = arith.addf %add3A_1217, %unpack3A_1229 : vector<16xf32>
        %add3A_1240 = arith.addf %add3A_1218, %unpack3A_1236 : vector<16xf32>
        %add3A_1241 = arith.addf %add3A_1219, %unpack3A_1237 : vector<16xf32>
        %scan3A_1242 = arith.constant 10 : i32
        %scan3A_1243 = arith.addi %scan3A_1019, %scan3A_1242 : i32
        %get3A_1244 = arith.constant 3 : i32
        %get3A_1245 = arith.index_cast %get3A_1244 : i32 to index
        %get3A_1246 = arith.index_cast %scan3A_1243 : i32 to index
        %get3A_1247 = arith.constant 0 : index
        %get3A_1248 = tpu.vector_load %arg7[%get3A_1245, %get3A_1246, %get3A_1247] {strides = array<i32>} : memref<4x200x32xi32, #tpu.memory_space<vmem>>, vector<16xi32>,
        %bitcast3A_1249 = vector.bitcast %get3A_1248 : vector<16xi32> to vector<32xbf16>
        %unpack3A_1250 = tpu.unpack_subelements %bitcast3A_1249, 0 {pack_format = #tpu.pack_format<interleaved>} : vector<32xbf16> -> vector<16xf32>
        %unpack3A_1251 = tpu.unpack_subelements %bitcast3A_1249, 1 {pack_format = #tpu.pack_format<interleaved>} : vector<32xbf16> -> vector<16xf32>
        %get3A_1252 = arith.constant 3 : i32
        %get3A_1253 = arith.index_cast %get3A_1252 : i32 to index
        %get3A_1254 = arith.index_cast %scan3A_1243 : i32 to index
        %get3A_1255 = arith.constant 16 : index
        %get3A_1256 = tpu.vector_load %arg7[%get3A_1253, %get3A_1254, %get3A_1255] {strides = array<i32>} : memref<4x200x32xi32, #tpu.memory_space<vmem>>, vector<16xi32>,
        %bitcast3A_1257 = vector.bitcast %get3A_1256 : vector<16xi32> to vector<32xbf16>
        %unpack3A_1258 = tpu.unpack_subelements %bitcast3A_1257, 0 {pack_format = #tpu.pack_format<interleaved>} : vector<32xbf16> -> vector<16xf32>
        %unpack3A_1259 = tpu.unpack_subelements %bitcast3A_1257, 1 {pack_format = #tpu.pack_format<interleaved>} : vector<32xbf16> -> vector<16xf32>
        %add3A_1260 = arith.addf %add3A_1238, %unpack3A_1250 : vector<16xf32>
        %add3A_1261 = arith.addf %add3A_1239, %unpack3A_1251 : vector<16xf32>
        %add3A_1262 = arith.addf %add3A_1240, %unpack3A_1258 : vector<16xf32>
        %add3A_1263 = arith.addf %add3A_1241, %unpack3A_1259 : vector<16xf32>
        %scan3A_1264 = arith.constant 11 : i32
        %scan3A_1265 = arith.addi %scan3A_1019, %scan3A_1264 : i32
        %get3A_1266 = arith.constant 3 : i32
        %get3A_1267 = arith.index_cast %get3A_1266 : i32 to index
        %get3A_1268 = arith.index_cast %scan3A_1265 : i32 to index
        %get3A_1269 = arith.constant 0 : index
        %get3A_1270 = tpu.vector_load %arg7[%get3A_1267, %get3A_1268, %get3A_1269] {strides = array<i32>} : memref<4x200x32xi32, #tpu.memory_space<vmem>>, vector<16xi32>,
        %bitcast3A_1271 = vector.bitcast %get3A_1270 : vector<16xi32> to vector<32xbf16>
        %unpack3A_1272 = tpu.unpack_subelements %bitcast3A_1271, 0 {pack_format = #tpu.pack_format<interleaved>} : vector<32xbf16> -> vector<16xf32>
        %unpack3A_1273 = tpu.unpack_subelements %bitcast3A_1271, 1 {pack_format = #tpu.pack_format<interleaved>} : vector<32xbf16> -> vector<16xf32>
        %get3A_1274 = arith.constant 3 : i32
        %get3A_1275 = arith.index_cast %get3A_1274 : i32 to index
        %get3A_1276 = arith.index_cast %scan3A_1265 : i32 to index
        %get3A_1277 = arith.constant 16 : index
        %get3A_1278 = tpu.vector_load %arg7[%get3A_1275, %get3A_1276, %get3A_1277] {strides = array<i32>} : memref<4x200x32xi32, #tpu.memory_space<vmem>>, vector<16xi32>,
        %bitcast3A_1279 = vector.bitcast %get3A_1278 : vector<16xi32> to vector<32xbf16>
        %unpack3A_1280 = tpu.unpack_subelements %bitcast3A_1279, 0 {pack_format = #tpu.pack_format<interleaved>} : vector<32xbf16> -> vector<16xf32>
        %unpack3A_1281 = tpu.unpack_subelements %bitcast3A_1279, 1 {pack_format = #tpu.pack_format<interleaved>} : vector<32xbf16> -> vector<16xf32>
        %add3A_1282 = arith.addf %add3A_1260, %unpack3A_1272 : vector<16xf32>
        %add3A_1283 = arith.addf %add3A_1261, %unpack3A_1273 : vector<16xf32>
        %add3A_1284 = arith.addf %add3A_1262, %unpack3A_1280 : vector<16xf32>
        %add3A_1285 = arith.addf %add3A_1263, %unpack3A_1281 : vector<16xf32>
        %scan3A_1286 = arith.constant 12 : i32
        %scan3A_1287 = arith.addi %scan3A_1019, %scan3A_1286 : i32
        %get3A_1288 = arith.constant 3 : i32
        %get3A_1289 = arith.index_cast %get3A_1288 : i32 to index
        %get3A_1290 = arith.index_cast %scan3A_1287 : i32 to index
        %get3A_1291 = arith.constant 0 : index
        %get3A_1292 = tpu.vector_load %arg7[%get3A_1289, %get3A_1290, %get3A_1291] {strides = array<i32>} : memref<4x200x32xi32, #tpu.memory_space<vmem>>, vector<16xi32>,
        %bitcast3A_1293 = vector.bitcast %get3A_1292 : vector<16xi32> to vector<32xbf16>
        %unpack3A_1294 = tpu.unpack_subelements %bitcast3A_1293, 0 {pack_format = #tpu.pack_format<interleaved>} : vector<32xbf16> -> vector<16xf32>
        %unpack3A_1295 = tpu.unpack_subelements %bitcast3A_1293, 1 {pack_format = #tpu.pack_format<interleaved>} : vector<32xbf16> -> vector<16xf32>
        %get3A_1296 = arith.constant 3 : i32
        %get3A_1297 = arith.index_cast %get3A_1296 : i32 to index
        %get3A_1298 = arith.index_cast %scan3A_1287 : i32 to index
        %get3A_1299 = arith.constant 16 : index
        %get3A_1300 = tpu.vector_load %arg7[%get3A_1297, %get3A_1298, %get3A_1299] {strides = array<i32>} : memref<4x200x32xi32, #tpu.memory_space<vmem>>, vector<16xi32>,
        %bitcast3A_1301 = vector.bitcast %get3A_1300 : vector<16xi32> to vector<32xbf16>
        %unpack3A_1302 = tpu.unpack_subelements %bitcast3A_1301, 0 {pack_format = #tpu.pack_format<interleaved>} : vector<32xbf16> -> vector<16xf32>
        %unpack3A_1303 = tpu.unpack_subelements %bitcast3A_1301, 1 {pack_format = #tpu.pack_format<interleaved>} : vector<32xbf16> -> vector<16xf32>
        %add3A_1304 = arith.addf %add3A_1282, %unpack3A_1294 : vector<16xf32>
        %add3A_1305 = arith.addf %add3A_1283, %unpack3A_1295 : vector<16xf32>
        %add3A_1306 = arith.addf %add3A_1284, %unpack3A_1302 : vector<16xf32>
        %add3A_1307 = arith.addf %add3A_1285, %unpack3A_1303 : vector<16xf32>
        %scan3A_1308 = arith.constant 13 : i32
        %scan3A_1309 = arith.addi %scan3A_1019, %scan3A_1308 : i32
        %get3A_1310 = arith.constant 3 : i32
        %get3A_1311 = arith.index_cast %get3A_1310 : i32 to index
        %get3A_1312 = arith.index_cast %scan3A_1309 : i32 to index
        %get3A_1313 = arith.constant 0 : index
        %get3A_1314 = tpu.vector_load %arg7[%get3A_1311, %get3A_1312, %get3A_1313] {strides = array<i32>} : memref<4x200x32xi32, #tpu.memory_space<vmem>>, vector<16xi32>,
        %bitcast3A_1315 = vector.bitcast %get3A_1314 : vector<16xi32> to vector<32xbf16>
        %unpack3A_1316 = tpu.unpack_subelements %bitcast3A_1315, 0 {pack_format = #tpu.pack_format<interleaved>} : vector<32xbf16> -> vector<16xf32>
        %unpack3A_1317 = tpu.unpack_subelements %bitcast3A_1315, 1 {pack_format = #tpu.pack_format<interleaved>} : vector<32xbf16> -> vector<16xf32>
        %get3A_1318 = arith.constant 3 : i32
        %get3A_1319 = arith.index_cast %get3A_1318 : i32 to index
        %get3A_1320 = arith.index_cast %scan3A_1309 : i32 to index
        %get3A_1321 = arith.constant 16 : index
        %get3A_1322 = tpu.vector_load %arg7[%get3A_1319, %get3A_1320, %get3A_1321] {strides = array<i32>} : memref<4x200x32xi32, #tpu.memory_space<vmem>>, vector<16xi32>,
        %bitcast3A_1323 = vector.bitcast %get3A_1322 : vector<16xi32> to vector<32xbf16>
        %unpack3A_1324 = tpu.unpack_subelements %bitcast3A_1323, 0 {pack_format = #tpu.pack_format<interleaved>} : vector<32xbf16> -> vector<16xf32>
        %unpack3A_1325 = tpu.unpack_subelements %bitcast3A_1323, 1 {pack_format = #tpu.pack_format<interleaved>} : vector<32xbf16> -> vector<16xf32>
        %add3A_1326 = arith.addf %add3A_1304, %unpack3A_1316 : vector<16xf32>
        %add3A_1327 = arith.addf %add3A_1305, %unpack3A_1317 : vector<16xf32>
        %add3A_1328 = arith.addf %add3A_1306, %unpack3A_1324 : vector<16xf32>
        %add3A_1329 = arith.addf %add3A_1307, %unpack3A_1325 : vector<16xf32>
        %scan3A_1330 = arith.constant 14 : i32
        %scan3A_1331 = arith.addi %scan3A_1019, %scan3A_1330 : i32
        %get3A_1332 = arith.constant 3 : i32
        %get3A_1333 = arith.index_cast %get3A_1332 : i32 to index
        %get3A_1334 = arith.index_cast %scan3A_1331 : i32 to index
        %get3A_1335 = arith.constant 0 : index
        %get3A_1336 = tpu.vector_load %arg7[%get3A_1333, %get3A_1334, %get3A_1335] {strides = array<i32>} : memref<4x200x32xi32, #tpu.memory_space<vmem>>, vector<16xi32>,
        %bitcast3A_1337 = vector.bitcast %get3A_1336 : vector<16xi32> to vector<32xbf16>
        %unpack3A_1338 = tpu.unpack_subelements %bitcast3A_1337, 0 {pack_format = #tpu.pack_format<interleaved>} : vector<32xbf16> -> vector<16xf32>
        %unpack3A_1339 = tpu.unpack_subelements %bitcast3A_1337, 1 {pack_format = #tpu.pack_format<interleaved>} : vector<32xbf16> -> vector<16xf32>
        %get3A_1340 = arith.constant 3 : i32
        %get3A_1341 = arith.index_cast %get3A_1340 : i32 to index
        %get3A_1342 = arith.index_cast %scan3A_1331 : i32 to index
        %get3A_1343 = arith.constant 16 : index
        %get3A_1344 = tpu.vector_load %arg7[%get3A_1341, %get3A_1342, %get3A_1343] {strides = array<i32>} : memref<4x200x32xi32, #tpu.memory_space<vmem>>, vector<16xi32>,
        %bitcast3A_1345 = vector.bitcast %get3A_1344 : vector<16xi32> to vector<32xbf16>
        %unpack3A_1346 = tpu.unpack_subelements %bitcast3A_1345, 0 {pack_format = #tpu.pack_format<interleaved>} : vector<32xbf16> -> vector<16xf32>
        %unpack3A_1347 = tpu.unpack_subelements %bitcast3A_1345, 1 {pack_format = #tpu.pack_format<interleaved>} : vector<32xbf16> -> vector<16xf32>
        %add3A_1348 = arith.addf %add3A_1326, %unpack3A_1338 : vector<16xf32>
        %add3A_1349 = arith.addf %add3A_1327, %unpack3A_1339 : vector<16xf32>
        %add3A_1350 = arith.addf %add3A_1328, %unpack3A_1346 : vector<16xf32>
        %add3A_1351 = arith.addf %add3A_1329, %unpack3A_1347 : vector<16xf32>
        %scan3A_1352 = arith.constant 15 : i32
        %scan3A_1353 = arith.addi %scan3A_1019, %scan3A_1352 : i32
        %get3A_1354 = arith.constant 3 : i32
        %get3A_1355 = arith.index_cast %get3A_1354 : i32 to index
        %get3A_1356 = arith.index_cast %scan3A_1353 : i32 to index
        %get3A_1357 = arith.constant 0 : index
        %get3A_1358 = tpu.vector_load %arg7[%get3A_1355, %get3A_1356, %get3A_1357] {strides = array<i32>} : memref<4x200x32xi32, #tpu.memory_space<vmem>>, vector<16xi32>,
        %bitcast3A_1359 = vector.bitcast %get3A_1358 : vector<16xi32> to vector<32xbf16>
        %unpack3A_1360 = tpu.unpack_subelements %bitcast3A_1359, 0 {pack_format = #tpu.pack_format<interleaved>} : vector<32xbf16> -> vector<16xf32>
        %unpack3A_1361 = tpu.unpack_subelements %bitcast3A_1359, 1 {pack_format = #tpu.pack_format<interleaved>} : vector<32xbf16> -> vector<16xf32>
        %get3A_1362 = arith.constant 3 : i32
        %get3A_1363 = arith.index_cast %get3A_1362 : i32 to index
        %get3A_1364 = arith.index_cast %scan3A_1353 : i32 to index
        %get3A_1365 = arith.constant 16 : index
        %get3A_1366 = tpu.vector_load %arg7[%get3A_1363, %get3A_1364, %get3A_1365] {strides = array<i32>} : memref<4x200x32xi32, #tpu.memory_space<vmem>>, vector<16xi32>,
        %bitcast3A_1367 = vector.bitcast %get3A_1366 : vector<16xi32> to vector<32xbf16>
        %unpack3A_1368 = tpu.unpack_subelements %bitcast3A_1367, 0 {pack_format = #tpu.pack_format<interleaved>} : vector<32xbf16> -> vector<16xf32>
        %unpack3A_1369 = tpu.unpack_subelements %bitcast3A_1367, 1 {pack_format = #tpu.pack_format<interleaved>} : vector<32xbf16> -> vector<16xf32>
        %add3A_1370 = arith.addf %add3A_1348, %unpack3A_1360 : vector<16xf32>
        %add3A_1371 = arith.addf %add3A_1349, %unpack3A_1361 : vector<16xf32>
        %add3A_1372 = arith.addf %add3A_1350, %unpack3A_1368 : vector<16xf32>
        %add3A_1373 = arith.addf %add3A_1351, %unpack3A_1369 : vector<16xf32>
        scf.yield %add3A_1370, %add3A_1371, %add3A_1372, %add3A_1373 : vector<16xf32>, vector<16xf32>, vector<16xf32>, vector<16xf32>
      }
      %scan3A_818 = arith.constant 192 : i32
      %scan3A_819 = arith.addi %scan3A_813, %scan3A_818 : i32
      %get3A_820 = arith.constant 3 : i32
      %get3A_821 = arith.index_cast %get3A_820 : i32 to index
      %get3A_822 = arith.index_cast %scan3A_819 : i32 to index
      %get3A_823 = arith.constant 0 : index
      %get3A_824 = tpu.vector_load %arg7[%get3A_821, %get3A_822, %get3A_823] {strides = array<i32>} : memref<4x200x32xi32, #tpu.memory_space<vmem>>, vector<16xi32>,
      %bitcast3A_825 = vector.bitcast %get3A_824 : vector<16xi32> to vector<32xbf16>
      %unpack3A_826 = tpu.unpack_subelements %bitcast3A_825, 0 {pack_format = #tpu.pack_format<interleaved>} : vector<32xbf16> -> vector<16xf32>
      %unpack3A_827 = tpu.unpack_subelements %bitcast3A_825, 1 {pack_format = #tpu.pack_format<interleaved>} : vector<32xbf16> -> vector<16xf32>
      %get3A_828 = arith.constant 3 : i32
      %get3A_829 = arith.index_cast %get3A_828 : i32 to index
      %get3A_830 = arith.index_cast %scan3A_819 : i32 to index
      %get3A_831 = arith.constant 16 : index
      %get3A_832 = tpu.vector_load %arg7[%get3A_829, %get3A_830, %get3A_831] {strides = array<i32>} : memref<4x200x32xi32, #tpu.memory_space<vmem>>, vector<16xi32>,
      %bitcast3A_833 = vector.bitcast %get3A_832 : vector<16xi32> to vector<32xbf16>
      %unpack3A_834 = tpu.unpack_subelements %bitcast3A_833, 0 {pack_format = #tpu.pack_format<interleaved>} : vector<32xbf16> -> vector<16xf32>
      %unpack3A_835 = tpu.unpack_subelements %bitcast3A_833, 1 {pack_format = #tpu.pack_format<interleaved>} : vector<32xbf16> -> vector<16xf32>
      %add3A_836 = arith.addf %scan3A_817#0, %unpack3A_826 : vector<16xf32>
      %add3A_837 = arith.addf %scan3A_817#1, %unpack3A_827 : vector<16xf32>
      %add3A_838 = arith.addf %scan3A_817#2, %unpack3A_834 : vector<16xf32>
      %add3A_839 = arith.addf %scan3A_817#3, %unpack3A_835 : vector<16xf32>
      %scan3A_840 = arith.constant 193 : i32
      %scan3A_841 = arith.addi %scan3A_813, %scan3A_840 : i32
      %get3A_842 = arith.constant 3 : i32
      %get3A_843 = arith.index_cast %get3A_842 : i32 to index
      %get3A_844 = arith.index_cast %scan3A_841 : i32 to index
      %get3A_845 = arith.constant 0 : index
      %get3A_846 = tpu.vector_load %arg7[%get3A_843, %get3A_844, %get3A_845] {strides = array<i32>} : memref<4x200x32xi32, #tpu.memory_space<vmem>>, vector<16xi32>,
      %bitcast3A_847 = vector.bitcast %get3A_846 : vector<16xi32> to vector<32xbf16>
      %unpack3A_848 = tpu.unpack_subelements %bitcast3A_847, 0 {pack_format = #tpu.pack_format<interleaved>} : vector<32xbf16> -> vector<16xf32>
      %unpack3A_849 = tpu.unpack_subelements %bitcast3A_847, 1 {pack_format = #tpu.pack_format<interleaved>} : vector<32xbf16> -> vector<16xf32>
      %get3A_850 = arith.constant 3 : i32
      %get3A_851 = arith.index_cast %get3A_850 : i32 to index
      %get3A_852 = arith.index_cast %scan3A_841 : i32 to index
      %get3A_853 = arith.constant 16 : index
      %get3A_854 = tpu.vector_load %arg7[%get3A_851, %get3A_852, %get3A_853] {strides = array<i32>} : memref<4x200x32xi32, #tpu.memory_space<vmem>>, vector<16xi32>,
      %bitcast3A_855 = vector.bitcast %get3A_854 : vector<16xi32> to vector<32xbf16>
      %unpack3A_856 = tpu.unpack_subelements %bitcast3A_855, 0 {pack_format = #tpu.pack_format<interleaved>} : vector<32xbf16> -> vector<16xf32>
      %unpack3A_857 = tpu.unpack_subelements %bitcast3A_855, 1 {pack_format = #tpu.pack_format<interleaved>} : vector<32xbf16> -> vector<16xf32>
      %add3A_858 = arith.addf %add3A_836, %unpack3A_848 : vector<16xf32>
      %add3A_859 = arith.addf %add3A_837, %unpack3A_849 : vector<16xf32>
      %add3A_860 = arith.addf %add3A_838, %unpack3A_856 : vector<16xf32>
      %add3A_861 = arith.addf %add3A_839, %unpack3A_857 : vector<16xf32>
      %scan3A_862 = arith.constant 194 : i32
      %scan3A_863 = arith.addi %scan3A_813, %scan3A_862 : i32
      %get3A_864 = arith.constant 3 : i32
      %get3A_865 = arith.index_cast %get3A_864 : i32 to index
      %get3A_866 = arith.index_cast %scan3A_863 : i32 to index
      %get3A_867 = arith.constant 0 : index
      %get3A_868 = tpu.vector_load %arg7[%get3A_865, %get3A_866, %get3A_867] {strides = array<i32>} : memref<4x200x32xi32, #tpu.memory_space<vmem>>, vector<16xi32>,
      %bitcast3A_869 = vector.bitcast %get3A_868 : vector<16xi32> to vector<32xbf16>
      %unpack3A_870 = tpu.unpack_subelements %bitcast3A_869, 0 {pack_format = #tpu.pack_format<interleaved>} : vector<32xbf16> -> vector<16xf32>
      %unpack3A_871 = tpu.unpack_subelements %bitcast3A_869, 1 {pack_format = #tpu.pack_format<interleaved>} : vector<32xbf16> -> vector<16xf32>
      %get3A_872 = arith.constant 3 : i32
      %get3A_873 = arith.index_cast %get3A_872 : i32 to index
      %get3A_874 = arith.index_cast %scan3A_863 : i32 to index
      %get3A_875 = arith.constant 16 : index
      %get3A_876 = tpu.vector_load %arg7[%get3A_873, %get3A_874, %get3A_875] {strides = array<i32>} : memref<4x200x32xi32, #tpu.memory_space<vmem>>, vector<16xi32>,
      %bitcast3A_877 = vector.bitcast %get3A_876 : vector<16xi32> to vector<32xbf16>
      %unpack3A_878 = tpu.unpack_subelements %bitcast3A_877, 0 {pack_format = #tpu.pack_format<interleaved>} : vector<32xbf16> -> vector<16xf32>
      %unpack3A_879 = tpu.unpack_subelements %bitcast3A_877, 1 {pack_format = #tpu.pack_format<interleaved>} : vector<32xbf16> -> vector<16xf32>
      %add3A_880 = arith.addf %add3A_858, %unpack3A_870 : vector<16xf32>
      %add3A_881 = arith.addf %add3A_859, %unpack3A_871 : vector<16xf32>
      %add3A_882 = arith.addf %add3A_860, %unpack3A_878 : vector<16xf32>
      %add3A_883 = arith.addf %add3A_861, %unpack3A_879 : vector<16xf32>
      %scan3A_884 = arith.constant 195 : i32
      %scan3A_885 = arith.addi %scan3A_813, %scan3A_884 : i32
      %get3A_886 = arith.constant 3 : i32
      %get3A_887 = arith.index_cast %get3A_886 : i32 to index
      %get3A_888 = arith.index_cast %scan3A_885 : i32 to index
      %get3A_889 = arith.constant 0 : index
      %get3A_890 = tpu.vector_load %arg7[%get3A_887, %get3A_888, %get3A_889] {strides = array<i32>} : memref<4x200x32xi32, #tpu.memory_space<vmem>>, vector<16xi32>,
      %bitcast3A_891 = vector.bitcast %get3A_890 : vector<16xi32> to vector<32xbf16>
      %unpack3A_892 = tpu.unpack_subelements %bitcast3A_891, 0 {pack_format = #tpu.pack_format<interleaved>} : vector<32xbf16> -> vector<16xf32>
      %unpack3A_893 = tpu.unpack_subelements %bitcast3A_891, 1 {pack_format = #tpu.pack_format<interleaved>} : vector<32xbf16> -> vector<16xf32>
      %get3A_894 = arith.constant 3 : i32
      %get3A_895 = arith.index_cast %get3A_894 : i32 to index
      %get3A_896 = arith.index_cast %scan3A_885 : i32 to index
      %get3A_897 = arith.constant 16 : index
      %get3A_898 = tpu.vector_load %arg7[%get3A_895, %get3A_896, %get3A_897] {strides = array<i32>} : memref<4x200x32xi32, #tpu.memory_space<vmem>>, vector<16xi32>,
      %bitcast3A_899 = vector.bitcast %get3A_898 : vector<16xi32> to vector<32xbf16>
      %unpack3A_900 = tpu.unpack_subelements %bitcast3A_899, 0 {pack_format = #tpu.pack_format<interleaved>} : vector<32xbf16> -> vector<16xf32>
      %unpack3A_901 = tpu.unpack_subelements %bitcast3A_899, 1 {pack_format = #tpu.pack_format<interleaved>} : vector<32xbf16> -> vector<16xf32>
      %add3A_902 = arith.addf %add3A_880, %unpack3A_892 : vector<16xf32>
      %add3A_903 = arith.addf %add3A_881, %unpack3A_893 : vector<16xf32>
      %add3A_904 = arith.addf %add3A_882, %unpack3A_900 : vector<16xf32>
      %add3A_905 = arith.addf %add3A_883, %unpack3A_901 : vector<16xf32>
      %scan3A_906 = arith.constant 196 : i32
      %scan3A_907 = arith.addi %scan3A_813, %scan3A_906 : i32
      %get3A_908 = arith.constant 3 : i32
      %get3A_909 = arith.index_cast %get3A_908 : i32 to index
      %get3A_910 = arith.index_cast %scan3A_907 : i32 to index
      %get3A_911 = arith.constant 0 : index
      %get3A_912 = tpu.vector_load %arg7[%get3A_909, %get3A_910, %get3A_911] {strides = array<i32>} : memref<4x200x32xi32, #tpu.memory_space<vmem>>, vector<16xi32>,
      %bitcast3A_913 = vector.bitcast %get3A_912 : vector<16xi32> to vector<32xbf16>
      %unpack3A_914 = tpu.unpack_subelements %bitcast3A_913, 0 {pack_format = #tpu.pack_format<interleaved>} : vector<32xbf16> -> vector<16xf32>
      %unpack3A_915 = tpu.unpack_subelements %bitcast3A_913, 1 {pack_format = #tpu.pack_format<interleaved>} : vector<32xbf16> -> vector<16xf32>
      %get3A_916 = arith.constant 3 : i32
      %get3A_917 = arith.index_cast %get3A_916 : i32 to index
      %get3A_918 = arith.index_cast %scan3A_907 : i32 to index
      %get3A_919 = arith.constant 16 : index
      %get3A_920 = tpu.vector_load %arg7[%get3A_917, %get3A_918, %get3A_919] {strides = array<i32>} : memref<4x200x32xi32, #tpu.memory_space<vmem>>, vector<16xi32>,
      %bitcast3A_921 = vector.bitcast %get3A_920 : vector<16xi32> to vector<32xbf16>
      %unpack3A_922 = tpu.unpack_subelements %bitcast3A_921, 0 {pack_format = #tpu.pack_format<interleaved>} : vector<32xbf16> -> vector<16xf32>
      %unpack3A_923 = tpu.unpack_subelements %bitcast3A_921, 1 {pack_format = #tpu.pack_format<interleaved>} : vector<32xbf16> -> vector<16xf32>
      %add3A_924 = arith.addf %add3A_902, %unpack3A_914 : vector<16xf32>
      %add3A_925 = arith.addf %add3A_903, %unpack3A_915 : vector<16xf32>
      %add3A_926 = arith.addf %add3A_904, %unpack3A_922 : vector<16xf32>
      %add3A_927 = arith.addf %add3A_905, %unpack3A_923 : vector<16xf32>
      %scan3A_928 = arith.constant 197 : i32
      %scan3A_929 = arith.addi %scan3A_813, %scan3A_928 : i32
      %get3A_930 = arith.constant 3 : i32
      %get3A_931 = arith.index_cast %get3A_930 : i32 to index
      %get3A_932 = arith.index_cast %scan3A_929 : i32 to index
      %get3A_933 = arith.constant 0 : index
      %get3A_934 = tpu.vector_load %arg7[%get3A_931, %get3A_932, %get3A_933] {strides = array<i32>} : memref<4x200x32xi32, #tpu.memory_space<vmem>>, vector<16xi32>,
      %bitcast3A_935 = vector.bitcast %get3A_934 : vector<16xi32> to vector<32xbf16>
      %unpack3A_936 = tpu.unpack_subelements %bitcast3A_935, 0 {pack_format = #tpu.pack_format<interleaved>} : vector<32xbf16> -> vector<16xf32>
      %unpack3A_937 = tpu.unpack_subelements %bitcast3A_935, 1 {pack_format = #tpu.pack_format<interleaved>} : vector<32xbf16> -> vector<16xf32>
      %get3A_938 = arith.constant 3 : i32
      %get3A_939 = arith.index_cast %get3A_938 : i32 to index
      %get3A_940 = arith.index_cast %scan3A_929 : i32 to index
      %get3A_941 = arith.constant 16 : index
      %get3A_942 = tpu.vector_load %arg7[%get3A_939, %get3A_940, %get3A_941] {strides = array<i32>} : memref<4x200x32xi32, #tpu.memory_space<vmem>>, vector<16xi32>,
      %bitcast3A_943 = vector.bitcast %get3A_942 : vector<16xi32> to vector<32xbf16>
      %unpack3A_944 = tpu.unpack_subelements %bitcast3A_943, 0 {pack_format = #tpu.pack_format<interleaved>} : vector<32xbf16> -> vector<16xf32>
      %unpack3A_945 = tpu.unpack_subelements %bitcast3A_943, 1 {pack_format = #tpu.pack_format<interleaved>} : vector<32xbf16> -> vector<16xf32>
      %add3A_946 = arith.addf %add3A_924, %unpack3A_936 : vector<16xf32>
      %add3A_947 = arith.addf %add3A_925, %unpack3A_937 : vector<16xf32>
      %add3A_948 = arith.addf %add3A_926, %unpack3A_944 : vector<16xf32>
      %add3A_949 = arith.addf %add3A_927, %unpack3A_945 : vector<16xf32>
      %scan3A_950 = arith.constant 198 : i32
      %scan3A_951 = arith.addi %scan3A_813, %scan3A_950 : i32
      %get3A_952 = arith.constant 3 : i32
      %get3A_953 = arith.index_cast %get3A_952 : i32 to index
      %get3A_954 = arith.index_cast %scan3A_951 : i32 to index
      %get3A_955 = arith.constant 0 : index
      %get3A_956 = tpu.vector_load %arg7[%get3A_953, %get3A_954, %get3A_955] {strides = array<i32>} : memref<4x200x32xi32, #tpu.memory_space<vmem>>, vector<16xi32>,
      %bitcast3A_957 = vector.bitcast %get3A_956 : vector<16xi32> to vector<32xbf16>
      %unpack3A_958 = tpu.unpack_subelements %bitcast3A_957, 0 {pack_format = #tpu.pack_format<interleaved>} : vector<32xbf16> -> vector<16xf32>
      %unpack3A_959 = tpu.unpack_subelements %bitcast3A_957, 1 {pack_format = #tpu.pack_format<interleaved>} : vector<32xbf16> -> vector<16xf32>
      %get3A_960 = arith.constant 3 : i32
      %get3A_961 = arith.index_cast %get3A_960 : i32 to index
      %get3A_962 = arith.index_cast %scan3A_951 : i32 to index
      %get3A_963 = arith.constant 16 : index
      %get3A_964 = tpu.vector_load %arg7[%get3A_961, %get3A_962, %get3A_963] {strides = array<i32>} : memref<4x200x32xi32, #tpu.memory_space<vmem>>, vector<16xi32>,
      %bitcast3A_965 = vector.bitcast %get3A_964 : vector<16xi32> to vector<32xbf16>
      %unpack3A_966 = tpu.unpack_subelements %bitcast3A_965, 0 {pack_format = #tpu.pack_format<interleaved>} : vector<32xbf16> -> vector<16xf32>
      %unpack3A_967 = tpu.unpack_subelements %bitcast3A_965, 1 {pack_format = #tpu.pack_format<interleaved>} : vector<32xbf16> -> vector<16xf32>
      %add3A_968 = arith.addf %add3A_946, %unpack3A_958 : vector<16xf32>
      %add3A_969 = arith.addf %add3A_947, %unpack3A_959 : vector<16xf32>
      %add3A_970 = arith.addf %add3A_948, %unpack3A_966 : vector<16xf32>
      %add3A_971 = arith.addf %add3A_949, %unpack3A_967 : vector<16xf32>
      %scan3A_972 = arith.constant 199 : i32
      %scan3A_973 = arith.addi %scan3A_813, %scan3A_972 : i32
      %get3A_974 = arith.constant 3 : i32
      %get3A_975 = arith.index_cast %get3A_974 : i32 to index
      %get3A_976 = arith.index_cast %scan3A_973 : i32 to index
      %get3A_977 = arith.constant 0 : index
      %get3A_978 = tpu.vector_load %arg7[%get3A_975, %get3A_976, %get3A_977] {strides = array<i32>} : memref<4x200x32xi32, #tpu.memory_space<vmem>>, vector<16xi32>,
      %bitcast3A_979 = vector.bitcast %get3A_978 : vector<16xi32> to vector<32xbf16>
      %unpack3A_980 = tpu.unpack_subelements %bitcast3A_979, 0 {pack_format = #tpu.pack_format<interleaved>} : vector<32xbf16> -> vector<16xf32>
      %unpack3A_981 = tpu.unpack_subelements %bitcast3A_979, 1 {pack_format = #tpu.pack_format<interleaved>} : vector<32xbf16> -> vector<16xf32>
      %get3A_982 = arith.constant 3 : i32
      %get3A_983 = arith.index_cast %get3A_982 : i32 to index
      %get3A_984 = arith.index_cast %scan3A_973 : i32 to index
      %get3A_985 = arith.constant 16 : index
      %get3A_986 = tpu.vector_load %arg7[%get3A_983, %get3A_984, %get3A_985] {strides = array<i32>} : memref<4x200x32xi32, #tpu.memory_space<vmem>>, vector<16xi32>,
      %bitcast3A_987 = vector.bitcast %get3A_986 : vector<16xi32> to vector<32xbf16>
      %unpack3A_988 = tpu.unpack_subelements %bitcast3A_987, 0 {pack_format = #tpu.pack_format<interleaved>} : vector<32xbf16> -> vector<16xf32>
      %unpack3A_989 = tpu.unpack_subelements %bitcast3A_987, 1 {pack_format = #tpu.pack_format<interleaved>} : vector<32xbf16> -> vector<16xf32>
      %add3A_990 = arith.addf %add3A_968, %unpack3A_980 : vector<16xf32>
      %add3A_991 = arith.addf %add3A_969, %unpack3A_981 : vector<16xf32>
      %add3A_992 = arith.addf %add3A_970, %unpack3A_988 : vector<16xf32>
      %add3A_993 = arith.addf %add3A_971, %unpack3A_989 : vector<16xf32>
      %scan3A_994 = arith.constant 200 : i32
      %mul3A_995 = vector.broadcast %scan3A : f32 to vector<16xf32>
      %mul3A_996 = arith.mulf %add3A_990, %mul3A_995 : vector<16xf32>
      %add3A_997 = arith.addf %mul3A_996, %get3A_3 : vector<16xf32>
      %swap3A_998 = arith.index_cast %add3A_810 : i32 to index
      %swap3A_999 = arith.constant 0 : index
      %swap3A_1000 = tpu.vector_load %arg8[%swap3A_998, %swap3A_999] {strides = array<i32>} : memref<128x64xf32, #tpu.memory_space<vmem>>, vector<16xf32>,
      tpu.vector_store %arg8[%swap3A_998, %swap3A_999], %add3A_997 {strides = array<i32>} : memref<128x64xf32, #tpu.memory_space<vmem>>, vector<16xf32>,
      %mul3A_1001 = vector.broadcast %scan3A : f32 to vector<16xf32>
      %mul3A_1002 = arith.mulf %add3A_991, %mul3A_1001 : vector<16xf32>
      %add3A_1003 = arith.addf %mul3A_1002, %get3A_5 : vector<16xf32>
      %swap3A_1004 = arith.index_cast %add3A_810 : i32 to index
      %swap3A_1005 = arith.constant 16 : index
      %swap3A_1006 = tpu.vector_load %arg8[%swap3A_1004, %swap3A_1005] {strides = array<i32>} : memref<128x64xf32, #tpu.memory_space<vmem>>, vector<16xf32>,
      tpu.vector_store %arg8[%swap3A_1004, %swap3A_1005], %add3A_1003 {strides = array<i32>} : memref<128x64xf32, #tpu.memory_space<vmem>>, vector<16xf32>,
      %mul3A_1007 = vector.broadcast %scan3A : f32 to vector<16xf32>
      %mul3A_1008 = arith.mulf %add3A_992, %mul3A_1007 : vector<16xf32>
      %add3A_1009 = arith.addf %mul3A_1008, %get3A_7 : vector<16xf32>
      %swap3A_1010 = arith.index_cast %add3A_810 : i32 to index
      %swap3A_1011 = arith.constant 32 : index
      %swap3A_1012 = tpu.vector_load %arg8[%swap3A_1010, %swap3A_1011] {strides = array<i32>} : memref<128x64xf32, #tpu.memory_space<vmem>>, vector<16xf32>,
      tpu.vector_store %arg8[%swap3A_1010, %swap3A_1011], %add3A_1009 {strides = array<i32>} : memref<128x64xf32, #tpu.memory_space<vmem>>, vector<16xf32>,
      %mul3A_1013 = vector.broadcast %scan3A : f32 to vector<16xf32>
      %mul3A_1014 = arith.mulf %add3A_993, %mul3A_1013 : vector<16xf32>
      %add3A_1015 = arith.addf %mul3A_1014, %get3A_9 : vector<16xf32>
      %swap3A_1016 = arith.index_cast %add3A_810 : i32 to index
      %swap3A_1017 = arith.constant 48 : index
      %swap3A_1018 = tpu.vector_load %arg8[%swap3A_1016, %swap3A_1017] {strides = array<i32>} : memref<128x64xf32, #tpu.memory_space<vmem>>, vector<16xf32>,
      tpu.vector_store %arg8[%swap3A_1016, %swap3A_1017], %add3A_1015 {strides = array<i32>} : memref<128x64xf32, #tpu.memory_space<vmem>>, vector<16xf32>,
    }
    %scan3A_85 = arith.constant 32 : i32
    "tpu.region"() ({
      %run_scoped3A = tpu.sem_alloc : memref<!tpu.dma_semaphore, #tpu.memory_space<semaphore_mem>>
      %dma_start3A_86 = arith.constant 0 : i32
      %dma_start3A_87 = tpu.memref_slice %arg5[%mul3A_2, %dma_start3A_86] : memref<4096x64xf32, #tpu.memory_space<hbm>> -> memref<128x64xf32, #tpu.memory_space<hbm>>
      %dma_start3A_88 = arith.constant 0 : i32
      %dma_start3A_89 = tpu.memref_slice %arg5[%mul3A_2, %dma_start3A_88] : memref<4096x64xf32, #tpu.memory_space<hbm>> -> memref<128x64xf32, #tpu.memory_space<hbm>>
      tpu.enqueue_dma source(%arg8 : memref<128x64xf32, #tpu.memory_space<vmem>>) target(%dma_start3A_89 : memref<128x64xf32, #tpu.memory_space<hbm>>) target_semaphore(%run_scoped3A : memref<!tpu.dma_semaphore, #tpu.memory_space<semaphore_mem>>)
      %dma_wait3A = arith.constant 0 : i32
      %dma_wait3A_90 = tpu.memref_slice %arg5[%mul3A_2, %dma_wait3A] : memref<4096x64xf32, #tpu.memory_space<hbm>> -> memref<128x64xf32, #tpu.memory_space<hbm>>
      %dma_wait3A_91 = arith.constant 0 : i32
      %dma_wait3A_92 = tpu.memref_slice %arg5[%mul3A_2, %dma_wait3A_91] : memref<4096x64xf32, #tpu.memory_space<hbm>> -> memref<128x64xf32, #tpu.memory_space<hbm>>
      tpu.wait_dma2 semaphore(%run_scoped3A : memref<!tpu.dma_semaphore, #tpu.memory_space<semaphore_mem>>) src(%arg8 : memref<128x64xf32, #tpu.memory_space<vmem>>) dst(%dma_wait3A_92 : memref<128x64xf32, #tpu.memory_space<hbm>>)
      tpu.yield
    }) : () -> ()
    return
  }
}

module attributes {stable_mosaic.version = 14 : i64} {
  func.func @_proj_body(%arg0: i32, %arg1: memref<5000x128xf32, #tpu.memory_space<vmem>>, %arg2: memref<5000x128xf32, #tpu.memory_space<vmem>>, %arg3: memref<5000x128xf32, #tpu.memory_space<vmem>>, %arg4: memref<5000x128xf32, #tpu.memory_space<vmem>>, %arg5: memref<128x32xf32, #tpu.memory_space<vmem>>, %arg6: memref<128x32xf32, #tpu.memory_space<vmem>>, %arg7: memref<5000x128xi32, #tpu.memory_space<vmem>>) attributes {dimension_semantics = [#tpu.dimension_semantics<arbitrary>], iteration_bounds = array<i64: 5>, scalar_prefetch = 0 : i64, scratch_operands = 0 : i64, tpu.core_type = #tpu.core_type<tc>, window_params = [{transform_indices = @transform_0, window_bounds = array<i64: 5000, 128>}, {transform_indices = @transform_1, window_bounds = array<i64: 5000, 128>}, {transform_indices = @transform_2, window_bounds = array<i64: 5000, 128>}, {transform_indices = @transform_3, window_bounds = array<i64: 5000, 128>}, {pipeline_mode = #tpu.pipeline_mode<synchronous>, transform_indices = @transform_4, window_bounds = array<i64: 128, 32>}, {pipeline_mode = #tpu.pipeline_mode<synchronous>, transform_indices = @transform_5, window_bounds = array<i64: 128, 32>}, {transform_indices = @transform_6, window_bounds = array<i64: 5000, 128>}]} {
    %get3A = arith.constant 0 : index
    %get3A_0 = arith.constant 0 : index
    %get3A_1 = vector.load %arg1[%get3A, %get3A_0] : memref<5000x128xf32, #tpu.memory_space<vmem>>, vector<5000x128xf32>
    %iota3A = tpu.iota {dimensions = array<i32: 0>} : vector<5000x128xi32>
    %mul3A = arith.constant 5000 : i32
    %mul3A_2 = arith.muli %arg0, %mul3A : i32
    %add3A = vector.broadcast %mul3A_2 : i32 to vector<5000x128xi32>
    %add3A_3 = arith.addi %iota3A, %add3A : vector<5000x128xi32>
    %eq3A = arith.constant 0 : i32
    %eq3A_4 = vector.broadcast %eq3A : i32 to vector<5000x128xi32>
    %eq3A_5 = arith.cmpi eq, %add3A_3, %eq3A_4 : vector<5000x128xi32>
    %jit3A = arith.constant 0.000000e+00 : f32
    %broadcast_in_dim3A = vector.broadcast %jit3A : f32 to vector<5000x128xf32>
    %select_n3A = arith.select %eq3A_5, %broadcast_in_dim3A, %get3A_1 : vector<5000x128xi1>, vector<5000x128xf32>
    %get3A_6 = arith.constant 0 : index
    %get3A_7 = arith.constant 0 : index
    %get3A_8 = vector.load %arg5[%get3A_6, %get3A_7] : memref<128x32xf32, #tpu.memory_space<vmem>>, vector<128x32xf32>
    %dot_general3A = arith.constant dense<0.000000e+00> : vector<5000x32xf32>
    %dot_general3A_9 = tpu.matmul %select_n3A, %get3A_8, %dot_general3A {dimension_numbers = #tpu.dot_dimension_numbers<[1], [0], [0], [1], [0, 0, 1, 1], [], []>, transpose_lhs_hint = false} : vector<5000x128xf32>, vector<128x32xf32>, vector<5000x32xf32> -> vector<5000x32xf32>
    %get3A_10 = arith.constant 0 : index
    %get3A_11 = arith.constant 0 : index
    %get3A_12 = vector.load %arg6[%get3A_10, %get3A_11] : memref<128x32xf32, #tpu.memory_space<vmem>>, vector<128x32xf32>
    %dot_general3A_13 = arith.constant dense<0.000000e+00> : vector<5000x32xf32>
    %dot_general3A_14 = tpu.matmul %select_n3A, %get3A_12, %dot_general3A_13 {dimension_numbers = #tpu.dot_dimension_numbers<[1], [0], [0], [1], [0, 0, 1, 1], [], []>, transpose_lhs_hint = false} : vector<5000x128xf32>, vector<128x32xf32>, vector<5000x32xf32> -> vector<5000x32xf32>
    %convert_element_type3A = arith.truncf %dot_general3A_9 : vector<5000x32xf32> to vector<5000x32xbf16>
    %convert_element_type3A_15 = arith.extf %convert_element_type3A : vector<5000x32xbf16> to vector<5000x32xf32>
    %bitcast_convert_type3A = tpu.bitcast %convert_element_type3A_15 : vector<5000x32xf32> -> vector<5000x32xi32>
    %convert_element_type3A_16 = arith.truncf %dot_general3A_14 : vector<5000x32xf32> to vector<5000x32xbf16>
    %convert_element_type3A_17 = arith.extf %convert_element_type3A_16 : vector<5000x32xbf16> to vector<5000x32xf32>
    %bitcast_convert_type3A_18 = tpu.bitcast %convert_element_type3A_17 : vector<5000x32xf32> -> vector<5000x32xi32>
    %shift_right_logical3A = arith.constant 16 : i32
    %shift_right_logical3A_19 = vector.broadcast %shift_right_logical3A : i32 to vector<5000x32xi32>
    %shift_right_logical3A_20 = arith.shrui %bitcast_convert_type3A, %shift_right_logical3A_19 : vector<5000x32xi32>
    %and3A = arith.constant -65536 : i32
    %and3A_21 = vector.broadcast %and3A : i32 to vector<5000x32xi32>
    %and3A_22 = arith.andi %bitcast_convert_type3A_18, %and3A_21 : vector<5000x32xi32>
    %or3A = arith.ori %shift_right_logical3A_20, %and3A_22 : vector<5000x32xi32>
    %bitcast_convert_type3A_23 = tpu.bitcast %or3A : vector<5000x32xi32> -> vector<5000x32xi32>
    %get3A_24 = arith.constant 0 : index
    %get3A_25 = arith.constant 0 : index
    %get3A_26 = vector.load %arg2[%get3A_24, %get3A_25] : memref<5000x128xf32, #tpu.memory_space<vmem>>, vector<5000x128xf32>
    %get3A_27 = arith.constant 0 : index
    %get3A_28 = arith.constant 0 : index
    %get3A_29 = vector.load %arg5[%get3A_27, %get3A_28] : memref<128x32xf32, #tpu.memory_space<vmem>>, vector<128x32xf32>
    %dot_general3A_30 = arith.constant dense<0.000000e+00> : vector<5000x32xf32>
    %dot_general3A_31 = tpu.matmul %get3A_26, %get3A_29, %dot_general3A_30 {dimension_numbers = #tpu.dot_dimension_numbers<[1], [0], [0], [1], [0, 0, 1, 1], [], []>, transpose_lhs_hint = false} : vector<5000x128xf32>, vector<128x32xf32>, vector<5000x32xf32> -> vector<5000x32xf32>
    %get3A_32 = arith.constant 0 : index
    %get3A_33 = arith.constant 0 : index
    %get3A_34 = vector.load %arg6[%get3A_32, %get3A_33] : memref<128x32xf32, #tpu.memory_space<vmem>>, vector<128x32xf32>
    %dot_general3A_35 = arith.constant dense<0.000000e+00> : vector<5000x32xf32>
    %dot_general3A_36 = tpu.matmul %get3A_26, %get3A_34, %dot_general3A_35 {dimension_numbers = #tpu.dot_dimension_numbers<[1], [0], [0], [1], [0, 0, 1, 1], [], []>, transpose_lhs_hint = false} : vector<5000x128xf32>, vector<128x32xf32>, vector<5000x32xf32> -> vector<5000x32xf32>
    %convert_element_type3A_37 = arith.truncf %dot_general3A_31 : vector<5000x32xf32> to vector<5000x32xbf16>
    %convert_element_type3A_38 = arith.extf %convert_element_type3A_37 : vector<5000x32xbf16> to vector<5000x32xf32>
    %bitcast_convert_type3A_39 = tpu.bitcast %convert_element_type3A_38 : vector<5000x32xf32> -> vector<5000x32xi32>
    %convert_element_type3A_40 = arith.truncf %dot_general3A_36 : vector<5000x32xf32> to vector<5000x32xbf16>
    %convert_element_type3A_41 = arith.extf %convert_element_type3A_40 : vector<5000x32xbf16> to vector<5000x32xf32>
    %bitcast_convert_type3A_42 = tpu.bitcast %convert_element_type3A_41 : vector<5000x32xf32> -> vector<5000x32xi32>
    %shift_right_logical3A_43 = arith.constant 16 : i32
    %shift_right_logical3A_44 = vector.broadcast %shift_right_logical3A_43 : i32 to vector<5000x32xi32>
    %shift_right_logical3A_45 = arith.shrui %bitcast_convert_type3A_39, %shift_right_logical3A_44 : vector<5000x32xi32>
    %and3A_46 = arith.constant -65536 : i32
    %and3A_47 = vector.broadcast %and3A_46 : i32 to vector<5000x32xi32>
    %and3A_48 = arith.andi %bitcast_convert_type3A_42, %and3A_47 : vector<5000x32xi32>
    %or3A_49 = arith.ori %shift_right_logical3A_45, %and3A_48 : vector<5000x32xi32>
    %bitcast_convert_type3A_50 = tpu.bitcast %or3A_49 : vector<5000x32xi32> -> vector<5000x32xi32>
    %get3A_51 = arith.constant 0 : index
    %get3A_52 = arith.constant 0 : index
    %get3A_53 = vector.load %arg3[%get3A_51, %get3A_52] : memref<5000x128xf32, #tpu.memory_space<vmem>>, vector<5000x128xf32>
    %get3A_54 = arith.constant 0 : index
    %get3A_55 = arith.constant 0 : index
    %get3A_56 = vector.load %arg5[%get3A_54, %get3A_55] : memref<128x32xf32, #tpu.memory_space<vmem>>, vector<128x32xf32>
    %dot_general3A_57 = arith.constant dense<0.000000e+00> : vector<5000x32xf32>
    %dot_general3A_58 = tpu.matmul %get3A_53, %get3A_56, %dot_general3A_57 {dimension_numbers = #tpu.dot_dimension_numbers<[1], [0], [0], [1], [0, 0, 1, 1], [], []>, transpose_lhs_hint = false} : vector<5000x128xf32>, vector<128x32xf32>, vector<5000x32xf32> -> vector<5000x32xf32>
    %get3A_59 = arith.constant 0 : index
    %get3A_60 = arith.constant 0 : index
    %get3A_61 = vector.load %arg6[%get3A_59, %get3A_60] : memref<128x32xf32, #tpu.memory_space<vmem>>, vector<128x32xf32>
    %dot_general3A_62 = arith.constant dense<0.000000e+00> : vector<5000x32xf32>
    %dot_general3A_63 = tpu.matmul %get3A_53, %get3A_61, %dot_general3A_62 {dimension_numbers = #tpu.dot_dimension_numbers<[1], [0], [0], [1], [0, 0, 1, 1], [], []>, transpose_lhs_hint = false} : vector<5000x128xf32>, vector<128x32xf32>, vector<5000x32xf32> -> vector<5000x32xf32>
    %convert_element_type3A_64 = arith.truncf %dot_general3A_58 : vector<5000x32xf32> to vector<5000x32xbf16>
    %convert_element_type3A_65 = arith.extf %convert_element_type3A_64 : vector<5000x32xbf16> to vector<5000x32xf32>
    %bitcast_convert_type3A_66 = tpu.bitcast %convert_element_type3A_65 : vector<5000x32xf32> -> vector<5000x32xi32>
    %convert_element_type3A_67 = arith.truncf %dot_general3A_63 : vector<5000x32xf32> to vector<5000x32xbf16>
    %convert_element_type3A_68 = arith.extf %convert_element_type3A_67 : vector<5000x32xbf16> to vector<5000x32xf32>
    %bitcast_convert_type3A_69 = tpu.bitcast %convert_element_type3A_68 : vector<5000x32xf32> -> vector<5000x32xi32>
    %shift_right_logical3A_70 = arith.constant 16 : i32
    %shift_right_logical3A_71 = vector.broadcast %shift_right_logical3A_70 : i32 to vector<5000x32xi32>
    %shift_right_logical3A_72 = arith.shrui %bitcast_convert_type3A_66, %shift_right_logical3A_71 : vector<5000x32xi32>
    %and3A_73 = arith.constant -65536 : i32
    %and3A_74 = vector.broadcast %and3A_73 : i32 to vector<5000x32xi32>
    %and3A_75 = arith.andi %bitcast_convert_type3A_69, %and3A_74 : vector<5000x32xi32>
    %or3A_76 = arith.ori %shift_right_logical3A_72, %and3A_75 : vector<5000x32xi32>
    %bitcast_convert_type3A_77 = tpu.bitcast %or3A_76 : vector<5000x32xi32> -> vector<5000x32xi32>
    %get3A_78 = arith.constant 0 : index
    %get3A_79 = arith.constant 0 : index
    %get3A_80 = vector.load %arg4[%get3A_78, %get3A_79] : memref<5000x128xf32, #tpu.memory_space<vmem>>, vector<5000x128xf32>
    %get3A_81 = arith.constant 0 : index
    %get3A_82 = arith.constant 0 : index
    %get3A_83 = vector.load %arg5[%get3A_81, %get3A_82] : memref<128x32xf32, #tpu.memory_space<vmem>>, vector<128x32xf32>
    %dot_general3A_84 = arith.constant dense<0.000000e+00> : vector<5000x32xf32>
    %dot_general3A_85 = tpu.matmul %get3A_80, %get3A_83, %dot_general3A_84 {dimension_numbers = #tpu.dot_dimension_numbers<[1], [0], [0], [1], [0, 0, 1, 1], [], []>, transpose_lhs_hint = false} : vector<5000x128xf32>, vector<128x32xf32>, vector<5000x32xf32> -> vector<5000x32xf32>
    %get3A_86 = arith.constant 0 : index
    %get3A_87 = arith.constant 0 : index
    %get3A_88 = vector.load %arg6[%get3A_86, %get3A_87] : memref<128x32xf32, #tpu.memory_space<vmem>>, vector<128x32xf32>
    %dot_general3A_89 = arith.constant dense<0.000000e+00> : vector<5000x32xf32>
    %dot_general3A_90 = tpu.matmul %get3A_80, %get3A_88, %dot_general3A_89 {dimension_numbers = #tpu.dot_dimension_numbers<[1], [0], [0], [1], [0, 0, 1, 1], [], []>, transpose_lhs_hint = false} : vector<5000x128xf32>, vector<128x32xf32>, vector<5000x32xf32> -> vector<5000x32xf32>
    %convert_element_type3A_91 = arith.truncf %dot_general3A_85 : vector<5000x32xf32> to vector<5000x32xbf16>
    %convert_element_type3A_92 = arith.extf %convert_element_type3A_91 : vector<5000x32xbf16> to vector<5000x32xf32>
    %bitcast_convert_type3A_93 = tpu.bitcast %convert_element_type3A_92 : vector<5000x32xf32> -> vector<5000x32xi32>
    %convert_element_type3A_94 = arith.truncf %dot_general3A_90 : vector<5000x32xf32> to vector<5000x32xbf16>
    %convert_element_type3A_95 = arith.extf %convert_element_type3A_94 : vector<5000x32xbf16> to vector<5000x32xf32>
    %bitcast_convert_type3A_96 = tpu.bitcast %convert_element_type3A_95 : vector<5000x32xf32> -> vector<5000x32xi32>
    %shift_right_logical3A_97 = arith.constant 16 : i32
    %shift_right_logical3A_98 = vector.broadcast %shift_right_logical3A_97 : i32 to vector<5000x32xi32>
    %shift_right_logical3A_99 = arith.shrui %bitcast_convert_type3A_93, %shift_right_logical3A_98 : vector<5000x32xi32>
    %and3A_100 = arith.constant -65536 : i32
    %and3A_101 = vector.broadcast %and3A_100 : i32 to vector<5000x32xi32>
    %and3A_102 = arith.andi %bitcast_convert_type3A_96, %and3A_101 : vector<5000x32xi32>
    %or3A_103 = arith.ori %shift_right_logical3A_99, %and3A_102 : vector<5000x32xi32>
    %bitcast_convert_type3A_104 = tpu.bitcast %or3A_103 : vector<5000x32xi32> -> vector<5000x32xi32>
    %concatenate3A = tpu.concatenate %bitcast_convert_type3A_23, %bitcast_convert_type3A_50, %bitcast_convert_type3A_77, %bitcast_convert_type3A_104 in 1 : vector<5000x32xi32>, vector<5000x32xi32>, vector<5000x32xi32>, vector<5000x32xi32> -> vector<5000x128xi32>
    %swap3A = arith.constant 0 : index
    %swap3A_105 = arith.constant 0 : index
    %swap3A_106 = vector.load %arg7[%swap3A, %swap3A_105] : memref<5000x128xi32, #tpu.memory_space<vmem>>, vector<5000x128xi32>
    tpu.vector_store %arg7[%swap3A, %swap3A_105], %concatenate3A {strides = array<i32>} : memref<5000x128xi32, #tpu.memory_space<vmem>>, vector<5000x128xi32>,
    return
  }
  func.func @transform_0(%arg0: i32) -> (i32, i32) {
    %add3A = arith.constant 0 : i32
    %add3A_0 = arith.addi %arg0, %add3A : i32
    %c0_i32 = arith.constant 0 : i32
    %c0_i32_1 = arith.constant 0 : i32
    return %add3A_0, %c0_i32 : i32, i32
  }
  func.func @transform_1(%arg0: i32) -> (i32, i32) {
    %add3A = arith.constant 5 : i32
    %add3A_0 = arith.addi %arg0, %add3A : i32
    %c0_i32 = arith.constant 0 : i32
    %c0_i32_1 = arith.constant 0 : i32
    return %add3A_0, %c0_i32 : i32, i32
  }
  func.func @transform_2(%arg0: i32) -> (i32, i32) {
    %add3A = arith.constant 10 : i32
    %add3A_0 = arith.addi %arg0, %add3A : i32
    %c0_i32 = arith.constant 0 : i32
    %c0_i32_1 = arith.constant 0 : i32
    return %add3A_0, %c0_i32 : i32, i32
  }
  func.func @transform_3(%arg0: i32) -> (i32, i32) {
    %add3A = arith.constant 15 : i32
    %add3A_0 = arith.addi %arg0, %add3A : i32
    %c0_i32 = arith.constant 0 : i32
    %c0_i32_1 = arith.constant 0 : i32
    return %add3A_0, %c0_i32 : i32, i32
  }
  func.func @transform_4(%arg0: i32) -> (i32, i32) {
    %c0_i32 = arith.constant 0 : i32
    %c0_i32_0 = arith.constant 0 : i32
    %c0_i32_1 = arith.constant 0 : i32
    return %c0_i32, %c0_i32_0 : i32, i32
  }
  func.func @transform_5(%arg0: i32) -> (i32, i32) {
    %c0_i32 = arith.constant 0 : i32
    %c0_i32_0 = arith.constant 0 : i32
    %c0_i32_1 = arith.constant 0 : i32
    return %c0_i32, %c0_i32_0 : i32, i32
  }
  func.func @transform_6(%arg0: i32) -> (i32, i32) {
    %c0_i32 = arith.constant 0 : i32
    %c0_i32_0 = arith.constant 0 : i32
    return %arg0, %c0_i32 : i32, i32
  }
}

</mosaic_0001>

<sc_bundles>
// kernel: kernel.4.cloned.1.call-start
scs
__scs_entry_jumppad:
0x0: {  	(pc) =	sbr.rel $0x88, $3  }
0x1: {  	(tag) =	ssettag $0x0;
	lr =	simm.s32 $0x1  }
0x2: {  	[smem:$0x3F9D] =	sst lr;
	_ =	strace $0xD0000000  }
0x3: {  	_ = 	snop  }
0x4: {  	_ = 	snop  }
0x5: {  	_ = 	snop  }
0x6: {  	_ = 	snop  }
0x7: {  	_ = 	snop  }
__scs_overlays_trampoline_lowered:
0x8: {  	[smem:$0x3FAC] =	sst s0  }
0x9: {  	[smem:$0x3FAD] =	sst s1  }
0xa: {  	[smem:$0x3FAE] =	sst s2  }
0xb: {  	[smem:$0x3FAF] =	sst s3  }
0xc: {  	[smem:$0x3FB0] =	sst s4  }
0xd: {  	[smem:$0x3FB1] =	sst s5  }
0xe: {  	[smem:$0x3FB2] =	sst s6  }
0xf: {  	[smem:$0x3FB3] =	sst s7  }
0x10: {  	[smem:$0x3FB4] =	sst s8  }
0x11: {  	[smem:$0x3FB5] =	sst s9;
	s0 =	simm.s32 @!p0 $0x0  }
0x12: {  	s1 =	sld [smem:$0x3F9B];
	s0 =	simm.s32 @p0 $0x1  }
0x13: {  	[smem:$0x3FB6] =	sst s0;
	s0 =	simm.s32 @!p1 $0x0  }
0x14: {  	s2 =	sld [smem:$0x3F9A];
	s0 =	simm.s32 @p1 $0x1  }
0x15: {  	[smem:$0x3FB7] =	sst s0;
	s0 =	simm.s32 @!p2 $0x0  }
0x16: {  	s3 =	sld [smem:$0x3FDB];
	s0 =	simm.s32 @p2 $0x1  }
0x17: {  	s4 =	simm.s32 $0x1BF5;
	[smem:$0x3FB9] =	sst s0  }
0x18: {  	s0 =	sld [smem:$0x3F9C];
	_ =	swait.ge [sflag:s4], $0x0  }
0x19: {  	s7 =	sld [smem:$0x3F9D]  }
0x1a: {  	s8 =	sadd.s32 $0xFFFFE003, lr  }
0x1b: {  	s9 =	sadd.s32 $0xFFFFFEF7, lr;
	s5 =	simm.s32 $0xFFFFFFFF;
	p2 =	slt.u32 s8, $0xFFFFF086  }
0x1c: {  	p1 =	slt.u32 s9, $0xF7A;
	s5 =	simm.s32 @!p2 $0x0  }
0x1d: {  	s5 =	simm.s32 @p1 $0x1;
	p0 =	seq.s32 s7, s2  }
0x1e: {  	s7 =	smul.u32 @!p0 $0xF7A, s2;
	p2 =	seq.s32 @!p0 s5, $0x0  }
0x1f: {  	s9 =	smul.u32 $0xF7A, s1;
	s8 =	simm.s32 @!p0 $0x1BF5;
	p2 =	por !p2, p0  }
0x20: {  	[sflag:s8] =	ssyncset.s32 @!p0 $0xFFFFF086;
	s6 =	sadd.s32 @!p0 s3, s7;
	s7 =	simm.s32 @!p0 $0x108  }
0x21: {  	s3 =	sadd.s32 s3, s9;
	s6 =	sadd.s32 @!p0 $0x88, s6;
	s7 =	simm.s32 @p2 $0x1082  }
0x22: {  	[simem:s7], [sflag:s8] =	dma.local @!p0 [hbm:s6], $0xF7A  }
0x23: {  	s9 =	sor.u32 $0xD0000000, s2;
	s6 =	simm.s32 $0x108;
	_ =	swait.ge @!p0 [sflag:s8], $0x0  }
0x24: {  	s3 =	sadd.s32 $0x88, s3;
	s6 =	simm.s32 @!p1 $0x1082;
	[sflag:s4] =	ssyncset.s32 $0xFFFFF086  }
0x25: {  	[simem:s6], [sflag:s4] =	dma.local [hbm:s3], $0xF7A  }
0x26: {  	[smem:$0x3F9D] =	sst s1;
	(tag) =	ssettag s2;
	_ =	strace s9  }
0x27: {  	s1 =	sld [smem:$0x3FAD]  }
0x28: {  	s2 =	sld [smem:$0x3FAE]  }
0x29: {  	s4 =	sld [smem:$0x3FB0]  }
0x2a: {  	p0 =	seq.s32 s5, $0x0;
	s5 =	sld [smem:$0x3FB1]  }
0x2b: {  	s6 =	sld [smem:$0x3FB2]  }
0x2c: {  	s7 =	sld [smem:$0x3FB3]  }
0x2d: {  	s3 =	simm.s32 $0x108;
	s8 =	sld [smem:$0x3FB4]  }
0x2e: {  	s3 =	simm.s32 @!p0 $0x1082;
	s9 =	sld [smem:$0x3FB5]  }
0x2f: {  	lr =	sadd.s32 s0, s3;
	s0 =	sld [smem:$0x3FAC]  }
0x30: {  	s3 =	sld [smem:$0x3FAF]  }
0x31: {  	[smem:$0x3FB8] =	sst s10  }
0x32: {  	s10 =	sld [smem:$0x3FB6];
	_ =	sdelay $0x3  }
0x33: {  	p0 =	seq.s32 s10, $0x1;
	s10 =	sld [smem:$0x3FB8];
	_ =	sdelay $0x3  }
0x34: {  	[smem:$0x3FB8] =	sst s10  }
0x35: {  	s10 =	sld [smem:$0x3FB7];
	_ =	sdelay $0x3  }
0x36: {  	p1 =	seq.s32 s10, $0x1;
	s10 =	sld [smem:$0x3FB8];
	_ =	sdelay $0x3  }
0x37: {  	[smem:$0x3FB8] =	sst s10  }
0x38: {  	s10 =	sld [smem:$0x3FB9]  }
0x39: {  	_ = 	snop;
	(pc) =	sbr.ind lr, $3  }
0x3a: {  	_ = 	snop  }
0x3b: {  	_ = 	snop  }
0x3c: {  	p2 =	seq.s32 s10, $0x1;
	s10 =	sld [smem:$0x3FB8]  }
0x3d: {  	_ =	shalt  }
0x3e: {  	_ =	shalt  }
0x3f: {  	_ =	shalt  }
0x40: {  	_ =	shalt  }
0x41: {  	_ =	shalt  }
0x42: {  	_ =	shalt  }
0x43: {  	_ =	shalt  }
0x44: {  	_ =	shalt  }
0x45: {  	_ =	shalt  }
0x46: {  	_ =	shalt  }
0x47: {  	_ =	shalt  }
0x48: {  	_ =	shalt  }
0x49: {  	_ =	shalt  }
0x4a: {  	_ =	shalt  }
0x4b: {  	_ =	shalt  }
0x4c: {  	_ =	shalt  }
0x4d: {  	_ =	shalt  }
0x4e: {  	_ =	shalt  }
0x4f: {  	_ =	shalt  }
0x50: {  	_ =	shalt  }
0x51: {  	_ =	shalt  }
0x52: {  	_ =	shalt  }
0x53: {  	_ =	shalt  }
0x54: {  	_ =	shalt  }
0x55: {  	_ =	shalt  }
0x56: {  	_ =	shalt  }
0x57: {  	_ =	shalt  }
0x58: {  	_ =	shalt  }
0x59: {  	_ =	shalt  }
0x5a: {  	_ =	shalt  }
0x5b: {  	_ =	shalt  }
0x5c: {  	_ =	shalt  }
0x5d: {  	_ =	shalt  }
0x5e: {  	_ =	shalt  }
0x5f: {  	_ =	shalt  }
0x60: {  	_ =	shalt  }
0x61: {  	_ =	shalt  }
0x62: {  	_ =	shalt  }
0x63: {  	_ =	shalt  }
0x64: {  	_ =	shalt  }
0x65: {  	_ =	shalt  }
0x66: {  	_ =	shalt  }
0x67: {  	_ =	shalt  }
0x68: {  	_ =	shalt  }
0x69: {  	_ =	shalt  }
0x6a: {  	_ =	shalt  }
0x6b: {  	_ =	shalt  }
0x6c: {  	_ =	shalt  }
0x6d: {  	_ =	shalt  }
0x6e: {  	_ =	shalt  }
0x6f: {  	_ =	shalt  }
0x70: {  	_ =	shalt  }
0x71: {  	_ =	shalt  }
0x72: {  	_ =	shalt  }
0x73: {  	_ =	shalt  }
0x74: {  	_ =	shalt  }
0x75: {  	_ =	shalt  }
0x76: {  	_ =	shalt  }
0x77: {  	_ =	shalt  }
0x78: {  	_ =	shalt  }
0x79: {  	_ =	shalt  }
0x7a: {  	_ =	shalt  }
0x7b: {  	_ =	shalt  }
0x7c: {  	_ =	shalt  }
0x7d: {  	_ =	shalt  }
0x7e: {  	_ =	shalt  }
0x7f: {  	_ =	shalt  }
0x80: {  	_ =	shalt  }
0x81: {  	_ =	shalt  }
0x82: {  	_ =	shalt  }
0x83: {  	_ =	shalt  }
0x84: {  	_ =	shalt  }
0x85: {  	_ =	shalt  }
0x86: {  	_ =	shalt  }
0x87: {  	_ =	shalt  }
.Lfunc_end0:
.L_simem_size_0:
called_computation_lowered:
.L_overlay_start_0:
0x88: {  	s2 =	sld [smem:$0x3FD9]  }
0x89: {  	s3 =	sld [smem:$0x3FFE];
	_ =	sdelay $0x1  }
0x8a: {  	s1 =	srdreg.scid  }
0x8b: {  	s0 =	sand.u32 $0x1, s1  }
0x8c: {  	s17 =	sshll.u32 s0, $0xA;
	s2 =	sadd.s32 s3, s2  }
0x8d: {  	s2 =	sadd.s32 s2, s17  }
0x8e: {  	[smem:$0x3FC4] =	sst s2  }
0x8f: {  	_ = 	snop  }
0x90: {  	s2 =	sld [smem:$0x3FC6]  }
0x91: {  	s18 =	sld [smem:$0x3FD0];
	(tm) =	ssettm $0x1  }
0x92: {  	s4 =	sld [smem:$0x3FFB];
	_ =	sdelay $0x3  }
0x93: {  	_ =	strace s4  }
0x94: {  	s4 =	sld [smem:$0x3FFC];
	_ =	sdelay $0x3  }
0x95: {  	_ =	strace s4  }
0x96: {  	s4 =	sld [smem:$0x3FFD];
	_ =	sdelay $0x3  }
0x97: {  	_ =	strace s4  }
0x98: {  	_ =	strace $0x8FFFFFFF  }
0x99: {  	s19 =	sld [smem:$0x3FDB];
	_ =	sdelay $0x1  }
0x9a: {  	s5 =	simm.s32 $_scs_section_size  }
0x9b: {  	s6 =	simm.s32 $_size__tile_overlayer_lowered;
	s7 =	simm.s32 $_tile_overlayer_lowered  }
0x9c: {  	s22 =	simm.s32 $0x1BFF;
	s21 =	sshll.u32 s7, $0x1;
	s4 =	sadd.s32 s5, s19  }
0x9d: {  	s8 =	simm.s32 $0x0;
	s20 =	sshll.u32 s6, $0x1;
	s6 =	sadd.s32 s21, s4  }
0x9e: {  	[timem:s8], [sflag:s22] =	dma.local [hbm:s6], s20  }
0x9f: {  	_ =	swait.ge [sflag:s22], s20  }
0xa0: {  	s5 =	ssub.s32 $0x0, s20;
	[sflag:s22] =	ssyncset.done $0x0  }
0xa1: {  	[sflag:s22] =	ssyncadd.s32 s5;
	_ =	sdelay $0x1  }
0xa2: {  	s23 =	simm.s32 $0x1B8B  }
0xa3: {  	_ =	swait.ge [sflag:s23], $0x1  }
0xa4: {  	[sflag:s23] =	ssyncset.done $0x0  }
0xa5: {  	s25 =	simm.s32 $0x1B8E;
	s24 =	sld [smem:$0x3FFE];
	[sflag:s23] =	ssyncadd.s32 $0xFFFFFFFF  }
0xa6: {  	s26 =	simm.s32 $execute0_lowered;
	[smem:$0x3FD2] =	sst s25  }
0xa7: {  	s6 =	sshll.u32 s26, $0x1;
	_ =	strace $0x80000046;
	[dreg:$0x1] =	wrdreg $0xFFFFFFFF  }
0xa8: {  	s28 =	simm.s32 $_size_execute0_lowered;
	s4 =	sadd.s32 s4, s6;
	[dreg:$0x0] =	wrdreg $0x0  }
0xa9: {  	s6 =	sshll.u32 s28, $0x1;
	[dreg:$0x2] =	wrdreg s4  }
0xaa: {  	[dreg:$0x3] =	wrdreg s6  }
0xab: {  	[dreg:$0x4] =	wrdreg $0xC0  }
0xac: {  	_ =	task [dreg:s8], $0x5FFFF  }
0xad: {  	[dreg:$0x1] =	wrdreg $0xFFFFFFFF  }
0xae: {  	[dreg:$0x0] =	wrdreg $0x60  }
0xaf: {  	[dreg:$0x2] =	wrdreg s24  }
0xb0: {  	[dreg:$0x3] =	wrdreg s2  }
0xb1: {  	[dreg:$0x4] =	wrdreg s18  }
0xb2: {  	[dreg:$0x5] =	wrdreg $0x9  }
0xb3: {  	_ =	task.clear_ibuf [dreg:s8], $0x6FFFF;
	_ =	strace $0x90000046  }
0xb4: {  	s29 =	simm.s32 $0x9;
	_ =	strace $0x80000048  }
0xb5: {  	_ =	swait.ge [sflag:s29], $0x1  }
0xb6: {  	[sflag:s29] =	ssyncadd.s32 $0xFFFFFFFF  }
0xb7: {  	_ =	strace $0x90000048  }
0xb8: {  	_ =	sfence  }
0xb9: {  	s30 =	sld [smem:$0x0];
	_ =	sdelay $0x2  }
0xba: {  	s31 =	sshll.u32 s1, $0xD;
	s1 =	sshrl.u32 s1, $0x2  }
0xbb: {  	s3 =	sand.u32 $0x4000, s31;
	s1 =	sadd.s32 s1, s30  }
0xbc: {  	s0 =	sor.u32 s3, s0;
	s1 =	sshll.u32 s1, $0x11  }
0xbd: {  	s0 =	sor.u32 s1, s0  }
0xbe: {  	s0 =	sadd.s32 $0x8F2B, s0  }
0xbf: {  	[sflag:s0] =	ssyncadd.remote.s32 $0x1  }
0xc0: {  	_ =	sfence.sel $0xFFFF  }
0xc1: {  	[dreg:$0x0] =	wrdreg $0xFFFFFFFF;
	(pc) =	sbr.abs _section_cstart, $3  }
0xc2: {  	[dreg:$0x1] =	wrdreg $0xFFFFFFFF  }
0xc3: {  	_ =	task.clear_ibuf [dreg:s8], $0x2FFFF;
	_ =	strace $0x9FFFFFFF  }
0xc4: {  	(tm) =	ssettm $0x7FFFFFFF  }
0xc5: {  	_ =	shalt  }
tec
execute0_lowered:
.L_overlay_start_1:
0x0: {  	(tag) =	ssettag $0x1  }
0x1: {  	s0 =	rddreg [dreg:$0x0]  }
0x2: {  	s1 =	rddreg [dreg:$0x2]  }
0x3: {  	s2 =	srdreg.scid;
	s4 =	stileid.u32  }
0x4: {  	s3 =	simm.s32 $0x0;
	s8 =	simm.s32 $0x5;
	s10 =	simm.s32 $0x80  }
0x5: {  	s12 =	simm.s32 $0x48;
	s14 =	simm.s32 $0x100;
	s15 =	simm.s32 $0x9900  }
0x6: {  	s16 =	simm.s32 $0x180;
	s17 =	simm.s32 $0xA900;
	s18 =	simm.s32 $0x200  }
0x7: {  	s19 =	simm.s32 $0xB200;
	s20 =	simm.s32 $0x280;
	s21 =	simm.s32 $0xC200  }
0x8: {  	s22 =	simm.s32 $0xCB00;
	s23 =	simm.s32 $0xDB00;
	s24 =	simm.s32 $0x1  }
0x9: {  	s25 =	simm.s32 $0x2;
	s28 =	simm.s32 $0x4;
	s29 =	simm.s32 $0xE400  }
0xa: {  	s30 =	simm.s32 $0x0;
	s2 =	sand.u32 $0x1, s2;
	s4 =	sshll.u32 s4, $0x8  }
0xb: {  	[smem:$0x7FF] =	sst s3;
	s5 =	sshll.u32 s2, $0x7;
	s2 =	ssub.s32 $0x2, s2  }
0xc: {  	_ =	strace $0x80000047;
	s6 =	sor.u32 s5, s4;
	s26 =	sshrl.u32 s2, $0x1  }
0xd: {  	s4 =	sadd.s32 $0x20A00, s0;
	s5 =	sshll.u32 s6, $0x5;
	s2 =	ssub.s32 s2, s26  }
0xe: {  	s31 =	sshll.u32 s6, $0x3;
	s26 =	simm.s32 $0x3;
	s0 =	sadd.s32 s5, s0  }
0xf: {  	s6 =	sadd.s32 s1, s31;
	s7 =	smax.u32 s2, $0x1;
	s5 =	sadd.s32 $0xA00, s0  }
.LBB2_1:
0x10: {  	[tilespmem:s3], [sflag:$0x5] =	stream.linear.gather [hbm4b:s5+s3], $0x8000, $0x38;
	[tilespmem:$0x10440] =	vst v63  }
0x11: {  	_ =	swait.ge [sflag:s8], $0x8000  }
0x12: {  	[sflag:s8] =	ssyncset.done $0x0  }
0x13: {  	[sflag:s8] =	ssyncadd.s32 $0xFFFF8000  }
0x14: {  	s1 =	simm.s32 $0x10400;
	s0 =	rddreg [dreg:$0x1]  }
0x15: {  	[tilespmem:s1], [sflag:$0x5] =	stream.linear.gather [hbm4b:s0+s3], $0x40, $0x38;
	[tilespmem:$0x10440] =	vst v63  }
0x16: {  	_ =	swait.ge [sflag:s8], $0x40  }
0x17: {  	[sflag:s8] =	ssyncset.done $0x0  }
0x18: {  	[sflag:s8] =	ssyncadd.s32 $0xFFFFFFC0  }
0x19: {  	v0 =	vld [tilespmem:$0x10400]  }
0x1a: {  	v1 =	vld [tilespmem:$0x10410]  }
0x1b: {  	s11 =	simm.s32 $0x8000;
	v2 =	vld [tilespmem:$0x10420]  }
0x1c: {  	v3 =	vld [tilespmem:$0x10430];
	[tilespmem:s11], [sflag:$0x1] =	stream.indirect.gather [hbm4b:s4+s10], $0x20, s3, s10, $0xb8  }
0x1d: {  	s13 =	simm.s32 $0x9000  }
0x1e: {  	[tilespmem:s13], [sflag:$0x1] =	stream.indirect.gather [hbm4b:s4+s12], $0x20, s10, s12, $0xb8;
	[tilespmem:$0x10440] =	vst v63  }
0x1f: {  	_ = 	snop  }
0x20: {  	[tilespmem:s15], [sflag:$0x2] =	stream.indirect.gather [hbm4b:s4+s10], $0x20, s14, s10, $0xb8;
	[tilespmem:$0x10440] =	vst v63  }
0x21: {  	_ = 	snop  }
0x22: {  	[tilespmem:s17], [sflag:$0x2] =	stream.indirect.gather [hbm4b:s4+s12], $0x20, s16, s12, $0xb8;
	[tilespmem:$0x10440] =	vst v63  }
0x23: {  	_ = 	snop  }
0x24: {  	[tilespmem:s19], [sflag:$0x3] =	stream.indirect.gather [hbm4b:s4+s10], $0x20, s18, s10, $0xb8;
	[tilespmem:$0x10440] =	vst v63  }
0x25: {  	s31 =	simm.s32 $0x0  }
0x26: {  	[tilespmem:s21], [sflag:$0x3] =	stream.indirect.gather [hbm4b:s4+s12], $0x20, s20, s12, $0xb8;
	[tilespmem:$0x10440] =	vst v63  }
.LBB2_2:
0x27: {  	s0 =	sshllo.u32 s31, $0x2  }
0x28: {  	s1 =	sshll.u32 s0, $0x8  }
0x29: {  	s1 =	sand.u32 $0x3FFFFF00, s1  }
0x2a: {  	[tilespmem:s22], [sflag:$0x4] =	stream.indirect.gather [hbm4b:s4+s10], $0x20, s1, s10, $0xb8;
	[tilespmem:$0x10440] =	vst v63  }
0x2b: {  	s1 =	sor.u32 $0x80, s1  }
0x2c: {  	[tilespmem:s23], [sflag:$0x4] =	stream.indirect.gather [hbm4b:s4+s12], $0x20, s1, s12, $0xb8;
	[tilespmem:$0x10440] =	vst v63  }
0x2d: {  	_ =	swait.ge [sflag:s24], $0x1900  }
0x2e: {  	[sflag:s24] =	ssyncset.done $0x0  }
0x2f: {  	s1 =	simm.s32 $0x8100;
	[sflag:s24] =	ssyncadd.s32 $0xFFFFE700  }
0x30: {  	v5 =	vld [tilespmem:s1+$0xE0]  }
0x31: {  	v7 =	vld [tilespmem:s1+$0xC0]  }
0x32: {  	v9 =	vld [tilespmem:s1+$0xA0]  }
0x33: {  	v11 =	vld [tilespmem:s1+$0x80]  }
0x34: {  	v13 =	vld [tilespmem:s1+$0x60]  }
0x35: {  	v15 =	vld [tilespmem:s1+$0x40]  }
0x36: {  	v17 =	vld [tilespmem:s1+$0x20]  }
0x37: {  	v18 =	vld [tilespmem:s1+$0x0]  }
0x38: {  	v19 =	vld [tilespmem:s1+$0xFFFFFFE0]  }
0x39: {  	v20 =	vld [tilespmem:s1+$0xFFFFFFC0]  }
0x3a: {  	v21 =	vimm.f32 $0.0e+00;
	v22 =	vld [tilespmem:s1+$0xFFFFFFA0]  }
0x3b: {  	v23 =	vld [tilespmem:s1+$0xFFFFFF80];
	v6 =	vunpack.i.u.bf16.f32 v7;
	v4 =	vunpack.i.u.bf16.f32 v5;
	v5 =	vunpack.i.l.bf16.f32 v5  }
0x3c: {  	v24 =	vld [tilespmem:s1+$0xFFFFFF60];
	v8 =	vunpack.i.u.bf16.f32 v9;
	v9 =	vunpack.i.l.bf16.f32 v9;
	v7 =	vunpack.i.l.bf16.f32 v7  }
0x3d: {  	v25 =	vld [tilespmem:s1+$0xFFFFFF40];
	v12 =	vunpack.i.u.bf16.f32 v13;
	v10 =	vunpack.i.u.bf16.f32 v11;
	v11 =	vunpack.i.l.bf16.f32 v11  }
0x3e: {  	v26 =	vld [tilespmem:s1+$0xFFFFFF20];
	v14 =	vunpack.i.u.bf16.f32 v15;
	v15 =	vunpack.i.l.bf16.f32 v15;
	v13 =	vunpack.i.l.bf16.f32 v13  }
0x3f: {  	v27 =	vld [tilespmem:s1+$0xFFFFFF00];
	v28 =	vunpack.i.u.bf16.f32 v18;
	v16 =	vunpack.i.u.bf16.f32 v17;
	v17 =	vunpack.i.l.bf16.f32 v17  }
0x40: {  	v29 =	vld [tilespmem:s1+$0xFFFFFF10];
	v30 =	vunpack.i.u.bf16.f32 v19;
	v19 =	vunpack.i.l.bf16.f32 v19;
	v31 =	vunpack.i.l.bf16.f32 v18  }
0x41: {  	v18 =	vunpack.i.u.bf16.f32 v22;
	v32 =	vunpack.i.u.bf16.f32 v20;
	v20 =	vunpack.i.l.bf16.f32 v20  }
0x42: {  	v33 =	vld [tilespmem:s1+$0xFFFFFF30];
	v34 =	vunpack.i.u.bf16.f32 v23;
	v23 =	vunpack.i.l.bf16.f32 v23;
	v22 =	vunpack.i.l.bf16.f32 v22  }
0x43: {  	v35 =	vunpack.i.u.bf16.f32 v25;
	v36 =	vunpack.i.u.bf16.f32 v24;
	v24 =	vunpack.i.l.bf16.f32 v24  }
0x44: {  	v38 =	vld [tilespmem:s1+$0xFFFFFF50];
	v37 =	vunpack.i.u.bf16.f32 v26;
	v26 =	vunpack.i.l.bf16.f32 v26;
	v25 =	vunpack.i.l.bf16.f32 v25  }
0x45: {  	v39 =	vunpack.i.u.bf16.f32 v27;
	v27 =	vunpack.i.l.bf16.f32 v27;
	v40 =	vunpack.i.u.bf16.f32 v29  }
0x46: {  	v41 =	vld [tilespmem:s1+$0xFFFFFF70];
	v29 =	vunpack.i.l.bf16.f32 v29;
	v27 =	vadd.f32 v27, v21;
	v39 =	vadd.f32 v39, v21  }
0x47: {  	v55 =	vunpack.i.u.bf16.f32 v33;
	v29 =	vadd.f32 v29, v21;
	v21 =	vadd.f32 v40, v21  }
0x48: {  	v56 =	vld [tilespmem:s1+$0xFFFFFF90];
	v33 =	vunpack.i.l.bf16.f32 v33;
	v26 =	vadd.f32 v26, v27;
	v27 =	vadd.f32 v37, v39  }
0x49: {  	v57 =	vunpack.i.u.bf16.f32 v38;
	v29 =	vadd.f32 v33, v29;
	v21 =	vadd.f32 v55, v21  }
0x4a: {  	v38 =	vunpack.i.l.bf16.f32 v38;
	v25 =	vadd.f32 v25, v26;
	v26 =	vadd.f32 v35, v27;
	v27 =	vld [tilespmem:s1+$0xFFFFFFB0]  }
0x4b: {  	v58 =	vunpack.i.u.bf16.f32 v41;
	v29 =	vadd.f32 v38, v29;
	v21 =	vadd.f32 v57, v21  }
0x4c: {  	v59 =	vunpack.i.l.bf16.f32 v41;
	v24 =	vadd.f32 v24, v25;
	v25 =	vadd.f32 v36, v26;
	v26 =	vld [tilespmem:s1+$0xFFFFFFD0]  }
0x4d: {  	v60 =	vunpack.i.u.bf16.f32 v56;
	v29 =	vadd.f32 v59, v29;
	v21 =	vadd.f32 v58, v21  }
0x4e: {  	v61 =	vunpack.i.l.bf16.f32 v56;
	v23 =	vadd.f32 v23, v24;
	v24 =	vadd.f32 v34, v25;
	v25 =	vld [tilespmem:s1+$0xFFFFFFF0]  }
0x4f: {  	v29 =	vadd.f32 v61, v29;
	v21 =	vadd.f32 v60, v21;
	v62 =	vunpack.i.u.bf16.f32 v27  }
0x50: {  	v27 =	vunpack.i.l.bf16.f32 v27;
	v22 =	vadd.f32 v22, v23;
	v18 =	vadd.f32 v18, v24;
	v23 =	vld [tilespmem:s1+$0x10]  }
0x51: {  	v24 =	vadd.f32 v27, v29;
	v21 =	vadd.f32 v62, v21;
	v27 =	vunpack.i.u.bf16.f32 v26  }
0x52: {  	v26 =	vunpack.i.l.bf16.f32 v26;
	v22 =	vadd.f32 v20, v22;
	v18 =	vadd.f32 v32, v18;
	v20 =	vld [tilespmem:s1+$0x30]  }
0x53: {  	v24 =	vadd.f32 v26, v24;
	v26 =	vadd.f32 v27, v21;
	v27 =	vunpack.i.u.bf16.f32 v25  }
0x54: {  	v21 =	vunpack.i.l.bf16.f32 v25;
	v19 =	vadd.f32 v19, v22;
	v63 =	vadd.f32 v30, v18;
	v18 =	vld [tilespmem:s1+$0x50]  }
0x55: {  	v21 =	vadd.f32 v21, v24;
	v22 =	vadd.f32 v27, v26;
	v25 =	vunpack.i.u.bf16.f32 v23  }
0x56: {  	s2 =	simm.s32 $0x0;
	s9 =	simm.s32 $0x8300;
	v26 =	vunpack.i.l.bf16.f32 v23;
	v23 =	vadd.f32 v31, v19;
	v24 =	vadd.f32 v28, v63;
	v19 =	vld [tilespmem:s1+$0x70]  }
.LBB2_3:
0x57: {  	v27 =	vld [tilespmem:s9+$0xE0];
	v21 =	vadd.f32 v26, v21;
	v22 =	vadd.f32 v25, v22;
	v25 =	vunpack.i.u.bf16.f32 v20  }
0x58: {  	v20 =	vunpack.i.l.bf16.f32 v20;
	v17 =	vadd.f32 v17, v23;
	v16 =	vadd.f32 v16, v24;
	v23 =	vld [tilespmem:s1+$0x90]  }
0x59: {  	v20 =	vadd.f32 v20, v21;
	v21 =	vadd.f32 v25, v22;
	v22 =	vunpack.i.u.bf16.f32 v18;
	v24 =	vld [tilespmem:s1+$0xF0]  }
0x5a: {  	v18 =	vunpack.i.l.bf16.f32 v18;
	v15 =	vadd.f32 v15, v17;
	v14 =	vadd.f32 v14, v16;
	v16 =	vld [tilespmem:s1+$0xB0]  }
0x5b: {  	v17 =	vld [tilespmem:s9+$0xC0];
	v18 =	vadd.f32 v18, v20;
	v20 =	vadd.f32 v22, v21;
	v21 =	vunpack.i.u.bf16.f32 v19  }
0x5c: {  	v19 =	vunpack.i.l.bf16.f32 v19;
	v13 =	vadd.f32 v13, v15;
	v12 =	vadd.f32 v12, v14;
	v14 =	vld [tilespmem:s1+$0xD0];
	s1 =	smov.u32 s9  }
0x5d: {  	v15 =	vld [tilespmem:s9+$0xA0];
	v18 =	vadd.f32 v19, v18;
	v19 =	vadd.f32 v21, v20;
	v20 =	vunpack.i.u.bf16.f32 v23  }
0x5e: {  	v22 =	vunpack.i.l.bf16.f32 v23;
	v21 =	vld [tilespmem:s9+$0x80];
	v11 =	vadd.f32 v11, v13;
	v10 =	vadd.f32 v10, v12  }
0x5f: {  	v13 =	vld [tilespmem:s9+$0x60];
	v12 =	vadd.f32 v22, v18;
	v18 =	vadd.f32 v20, v19;
	v19 =	vunpack.i.u.bf16.f32 v16  }
0x60: {  	v16 =	vunpack.i.l.bf16.f32 v16;
	v20 =	vld [tilespmem:s9+$0x40];
	v9 =	vadd.f32 v9, v11;
	v8 =	vadd.f32 v8, v10  }
0x61: {  	v22 =	vld [tilespmem:s9+$0x20];
	v10 =	vadd.f32 v16, v12;
	v11 =	vadd.f32 v19, v18;
	v12 =	vunpack.i.u.bf16.f32 v14  }
0x62: {  	v14 =	vunpack.i.l.bf16.f32 v14;
	v18 =	vld [tilespmem:s9+$0x0];
	v7 =	vadd.f32 v7, v9;
	v6 =	vadd.f32 v6, v8  }
0x63: {  	v19 =	vld [tilespmem:s9+$0xFFFFFFE0];
	v8 =	vadd.f32 v14, v10;
	v9 =	vadd.f32 v12, v11;
	v10 =	vunpack.i.u.bf16.f32 v24  }
0x64: {  	v11 =	vunpack.i.l.bf16.f32 v24;
	v23 =	vld [tilespmem:s9+$0xFFFFFFC0];
	v24 =	vadd.f32 v5, v7;
	v25 =	vadd.f32 v4, v6  }
0x65: {  	v26 =	vld [tilespmem:s9+$0xFFFFFFA0];
	v28 =	vadd.f32 v11, v8;
	v29 =	vadd.f32 v10, v9  }
0x66: {  	v6 =	vunpack.i.u.bf16.f32 v17;
	v4 =	vunpack.i.u.bf16.f32 v27;
	v5 =	vunpack.i.l.bf16.f32 v27;
	v30 =	vld [tilespmem:s9+$0xFFFFFF80]  }
0x67: {  	v7 =	vunpack.i.l.bf16.f32 v17;
	v8 =	vunpack.i.u.bf16.f32 v15;
	v9 =	vunpack.i.l.bf16.f32 v15;
	v27 =	vld [tilespmem:s9+$0xFFFFFF60]  }
0x68: {  	v12 =	vunpack.i.u.bf16.f32 v13;
	v10 =	vunpack.i.u.bf16.f32 v21;
	v11 =	vunpack.i.l.bf16.f32 v21;
	v31 =	vld [tilespmem:s9+$0xFFFFFF40]  }
0x69: {  	v13 =	vunpack.i.l.bf16.f32 v13;
	v14 =	vunpack.i.u.bf16.f32 v20;
	v15 =	vunpack.i.l.bf16.f32 v20;
	v21 =	vld [tilespmem:s9+$0xFFFFFF20]  }
0x6a: {  	v16 =	vunpack.i.u.bf16.f32 v22;
	v17 =	vunpack.i.l.bf16.f32 v22;
	v32 =	vunpack.i.u.bf16.f32 v18;
	v20 =	vld [tilespmem:s9+$0xFFFFFF00]  }
0x6b: {  	v34 =	vunpack.i.l.bf16.f32 v18;
	v33 =	vunpack.i.u.bf16.f32 v19;
	v19 =	vunpack.i.l.bf16.f32 v19;
	v22 =	vld [tilespmem:s9+$0xFFFFFF10]  }
0x6c: {  	s2 =	sadd.s32 $0x10, s2;
	v35 =	vunpack.i.u.bf16.f32 v23;
	v23 =	vunpack.i.l.bf16.f32 v23;
	v18 =	vunpack.i.u.bf16.f32 v26  }
0x6d: {  	p0 =	slt.u32 s2, $0xB0;
	v26 =	vunpack.i.l.bf16.f32 v26;
	v37 =	vunpack.i.u.bf16.f32 v30;
	v30 =	vunpack.i.l.bf16.f32 v30;
	v36 =	vld [tilespmem:s9+$0xFFFFFF30]  }
0x6e: {  	v39 =	vunpack.i.u.bf16.f32 v27;
	v27 =	vunpack.i.l.bf16.f32 v27;
	v38 =	vunpack.i.u.bf16.f32 v31  }
0x6f: {  	v31 =	vunpack.i.l.bf16.f32 v31;
	v40 =	vunpack.i.u.bf16.f32 v21;
	v21 =	vunpack.i.l.bf16.f32 v21;
	v41 =	vld [tilespmem:s9+$0xFFFFFF50]  }
0x70: {  	v42 =	vunpack.i.u.bf16.f32 v20;
	v20 =	vunpack.i.l.bf16.f32 v20;
	v43 =	vunpack.i.u.bf16.f32 v22  }
0x71: {  	v22 =	vunpack.i.l.bf16.f32 v22;
	v20 =	vadd.f32 v20, v24;
	v24 =	vadd.f32 v42, v25;
	v25 =	vld [tilespmem:s9+$0xFFFFFF70]  }
0x72: {  	v22 =	vadd.f32 v22, v28;
	v28 =	vadd.f32 v43, v29;
	v29 =	vunpack.i.u.bf16.f32 v36  }
0x73: {  	v36 =	vunpack.i.l.bf16.f32 v36;
	v20 =	vadd.f32 v21, v20;
	v21 =	vadd.f32 v40, v24;
	v24 =	vld [tilespmem:s9+$0xFFFFFF90]  }
0x74: {  	v22 =	vadd.f32 v36, v22;
	v28 =	vadd.f32 v29, v28;
	v29 =	vunpack.i.u.bf16.f32 v41  }
0x75: {  	v36 =	vunpack.i.l.bf16.f32 v41;
	v20 =	vadd.f32 v31, v20;
	v21 =	vadd.f32 v38, v21;
	v31 =	vld [tilespmem:s9+$0xFFFFFFB0]  }
0x76: {  	v22 =	vadd.f32 v36, v22;
	v28 =	vadd.f32 v29, v28;
	v29 =	vunpack.i.u.bf16.f32 v25  }
0x77: {  	v25 =	vunpack.i.l.bf16.f32 v25;
	v20 =	vadd.f32 v27, v20;
	v21 =	vadd.f32 v39, v21;
	v27 =	vld [tilespmem:s9+$0xFFFFFFD0]  }
0x78: {  	v22 =	vadd.f32 v25, v22;
	v25 =	vadd.f32 v29, v28;
	v28 =	vunpack.i.u.bf16.f32 v24  }
0x79: {  	v24 =	vunpack.i.l.bf16.f32 v24;
	v20 =	vadd.f32 v30, v20;
	v21 =	vadd.f32 v37, v21;
	v29 =	vld [tilespmem:s9+$0xFFFFFFF0]  }
0x7a: {  	v22 =	vadd.f32 v24, v22;
	v24 =	vadd.f32 v28, v25;
	v25 =	vunpack.i.u.bf16.f32 v31  }
0x7b: {  	v28 =	vunpack.i.l.bf16.f32 v31;
	v20 =	vadd.f32 v26, v20;
	v18 =	vadd.f32 v18, v21;
	v26 =	vld [tilespmem:s9+$0x10]  }
0x7c: {  	v21 =	vadd.f32 v28, v22;
	v22 =	vadd.f32 v25, v24;
	v24 =	vunpack.i.u.bf16.f32 v27  }
.Ltmp0:
0x7d: {  	v25 =	vunpack.i.l.bf16.f32 v27;
	v23 =	vadd.f32 v23, v20;
	v18 =	vadd.f32 v35, v18;
	v20 =	vld [tilespmem:s9+$0x30];
	(pc) =	sbr.rel @p0 .LBB2_3-.Ltmp0, $4  }
0x7e: {  	v21 =	vadd.f32 v25, v21;
	v22 =	vadd.f32 v24, v22;
	v24 =	vunpack.i.u.bf16.f32 v29  }
0x7f: {  	v25 =	vunpack.i.l.bf16.f32 v29;
	v19 =	vadd.f32 v19, v23;
	v27 =	vadd.f32 v33, v18;
	v18 =	vld [tilespmem:s9+$0x50]  }
0x80: {  	v21 =	vadd.f32 v25, v21;
	v22 =	vadd.f32 v24, v22;
	v25 =	vunpack.i.u.bf16.f32 v26  }
0x81: {  	s9 =	sadd.s32 $0x200, s9;
	v26 =	vunpack.i.l.bf16.f32 v26;
	v23 =	vadd.f32 v34, v19;
	v24 =	vadd.f32 v32, v27;
	v19 =	vld [tilespmem:s1+$0x70]  }
0x82: {  	v21 =	vadd.f32 v26, v21;
	v22 =	vadd.f32 v25, v22;
	v25 =	vunpack.i.u.bf16.f32 v20  }
0x83: {  	v20 =	vunpack.i.l.bf16.f32 v20;
	v17 =	vadd.f32 v17, v23;
	v16 =	vadd.f32 v16, v24;
	v23 =	vld [tilespmem:s1+$0x90]  }
0x84: {  	v20 =	vadd.f32 v20, v21;
	v21 =	vadd.f32 v25, v22;
	v22 =	vunpack.i.u.bf16.f32 v18  }
0x85: {  	v18 =	vunpack.i.l.bf16.f32 v18;
	v15 =	vadd.f32 v15, v17;
	v14 =	vadd.f32 v14, v16;
	v16 =	vld [tilespmem:s1+$0xB0]  }
0x86: {  	v17 =	vadd.f32 v18, v20;
	v18 =	vadd.f32 v22, v21;
	v20 =	vunpack.i.u.bf16.f32 v19  }
0x87: {  	v19 =	vunpack.i.l.bf16.f32 v19;
	v13 =	vadd.f32 v13, v15;
	v12 =	vadd.f32 v12, v14;
	v14 =	vld [tilespmem:s1+$0xD0]  }
0x88: {  	v15 =	vadd.f32 v19, v17;
	v17 =	vadd.f32 v20, v18;
	v18 =	vunpack.i.u.bf16.f32 v23  }
0x89: {  	v19 =	vld [tilespmem:s1+$0xF0];
	v20 =	vunpack.i.l.bf16.f32 v23;
	v11 =	vadd.f32 v11, v13;
	v10 =	vadd.f32 v10, v12  }
0x8a: {  	v12 =	vadd.f32 v20, v15;
	v13 =	vadd.f32 v18, v17;
	v15 =	vunpack.i.u.bf16.f32 v16  }
0x8b: {  	v16 =	vunpack.i.l.bf16.f32 v16;
	v9 =	vadd.f32 v9, v11;
	v8 =	vadd.f32 v8, v10;
	v10 =	vld [tilespmem:$0x9800]  }
0x8c: {  	v11 =	vadd.f32 v16, v12;
	v12 =	vadd.f32 v15, v13;
	v13 =	vunpack.i.u.bf16.f32 v14;
	v15 =	vld [tilespmem:$0x9810]  }
0x8d: {  	v14 =	vunpack.i.l.bf16.f32 v14;
	v7 =	vadd.f32 v7, v9;
	v6 =	vadd.f32 v6, v8  }
0x8e: {  	v8 =	vadd.f32 v14, v11;
	v9 =	vadd.f32 v13, v12;
	v11 =	vunpack.i.u.bf16.f32 v19;
	v12 =	vld [tilespmem:$0x9820]  }
0x8f: {  	v13 =	vunpack.i.l.bf16.f32 v19;
	v5 =	vadd.f32 v5, v7;
	v4 =	vadd.f32 v4, v6;
	v6 =	vld [tilespmem:$0x9830]  }
0x90: {  	v7 =	vadd.f32 v13, v8;
	v8 =	vadd.f32 v11, v9  }
0x91: {  	v9 =	vunpack.i.u.bf16.f32 v10;
	v10 =	vunpack.i.l.bf16.f32 v10;
	v13 =	vld [tilespmem:$0x9840];
	v11 =	vunpack.i.u.bf16.f32 v15  }
0x92: {  	v14 =	vunpack.i.l.bf16.f32 v15;
	v5 =	vadd.f32 v10, v5;
	v4 =	vadd.f32 v9, v4;
	v9 =	vld [tilespmem:$0x9850]  }
0x93: {  	v7 =	vadd.f32 v14, v7;
	v8 =	vadd.f32 v11, v8  }
0x94: {  	v14 =	vld [tilespmem:$0x9860];
	v10 =	vunpack.i.u.bf16.f32 v12;
	v11 =	vunpack.i.l.bf16.f32 v12;
	v12 =	vunpack.i.u.bf16.f32 v6  }
0x95: {  	v6 =	vunpack.i.l.bf16.f32 v6;
	v5 =	vadd.f32 v11, v5;
	v4 =	vadd.f32 v10, v4  }
0x96: {  	v10 =	vld [tilespmem:$0x9870];
	v6 =	vadd.f32 v6, v7;
	v7 =	vadd.f32 v12, v8  }
0x97: {  	v8 =	vunpack.i.u.bf16.f32 v13;
	v11 =	vunpack.i.l.bf16.f32 v13;
	v13 =	vld [tilespmem:$0x9880];
	v12 =	vunpack.i.u.bf16.f32 v9  }
0x98: {  	v9 =	vunpack.i.l.bf16.f32 v9;
	v5 =	vadd.f32 v11, v5;
	v4 =	vadd.f32 v8, v4;
	v8 =	vld [tilespmem:$0x9890]  }
0x99: {  	v6 =	vadd.f32 v9, v6;
	v11 =	vunpack.i.l.bf16.f32 v14  }
0x9a: {  	v7 =	vadd.f32 v12, v7;
	v9 =	vunpack.i.u.bf16.f32 v14;
	v14 =	vld [tilespmem:$0x98A0];
	v5 =	vadd.f32 v11, v5  }
0x9b: {  	v4 =	vadd.f32 v9, v4;
	v9 =	vld [tilespmem:$0x98B0];
	v12 =	vunpack.i.u.bf16.f32 v10;
	v10 =	vunpack.i.l.bf16.f32 v10  }
0x9c: {  	v6 =	vadd.f32 v10, v6;
	v7 =	vadd.f32 v12, v7  }
0x9d: {  	v10 =	vunpack.i.u.bf16.f32 v13;
	v11 =	vunpack.i.l.bf16.f32 v13;
	v13 =	vld [tilespmem:$0x98C0];
	v12 =	vunpack.i.u.bf16.f32 v8  }
0x9e: {  	v8 =	vunpack.i.l.bf16.f32 v8;
	v5 =	vadd.f32 v11, v5;
	v4 =	vadd.f32 v10, v4;
	v10 =	vld [tilespmem:$0x98D0]  }
0x9f: {  	v6 =	vadd.f32 v8, v6;
	v7 =	vadd.f32 v12, v7;
	v8 =	vld [tilespmem:$0x98E0]  }
0xa0: {  	v11 =	vunpack.i.u.bf16.f32 v14;
	v12 =	vunpack.i.l.bf16.f32 v14;
	v14 =	vunpack.i.u.bf16.f32 v9  }
0xa1: {  	v9 =	vunpack.i.l.bf16.f32 v9;
	v5 =	vadd.f32 v12, v5;
	v4 =	vadd.f32 v11, v4;
	v11 =	vld [tilespmem:$0x98F0]  }
0xa2: {  	v6 =	vadd.f32 v9, v6;
	v7 =	vadd.f32 v14, v7;
	v9 =	vunpack.i.l.bf16.f32 v13  }
0xa3: {  	v12 =	vunpack.i.u.bf16.f32 v13;
	v13 =	vunpack.i.u.bf16.f32 v10;
	v5 =	vadd.f32 v9, v5  }
0xa4: {  	v9 =	vunpack.i.l.bf16.f32 v10;
	v4 =	vadd.f32 v12, v4;
	v10 =	vunpack.i.l.bf16.f32 v8  }
0xa5: {  	v6 =	vadd.f32 v9, v6;
	v8 =	vunpack.i.u.bf16.f32 v8;
	v5 =	vadd.f32 v10, v5  }
0xa6: {  	v7 =	vadd.f32 v13, v7;
	v9 =	vunpack.i.l.bf16.f32 v11;
	v4 =	vadd.f32 v8, v4  }
0xa7: {  	v8 =	vunpack.i.u.bf16.f32 v11;
	v6 =	vadd.f32 v9, v6;
	v5 =	vmul.f32 $4.999999890e-03, v5  }
0xa8: {  	v7 =	vadd.f32 v8, v7;
	v4 =	vmul.f32 $4.999999890e-03, v4  }
0xa9: {  	s13 =	sshll.u32 s31, $0x8;
	v6 =	vmul.f32 $4.999999890e-03, v6;
	v5 =	vadd.f32 v5, v0  }
0xaa: {  	s1 =	sand.u32 $0x3FFFFF00, s13;
	v7 =	vmul.f32 $4.999999890e-03, v7;
	v4 =	vadd.f32 v4, v1  }
0xab: {  	p0 =	seq.s32 s31, $0x1F;
	[tilespmem:s1+$0xE400] =	vst v5;
	v5 =	vadd.f32 v6, v2  }
0xac: {  	s2 =	sshll.u32 @!p0 s31, $0xA;
	[tilespmem:s1+$0xE410] =	vst v4;
	v4 =	vadd.f32 v7, v3  }
0xad: {  	s2 =	sand.u32 @!p0 $0x3FFFFC00, s2;
	[tilespmem:s1+$0xE420] =	vst v5  }
0xae: {  	s11 =	simm.s32 @!p0 $0x80;
	s9 =	sadd.s32 @!p0 $0x400, s2;
	s13 =	simm.s32 @!p0 $0x8000;
	[tilespmem:s1+$0xE430] =	vst v4  }
0xaf: {  	[tilespmem:s13], [sflag:$0x1] =	stream.indirect.gather @!p0 [hbm4b:s4+s11], $0x20, s9, s11, $0xb8;
	[tilespmem:$0x10440] =	vst v63  }
0xb0: {  	s9 =	sadd.s32 @!p0 $0x480, s2;
	s11 =	simm.s32 @!p0 $0x48;
	s13 =	simm.s32 @!p0 $0x9000  }
0xb1: {  	[tilespmem:s13], [sflag:$0x1] =	stream.indirect.gather @!p0 [hbm4b:s4+s11], $0x20, s9, s11, $0xb8;
	[tilespmem:$0x10440] =	vst v63  }
0xb2: {  	_ =	swait.ge [sflag:s25], $0x1900  }
0xb3: {  	[sflag:s25] =	ssyncset.done $0x0  }
0xb4: {  	s9 =	simm.s32 $0x9AF0;
	[sflag:s25] =	ssyncadd.s32 $0xFFFFE700  }
0xb5: {  	v5 =	vld [tilespmem:s9+$0xFFFFFFF0]  }
0xb6: {  	v7 =	vld [tilespmem:s9+$0xFFFFFFD0]  }
0xb7: {  	v9 =	vld [tilespmem:s9+$0xFFFFFFB0]  }
0xb8: {  	v11 =	vld [tilespmem:s9+$0xFFFFFF90]  }
0xb9: {  	v13 =	vld [tilespmem:s9+$0xFFFFFF70]  }
0xba: {  	v15 =	vld [tilespmem:s9+$0xFFFFFF50]  }
0xbb: {  	v17 =	vld [tilespmem:s9+$0xFFFFFF30]  }
0xbc: {  	v18 =	vld [tilespmem:s9+$0xFFFFFF10]  }
0xbd: {  	v19 =	vld [tilespmem:s9+$0xFFFFFEF0]  }
0xbe: {  	v20 =	vld [tilespmem:s9+$0xFFFFFED0]  }
0xbf: {  	v21 =	vimm.f32 $0.0e+00;
	v22 =	vld [tilespmem:s9+$0xFFFFFEB0]  }
0xc0: {  	v23 =	vld [tilespmem:s9+$0xFFFFFE90];
	v6 =	vunpack.i.u.bf16.f32 v7;
	v4 =	vunpack.i.u.bf16.f32 v5;
	v5 =	vunpack.i.l.bf16.f32 v5  }
0xc1: {  	v24 =	vld [tilespmem:s9+$0xFFFFFE70];
	v8 =	vunpack.i.u.bf16.f32 v9;
	v9 =	vunpack.i.l.bf16.f32 v9;
	v7 =	vunpack.i.l.bf16.f32 v7  }
0xc2: {  	v25 =	vld [tilespmem:s9+$0xFFFFFE50];
	v12 =	vunpack.i.u.bf16.f32 v13;
	v10 =	vunpack.i.u.bf16.f32 v11;
	v11 =	vunpack.i.l.bf16.f32 v11  }
0xc3: {  	v26 =	vld [tilespmem:s9+$0xFFFFFE30];
	v14 =	vunpack.i.u.bf16.f32 v15;
	v15 =	vunpack.i.l.bf16.f32 v15;
	v13 =	vunpack.i.l.bf16.f32 v13  }
0xc4: {  	v27 =	vld [tilespmem:s9+$0xFFFFFE10];
	v28 =	vunpack.i.u.bf16.f32 v18;
	v16 =	vunpack.i.u.bf16.f32 v17;
	v17 =	vunpack.i.l.bf16.f32 v17  }
0xc5: {  	v29 =	vld [tilespmem:s9+$0xFFFFFE20];
	v30 =	vunpack.i.u.bf16.f32 v19;
	v19 =	vunpack.i.l.bf16.f32 v19;
	v31 =	vunpack.i.l.bf16.f32 v18  }
0xc6: {  	v18 =	vunpack.i.u.bf16.f32 v22;
	v32 =	vunpack.i.u.bf16.f32 v20;
	v20 =	vunpack.i.l.bf16.f32 v20  }
0xc7: {  	v33 =	vld [tilespmem:s9+$0xFFFFFE40];
	v34 =	vunpack.i.u.bf16.f32 v23;
	v23 =	vunpack.i.l.bf16.f32 v23;
	v22 =	vunpack.i.l.bf16.f32 v22  }
0xc8: {  	v35 =	vunpack.i.u.bf16.f32 v25;
	v36 =	vunpack.i.u.bf16.f32 v24;
	v24 =	vunpack.i.l.bf16.f32 v24  }
0xc9: {  	v38 =	vld [tilespmem:s9+$0xFFFFFE60];
	v37 =	vunpack.i.u.bf16.f32 v26;
	v26 =	vunpack.i.l.bf16.f32 v26;
	v25 =	vunpack.i.l.bf16.f32 v25  }
0xca: {  	v39 =	vunpack.i.u.bf16.f32 v27;
	v27 =	vunpack.i.l.bf16.f32 v27;
	v40 =	vunpack.i.u.bf16.f32 v29  }
0xcb: {  	v41 =	vld [tilespmem:s9+$0xFFFFFE80];
	v29 =	vunpack.i.l.bf16.f32 v29;
	v27 =	vadd.f32 v27, v21;
	v39 =	vadd.f32 v39, v21  }
0xcc: {  	v55 =	vunpack.i.u.bf16.f32 v33;
	v29 =	vadd.f32 v29, v21;
	v21 =	vadd.f32 v40, v21  }
0xcd: {  	v56 =	vld [tilespmem:s9+$0xFFFFFEA0];
	v33 =	vunpack.i.l.bf16.f32 v33;
	v26 =	vadd.f32 v26, v27;
	v27 =	vadd.f32 v37, v39  }
0xce: {  	v57 =	vunpack.i.u.bf16.f32 v38;
	v29 =	vadd.f32 v33, v29;
	v21 =	vadd.f32 v55, v21  }
0xcf: {  	v38 =	vunpack.i.l.bf16.f32 v38;
	v25 =	vadd.f32 v25, v26;
	v26 =	vadd.f32 v35, v27;
	v27 =	vld [tilespmem:s9+$0xFFFFFEC0]  }
0xd0: {  	v58 =	vunpack.i.u.bf16.f32 v41;
	v29 =	vadd.f32 v38, v29;
	v21 =	vadd.f32 v57, v21  }
0xd1: {  	v59 =	vunpack.i.l.bf16.f32 v41;
	v24 =	vadd.f32 v24, v25;
	v25 =	vadd.f32 v36, v26;
	v26 =	vld [tilespmem:s9+$0xFFFFFEE0]  }
0xd2: {  	v60 =	vunpack.i.u.bf16.f32 v56;
	v29 =	vadd.f32 v59, v29;
	v21 =	vadd.f32 v58, v21  }
0xd3: {  	v61 =	vunpack.i.l.bf16.f32 v56;
	v23 =	vadd.f32 v23, v24;
	v24 =	vadd.f32 v34, v25;
	v25 =	vld [tilespmem:s9+$0xFFFFFF00]  }
0xd4: {  	v29 =	vadd.f32 v61, v29;
	v21 =	vadd.f32 v60, v21;
	v62 =	vunpack.i.u.bf16.f32 v27  }
0xd5: {  	v27 =	vunpack.i.l.bf16.f32 v27;
	v22 =	vadd.f32 v22, v23;
	v18 =	vadd.f32 v18, v24;
	v23 =	vld [tilespmem:s9+$0xFFFFFF20]  }
0xd6: {  	v24 =	vadd.f32 v27, v29;
	v21 =	vadd.f32 v62, v21;
	v27 =	vunpack.i.u.bf16.f32 v26  }
0xd7: {  	v26 =	vunpack.i.l.bf16.f32 v26;
	v22 =	vadd.f32 v20, v22;
	v18 =	vadd.f32 v32, v18;
	v20 =	vld [tilespmem:s9+$0xFFFFFF40]  }
0xd8: {  	v24 =	vadd.f32 v26, v24;
	v26 =	vadd.f32 v27, v21;
	v27 =	vunpack.i.u.bf16.f32 v25  }
0xd9: {  	v21 =	vunpack.i.l.bf16.f32 v25;
	v19 =	vadd.f32 v19, v22;
	v63 =	vadd.f32 v30, v18;
	v18 =	vld [tilespmem:s9+$0xFFFFFF60]  }
0xda: {  	v21 =	vadd.f32 v21, v24;
	v22 =	vadd.f32 v27, v26;
	v25 =	vunpack.i.u.bf16.f32 v23  }
0xdb: {  	s11 =	simm.s32 $0x0;
	s13 =	simm.s32 $0x9CF0;
	v26 =	vunpack.i.l.bf16.f32 v23;
	v23 =	vadd.f32 v31, v19;
	v24 =	vadd.f32 v28, v63;
	v19 =	vld [tilespmem:s9+$0xFFFFFF80]  }
.LBB2_5:
0xdc: {  	v27 =	vld [tilespmem:s13+$0xFFFFFFF0];
	v21 =	vadd.f32 v26, v21;
	v22 =	vadd.f32 v25, v22;
	v25 =	vunpack.i.u.bf16.f32 v20  }
0xdd: {  	v20 =	vunpack.i.l.bf16.f32 v20;
	v17 =	vadd.f32 v17, v23;
	v16 =	vadd.f32 v16, v24;
	v23 =	vld [tilespmem:s9+$0xFFFFFFA0]  }
0xde: {  	v20 =	vadd.f32 v20, v21;
	v21 =	vadd.f32 v25, v22;
	v22 =	vunpack.i.u.bf16.f32 v18;
	v24 =	vld [tilespmem:s9+$0x0]  }
0xdf: {  	v18 =	vunpack.i.l.bf16.f32 v18;
	v15 =	vadd.f32 v15, v17;
	v14 =	vadd.f32 v14, v16;
	v16 =	vld [tilespmem:s9+$0xFFFFFFC0]  }
0xe0: {  	v17 =	vld [tilespmem:s13+$0xFFFFFFD0];
	v18 =	vadd.f32 v18, v20;
	v20 =	vadd.f32 v22, v21;
	v21 =	vunpack.i.u.bf16.f32 v19  }
0xe1: {  	v19 =	vunpack.i.l.bf16.f32 v19;
	v13 =	vadd.f32 v13, v15;
	v12 =	vadd.f32 v12, v14;
	v14 =	vld [tilespmem:s9+$0xFFFFFFE0];
	s9 =	smov.u32 s13  }
0xe2: {  	v15 =	vld [tilespmem:s13+$0xFFFFFFB0];
	v18 =	vadd.f32 v19, v18;
	v19 =	vadd.f32 v21, v20;
	v20 =	vunpack.i.u.bf16.f32 v23  }
0xe3: {  	v22 =	vunpack.i.l.bf16.f32 v23;
	v21 =	vld [tilespmem:s13+$0xFFFFFF90];
	v11 =	vadd.f32 v11, v13;
	v10 =	vadd.f32 v10, v12  }
0xe4: {  	v13 =	vld [tilespmem:s13+$0xFFFFFF70];
	v12 =	vadd.f32 v22, v18;
	v18 =	vadd.f32 v20, v19;
	v19 =	vunpack.i.u.bf16.f32 v16  }
0xe5: {  	v16 =	vunpack.i.l.bf16.f32 v16;
	v20 =	vld [tilespmem:s13+$0xFFFFFF50];
	v9 =	vadd.f32 v9, v11;
	v8 =	vadd.f32 v8, v10  }
0xe6: {  	v22 =	vld [tilespmem:s13+$0xFFFFFF30];
	v10 =	vadd.f32 v16, v12;
	v11 =	vadd.f32 v19, v18;
	v12 =	vunpack.i.u.bf16.f32 v14  }
0xe7: {  	v14 =	vunpack.i.l.bf16.f32 v14;
	v18 =	vld [tilespmem:s13+$0xFFFFFF10];
	v7 =	vadd.f32 v7, v9;
	v6 =	vadd.f32 v6, v8  }
0xe8: {  	v19 =	vld [tilespmem:s13+$0xFFFFFEF0];
	v8 =	vadd.f32 v14, v10;
	v9 =	vadd.f32 v12, v11;
	v10 =	vunpack.i.u.bf16.f32 v24  }
0xe9: {  	v11 =	vunpack.i.l.bf16.f32 v24;
	v23 =	vld [tilespmem:s13+$0xFFFFFED0];
	v24 =	vadd.f32 v5, v7;
	v25 =	vadd.f32 v4, v6  }
0xea: {  	v26 =	vld [tilespmem:s13+$0xFFFFFEB0];
	v28 =	vadd.f32 v11, v8;
	v29 =	vadd.f32 v10, v9  }
0xeb: {  	v6 =	vunpack.i.u.bf16.f32 v17;
	v4 =	vunpack.i.u.bf16.f32 v27;
	v5 =	vunpack.i.l.bf16.f32 v27;
	v30 =	vld [tilespmem:s13+$0xFFFFFE90]  }
0xec: {  	v7 =	vunpack.i.l.bf16.f32 v17;
	v8 =	vunpack.i.u.bf16.f32 v15;
	v9 =	vunpack.i.l.bf16.f32 v15;
	v27 =	vld [tilespmem:s13+$0xFFFFFE70]  }
0xed: {  	v12 =	vunpack.i.u.bf16.f32 v13;
	v10 =	vunpack.i.u.bf16.f32 v21;
	v11 =	vunpack.i.l.bf16.f32 v21;
	v31 =	vld [tilespmem:s13+$0xFFFFFE50]  }
0xee: {  	v13 =	vunpack.i.l.bf16.f32 v13;
	v14 =	vunpack.i.u.bf16.f32 v20;
	v15 =	vunpack.i.l.bf16.f32 v20;
	v21 =	vld [tilespmem:s13+$0xFFFFFE30]  }
0xef: {  	v16 =	vunpack.i.u.bf16.f32 v22;
	v17 =	vunpack.i.l.bf16.f32 v22;
	v32 =	vunpack.i.u.bf16.f32 v18;
	v20 =	vld [tilespmem:s13+$0xFFFFFE10]  }
0xf0: {  	v34 =	vunpack.i.l.bf16.f32 v18;
	v33 =	vunpack.i.u.bf16.f32 v19;
	v19 =	vunpack.i.l.bf16.f32 v19;
	v22 =	vld [tilespmem:s13+$0xFFFFFE20]  }
0xf1: {  	s11 =	sadd.s32 $0x10, s11;
	v35 =	vunpack.i.u.bf16.f32 v23;
	v23 =	vunpack.i.l.bf16.f32 v23;
	v18 =	vunpack.i.u.bf16.f32 v26  }
0xf2: {  	p1 =	slt.u32 s11, $0xB0;
	v26 =	vunpack.i.l.bf16.f32 v26;
	v37 =	vunpack.i.u.bf16.f32 v30;
	v30 =	vunpack.i.l.bf16.f32 v30;
	v36 =	vld [tilespmem:s13+$0xFFFFFE40]  }
0xf3: {  	v39 =	vunpack.i.u.bf16.f32 v27;
	v27 =	vunpack.i.l.bf16.f32 v27;
	v38 =	vunpack.i.u.bf16.f32 v31  }
0xf4: {  	v31 =	vunpack.i.l.bf16.f32 v31;
	v40 =	vunpack.i.u.bf16.f32 v21;
	v21 =	vunpack.i.l.bf16.f32 v21;
	v41 =	vld [tilespmem:s13+$0xFFFFFE60]  }
0xf5: {  	v42 =	vunpack.i.u.bf16.f32 v20;
	v20 =	vunpack.i.l.bf16.f32 v20;
	v43 =	vunpack.i.u.bf16.f32 v22  }
0xf6: {  	v22 =	vunpack.i.l.bf16.f32 v22;
	v20 =	vadd.f32 v20, v24;
	v24 =	vadd.f32 v42, v25;
	v25 =	vld [tilespmem:s13+$0xFFFFFE80]  }
0xf7: {  	v22 =	vadd.f32 v22, v28;
	v28 =	vadd.f32 v43, v29;
	v29 =	vunpack.i.u.bf16.f32 v36  }
0xf8: {  	v36 =	vunpack.i.l.bf16.f32 v36;
	v20 =	vadd.f32 v21, v20;
	v21 =	vadd.f32 v40, v24;
	v24 =	vld [tilespmem:s13+$0xFFFFFEA0]  }
0xf9: {  	v22 =	vadd.f32 v36, v22;
	v28 =	vadd.f32 v29, v28;
	v29 =	vunpack.i.u.bf16.f32 v41  }
0xfa: {  	v36 =	vunpack.i.l.bf16.f32 v41;
	v20 =	vadd.f32 v31, v20;
	v21 =	vadd.f32 v38, v21;
	v31 =	vld [tilespmem:s13+$0xFFFFFEC0]  }
0xfb: {  	v22 =	vadd.f32 v36, v22;
	v28 =	vadd.f32 v29, v28;
	v29 =	vunpack.i.u.bf16.f32 v25  }
0xfc: {  	v25 =	vunpack.i.l.bf16.f32 v25;
	v20 =	vadd.f32 v27, v20;
	v21 =	vadd.f32 v39, v21;
	v27 =	vld [tilespmem:s13+$0xFFFFFEE0]  }
0xfd: {  	v22 =	vadd.f32 v25, v22;
	v25 =	vadd.f32 v29, v28;
	v28 =	vunpack.i.u.bf16.f32 v24  }
0xfe: {  	v24 =	vunpack.i.l.bf16.f32 v24;
	v20 =	vadd.f32 v30, v20;
	v21 =	vadd.f32 v37, v21;
	v29 =	vld [tilespmem:s13+$0xFFFFFF00]  }
0xff: {  	v22 =	vadd.f32 v24, v22;
	v24 =	vadd.f32 v28, v25;
	v25 =	vunpack.i.u.bf16.f32 v31  }
0x100: {  	v28 =	vunpack.i.l.bf16.f32 v31;
	v20 =	vadd.f32 v26, v20;
	v18 =	vadd.f32 v18, v21;
	v26 =	vld [tilespmem:s13+$0xFFFFFF20]  }
0x101: {  	v21 =	vadd.f32 v28, v22;
	v22 =	vadd.f32 v25, v24;
	v24 =	vunpack.i.u.bf16.f32 v27  }
.Ltmp1:
0x102: {  	v25 =	vunpack.i.l.bf16.f32 v27;
	v23 =	vadd.f32 v23, v20;
	v18 =	vadd.f32 v35, v18;
	v20 =	vld [tilespmem:s13+$0xFFFFFF40];
	(pc) =	sbr.rel @p1 .LBB2_5-.Ltmp1, $4  }
0x103: {  	v21 =	vadd.f32 v25, v21;
	v22 =	vadd.f32 v24, v22;
	v24 =	vunpack.i.u.bf16.f32 v29  }
0x104: {  	v25 =	vunpack.i.l.bf16.f32 v29;
	v19 =	vadd.f32 v19, v23;
	v27 =	vadd.f32 v33, v18;
	v18 =	vld [tilespmem:s13+$0xFFFFFF60]  }
0x105: {  	v21 =	vadd.f32 v25, v21;
	v22 =	vadd.f32 v24, v22;
	v25 =	vunpack.i.u.bf16.f32 v26  }
0x106: {  	s13 =	sadd.s32 $0x200, s13;
	v26 =	vunpack.i.l.bf16.f32 v26;
	v23 =	vadd.f32 v34, v19;
	v24 =	vadd.f32 v32, v27;
	v19 =	vld [tilespmem:s9+$0xFFFFFF80]  }
0x107: {  	v21 =	vadd.f32 v26, v21;
	v22 =	vadd.f32 v25, v22;
	v25 =	vunpack.i.u.bf16.f32 v20  }
0x108: {  	v20 =	vunpack.i.l.bf16.f32 v20;
	v17 =	vadd.f32 v17, v23;
	v16 =	vadd.f32 v16, v24;
	v23 =	vld [tilespmem:s9+$0xFFFFFFA0]  }
0x109: {  	v20 =	vadd.f32 v20, v21;
	v21 =	vadd.f32 v25, v22;
	v22 =	vunpack.i.u.bf16.f32 v18  }
0x10a: {  	v18 =	vunpack.i.l.bf16.f32 v18;
	v15 =	vadd.f32 v15, v17;
	v14 =	vadd.f32 v14, v16;
	v16 =	vld [tilespmem:s9+$0xFFFFFFC0]  }
0x10b: {  	v17 =	vadd.f32 v18, v20;
	v18 =	vadd.f32 v22, v21;
	v20 =	vunpack.i.u.bf16.f32 v19  }
0x10c: {  	v19 =	vunpack.i.l.bf16.f32 v19;
	v13 =	vadd.f32 v13, v15;
	v12 =	vadd.f32 v12, v14;
	v14 =	vld [tilespmem:s9+$0xFFFFFFE0]  }
0x10d: {  	v15 =	vadd.f32 v19, v17;
	v17 =	vadd.f32 v20, v18;
	v18 =	vunpack.i.u.bf16.f32 v23  }
0x10e: {  	v19 =	vld [tilespmem:s9+$0x0];
	v20 =	vunpack.i.l.bf16.f32 v23;
	v11 =	vadd.f32 v11, v13;
	v10 =	vadd.f32 v10, v12  }
0x10f: {  	v12 =	vadd.f32 v20, v15;
	v13 =	vadd.f32 v18, v17;
	v15 =	vunpack.i.u.bf16.f32 v16  }
0x110: {  	v16 =	vunpack.i.l.bf16.f32 v16;
	v9 =	vadd.f32 v9, v11;
	v8 =	vadd.f32 v8, v10;
	v10 =	vld [tilespmem:$0xB100]  }
0x111: {  	v11 =	vadd.f32 v16, v12;
	v12 =	vadd.f32 v15, v13;
	v13 =	vunpack.i.u.bf16.f32 v14;
	v15 =	vld [tilespmem:$0xB110]  }
0x112: {  	v14 =	vunpack.i.l.bf16.f32 v14;
	v7 =	vadd.f32 v7, v9;
	v6 =	vadd.f32 v6, v8  }
0x113: {  	v8 =	vadd.f32 v14, v11;
	v9 =	vadd.f32 v13, v12;
	v11 =	vunpack.i.u.bf16.f32 v19;
	v12 =	vld [tilespmem:$0xB120]  }
0x114: {  	v13 =	vunpack.i.l.bf16.f32 v19;
	v5 =	vadd.f32 v5, v7;
	v4 =	vadd.f32 v4, v6;
	v6 =	vld [tilespmem:$0xB130]  }
0x115: {  	v7 =	vadd.f32 v13, v8;
	v8 =	vadd.f32 v11, v9  }
0x116: {  	v9 =	vunpack.i.u.bf16.f32 v10;
	v10 =	vunpack.i.l.bf16.f32 v10;
	v13 =	vld [tilespmem:$0xB140];
	v11 =	vunpack.i.u.bf16.f32 v15  }
0x117: {  	v14 =	vunpack.i.l.bf16.f32 v15;
	v5 =	vadd.f32 v10, v5;
	v4 =	vadd.f32 v9, v4;
	v9 =	vld [tilespmem:$0xB150]  }
0x118: {  	v7 =	vadd.f32 v14, v7;
	v8 =	vadd.f32 v11, v8  }
0x119: {  	v14 =	vld [tilespmem:$0xB160];
	v10 =	vunpack.i.u.bf16.f32 v12;
	v11 =	vunpack.i.l.bf16.f32 v12;
	v12 =	vunpack.i.u.bf16.f32 v6  }
0x11a: {  	v6 =	vunpack.i.l.bf16.f32 v6;
	v5 =	vadd.f32 v11, v5;
	v4 =	vadd.f32 v10, v4  }
0x11b: {  	v10 =	vld [tilespmem:$0xB170];
	v6 =	vadd.f32 v6, v7;
	v7 =	vadd.f32 v12, v8  }
0x11c: {  	v8 =	vunpack.i.u.bf16.f32 v13;
	v11 =	vunpack.i.l.bf16.f32 v13;
	v13 =	vld [tilespmem:$0xB180];
	v12 =	vunpack.i.u.bf16.f32 v9  }
0x11d: {  	v9 =	vunpack.i.l.bf16.f32 v9;
	v5 =	vadd.f32 v11, v5;
	v4 =	vadd.f32 v8, v4;
	v8 =	vld [tilespmem:$0xB190]  }
0x11e: {  	v6 =	vadd.f32 v9, v6;
	v11 =	vunpack.i.l.bf16.f32 v14  }
0x11f: {  	v7 =	vadd.f32 v12, v7;
	v9 =	vunpack.i.u.bf16.f32 v14;
	v14 =	vld [tilespmem:$0xB1A0];
	v5 =	vadd.f32 v11, v5  }
0x120: {  	v4 =	vadd.f32 v9, v4;
	v9 =	vld [tilespmem:$0xB1B0];
	v12 =	vunpack.i.u.bf16.f32 v10;
	v10 =	vunpack.i.l.bf16.f32 v10  }
0x121: {  	v6 =	vadd.f32 v10, v6;
	v7 =	vadd.f32 v12, v7  }
0x122: {  	v10 =	vunpack.i.u.bf16.f32 v13;
	v11 =	vunpack.i.l.bf16.f32 v13;
	v13 =	vld [tilespmem:$0xB1C0];
	v12 =	vunpack.i.u.bf16.f32 v8  }
0x123: {  	v8 =	vunpack.i.l.bf16.f32 v8;
	v5 =	vadd.f32 v11, v5;
	v4 =	vadd.f32 v10, v4;
	v10 =	vld [tilespmem:$0xB1D0]  }
0x124: {  	v6 =	vadd.f32 v8, v6;
	v7 =	vadd.f32 v12, v7;
	v8 =	vld [tilespmem:$0xB1E0]  }
0x125: {  	v11 =	vunpack.i.u.bf16.f32 v14;
	v12 =	vunpack.i.l.bf16.f32 v14;
	v14 =	vunpack.i.u.bf16.f32 v9  }
0x126: {  	v9 =	vunpack.i.l.bf16.f32 v9;
	v5 =	vadd.f32 v12, v5;
	v4 =	vadd.f32 v11, v4;
	v11 =	vld [tilespmem:$0xB1F0]  }
0x127: {  	v6 =	vadd.f32 v9, v6;
	v7 =	vadd.f32 v14, v7;
	v9 =	vunpack.i.l.bf16.f32 v13  }
0x128: {  	v12 =	vunpack.i.u.bf16.f32 v13;
	v13 =	vunpack.i.u.bf16.f32 v10;
	v5 =	vadd.f32 v9, v5  }
0x129: {  	v9 =	vunpack.i.l.bf16.f32 v10;
	v4 =	vadd.f32 v12, v4;
	v10 =	vunpack.i.l.bf16.f32 v8  }
0x12a: {  	v6 =	vadd.f32 v9, v6;
	v8 =	vunpack.i.u.bf16.f32 v8;
	v5 =	vadd.f32 v10, v5  }
0x12b: {  	v7 =	vadd.f32 v13, v7;
	v9 =	vunpack.i.l.bf16.f32 v11;
	v4 =	vadd.f32 v8, v4  }
0x12c: {  	v8 =	vunpack.i.u.bf16.f32 v11;
	v6 =	vadd.f32 v9, v6;
	v5 =	vmul.f32 $4.999999890e-03, v5  }
0x12d: {  	v7 =	vadd.f32 v8, v7;
	v4 =	vmul.f32 $4.999999890e-03, v4  }
0x12e: {  	v6 =	vmul.f32 $4.999999890e-03, v6;
	v5 =	vadd.f32 v5, v0  }
0x12f: {  	v7 =	vmul.f32 $4.999999890e-03, v7;
	v4 =	vadd.f32 v4, v1  }
0x130: {  	[tilespmem:s1+$0xE440] =	vst v5;
	v5 =	vadd.f32 v6, v2  }
0x131: {  	[tilespmem:s1+$0xE450] =	vst v4;
	v4 =	vadd.f32 v7, v3  }
0x132: {  	[tilespmem:s1+$0xE460] =	vst v5  }
0x133: {  	s11 =	simm.s32 @!p0 $0x80;
	s13 =	simm.s32 @!p0 $0x9900;
	s9 =	sadd.s32 @!p0 $0x500, s2;
	[tilespmem:s1+$0xE470] =	vst v4  }
0x134: {  	[tilespmem:s13], [sflag:$0x2] =	stream.indirect.gather @!p0 [hbm4b:s4+s11], $0x20, s9, s11, $0xb8;
	[tilespmem:$0x10440] =	vst v63  }
0x135: {  	s9 =	sadd.s32 @!p0 $0x580, s2;
	s11 =	simm.s32 @!p0 $0x48;
	s13 =	simm.s32 @!p0 $0xA900  }
0x136: {  	[tilespmem:s13], [sflag:$0x2] =	stream.indirect.gather @!p0 [hbm4b:s4+s11], $0x20, s9, s11, $0xb8;
	[tilespmem:$0x10440] =	vst v63  }
0x137: {  	_ =	swait.ge [sflag:s26], $0x1900  }
0x138: {  	[sflag:s26] =	ssyncset.done $0x0  }
0x139: {  	s9 =	simm.s32 $0xB3F0;
	[sflag:s26] =	ssyncadd.s32 $0xFFFFE700  }
0x13a: {  	v5 =	vld [tilespmem:s9+$0xFFFFFFF0]  }
0x13b: {  	v7 =	vld [tilespmem:s9+$0xFFFFFFD0]  }
0x13c: {  	v9 =	vld [tilespmem:s9+$0xFFFFFFB0]  }
0x13d: {  	v11 =	vld [tilespmem:s9+$0xFFFFFF90]  }
0x13e: {  	v13 =	vld [tilespmem:s9+$0xFFFFFF70]  }
0x13f: {  	v15 =	vld [tilespmem:s9+$0xFFFFFF50]  }
0x140: {  	v17 =	vld [tilespmem:s9+$0xFFFFFF30]  }
0x141: {  	v18 =	vld [tilespmem:s9+$0xFFFFFF10]  }
0x142: {  	v19 =	vld [tilespmem:s9+$0xFFFFFEF0]  }
0x143: {  	v20 =	vld [tilespmem:s9+$0xFFFFFED0]  }
0x144: {  	v21 =	vimm.f32 $0.0e+00;
	v22 =	vld [tilespmem:s9+$0xFFFFFEB0]  }
0x145: {  	v23 =	vld [tilespmem:s9+$0xFFFFFE90];
	v6 =	vunpack.i.u.bf16.f32 v7;
	v4 =	vunpack.i.u.bf16.f32 v5;
	v5 =	vunpack.i.l.bf16.f32 v5  }
0x146: {  	v24 =	vld [tilespmem:s9+$0xFFFFFE70];
	v8 =	vunpack.i.u.bf16.f32 v9;
	v9 =	vunpack.i.l.bf16.f32 v9;
	v7 =	vunpack.i.l.bf16.f32 v7  }
0x147: {  	v25 =	vld [tilespmem:s9+$0xFFFFFE50];
	v12 =	vunpack.i.u.bf16.f32 v13;
	v10 =	vunpack.i.u.bf16.f32 v11;
	v11 =	vunpack.i.l.bf16.f32 v11  }
0x148: {  	v26 =	vld [tilespmem:s9+$0xFFFFFE30];
	v14 =	vunpack.i.u.bf16.f32 v15;
	v15 =	vunpack.i.l.bf16.f32 v15;
	v13 =	vunpack.i.l.bf16.f32 v13  }
0x149: {  	v27 =	vld [tilespmem:s9+$0xFFFFFE10];
	v28 =	vunpack.i.u.bf16.f32 v18;
	v16 =	vunpack.i.u.bf16.f32 v17;
	v17 =	vunpack.i.l.bf16.f32 v17  }
0x14a: {  	v29 =	vld [tilespmem:s9+$0xFFFFFE20];
	v30 =	vunpack.i.u.bf16.f32 v19;
	v19 =	vunpack.i.l.bf16.f32 v19;
	v31 =	vunpack.i.l.bf16.f32 v18  }
0x14b: {  	v18 =	vunpack.i.u.bf16.f32 v22;
	v32 =	vunpack.i.u.bf16.f32 v20;
	v20 =	vunpack.i.l.bf16.f32 v20  }
0x14c: {  	v33 =	vld [tilespmem:s9+$0xFFFFFE40];
	v34 =	vunpack.i.u.bf16.f32 v23;
	v23 =	vunpack.i.l.bf16.f32 v23;
	v22 =	vunpack.i.l.bf16.f32 v22  }
0x14d: {  	v35 =	vunpack.i.u.bf16.f32 v25;
	v36 =	vunpack.i.u.bf16.f32 v24;
	v24 =	vunpack.i.l.bf16.f32 v24  }
0x14e: {  	v38 =	vld [tilespmem:s9+$0xFFFFFE60];
	v37 =	vunpack.i.u.bf16.f32 v26;
	v26 =	vunpack.i.l.bf16.f32 v26;
	v25 =	vunpack.i.l.bf16.f32 v25  }
0x14f: {  	v39 =	vunpack.i.u.bf16.f32 v27;
	v27 =	vunpack.i.l.bf16.f32 v27;
	v40 =	vunpack.i.u.bf16.f32 v29  }
0x150: {  	v41 =	vld [tilespmem:s9+$0xFFFFFE80];
	v29 =	vunpack.i.l.bf16.f32 v29;
	v27 =	vadd.f32 v27, v21;
	v39 =	vadd.f32 v39, v21  }
0x151: {  	v55 =	vunpack.i.u.bf16.f32 v33;
	v29 =	vadd.f32 v29, v21;
	v21 =	vadd.f32 v40, v21  }
0x152: {  	v56 =	vld [tilespmem:s9+$0xFFFFFEA0];
	v33 =	vunpack.i.l.bf16.f32 v33;
	v26 =	vadd.f32 v26, v27;
	v27 =	vadd.f32 v37, v39  }
0x153: {  	v57 =	vunpack.i.u.bf16.f32 v38;
	v29 =	vadd.f32 v33, v29;
	v21 =	vadd.f32 v55, v21  }
0x154: {  	v38 =	vunpack.i.l.bf16.f32 v38;
	v25 =	vadd.f32 v25, v26;
	v26 =	vadd.f32 v35, v27;
	v27 =	vld [tilespmem:s9+$0xFFFFFEC0]  }
0x155: {  	v58 =	vunpack.i.u.bf16.f32 v41;
	v29 =	vadd.f32 v38, v29;
	v21 =	vadd.f32 v57, v21  }
0x156: {  	v59 =	vunpack.i.l.bf16.f32 v41;
	v24 =	vadd.f32 v24, v25;
	v25 =	vadd.f32 v36, v26;
	v26 =	vld [tilespmem:s9+$0xFFFFFEE0]  }
0x157: {  	v60 =	vunpack.i.u.bf16.f32 v56;
	v29 =	vadd.f32 v59, v29;
	v21 =	vadd.f32 v58, v21  }
0x158: {  	v61 =	vunpack.i.l.bf16.f32 v56;
	v23 =	vadd.f32 v23, v24;
	v24 =	vadd.f32 v34, v25;
	v25 =	vld [tilespmem:s9+$0xFFFFFF00]  }
0x159: {  	v29 =	vadd.f32 v61, v29;
	v21 =	vadd.f32 v60, v21;
	v62 =	vunpack.i.u.bf16.f32 v27  }
0x15a: {  	v27 =	vunpack.i.l.bf16.f32 v27;
	v22 =	vadd.f32 v22, v23;
	v18 =	vadd.f32 v18, v24;
	v23 =	vld [tilespmem:s9+$0xFFFFFF20]  }
0x15b: {  	v24 =	vadd.f32 v27, v29;
	v21 =	vadd.f32 v62, v21;
	v27 =	vunpack.i.u.bf16.f32 v26  }
0x15c: {  	v26 =	vunpack.i.l.bf16.f32 v26;
	v22 =	vadd.f32 v20, v22;
	v18 =	vadd.f32 v32, v18;
	v20 =	vld [tilespmem:s9+$0xFFFFFF40]  }
0x15d: {  	v24 =	vadd.f32 v26, v24;
	v26 =	vadd.f32 v27, v21;
	v27 =	vunpack.i.u.bf16.f32 v25  }
0x15e: {  	v21 =	vunpack.i.l.bf16.f32 v25;
	v19 =	vadd.f32 v19, v22;
	v63 =	vadd.f32 v30, v18;
	v18 =	vld [tilespmem:s9+$0xFFFFFF60]  }
0x15f: {  	v21 =	vadd.f32 v21, v24;
	v22 =	vadd.f32 v27, v26;
	v25 =	vunpack.i.u.bf16.f32 v23  }
0x160: {  	s11 =	simm.s32 $0x0;
	s13 =	simm.s32 $0xB5F0;
	v26 =	vunpack.i.l.bf16.f32 v23;
	v23 =	vadd.f32 v31, v19;
	v24 =	vadd.f32 v28, v63;
	v19 =	vld [tilespmem:s9+$0xFFFFFF80]  }
.LBB2_7:
0x161: {  	v27 =	vld [tilespmem:s13+$0xFFFFFFF0];
	v21 =	vadd.f32 v26, v21;
	v22 =	vadd.f32 v25, v22;
	v25 =	vunpack.i.u.bf16.f32 v20  }
0x162: {  	v20 =	vunpack.i.l.bf16.f32 v20;
	v17 =	vadd.f32 v17, v23;
	v16 =	vadd.f32 v16, v24;
	v23 =	vld [tilespmem:s9+$0xFFFFFFA0]  }
0x163: {  	v20 =	vadd.f32 v20, v21;
	v21 =	vadd.f32 v25, v22;
	v22 =	vunpack.i.u.bf16.f32 v18;
	v24 =	vld [tilespmem:s9+$0x0]  }
0x164: {  	v18 =	vunpack.i.l.bf16.f32 v18;
	v15 =	vadd.f32 v15, v17;
	v14 =	vadd.f32 v14, v16;
	v16 =	vld [tilespmem:s9+$0xFFFFFFC0]  }
0x165: {  	v17 =	vld [tilespmem:s13+$0xFFFFFFD0];
	v18 =	vadd.f32 v18, v20;
	v20 =	vadd.f32 v22, v21;
	v21 =	vunpack.i.u.bf16.f32 v19  }
0x166: {  	v19 =	vunpack.i.l.bf16.f32 v19;
	v13 =	vadd.f32 v13, v15;
	v12 =	vadd.f32 v12, v14;
	v14 =	vld [tilespmem:s9+$0xFFFFFFE0];
	s9 =	smov.u32 s13  }
0x167: {  	v15 =	vld [tilespmem:s13+$0xFFFFFFB0];
	v18 =	vadd.f32 v19, v18;
	v19 =	vadd.f32 v21, v20;
	v20 =	vunpack.i.u.bf16.f32 v23  }
0x168: {  	v22 =	vunpack.i.l.bf16.f32 v23;
	v21 =	vld [tilespmem:s13+$0xFFFFFF90];
	v11 =	vadd.f32 v11, v13;
	v10 =	vadd.f32 v10, v12  }
0x169: {  	v13 =	vld [tilespmem:s13+$0xFFFFFF70];
	v12 =	vadd.f32 v22, v18;
	v18 =	vadd.f32 v20, v19;
	v19 =	vunpack.i.u.bf16.f32 v16  }
0x16a: {  	v16 =	vunpack.i.l.bf16.f32 v16;
	v20 =	vld [tilespmem:s13+$0xFFFFFF50];
	v9 =	vadd.f32 v9, v11;
	v8 =	vadd.f32 v8, v10  }
0x16b: {  	v22 =	vld [tilespmem:s13+$0xFFFFFF30];
	v10 =	vadd.f32 v16, v12;
	v11 =	vadd.f32 v19, v18;
	v12 =	vunpack.i.u.bf16.f32 v14  }
0x16c: {  	v14 =	vunpack.i.l.bf16.f32 v14;
	v18 =	vld [tilespmem:s13+$0xFFFFFF10];
	v7 =	vadd.f32 v7, v9;
	v6 =	vadd.f32 v6, v8  }
0x16d: {  	v19 =	vld [tilespmem:s13+$0xFFFFFEF0];
	v8 =	vadd.f32 v14, v10;
	v9 =	vadd.f32 v12, v11;
	v10 =	vunpack.i.u.bf16.f32 v24  }
0x16e: {  	v11 =	vunpack.i.l.bf16.f32 v24;
	v23 =	vld [tilespmem:s13+$0xFFFFFED0];
	v24 =	vadd.f32 v5, v7;
	v25 =	vadd.f32 v4, v6  }
0x16f: {  	v26 =	vld [tilespmem:s13+$0xFFFFFEB0];
	v28 =	vadd.f32 v11, v8;
	v29 =	vadd.f32 v10, v9  }
0x170: {  	v6 =	vunpack.i.u.bf16.f32 v17;
	v4 =	vunpack.i.u.bf16.f32 v27;
	v5 =	vunpack.i.l.bf16.f32 v27;
	v30 =	vld [tilespmem:s13+$0xFFFFFE90]  }
0x171: {  	v7 =	vunpack.i.l.bf16.f32 v17;
	v8 =	vunpack.i.u.bf16.f32 v15;
	v9 =	vunpack.i.l.bf16.f32 v15;
	v27 =	vld [tilespmem:s13+$0xFFFFFE70]  }
0x172: {  	v12 =	vunpack.i.u.bf16.f32 v13;
	v10 =	vunpack.i.u.bf16.f32 v21;
	v11 =	vunpack.i.l.bf16.f32 v21;
	v31 =	vld [tilespmem:s13+$0xFFFFFE50]  }
0x173: {  	v13 =	vunpack.i.l.bf16.f32 v13;
	v14 =	vunpack.i.u.bf16.f32 v20;
	v15 =	vunpack.i.l.bf16.f32 v20;
	v21 =	vld [tilespmem:s13+$0xFFFFFE30]  }
0x174: {  	v16 =	vunpack.i.u.bf16.f32 v22;
	v17 =	vunpack.i.l.bf16.f32 v22;
	v32 =	vunpack.i.u.bf16.f32 v18;
	v20 =	vld [tilespmem:s13+$0xFFFFFE10]  }
0x175: {  	v34 =	vunpack.i.l.bf16.f32 v18;
	v33 =	vunpack.i.u.bf16.f32 v19;
	v19 =	vunpack.i.l.bf16.f32 v19;
	v22 =	vld [tilespmem:s13+$0xFFFFFE20]  }
0x176: {  	s11 =	sadd.s32 $0x10, s11;
	v35 =	vunpack.i.u.bf16.f32 v23;
	v23 =	vunpack.i.l.bf16.f32 v23;
	v18 =	vunpack.i.u.bf16.f32 v26  }
0x177: {  	p1 =	slt.u32 s11, $0xB0;
	v26 =	vunpack.i.l.bf16.f32 v26;
	v37 =	vunpack.i.u.bf16.f32 v30;
	v30 =	vunpack.i.l.bf16.f32 v30;
	v36 =	vld [tilespmem:s13+$0xFFFFFE40]  }
0x178: {  	v39 =	vunpack.i.u.bf16.f32 v27;
	v27 =	vunpack.i.l.bf16.f32 v27;
	v38 =	vunpack.i.u.bf16.f32 v31  }
0x179: {  	v31 =	vunpack.i.l.bf16.f32 v31;
	v40 =	vunpack.i.u.bf16.f32 v21;
	v21 =	vunpack.i.l.bf16.f32 v21;
	v41 =	vld [tilespmem:s13+$0xFFFFFE60]  }
0x17a: {  	v42 =	vunpack.i.u.bf16.f32 v20;
	v20 =	vunpack.i.l.bf16.f32 v20;
	v43 =	vunpack.i.u.bf16.f32 v22  }
0x17b: {  	v22 =	vunpack.i.l.bf16.f32 v22;
	v20 =	vadd.f32 v20, v24;
	v24 =	vadd.f32 v42, v25;
	v25 =	vld [tilespmem:s13+$0xFFFFFE80]  }
0x17c: {  	v22 =	vadd.f32 v22, v28;
	v28 =	vadd.f32 v43, v29;
	v29 =	vunpack.i.u.bf16.f32 v36  }
0x17d: {  	v36 =	vunpack.i.l.bf16.f32 v36;
	v20 =	vadd.f32 v21, v20;
	v21 =	vadd.f32 v40, v24;
	v24 =	vld [tilespmem:s13+$0xFFFFFEA0]  }
0x17e: {  	v22 =	vadd.f32 v36, v22;
	v28 =	vadd.f32 v29, v28;
	v29 =	vunpack.i.u.bf16.f32 v41  }
0x17f: {  	v36 =	vunpack.i.l.bf16.f32 v41;
	v20 =	vadd.f32 v31, v20;
	v21 =	vadd.f32 v38, v21;
	v31 =	vld [tilespmem:s13+$0xFFFFFEC0]  }
0x180: {  	v22 =	vadd.f32 v36, v22;
	v28 =	vadd.f32 v29, v28;
	v29 =	vunpack.i.u.bf16.f32 v25  }
0x181: {  	v25 =	vunpack.i.l.bf16.f32 v25;
	v20 =	vadd.f32 v27, v20;
	v21 =	vadd.f32 v39, v21;
	v27 =	vld [tilespmem:s13+$0xFFFFFEE0]  }
0x182: {  	v22 =	vadd.f32 v25, v22;
	v25 =	vadd.f32 v29, v28;
	v28 =	vunpack.i.u.bf16.f32 v24  }
0x183: {  	v24 =	vunpack.i.l.bf16.f32 v24;
	v20 =	vadd.f32 v30, v20;
	v21 =	vadd.f32 v37, v21;
	v29 =	vld [tilespmem:s13+$0xFFFFFF00]  }
0x184: {  	v22 =	vadd.f32 v24, v22;
	v24 =	vadd.f32 v28, v25;
	v25 =	vunpack.i.u.bf16.f32 v31  }
0x185: {  	v28 =	vunpack.i.l.bf16.f32 v31;
	v20 =	vadd.f32 v26, v20;
	v18 =	vadd.f32 v18, v21;
	v26 =	vld [tilespmem:s13+$0xFFFFFF20]  }
0x186: {  	v21 =	vadd.f32 v28, v22;
	v22 =	vadd.f32 v25, v24;
	v24 =	vunpack.i.u.bf16.f32 v27  }
.Ltmp2:
0x187: {  	v25 =	vunpack.i.l.bf16.f32 v27;
	v23 =	vadd.f32 v23, v20;
	v18 =	vadd.f32 v35, v18;
	v20 =	vld [tilespmem:s13+$0xFFFFFF40];
	(pc) =	sbr.rel @p1 .LBB2_7-.Ltmp2, $4  }
0x188: {  	v21 =	vadd.f32 v25, v21;
	v22 =	vadd.f32 v24, v22;
	v24 =	vunpack.i.u.bf16.f32 v29  }
0x189: {  	v25 =	vunpack.i.l.bf16.f32 v29;
	v19 =	vadd.f32 v19, v23;
	v27 =	vadd.f32 v33, v18;
	v18 =	vld [tilespmem:s13+$0xFFFFFF60]  }
0x18a: {  	v21 =	vadd.f32 v25, v21;
	v22 =	vadd.f32 v24, v22;
	v25 =	vunpack.i.u.bf16.f32 v26  }
0x18b: {  	s13 =	sadd.s32 $0x200, s13;
	v26 =	vunpack.i.l.bf16.f32 v26;
	v23 =	vadd.f32 v34, v19;
	v24 =	vadd.f32 v32, v27;
	v19 =	vld [tilespmem:s9+$0xFFFFFF80]  }
0x18c: {  	v21 =	vadd.f32 v26, v21;
	v22 =	vadd.f32 v25, v22;
	v25 =	vunpack.i.u.bf16.f32 v20  }
0x18d: {  	v20 =	vunpack.i.l.bf16.f32 v20;
	v17 =	vadd.f32 v17, v23;
	v16 =	vadd.f32 v16, v24;
	v23 =	vld [tilespmem:s9+$0xFFFFFFA0]  }
0x18e: {  	v20 =	vadd.f32 v20, v21;
	v21 =	vadd.f32 v25, v22;
	v22 =	vunpack.i.u.bf16.f32 v18  }
0x18f: {  	v18 =	vunpack.i.l.bf16.f32 v18;
	v15 =	vadd.f32 v15, v17;
	v14 =	vadd.f32 v14, v16;
	v16 =	vld [tilespmem:s9+$0xFFFFFFC0]  }
0x190: {  	v17 =	vadd.f32 v18, v20;
	v18 =	vadd.f32 v22, v21;
	v20 =	vunpack.i.u.bf16.f32 v19  }
0x191: {  	v19 =	vunpack.i.l.bf16.f32 v19;
	v13 =	vadd.f32 v13, v15;
	v12 =	vadd.f32 v12, v14;
	v14 =	vld [tilespmem:s9+$0xFFFFFFE0]  }
0x192: {  	v15 =	vadd.f32 v19, v17;
	v17 =	vadd.f32 v20, v18;
	v18 =	vunpack.i.u.bf16.f32 v23  }
0x193: {  	v19 =	vld [tilespmem:s9+$0x0];
	v20 =	vunpack.i.l.bf16.f32 v23;
	v11 =	vadd.f32 v11, v13;
	v10 =	vadd.f32 v10, v12  }
0x194: {  	v12 =	vadd.f32 v20, v15;
	v13 =	vadd.f32 v18, v17;
	v15 =	vunpack.i.u.bf16.f32 v16  }
0x195: {  	v16 =	vunpack.i.l.bf16.f32 v16;
	v9 =	vadd.f32 v9, v11;
	v8 =	vadd.f32 v8, v10;
	v10 =	vld [tilespmem:$0xCA00]  }
0x196: {  	v11 =	vadd.f32 v16, v12;
	v12 =	vadd.f32 v15, v13;
	v13 =	vunpack.i.u.bf16.f32 v14;
	v15 =	vld [tilespmem:$0xCA10]  }
0x197: {  	v14 =	vunpack.i.l.bf16.f32 v14;
	v7 =	vadd.f32 v7, v9;
	v6 =	vadd.f32 v6, v8  }
0x198: {  	v8 =	vadd.f32 v14, v11;
	v9 =	vadd.f32 v13, v12;
	v11 =	vunpack.i.u.bf16.f32 v19;
	v12 =	vld [tilespmem:$0xCA20]  }
0x199: {  	v13 =	vunpack.i.l.bf16.f32 v19;
	v5 =	vadd.f32 v5, v7;
	v4 =	vadd.f32 v4, v6;
	v6 =	vld [tilespmem:$0xCA30]  }
0x19a: {  	v7 =	vadd.f32 v13, v8;
	v8 =	vadd.f32 v11, v9  }
0x19b: {  	v9 =	vunpack.i.u.bf16.f32 v10;
	v10 =	vunpack.i.l.bf16.f32 v10;
	v13 =	vld [tilespmem:$0xCA40];
	v11 =	vunpack.i.u.bf16.f32 v15  }
0x19c: {  	v14 =	vunpack.i.l.bf16.f32 v15;
	v5 =	vadd.f32 v10, v5;
	v4 =	vadd.f32 v9, v4;
	v9 =	vld [tilespmem:$0xCA50]  }
0x19d: {  	v7 =	vadd.f32 v14, v7;
	v8 =	vadd.f32 v11, v8  }
0x19e: {  	v14 =	vld [tilespmem:$0xCA60];
	v10 =	vunpack.i.u.bf16.f32 v12;
	v11 =	vunpack.i.l.bf16.f32 v12;
	v12 =	vunpack.i.u.bf16.f32 v6  }
0x19f: {  	v6 =	vunpack.i.l.bf16.f32 v6;
	v5 =	vadd.f32 v11, v5;
	v4 =	vadd.f32 v10, v4  }
0x1a0: {  	v10 =	vld [tilespmem:$0xCA70];
	v6 =	vadd.f32 v6, v7;
	v7 =	vadd.f32 v12, v8  }
0x1a1: {  	v8 =	vunpack.i.u.bf16.f32 v13;
	v11 =	vunpack.i.l.bf16.f32 v13;
	v13 =	vld [tilespmem:$0xCA80];
	v12 =	vunpack.i.u.bf16.f32 v9  }
0x1a2: {  	v9 =	vunpack.i.l.bf16.f32 v9;
	v5 =	vadd.f32 v11, v5;
	v4 =	vadd.f32 v8, v4;
	v8 =	vld [tilespmem:$0xCA90]  }
0x1a3: {  	v6 =	vadd.f32 v9, v6;
	v11 =	vunpack.i.l.bf16.f32 v14  }
0x1a4: {  	v7 =	vadd.f32 v12, v7;
	v9 =	vunpack.i.u.bf16.f32 v14;
	v14 =	vld [tilespmem:$0xCAA0];
	v5 =	vadd.f32 v11, v5  }
0x1a5: {  	v4 =	vadd.f32 v9, v4;
	v9 =	vld [tilespmem:$0xCAB0];
	v12 =	vunpack.i.u.bf16.f32 v10;
	v10 =	vunpack.i.l.bf16.f32 v10  }
0x1a6: {  	v6 =	vadd.f32 v10, v6;
	v7 =	vadd.f32 v12, v7  }
0x1a7: {  	v10 =	vunpack.i.u.bf16.f32 v13;
	v11 =	vunpack.i.l.bf16.f32 v13;
	v13 =	vld [tilespmem:$0xCAC0];
	v12 =	vunpack.i.u.bf16.f32 v8  }
0x1a8: {  	v8 =	vunpack.i.l.bf16.f32 v8;
	v5 =	vadd.f32 v11, v5;
	v4 =	vadd.f32 v10, v4;
	v10 =	vld [tilespmem:$0xCAD0]  }
0x1a9: {  	v6 =	vadd.f32 v8, v6;
	v7 =	vadd.f32 v12, v7;
	v8 =	vld [tilespmem:$0xCAE0]  }
0x1aa: {  	v11 =	vunpack.i.u.bf16.f32 v14;
	v12 =	vunpack.i.l.bf16.f32 v14;
	v14 =	vunpack.i.u.bf16.f32 v9  }
0x1ab: {  	v9 =	vunpack.i.l.bf16.f32 v9;
	v5 =	vadd.f32 v12, v5;
	v4 =	vadd.f32 v11, v4;
	v11 =	vld [tilespmem:$0xCAF0]  }
0x1ac: {  	v6 =	vadd.f32 v9, v6;
	v7 =	vadd.f32 v14, v7;
	v9 =	vunpack.i.l.bf16.f32 v13  }
0x1ad: {  	v12 =	vunpack.i.u.bf16.f32 v13;
	v13 =	vunpack.i.u.bf16.f32 v10;
	v5 =	vadd.f32 v9, v5  }
0x1ae: {  	v9 =	vunpack.i.l.bf16.f32 v10;
	v4 =	vadd.f32 v12, v4;
	v10 =	vunpack.i.l.bf16.f32 v8  }
0x1af: {  	v6 =	vadd.f32 v9, v6;
	v8 =	vunpack.i.u.bf16.f32 v8;
	v5 =	vadd.f32 v10, v5  }
0x1b0: {  	v7 =	vadd.f32 v13, v7;
	v9 =	vunpack.i.l.bf16.f32 v11;
	v4 =	vadd.f32 v8, v4  }
0x1b1: {  	v8 =	vunpack.i.u.bf16.f32 v11;
	v6 =	vadd.f32 v9, v6;
	v5 =	vmul.f32 $4.999999890e-03, v5  }
0x1b2: {  	v7 =	vadd.f32 v8, v7;
	v4 =	vmul.f32 $4.999999890e-03, v4  }
0x1b3: {  	v6 =	vmul.f32 $4.999999890e-03, v6;
	v5 =	vadd.f32 v5, v0  }
0x1b4: {  	v7 =	vmul.f32 $4.999999890e-03, v7;
	v4 =	vadd.f32 v4, v1  }
0x1b5: {  	[tilespmem:s1+$0xE480] =	vst v5;
	v5 =	vadd.f32 v6, v2  }
0x1b6: {  	[tilespmem:s1+$0xE490] =	vst v4;
	v4 =	vadd.f32 v7, v3  }
0x1b7: {  	[tilespmem:s1+$0xE4A0] =	vst v5  }
0x1b8: {  	s11 =	simm.s32 @!p0 $0xB200;
	s9 =	simm.s32 @!p0 $0x80;
	[tilespmem:s1+$0xE4B0] =	vst v4;
	s1 =	sadd.s32 @!p0 $0x600, s2  }
0x1b9: {  	[tilespmem:s11], [sflag:$0x3] =	stream.indirect.gather @!p0 [hbm4b:s4+s9], $0x20, s1, s9, $0xb8;
	[tilespmem:$0x10440] =	vst v63  }
0x1ba: {  	s1 =	sadd.s32 @!p0 $0x680, s2;
	s2 =	simm.s32 @!p0 $0x48;
	s9 =	simm.s32 @!p0 $0xC200  }
0x1bb: {  	[tilespmem:s9], [sflag:$0x3] =	stream.indirect.gather @!p0 [hbm4b:s4+s2], $0x20, s1, s2, $0xb8;
	[tilespmem:$0x10440] =	vst v63  }
0x1bc: {  	_ =	swait.ge [sflag:s28], $0x1900  }
0x1bd: {  	[sflag:s28] =	ssyncset.done $0x0  }
0x1be: {  	s1 =	simm.s32 $0xCB00;
	[sflag:s28] =	ssyncadd.s32 $0xFFFFE700  }
0x1bf: {  	v5 =	vld [tilespmem:s1+$0x1E0]  }
0x1c0: {  	v7 =	vld [tilespmem:s1+$0x1C0]  }
0x1c1: {  	v9 =	vld [tilespmem:s1+$0x1A0]  }
0x1c2: {  	v11 =	vld [tilespmem:s1+$0x180]  }
0x1c3: {  	v13 =	vld [tilespmem:s1+$0x160]  }
0x1c4: {  	v15 =	vld [tilespmem:s1+$0x140]  }
0x1c5: {  	v17 =	vld [tilespmem:s1+$0x120]  }
0x1c6: {  	v18 =	vld [tilespmem:s1+$0x100]  }
0x1c7: {  	v19 =	vld [tilespmem:s1+$0xE0]  }
0x1c8: {  	v20 =	vld [tilespmem:s1+$0xC0]  }
0x1c9: {  	v21 =	vimm.f32 $0.0e+00;
	v22 =	vld [tilespmem:s1+$0xA0]  }
0x1ca: {  	v23 =	vld [tilespmem:s1+$0x80];
	v6 =	vunpack.i.u.bf16.f32 v7;
	v4 =	vunpack.i.u.bf16.f32 v5;
	v5 =	vunpack.i.l.bf16.f32 v5  }
0x1cb: {  	v24 =	vld [tilespmem:s1+$0x60];
	v8 =	vunpack.i.u.bf16.f32 v9;
	v9 =	vunpack.i.l.bf16.f32 v9;
	v7 =	vunpack.i.l.bf16.f32 v7  }
0x1cc: {  	v25 =	vld [tilespmem:s1+$0x40];
	v12 =	vunpack.i.u.bf16.f32 v13;
	v10 =	vunpack.i.u.bf16.f32 v11;
	v11 =	vunpack.i.l.bf16.f32 v11  }
0x1cd: {  	v26 =	vld [tilespmem:s1+$0x20];
	v14 =	vunpack.i.u.bf16.f32 v15;
	v15 =	vunpack.i.l.bf16.f32 v15;
	v13 =	vunpack.i.l.bf16.f32 v13  }
0x1ce: {  	v27 =	vld [tilespmem:s1+$0x0];
	v28 =	vunpack.i.u.bf16.f32 v18;
	v16 =	vunpack.i.u.bf16.f32 v17;
	v17 =	vunpack.i.l.bf16.f32 v17  }
0x1cf: {  	v29 =	vld [tilespmem:s1+$0x10];
	v30 =	vunpack.i.u.bf16.f32 v19;
	v19 =	vunpack.i.l.bf16.f32 v19;
	v31 =	vunpack.i.l.bf16.f32 v18  }
0x1d0: {  	v18 =	vunpack.i.u.bf16.f32 v22;
	v32 =	vunpack.i.u.bf16.f32 v20;
	v20 =	vunpack.i.l.bf16.f32 v20  }
0x1d1: {  	v33 =	vld [tilespmem:s1+$0x30];
	v34 =	vunpack.i.u.bf16.f32 v23;
	v23 =	vunpack.i.l.bf16.f32 v23;
	v22 =	vunpack.i.l.bf16.f32 v22  }
0x1d2: {  	v35 =	vunpack.i.u.bf16.f32 v25;
	v36 =	vunpack.i.u.bf16.f32 v24;
	v24 =	vunpack.i.l.bf16.f32 v24  }
0x1d3: {  	v38 =	vld [tilespmem:s1+$0x50];
	v37 =	vunpack.i.u.bf16.f32 v26;
	v26 =	vunpack.i.l.bf16.f32 v26;
	v25 =	vunpack.i.l.bf16.f32 v25  }
0x1d4: {  	v39 =	vunpack.i.u.bf16.f32 v27;
	v27 =	vunpack.i.l.bf16.f32 v27;
	v40 =	vunpack.i.u.bf16.f32 v29  }
0x1d5: {  	v41 =	vld [tilespmem:s1+$0x70];
	v29 =	vunpack.i.l.bf16.f32 v29;
	v27 =	vadd.f32 v27, v21;
	v39 =	vadd.f32 v39, v21  }
0x1d6: {  	v55 =	vunpack.i.u.bf16.f32 v33;
	v29 =	vadd.f32 v29, v21;
	v21 =	vadd.f32 v40, v21  }
0x1d7: {  	v56 =	vld [tilespmem:s1+$0x90];
	v33 =	vunpack.i.l.bf16.f32 v33;
	v26 =	vadd.f32 v26, v27;
	v27 =	vadd.f32 v37, v39  }
0x1d8: {  	v57 =	vunpack.i.u.bf16.f32 v38;
	v29 =	vadd.f32 v33, v29;
	v21 =	vadd.f32 v55, v21  }
0x1d9: {  	v38 =	vunpack.i.l.bf16.f32 v38;
	v25 =	vadd.f32 v25, v26;
	v26 =	vadd.f32 v35, v27;
	v27 =	vld [tilespmem:s1+$0xB0]  }
0x1da: {  	v58 =	vunpack.i.u.bf16.f32 v41;
	v29 =	vadd.f32 v38, v29;
	v21 =	vadd.f32 v57, v21  }
0x1db: {  	v59 =	vunpack.i.l.bf16.f32 v41;
	v24 =	vadd.f32 v24, v25;
	v25 =	vadd.f32 v36, v26;
	v26 =	vld [tilespmem:s1+$0xD0]  }
0x1dc: {  	v60 =	vunpack.i.u.bf16.f32 v56;
	v29 =	vadd.f32 v59, v29;
	v21 =	vadd.f32 v58, v21  }
0x1dd: {  	v61 =	vunpack.i.l.bf16.f32 v56;
	v23 =	vadd.f32 v23, v24;
	v24 =	vadd.f32 v34, v25;
	v25 =	vld [tilespmem:s1+$0xF0]  }
0x1de: {  	v29 =	vadd.f32 v61, v29;
	v21 =	vadd.f32 v60, v21;
	v62 =	vunpack.i.u.bf16.f32 v27  }
0x1df: {  	v27 =	vunpack.i.l.bf16.f32 v27;
	v22 =	vadd.f32 v22, v23;
	v18 =	vadd.f32 v18, v24;
	v23 =	vld [tilespmem:s1+$0x110]  }
0x1e0: {  	v24 =	vadd.f32 v27, v29;
	v21 =	vadd.f32 v62, v21;
	v27 =	vunpack.i.u.bf16.f32 v26  }
0x1e1: {  	v26 =	vunpack.i.l.bf16.f32 v26;
	v22 =	vadd.f32 v20, v22;
	v18 =	vadd.f32 v32, v18;
	v20 =	vld [tilespmem:s1+$0x130]  }
0x1e2: {  	v24 =	vadd.f32 v26, v24;
	v26 =	vadd.f32 v27, v21;
	v27 =	vunpack.i.u.bf16.f32 v25  }
0x1e3: {  	v21 =	vunpack.i.l.bf16.f32 v25;
	v19 =	vadd.f32 v19, v22;
	v63 =	vadd.f32 v30, v18;
	v18 =	vld [tilespmem:s1+$0x150]  }
0x1e4: {  	v21 =	vadd.f32 v21, v24;
	v22 =	vadd.f32 v27, v26;
	v25 =	vunpack.i.u.bf16.f32 v23  }
0x1e5: {  	s2 =	simm.s32 $0x0;
	s9 =	simm.s32 $0xCD00;
	v26 =	vunpack.i.l.bf16.f32 v23;
	v23 =	vadd.f32 v31, v19;
	v24 =	vadd.f32 v28, v63;
	v19 =	vld [tilespmem:s1+$0x170]  }
.LBB2_9:
0x1e6: {  	v27 =	vld [tilespmem:s9+$0x1E0];
	v21 =	vadd.f32 v26, v21;
	v22 =	vadd.f32 v25, v22;
	v25 =	vunpack.i.u.bf16.f32 v20  }
0x1e7: {  	v20 =	vunpack.i.l.bf16.f32 v20;
	v17 =	vadd.f32 v17, v23;
	v16 =	vadd.f32 v16, v24;
	v23 =	vld [tilespmem:s1+$0x190]  }
0x1e8: {  	v20 =	vadd.f32 v20, v21;
	v21 =	vadd.f32 v25, v22;
	v22 =	vunpack.i.u.bf16.f32 v18;
	v24 =	vld [tilespmem:s1+$0x1F0]  }
0x1e9: {  	v18 =	vunpack.i.l.bf16.f32 v18;
	v15 =	vadd.f32 v15, v17;
	v14 =	vadd.f32 v14, v16;
	v16 =	vld [tilespmem:s1+$0x1B0]  }
0x1ea: {  	v17 =	vld [tilespmem:s9+$0x1C0];
	v18 =	vadd.f32 v18, v20;
	v20 =	vadd.f32 v22, v21;
	v21 =	vunpack.i.u.bf16.f32 v19  }
0x1eb: {  	v19 =	vunpack.i.l.bf16.f32 v19;
	v13 =	vadd.f32 v13, v15;
	v12 =	vadd.f32 v12, v14;
	v14 =	vld [tilespmem:s1+$0x1D0];
	s1 =	smov.u32 s9  }
0x1ec: {  	v15 =	vld [tilespmem:s9+$0x1A0];
	v18 =	vadd.f32 v19, v18;
	v19 =	vadd.f32 v21, v20;
	v20 =	vunpack.i.u.bf16.f32 v23  }
0x1ed: {  	v22 =	vunpack.i.l.bf16.f32 v23;
	v21 =	vld [tilespmem:s9+$0x180];
	v11 =	vadd.f32 v11, v13;
	v10 =	vadd.f32 v10, v12  }
0x1ee: {  	v13 =	vld [tilespmem:s9+$0x160];
	v12 =	vadd.f32 v22, v18;
	v18 =	vadd.f32 v20, v19;
	v19 =	vunpack.i.u.bf16.f32 v16  }
0x1ef: {  	v16 =	vunpack.i.l.bf16.f32 v16;
	v20 =	vld [tilespmem:s9+$0x140];
	v9 =	vadd.f32 v9, v11;
	v8 =	vadd.f32 v8, v10  }
0x1f0: {  	v22 =	vld [tilespmem:s9+$0x120];
	v10 =	vadd.f32 v16, v12;
	v11 =	vadd.f32 v19, v18;
	v12 =	vunpack.i.u.bf16.f32 v14  }
0x1f1: {  	v14 =	vunpack.i.l.bf16.f32 v14;
	v18 =	vld [tilespmem:s9+$0x100];
	v7 =	vadd.f32 v7, v9;
	v6 =	vadd.f32 v6, v8  }
0x1f2: {  	v19 =	vld [tilespmem:s9+$0xE0];
	v8 =	vadd.f32 v14, v10;
	v9 =	vadd.f32 v12, v11;
	v10 =	vunpack.i.u.bf16.f32 v24  }
0x1f3: {  	v11 =	vunpack.i.l.bf16.f32 v24;
	v23 =	vld [tilespmem:s9+$0xC0];
	v24 =	vadd.f32 v5, v7;
	v25 =	vadd.f32 v4, v6  }
0x1f4: {  	v26 =	vld [tilespmem:s9+$0xA0];
	v28 =	vadd.f32 v11, v8;
	v29 =	vadd.f32 v10, v9  }
0x1f5: {  	v6 =	vunpack.i.u.bf16.f32 v17;
	v4 =	vunpack.i.u.bf16.f32 v27;
	v5 =	vunpack.i.l.bf16.f32 v27;
	v30 =	vld [tilespmem:s9+$0x80]  }
0x1f6: {  	v7 =	vunpack.i.l.bf16.f32 v17;
	v8 =	vunpack.i.u.bf16.f32 v15;
	v9 =	vunpack.i.l.bf16.f32 v15;
	v27 =	vld [tilespmem:s9+$0x60]  }
0x1f7: {  	v12 =	vunpack.i.u.bf16.f32 v13;
	v10 =	vunpack.i.u.bf16.f32 v21;
	v11 =	vunpack.i.l.bf16.f32 v21;
	v31 =	vld [tilespmem:s9+$0x40]  }
0x1f8: {  	v13 =	vunpack.i.l.bf16.f32 v13;
	v14 =	vunpack.i.u.bf16.f32 v20;
	v15 =	vunpack.i.l.bf16.f32 v20;
	v21 =	vld [tilespmem:s9+$0x20]  }
0x1f9: {  	v16 =	vunpack.i.u.bf16.f32 v22;
	v17 =	vunpack.i.l.bf16.f32 v22;
	v32 =	vunpack.i.u.bf16.f32 v18;
	v20 =	vld [tilespmem:s9+$0x0]  }
0x1fa: {  	v34 =	vunpack.i.l.bf16.f32 v18;
	v33 =	vunpack.i.u.bf16.f32 v19;
	v19 =	vunpack.i.l.bf16.f32 v19;
	v22 =	vld [tilespmem:s9+$0x10]  }
0x1fb: {  	s2 =	sadd.s32 $0x10, s2;
	v35 =	vunpack.i.u.bf16.f32 v23;
	v23 =	vunpack.i.l.bf16.f32 v23;
	v18 =	vunpack.i.u.bf16.f32 v26  }
0x1fc: {  	p0 =	slt.u32 s2, $0xB0;
	v26 =	vunpack.i.l.bf16.f32 v26;
	v37 =	vunpack.i.u.bf16.f32 v30;
	v30 =	vunpack.i.l.bf16.f32 v30;
	v36 =	vld [tilespmem:s9+$0x30]  }
0x1fd: {  	v39 =	vunpack.i.u.bf16.f32 v27;
	v27 =	vunpack.i.l.bf16.f32 v27;
	v38 =	vunpack.i.u.bf16.f32 v31  }
0x1fe: {  	v31 =	vunpack.i.l.bf16.f32 v31;
	v40 =	vunpack.i.u.bf16.f32 v21;
	v21 =	vunpack.i.l.bf16.f32 v21;
	v41 =	vld [tilespmem:s9+$0x50]  }
0x1ff: {  	v42 =	vunpack.i.u.bf16.f32 v20;
	v20 =	vunpack.i.l.bf16.f32 v20;
	v43 =	vunpack.i.u.bf16.f32 v22  }
0x200: {  	v22 =	vunpack.i.l.bf16.f32 v22;
	v20 =	vadd.f32 v20, v24;
	v24 =	vadd.f32 v42, v25;
	v25 =	vld [tilespmem:s9+$0x70]  }
0x201: {  	v22 =	vadd.f32 v22, v28;
	v28 =	vadd.f32 v43, v29;
	v29 =	vunpack.i.u.bf16.f32 v36  }
0x202: {  	v36 =	vunpack.i.l.bf16.f32 v36;
	v20 =	vadd.f32 v21, v20;
	v21 =	vadd.f32 v40, v24;
	v24 =	vld [tilespmem:s9+$0x90]  }
0x203: {  	v22 =	vadd.f32 v36, v22;
	v28 =	vadd.f32 v29, v28;
	v29 =	vunpack.i.u.bf16.f32 v41  }
0x204: {  	v36 =	vunpack.i.l.bf16.f32 v41;
	v20 =	vadd.f32 v31, v20;
	v21 =	vadd.f32 v38, v21;
	v31 =	vld [tilespmem:s9+$0xB0]  }
0x205: {  	v22 =	vadd.f32 v36, v22;
	v28 =	vadd.f32 v29, v28;
	v29 =	vunpack.i.u.bf16.f32 v25  }
0x206: {  	v25 =	vunpack.i.l.bf16.f32 v25;
	v20 =	vadd.f32 v27, v20;
	v21 =	vadd.f32 v39, v21;
	v27 =	vld [tilespmem:s9+$0xD0]  }
0x207: {  	v22 =	vadd.f32 v25, v22;
	v25 =	vadd.f32 v29, v28;
	v28 =	vunpack.i.u.bf16.f32 v24  }
0x208: {  	v24 =	vunpack.i.l.bf16.f32 v24;
	v20 =	vadd.f32 v30, v20;
	v21 =	vadd.f32 v37, v21;
	v29 =	vld [tilespmem:s9+$0xF0]  }
0x209: {  	v22 =	vadd.f32 v24, v22;
	v24 =	vadd.f32 v28, v25;
	v25 =	vunpack.i.u.bf16.f32 v31  }
0x20a: {  	v28 =	vunpack.i.l.bf16.f32 v31;
	v20 =	vadd.f32 v26, v20;
	v18 =	vadd.f32 v18, v21;
	v26 =	vld [tilespmem:s9+$0x110]  }
0x20b: {  	v21 =	vadd.f32 v28, v22;
	v22 =	vadd.f32 v25, v24;
	v24 =	vunpack.i.u.bf16.f32 v27  }
.Ltmp3:
0x20c: {  	v25 =	vunpack.i.l.bf16.f32 v27;
	v23 =	vadd.f32 v23, v20;
	v18 =	vadd.f32 v35, v18;
	v20 =	vld [tilespmem:s9+$0x130];
	(pc) =	sbr.rel @p0 .LBB2_9-.Ltmp3, $4  }
0x20d: {  	v21 =	vadd.f32 v25, v21;
	v22 =	vadd.f32 v24, v22;
	v24 =	vunpack.i.u.bf16.f32 v29  }
0x20e: {  	v25 =	vunpack.i.l.bf16.f32 v29;
	v19 =	vadd.f32 v19, v23;
	v27 =	vadd.f32 v33, v18;
	v18 =	vld [tilespmem:s9+$0x150]  }
0x20f: {  	v21 =	vadd.f32 v25, v21;
	v22 =	vadd.f32 v24, v22;
	v25 =	vunpack.i.u.bf16.f32 v26  }
0x210: {  	s9 =	sadd.s32 $0x200, s9;
	v26 =	vunpack.i.l.bf16.f32 v26;
	v23 =	vadd.f32 v34, v19;
	v24 =	vadd.f32 v32, v27;
	v19 =	vld [tilespmem:s1+$0x170]  }
0x211: {  	v41 =	vld [tilespmem:s1+$0x190]  }
0x212: {  	v45 =	vld [tilespmem:s1+$0x1B0]  }
0x213: {  	v50 =	vld [tilespmem:s1+$0x1D0]  }
0x214: {  	v21 =	vadd.f32 v26, v21;
	v22 =	vadd.f32 v25, v22;
	v39 =	vunpack.i.u.bf16.f32 v20;
	v54 =	vld [tilespmem:s1+$0x1F0]  }
0x215: {  	v40 =	vunpack.i.l.bf16.f32 v20;
	v59 =	vld [tilespmem:$0xE300];
	v17 =	vadd.f32 v17, v23;
	v16 =	vadd.f32 v16, v24  }
0x216: {  	v63 =	vld [tilespmem:$0xE310];
	v20 =	vadd.f32 v40, v21;
	v42 =	vadd.f32 v39, v22;
	v43 =	vunpack.i.u.bf16.f32 v18  }
0x217: {  	v28 =	vld [tilespmem:$0xE340];
	v44 =	vunpack.i.l.bf16.f32 v18;
	v15 =	vadd.f32 v15, v17;
	v14 =	vadd.f32 v14, v16  }
0x218: {  	v30 =	vld [tilespmem:$0xE350];
	v46 =	vadd.f32 v44, v20;
	v47 =	vadd.f32 v43, v42;
	v48 =	vunpack.i.u.bf16.f32 v19  }
0x219: {  	v34 =	vld [tilespmem:$0xE360];
	v49 =	vunpack.i.l.bf16.f32 v19;
	v13 =	vadd.f32 v13, v15;
	v12 =	vadd.f32 v12, v14  }
0x21a: {  	v53 =	vunpack.i.u.bf16.f32 v41;
	v55 =	vunpack.i.l.bf16.f32 v41;
	v58 =	vunpack.i.u.bf16.f32 v45  }
0x21b: {  	v35 =	vld [tilespmem:$0xE370];
	v16 =	vunpack.i.l.bf16.f32 v45;
	v62 =	vunpack.i.u.bf16.f32 v50;
	v14 =	vunpack.i.l.bf16.f32 v50  }
0x21c: {  	v23 =	vld [tilespmem:$0xE330];
	v20 =	vunpack.i.u.bf16.f32 v54;
	v22 =	vunpack.i.l.bf16.f32 v54;
	v26 =	vunpack.i.u.bf16.f32 v59  }
0x21d: {  	v21 =	vld [tilespmem:$0xE320];
	v27 =	vunpack.i.u.bf16.f32 v63;
	v29 =	vunpack.i.l.bf16.f32 v63;
	v37 =	vunpack.i.u.bf16.f32 v28  }
0x21e: {  	v38 =	vunpack.i.l.bf16.f32 v28;
	v39 =	vunpack.i.u.bf16.f32 v30;
	v42 =	vunpack.i.u.bf16.f32 v34  }
0x21f: {  	v40 =	vld [tilespmem:$0xE380];
	v43 =	vunpack.i.l.bf16.f32 v34;
	v51 =	vadd.f32 v49, v46;
	v11 =	vadd.f32 v11, v13  }
0x220: {  	v44 =	vunpack.i.u.bf16.f32 v35;
	v52 =	vadd.f32 v48, v47;
	v10 =	vadd.f32 v10, v12  }
0x221: {  	v33 =	vunpack.i.u.bf16.f32 v23;
	v56 =	vadd.f32 v55, v51;
	v9 =	vadd.f32 v9, v11  }
0x222: {  	v41 =	vld [tilespmem:$0xE390];
	v31 =	vunpack.i.u.bf16.f32 v21;
	v57 =	vadd.f32 v53, v52;
	v8 =	vadd.f32 v8, v10  }
0x223: {  	v45 =	vld [tilespmem:$0xE3A0];
	v32 =	vunpack.i.l.bf16.f32 v21;
	v60 =	vadd.f32 v16, v56;
	v7 =	vadd.f32 v7, v9  }
0x224: {  	v47 =	vunpack.i.u.bf16.f32 v40;
	v61 =	vadd.f32 v58, v57;
	v6 =	vadd.f32 v6, v8  }
0x225: {  	v48 =	vunpack.i.l.bf16.f32 v40;
	v17 =	vadd.f32 v14, v60;
	v5 =	vadd.f32 v5, v7  }
0x226: {  	v50 =	vld [tilespmem:$0xE3C0];
	v10 =	vunpack.i.l.bf16.f32 v59;
	v18 =	vadd.f32 v62, v61;
	v4 =	vadd.f32 v4, v6  }
0x227: {  	v49 =	vunpack.i.u.bf16.f32 v41;
	v24 =	vadd.f32 v22, v17;
	v5 =	vadd.f32 v10, v5  }
0x228: {  	v53 =	vunpack.i.u.bf16.f32 v45;
	v25 =	vadd.f32 v20, v18;
	v4 =	vadd.f32 v26, v4  }
0x229: {  	v54 =	vunpack.i.l.bf16.f32 v45;
	v7 =	vadd.f32 v29, v24;
	v5 =	vadd.f32 v32, v5  }
0x22a: {  	v46 =	vld [tilespmem:$0xE3B0];
	v6 =	vunpack.i.l.bf16.f32 v23;
	v8 =	vadd.f32 v27, v25;
	v4 =	vadd.f32 v31, v4  }
0x22b: {  	v57 =	vunpack.i.l.bf16.f32 v50;
	v6 =	vadd.f32 v6, v7;
	v5 =	vadd.f32 v38, v5  }
0x22c: {  	v51 =	vld [tilespmem:$0xE3D0];
	v9 =	vunpack.i.l.bf16.f32 v30;
	v36 =	vadd.f32 v33, v8;
	v4 =	vadd.f32 v37, v4  }
0x22d: {  	v58 =	vunpack.i.u.bf16.f32 v50;
	v6 =	vadd.f32 v9, v6;
	v5 =	vadd.f32 v43, v5  }
0x22e: {  	v10 =	vunpack.i.l.bf16.f32 v35;
	v7 =	vadd.f32 v39, v36;
	v4 =	vadd.f32 v42, v4  }
0x22f: {  	v52 =	vld [tilespmem:$0xE3E0];
	v55 =	vunpack.i.u.bf16.f32 v46;
	v6 =	vadd.f32 v10, v6;
	v5 =	vadd.f32 v48, v5  }
0x230: {  	v8 =	vunpack.i.l.bf16.f32 v41;
	v7 =	vadd.f32 v44, v7;
	v4 =	vadd.f32 v47, v4  }
0x231: {  	v56 =	vld [tilespmem:$0xE3F0];
	v59 =	vunpack.i.u.bf16.f32 v51;
	v6 =	vadd.f32 v8, v6;
	v5 =	vadd.f32 v54, v5  }
0x232: {  	v9 =	vunpack.i.l.bf16.f32 v46;
	v7 =	vadd.f32 v49, v7;
	v4 =	vadd.f32 v53, v4  }
0x233: {  	v60 =	vunpack.i.l.bf16.f32 v51;
	v6 =	vadd.f32 v9, v6;
	v5 =	vadd.f32 v57, v5  }
0x234: {  	v61 =	vunpack.i.l.bf16.f32 v52;
	v7 =	vadd.f32 v55, v7;
	v4 =	vadd.f32 v58, v4  }
0x235: {  	v8 =	vunpack.i.u.bf16.f32 v52;
	v6 =	vadd.f32 v60, v6;
	v5 =	vadd.f32 v61, v5  }
0x236: {  	v62 =	vunpack.i.l.bf16.f32 v56;
	v7 =	vadd.f32 v59, v7;
	v4 =	vadd.f32 v8, v4  }
0x237: {  	v63 =	vunpack.i.u.bf16.f32 v56;
	v6 =	vadd.f32 v62, v6;
	v5 =	vmul.f32 $4.999999890e-03, v5  }
0x238: {  	s31 =	sadd.s32 $0x1, s31;
	v7 =	vadd.f32 v63, v7;
	v4 =	vmul.f32 $4.999999890e-03, v4  }
0x239: {  	s0 =	sshll.u32 s0, $0x6;
	p0 =	sne.s32 s31, $0x20;
	v6 =	vmul.f32 $4.999999890e-03, v6;
	v5 =	vadd.f32 v5, v0  }
.Ltmp4:
0x23a: {  	s0 =	sand.u32 $0x3FFFFFC0, s0;
	v7 =	vmul.f32 $4.999999890e-03, v7;
	v4 =	vadd.f32 v4, v1;
	(pc) =	sbr.rel @p0 .LBB2_2-.Ltmp4, $4  }
0x23b: {  	[tilespmem:s0+$0xE400] =	vst v5;
	v5 =	vadd.f32 v6, v2  }
0x23c: {  	[tilespmem:s0+$0xE410] =	vst v4;
	v4 =	vadd.f32 v7, v3  }
0x23d: {  	[tilespmem:s0+$0xE420] =	vst v5  }
0x23e: {  	[tilespmem:s0+$0xE430] =	vst v4  }
0x23f: {  	s30 =	sadd.s32 $0x1, s30  }
0x240: {  	p0 =	sne.s32 s30, s7  }
.Ltmp5:
0x241: {  	_ = 	snop;
	(pc) =	sbr.rel @p0 .LBB2_1-.Ltmp5, $4  }
0x242: {  	[hbm4b:s6+s3] =	stream.linear.scatter [tilespmem:s29], [sflag:$0x5], $0x2000, $0x38;
	[tilespmem:$0x10440] =	vst v63  }
0x243: {  	_ =	swait.ge [sflag:s8], $0x2000  }
0x244: {  	[sflag:s8] =	ssyncset.done $0x0  }
0x245: {  	[sflag:s8] =	ssyncadd.s32 $0xFFFFE000  }
0x246: {  	_ =	sfence.sel $0x180000  }
0x247: {  	[bflag:$0x0] =	sbarrier.arrive $0xFFFF  }
0x248: {  	_ =	strace $0x90000047  }
0x249: {  	s0 =	stileid.u32;
	[bflag:$0x2] =	sbarrier.arrive $0xFFFF  }
0x24a: {  	p0 =	sne.s32 s0, $0x0;
	s0 =	rddreg [dreg:$0x3]  }
0x24b: {  	s0 =	sadd.s32 @!p0 $0x100000, s0  }
0x24c: {  	[sflag:s0] =	ssyncadd.tile.s32 @!p0 $0x1;
	_ =	shalt  }
.Lfunc_end2:
_tile_overlayer_lowered:
.L_overlay_start_2:
0x24d: {  	(tag) =	ssettag $0x2  }
0x24e: {  	s0 =	rddreg [dreg:$0x0];
	s2 =	stileid.u32  }
0x24f: {  	s1 =	rddreg [dreg:$0x1];
	p0 =	sne.s32 s2, $0x0  }
0x250: {  	s3 =	rddreg [dreg:$0x2];
	[bflag:$0x3] =	sbarrier.arrive $0xFFFF;
	s2 =	simm.s32 @!p0 $0x1C05  }
0x251: {  	[timem:s3], [sflag:s2] =	dma.local @!p0 [hbm:s0], s1  }
0x252: {  	s0 =	simm.s32 @!p0 $0x5  }
0x253: {  	_ =	swait.ge @!p0 [sflag:s0], s1  }
0x254: {  	s1 =	ssub.s32 @!p0 $0x0, s1;
	[sflag:s0] =	ssyncset.done @!p0 $0x0  }
0x255: {  	[sflag:s0] =	ssyncadd.s32 @!p0 s1  }
0x256: {  	[bflag:$0x3] =	sbarrier.arrive $0xFFFF  }
0x257: {  	_ =	shalt  }

</sc_bundles>
